<compile_context>
chip_gen: v7x
topology: tpu7x:2x2x1
jax: 0.10.2.dev20260603
libtpu: 0.0.44.dev20260713+nightly
codegen_flags: <defaults>
</compile_context>

<pallas_src>
import functools

import jax
import jax.numpy as jnp
from jax import lax
from jax.experimental import pallas as pl
from jax.experimental.pallas import tpu as pltpu
from jax.experimental.pallas import tpu_sc as plsc

N_NODES = 10000
N_EDGES = 320000
D = 128
DH = D // 2

NC = 2
NS = 16
NW = NC * NS
EPW = N_EDGES // NW
K = 80
NCH = EPW // K
ZCH = 80
NZC = N_NODES // ZCH
CCH = 2000


def _make_sc_segsum(with_cnt: bool):
    mesh = plsc.VectorSubcoreMesh(core_axis_name="c", subcore_axis_name="s")

    out_type = [jax.ShapeDtypeStruct((NC, N_NODES, DH), jnp.float32),
                jax.ShapeDtypeStruct((NC, N_NODES, DH), jnp.float32)]
    scratch = [
        pltpu.VMEM((NCH, K), jnp.int32),
        pltpu.VMEM((NCH, K), jnp.int32),
        pltpu.VMEM((12, K, DH), jnp.float32),
        pltpu.VMEM((ZCH, DH), jnp.float32),
        pltpu.VMEM_SHARED((N_NODES, DH), jnp.float32),
        pltpu.SemaphoreType.DMA((12,)),
        pltpu.SemaphoreType.DMA((12,)),
    ]
    if with_cnt:
        out_type.append(jax.ShapeDtypeStruct((NC, N_NODES), jnp.float32))
        scratch += [
            pltpu.VMEM((K,), jnp.float32),
            pltpu.VMEM((CCH,), jnp.float32),
            pltpu.VMEM_SHARED((N_NODES,), jnp.float32),
        ]

    @functools.partial(
        pl.kernel, mesh=mesh, out_type=out_type, scratch_types=scratch,
        compiler_params=pltpu.CompilerParams(use_tc_tiling_on_sc=False))
    def body(feat_lo, feat_hi, src3, dst3, *rest):
        if with_cnt:
            (out_lo, out_hi, cntp, srcv, dstv, rows, zbuf, acc, gsem, ssem,
             onesv, cbuf, cacc) = rest
        else:
            (out_lo, out_hi, srcv, dstv, rows, zbuf, acc, gsem, ssem) = rest
        c = lax.axis_index("c")
        s = lax.axis_index("s")
        wid = s * NC + c

        pltpu.sync_copy(src3.at[wid], srcv)
        pltpu.sync_copy(dst3.at[wid], dstv)

        zv = jnp.zeros((16,), jnp.float32)

        def zero_zbuf(i, _):
            zbuf[i // (DH // 16), pl.ds((i % (DH // 16)) * 16, 16)] = zv
            return 0
        lax.fori_loop(0, ZCH * (DH // 16), zero_zbuf, 0)

        if with_cnt:
            def fill_ones(i, _):
                onesv[pl.ds(i * 16, 16)] = jnp.ones((16,), jnp.float32)
                return 0
            lax.fori_loop(0, K // 16, fill_ones, 0)

            @pl.when(s == 0)
            def _():
                def zero_cbuf(i, _):
                    cbuf[pl.ds(i * 16, 16)] = zv
                    return 0
                lax.fori_loop(0, CCH // 16, zero_cbuf, 0)
                for j in range(N_NODES // CCH):
                    pltpu.sync_copy(cbuf, cacc.at[pl.ds(j * CCH, CCH)])

        for p, (feat, outp) in enumerate(((feat_lo, out_lo),
                                          (feat_hi, out_hi))):
            def zero_acc(j, _):
                ch = s + j * NS

                @pl.when(ch < NZC)
                def _():
                    pltpu.sync_copy(zbuf, acc.at[pl.ds(ch * ZCH, ZCH)])
                return 0
            lax.fori_loop(0, (NZC + NS - 1) // NS, zero_acc, 0)

            plsc.subcore_barrier()

            first = with_cnt and p == 0

            if p == 0:
                for pr in range(6):
                    pltpu.async_copy(feat.at[srcv.at[pr]], rows.at[pr],
                                     gsem.at[pr])

            def chunk(i, _):
                b = i % 12
                rb = rows.at[b]
                pltpu.make_async_copy(feat.at[srcv.at[i]], rb,
                                      gsem.at[b]).wait()
                pltpu.async_copy(rb, acc.at[dstv.at[i]], ssem.at[b],
                                 add=True)
                if first:
                    pltpu.sync_copy(onesv, cacc.at[dstv.at[i]], add=True)

                @pl.when(i < NCH - 6)
                def _():
                    b4 = (i + 6) % 12
                    rb4 = rows.at[b4]

                    @pl.when(i >= 6)
                    def _():
                        pltpu.make_async_copy(
                            rb4, acc.at[dstv.at[i]], ssem.at[b4]).wait()
                    pltpu.async_copy(feat.at[srcv.at[i + 6]], rb4,
                                     gsem.at[b4])
                return 0
            lax.fori_loop(0, NCH, chunk, 0)

            for t in range(NCH - 12, NCH):
                pltpu.make_async_copy(rows.at[t % 12], acc.at[dstv.at[0]],
                                      ssem.at[t % 12]).wait()

            if p == 0:
                for pr in range(6):
                    pltpu.async_copy(feat_hi.at[srcv.at[pr]], rows.at[pr],
                                     gsem.at[pr])

            plsc.subcore_barrier()

            def export(j, _):
                ch = s + j * NS

                @pl.when(ch < NZC)
                def _():
                    r0 = ch * ZCH
                    pltpu.sync_copy(acc.at[pl.ds(r0, ZCH)], zbuf)
                    pltpu.sync_copy(zbuf, outp.at[c, pl.ds(r0, ZCH)])
                return 0
            lax.fori_loop(0, (NZC + NS - 1) // NS, export, 0)

            if p == 0:
                lax.fori_loop(0, ZCH * (DH // 16), zero_zbuf, 0)

        if with_cnt:
            @pl.when(s == 0)
            def _():
                for j in range(N_NODES // CCH):
                    sl = pl.ds(j * CCH, CCH)
                    pltpu.sync_copy(cacc.at[sl], cbuf)
                    pltpu.sync_copy(cbuf, cntp.at[c, sl])

    return body


_sc_segsum_cnt = _make_sc_segsum(True)
_sc_segsum = _make_sc_segsum(False)

BR = 1000

_row_spec = pl.BlockSpec((BR, D), lambda i: (i, 0))
_half_spec = pl.BlockSpec((BR, DH), lambda i: (i, 0))
_cnt_spec = pl.BlockSpec((BR, 1), lambda i: (i, 0))
_w_spec = pl.BlockSpec((D, D), lambda i: (0, 0))
_b_spec = pl.BlockSpec((1, D), lambda i: (0, 0))


def _mean_from(lo0_ref, lo1_ref, hi0_ref, hi1_ref, c0_ref, c1_ref):
    cnt = jnp.maximum(c0_ref[...] + c1_ref[...], 1.0)
    agg = jnp.concatenate([lo0_ref[...] + lo1_ref[...],
                           hi0_ref[...] + hi1_ref[...]], axis=1)
    return agg / cnt


def _mid_body(lo0_ref, lo1_ref, hi0_ref, hi1_ref, x_ref, c0_ref, c1_ref,
              wl_ref, wr1_ref, b1_ref, wr2_ref, b2_ref,
              hlo_ref, hhi_ref, t2_ref):
    mean = _mean_from(lo0_ref, lo1_ref, hi0_ref, hi1_ref, c0_ref, c1_ref)
    t1 = jnp.dot(x_ref[...], wr1_ref[...],
                 preferred_element_type=jnp.float32) + b1_ref[...]
    h = jnp.maximum(jnp.dot(mean, wl_ref[...],
                            preferred_element_type=jnp.float32) + t1, 0.0)
    hlo_ref[...] = h[:, :DH]
    hhi_ref[...] = h[:, DH:]
    t2_ref[...] = jnp.dot(h, wr2_ref[...],
                          preferred_element_type=jnp.float32) + b2_ref[...]


def _mid(lo0, lo1, hi0, hi1, x, c0, c1, W1_l, W1_r, b1, W2_r, b2):
    return pl.pallas_call(
        _mid_body,
        grid=(N_NODES // BR,),
        in_specs=[_half_spec, _half_spec, _half_spec, _half_spec, _row_spec,
                  _cnt_spec, _cnt_spec, _w_spec, _w_spec, _b_spec,
                  _w_spec, _b_spec],
        out_specs=[_half_spec, _half_spec, _row_spec],
        out_shape=[jax.ShapeDtypeStruct((N_NODES, DH), jnp.float32),
                   jax.ShapeDtypeStruct((N_NODES, DH), jnp.float32),
                   jax.ShapeDtypeStruct((N_NODES, D), jnp.float32)],
    )(lo0, lo1, hi0, hi1, x, c0, c1, W1_l, W1_r, b1.reshape(1, D),
      W2_r, b2.reshape(1, D))


def _final_body(lo0_ref, lo1_ref, hi0_ref, hi1_ref, t_ref, c0_ref, c1_ref,
                wl_ref, o_ref):
    mean = _mean_from(lo0_ref, lo1_ref, hi0_ref, hi1_ref, c0_ref, c1_ref)
    o_ref[...] = jnp.dot(mean, wl_ref[...],
                         preferred_element_type=jnp.float32) + t_ref[...]


def _final(lo0, lo1, hi0, hi1, t, c0, c1, W_l):
    return pl.pallas_call(
        _final_body,
        grid=(N_NODES // BR,),
        in_specs=[_half_spec, _half_spec, _half_spec, _half_spec, _row_spec,
                  _cnt_spec, _cnt_spec, _w_spec],
        out_specs=_row_spec,
        out_shape=jax.ShapeDtypeStruct((N_NODES, D), jnp.float32),
    )(lo0, lo1, hi0, hi1, t, c0, c1, W_l)


def kernel(x, edge_index, W1_l, b1, W1_r, W2_l, b2, W2_r):
    src = edge_index[0].astype(jnp.int32).reshape(NW, NCH, K)
    dst = edge_index[1].astype(jnp.int32).reshape(NW, NCH, K)
    x_lo = x[:, :DH]
    x_hi = x[:, DH:]

    a_lo, a_hi, cnt = _sc_segsum_cnt(x_lo, x_hi, src, dst)
    c0 = cnt[0].reshape(N_NODES, 1)
    c1 = cnt[1].reshape(N_NODES, 1)
    h_lo, h_hi, t2 = _mid(a_lo[0], a_lo[1], a_hi[0], a_hi[1], x, c0, c1,
                          W1_l, W1_r, b1, W2_r, b2)
    b_lo, b_hi = _sc_segsum(h_lo, h_hi, src, dst)
    out = _final(b_lo[0], b_lo[1], b_hi[0], b_hi[1], t2, c0, c1, W2_l)
    return out

# --- scband reference (transcript-rebuilt; emitter-appended) ---
"""Pipeline reference for scband-gnn-47794396069940 (READ-ONLY COPY).

The authoritative reference and input builder live on the scoring server;
editing this copy changes nothing except your own understanding.
"""

import jax, jax.numpy as jnp
import numpy as np

N_NODES = 10000
N_EDGES = 320000
D_IN = 128
D_HID = 128
D_OUT = 128


def setup_inputs(seed: int = 0) -> dict:
    key = jax.random.key(seed)
    ks = jax.random.split(key, 8)
    x = jax.random.normal(ks[0], (N_NODES, D_IN), dtype=jnp.float32)
    edge_index = jax.random.randint(ks[1], (2, N_EDGES), 0, N_NODES, dtype=jnp.int64)
    # SAGEConv params (PyG convention): lin_l applied to aggregated neighbors (has bias),
    # lin_r applied to root features (no bias).
    s1 = 1.0 / np.sqrt(D_IN)
    s2 = 1.0 / np.sqrt(D_HID)
    W1_l = jax.random.uniform(ks[2], (D_IN, D_HID), jnp.float32, -s1, s1)
    b1 = jnp.zeros((D_HID,), jnp.float32)
    W1_r = jax.random.uniform(ks[3], (D_IN, D_HID), jnp.float32, -s1, s1)
    W2_l = jax.random.uniform(ks[4], (D_HID, D_OUT), jnp.float32, -s2, s2)
    b2 = jnp.zeros((D_OUT,), jnp.float32)
    W2_r = jax.random.uniform(ks[5], (D_HID, D_OUT), jnp.float32, -s2, s2)
    return {"x": x, "edge_index": edge_index, "W1_l": W1_l, "b1": b1, "W1_r": W1_r,
            "W2_l": W2_l, "b2": b2, "W2_r": W2_r}


def _sage_conv(x, src, dst, W_l, b, W_r, n_nodes):
    # mean aggregation of neighbor messages (gather by src, scatter-add by dst)
    msgs = jnp.take(x, src, axis=0)
    agg = jax.ops.segment_sum(msgs, dst, num_segments=n_nodes)
    cnt = jax.ops.segment_sum(jnp.ones((src.shape[0],), x.dtype), dst, num_segments=n_nodes)
    mean = agg / jnp.clip(cnt, 1.0, None)[:, None]
    return mean @ W_l + b + x @ W_r


def reference(x, edge_index, W1_l, b1, W1_r, W2_l, b2, W2_r):
    src = edge_index[0]
    dst = edge_index[1]
    h = _sage_conv(x, src, dst, W1_l, b1, W1_r, N_NODES)
    h = jax.nn.relu(h)
    # dropout: identity in eval mode (training=False)
    out = _sage_conv(h, src, dst, W2_l, b2, W2_r, N_NODES)
    return out

if __name__ == "__main__":
    import jax
    _d = setup_inputs()
    print(jax.jit(kernel)(*tuple(_d.values())))

</pallas_src>

<mosaic_0001>
#map = affine_map<(d0, d1) -> (0, 0)>
#map1 = affine_map<(d0, d1) -> (0, 0, 0)>
module attributes {stable_mosaic.version = 14 : i64} {
  func.func @body(%arg0: i32, %arg1: i32, %arg2: memref<10000x64xf32, #tpu.memory_space<hbm>>, %arg3: memref<10000x64xf32, #tpu.memory_space<hbm>>, %arg4: memref<32x125x80xi32, #tpu.memory_space<hbm>>, %arg5: memref<32x125x80xi32, #tpu.memory_space<hbm>>, %arg6: memref<2x10000x64xf32, #tpu.memory_space<hbm>>, %arg7: memref<2x10000x64xf32, #tpu.memory_space<hbm>>, %arg8: memref<2x10000xf32, #tpu.memory_space<hbm>>, %arg9: memref<125x80xi32, #tpu.memory_space<vmem>>, %arg10: memref<125x80xi32, #tpu.memory_space<vmem>>, %arg11: memref<12x80x64xf32, #tpu.memory_space<vmem>>, %arg12: memref<80x64xf32, #tpu.memory_space<vmem>>, %arg13: memref<10000x64xf32, #tpu.memory_space<vmem_shared>>, %arg14: memref<12x!tpu.dma_semaphore, #tpu.memory_space<semaphore_mem>>, %arg15: memref<12x!tpu.dma_semaphore, #tpu.memory_space<semaphore_mem>>, %arg16: memref<80xf32, #tpu.memory_space<vmem>>, %arg17: memref<2000xf32, #tpu.memory_space<vmem>>, %arg18: memref<10000xf32, #tpu.memory_space<vmem_shared>>) attributes {dimension_semantics = [#tpu.dimension_semantics<core_parallel>, #tpu.dimension_semantics<subcore_parallel>], iteration_bounds = array<i64: 2, 16>, scalar_prefetch = 0 : i64, scratch_operands = 10 : i64, tpu.core_type = #tpu.core_type<sc_vector_subcore>, window_params = [{transform_indices = #map}, {transform_indices = #map}, {transform_indices = #map1}, {transform_indices = #map1}, {transform_indices = #map1}, {transform_indices = #map1}, {transform_indices = #map}]} {
    %mul3A = arith.constant 2 : i32
    %mul3A_0 = arith.muli %arg1, %mul3A : i32
    %add3A = arith.addi %mul3A_0, %arg0 : i32
    "tpu.region"() ({
      %run_scoped3A = tpu.sem_alloc : memref<!tpu.dma_semaphore, #tpu.memory_space<semaphore_mem>>
      %dma_start3A_612 = arith.constant 0 : i32
      %dma_start3A_613 = arith.constant 0 : i32
      %dma_start3A_614 = tpu.memref_slice %arg4[%add3A, %dma_start3A_612, %dma_start3A_613] : memref<32x125x80xi32, #tpu.memory_space<hbm>> -> memref<1x125x80xi32, #tpu.memory_space<hbm>>
      %dma_start3A_615 = tpu.memref_squeeze %dma_start3A_614 : memref<1x125x80xi32, #tpu.memory_space<hbm>> -> memref<125x80xi32, #tpu.memory_space<hbm>>
      %dma_start3A_616 = arith.constant 0 : i32
      %dma_start3A_617 = arith.constant 0 : i32
      %dma_start3A_618 = tpu.memref_slice %arg4[%add3A, %dma_start3A_616, %dma_start3A_617] : memref<32x125x80xi32, #tpu.memory_space<hbm>> -> memref<1x125x80xi32, #tpu.memory_space<hbm>>
      %dma_start3A_619 = tpu.memref_squeeze %dma_start3A_618 : memref<1x125x80xi32, #tpu.memory_space<hbm>> -> memref<125x80xi32, #tpu.memory_space<hbm>>
      tpu.enqueue_dma source(%dma_start3A_619 : memref<125x80xi32, #tpu.memory_space<hbm>>) target(%arg9 : memref<125x80xi32, #tpu.memory_space<vmem>>) target_semaphore(%run_scoped3A : memref<!tpu.dma_semaphore, #tpu.memory_space<semaphore_mem>>)
      %dma_wait3A_620 = arith.constant 0 : i32
      %dma_wait3A_621 = arith.constant 0 : i32
      %dma_wait3A_622 = tpu.memref_slice %arg4[%add3A, %dma_wait3A_620, %dma_wait3A_621] : memref<32x125x80xi32, #tpu.memory_space<hbm>> -> memref<1x125x80xi32, #tpu.memory_space<hbm>>
      %dma_wait3A_623 = tpu.memref_squeeze %dma_wait3A_622 : memref<1x125x80xi32, #tpu.memory_space<hbm>> -> memref<125x80xi32, #tpu.memory_space<hbm>>
      %dma_wait3A_624 = arith.constant 0 : i32
      %dma_wait3A_625 = arith.constant 0 : i32
      %dma_wait3A_626 = tpu.memref_slice %arg4[%add3A, %dma_wait3A_624, %dma_wait3A_625] : memref<32x125x80xi32, #tpu.memory_space<hbm>> -> memref<1x125x80xi32, #tpu.memory_space<hbm>>
      %dma_wait3A_627 = tpu.memref_squeeze %dma_wait3A_626 : memref<1x125x80xi32, #tpu.memory_space<hbm>> -> memref<125x80xi32, #tpu.memory_space<hbm>>
      tpu.wait_dma2 semaphore(%run_scoped3A : memref<!tpu.dma_semaphore, #tpu.memory_space<semaphore_mem>>) src(%dma_wait3A_627 : memref<125x80xi32, #tpu.memory_space<hbm>>) dst(%arg9 : memref<125x80xi32, #tpu.memory_space<vmem>>)
      tpu.yield
    }) : () -> ()
    "tpu.region"() ({
      %run_scoped3A = tpu.sem_alloc : memref<!tpu.dma_semaphore, #tpu.memory_space<semaphore_mem>>
      %dma_start3A_612 = arith.constant 0 : i32
      %dma_start3A_613 = arith.constant 0 : i32
      %dma_start3A_614 = tpu.memref_slice %arg5[%add3A, %dma_start3A_612, %dma_start3A_613] : memref<32x125x80xi32, #tpu.memory_space<hbm>> -> memref<1x125x80xi32, #tpu.memory_space<hbm>>
      %dma_start3A_615 = tpu.memref_squeeze %dma_start3A_614 : memref<1x125x80xi32, #tpu.memory_space<hbm>> -> memref<125x80xi32, #tpu.memory_space<hbm>>
      %dma_start3A_616 = arith.constant 0 : i32
      %dma_start3A_617 = arith.constant 0 : i32
      %dma_start3A_618 = tpu.memref_slice %arg5[%add3A, %dma_start3A_616, %dma_start3A_617] : memref<32x125x80xi32, #tpu.memory_space<hbm>> -> memref<1x125x80xi32, #tpu.memory_space<hbm>>
      %dma_start3A_619 = tpu.memref_squeeze %dma_start3A_618 : memref<1x125x80xi32, #tpu.memory_space<hbm>> -> memref<125x80xi32, #tpu.memory_space<hbm>>
      tpu.enqueue_dma source(%dma_start3A_619 : memref<125x80xi32, #tpu.memory_space<hbm>>) target(%arg10 : memref<125x80xi32, #tpu.memory_space<vmem>>) target_semaphore(%run_scoped3A : memref<!tpu.dma_semaphore, #tpu.memory_space<semaphore_mem>>)
      %dma_wait3A_620 = arith.constant 0 : i32
      %dma_wait3A_621 = arith.constant 0 : i32
      %dma_wait3A_622 = tpu.memref_slice %arg5[%add3A, %dma_wait3A_620, %dma_wait3A_621] : memref<32x125x80xi32, #tpu.memory_space<hbm>> -> memref<1x125x80xi32, #tpu.memory_space<hbm>>
      %dma_wait3A_623 = tpu.memref_squeeze %dma_wait3A_622 : memref<1x125x80xi32, #tpu.memory_space<hbm>> -> memref<125x80xi32, #tpu.memory_space<hbm>>
      %dma_wait3A_624 = arith.constant 0 : i32
      %dma_wait3A_625 = arith.constant 0 : i32
      %dma_wait3A_626 = tpu.memref_slice %arg5[%add3A, %dma_wait3A_624, %dma_wait3A_625] : memref<32x125x80xi32, #tpu.memory_space<hbm>> -> memref<1x125x80xi32, #tpu.memory_space<hbm>>
      %dma_wait3A_627 = tpu.memref_squeeze %dma_wait3A_626 : memref<1x125x80xi32, #tpu.memory_space<hbm>> -> memref<125x80xi32, #tpu.memory_space<hbm>>
      tpu.wait_dma2 semaphore(%run_scoped3A : memref<!tpu.dma_semaphore, #tpu.memory_space<semaphore_mem>>) src(%dma_wait3A_627 : memref<125x80xi32, #tpu.memory_space<hbm>>) dst(%arg10 : memref<125x80xi32, #tpu.memory_space<vmem>>)
      tpu.yield
    }) : () -> ()
    %broadcast_in_dim3A = arith.constant 0.000000e+00 : f32
    %broadcast_in_dim3A_1 = vector.broadcast %broadcast_in_dim3A : f32 to vector<16xf32>
    %scan3A = arith.constant 0 : i32
    %scan3A_2 = arith.constant 0 : i32
    %scan3A_3 = arith.constant 320 : i32
    %scan3A_4 = arith.addi %scan3A_2, %scan3A_3 : i32
    %scan3A_5 = arith.constant 1 : i32
    %scan3A_6 = scf.for %scan3A_612 = %scan3A_2 to %scan3A_4 step %scan3A_5 iter_args(%scan3A_613 = %scan3A) -> (i32)  : i32 {
      %jit3A = arith.constant 4 : i32
      %div3A = arith.divsi %scan3A_612, %jit3A : i32
      %sign3A = arith.constant 0 : i32
      %sign3A_614 = arith.cmpi sgt, %scan3A_612, %sign3A : i32
      %sign3A_615 = arith.extui %sign3A_614 : i1 to i32
      %sign3A_616 = arith.constant 0 : i32
      %sign3A_617 = arith.cmpi slt, %scan3A_612, %sign3A_616 : i32
      %sign3A_618 = arith.extui %sign3A_617 : i1 to i32
      %sign3A_619 = arith.subi %sign3A_615, %sign3A_618 : i32
      %sign3A_620 = arith.constant 0 : i32
      %sign3A_621 = arith.cmpi sgt, %jit3A, %sign3A_620 : i32
      %sign3A_622 = arith.extui %sign3A_621 : i1 to i32
      %sign3A_623 = arith.constant 0 : i32
      %sign3A_624 = arith.cmpi slt, %jit3A, %sign3A_623 : i32
      %sign3A_625 = arith.extui %sign3A_624 : i1 to i32
      %sign3A_626 = arith.subi %sign3A_622, %sign3A_625 : i32
      %ne3A = arith.cmpi ne, %sign3A_619, %sign3A_626 : i32
      %rem3A = arith.remsi %scan3A_612, %jit3A : i32
      %ne3A_627 = arith.constant 0 : i32
      %ne3A_628 = arith.cmpi ne, %rem3A, %ne3A_627 : i32
      %and3A = arith.andi %ne3A, %ne3A_628 : i1
      %sub3A = arith.constant 1 : i32
      %sub3A_629 = arith.subi %div3A, %sub3A : i32
      %select_n3A = arith.select %and3A, %sub3A_629, %div3A : i32
      %jit3A_630 = arith.constant 4 : i32
      %eq3A_631 = arith.constant 0 : i32
      %eq3A_632 = arith.cmpi eq, %jit3A_630, %eq3A_631 : i32
      %jit3A_633 = arith.constant 1 : i32
      %select_n3A_634 = arith.select %eq3A_632, %jit3A_633, %jit3A_630 : i32
      %rem3A_635 = arith.remsi %scan3A_612, %select_n3A_634 : i32
      %ne3A_636 = arith.constant 0 : i32
      %ne3A_637 = arith.cmpi ne, %rem3A_635, %ne3A_636 : i32
      %lt3A = arith.constant 0 : i32
      %lt3A_638 = arith.cmpi slt, %rem3A_635, %lt3A : i32
      %lt3A_639 = arith.constant 0 : i32
      %lt3A_640 = arith.cmpi slt, %select_n3A_634, %lt3A_639 : i32
      %ne3A_641 = arith.xori %lt3A_638, %lt3A_640 : i1
      %and3A_642 = arith.andi %ne3A_641, %ne3A_637 : i1
      %add3A_643 = arith.addi %rem3A_635, %select_n3A_634 : i32
      %select_n3A_644 = arith.select %and3A_642, %add3A_643, %rem3A_635 : i32
      %mul3A_645 = arith.constant 16 : i32
      %mul3A_646 = arith.muli %select_n3A_644, %mul3A_645 : i32
      %swap3A = arith.index_cast %select_n3A : i32 to index
      %swap3A_647 = arith.index_cast %mul3A_646 : i32 to index
      %swap3A_648 = tpu.vector_load %arg12[%swap3A, %swap3A_647] {strides = array<i32>} : memref<80x64xf32, #tpu.memory_space<vmem>>, vector<1x16xf32>,
      %swap3A_649 = vector.shape_cast %swap3A_648 : vector<1x16xf32> to vector<16xf32>
      %swap3A_650 = vector.shape_cast %broadcast_in_dim3A_1 : vector<16xf32> to vector<1x16xf32>
      tpu.vector_store %arg12[%swap3A, %swap3A_647], %swap3A_650 {strides = array<i32>} : memref<80x64xf32, #tpu.memory_space<vmem>>, vector<1x16xf32>,
      %scan3A_651 = arith.constant 0 : i32
      scf.yield %scan3A_651 : i32
    }
    %scan3A_7 = arith.constant 320 : i32
    %scan3A_8 = arith.constant 0 : i32
    %scan3A_9 = arith.constant 0 : i32
    %scan3A_10 = arith.constant 5 : i32
    %scan3A_11 = arith.addi %scan3A_9, %scan3A_10 : i32
    %scan3A_12 = arith.constant 1 : i32
    %scan3A_13 = scf.for %scan3A_612 = %scan3A_9 to %scan3A_11 step %scan3A_12 iter_args(%scan3A_613 = %scan3A_8) -> (i32)  : i32 {
      %broadcast_in_dim3A_614 = arith.constant 1.000000e+00 : f32
      %broadcast_in_dim3A_615 = vector.broadcast %broadcast_in_dim3A_614 : f32 to vector<16xf32>
      %mul3A_616 = arith.constant 16 : i32
      %mul3A_617 = arith.muli %scan3A_612, %mul3A_616 : i32
      %swap3A = arith.index_cast %mul3A_617 : i32 to index
      %swap3A_618 = tpu.vector_load %arg16[%swap3A] {strides = array<i32>} : memref<80xf32, #tpu.memory_space<vmem>>, vector<16xf32>,
      %swap3A_619 = vector.shape_cast %swap3A_618 : vector<16xf32> to vector<16xf32>
      %swap3A_620 = vector.shape_cast %broadcast_in_dim3A_615 : vector<16xf32> to vector<16xf32>
      tpu.vector_store %arg16[%swap3A], %swap3A_620 {strides = array<i32>} : memref<80xf32, #tpu.memory_space<vmem>>, vector<16xf32>,
      %scan3A_621 = arith.constant 0 : i32
      scf.yield %scan3A_621 : i32
    }
    %scan3A_14 = arith.constant 5 : i32
    %eq3A = arith.constant 0 : i32
    %eq3A_15 = arith.cmpi eq, %arg1, %eq3A : i32
    %convert_element_type3A = arith.extui %eq3A_15 : i1 to i32
    %cond3A = arith.constant 0 : i32
    %cond3A_16 = arith.cmpi ne, %convert_element_type3A, %cond3A : i32
    scf.if %cond3A_16 {
      %scan3A_612 = arith.constant 0 : i32
      %scan3A_613 = arith.constant 0 : i32
      %scan3A_614 = arith.constant 125 : i32
      %scan3A_615 = arith.addi %scan3A_613, %scan3A_614 : i32
      %scan3A_616 = arith.constant 1 : i32
      %scan3A_617 = scf.for %scan3A_619 = %scan3A_613 to %scan3A_615 step %scan3A_616 iter_args(%scan3A_620 = %scan3A_612) -> (i32)  : i32 {
        %mul3A_621 = arith.constant 16 : i32
        %mul3A_622 = arith.muli %scan3A_619, %mul3A_621 : i32
        %swap3A = arith.index_cast %mul3A_622 : i32 to index
        %swap3A_623 = tpu.vector_load %arg17[%swap3A] {strides = array<i32>} : memref<2000xf32, #tpu.memory_space<vmem>>, vector<16xf32>,
        %swap3A_624 = vector.shape_cast %swap3A_623 : vector<16xf32> to vector<16xf32>
        %swap3A_625 = vector.shape_cast %broadcast_in_dim3A_1 : vector<16xf32> to vector<16xf32>
        tpu.vector_store %arg17[%swap3A], %swap3A_625 {strides = array<i32>} : memref<2000xf32, #tpu.memory_space<vmem>>, vector<16xf32>,
        %scan3A_626 = arith.constant 0 : i32
        scf.yield %scan3A_626 : i32
      }
      %scan3A_618 = arith.constant 125 : i32
      "tpu.region"() ({
        %run_scoped3A = tpu.sem_alloc : memref<!tpu.dma_semaphore, #tpu.memory_space<semaphore_mem>>
        %dma_start3A_619 = arith.constant 0 : i32
        %dma_start3A_620 = tpu.memref_slice %arg18[%dma_start3A_619] : memref<10000xf32, #tpu.memory_space<vmem_shared>> -> memref<2000xf32, #tpu.memory_space<vmem_shared>>
        %dma_start3A_621 = arith.constant 0 : i32
        %dma_start3A_622 = tpu.memref_slice %arg18[%dma_start3A_621] : memref<10000xf32, #tpu.memory_space<vmem_shared>> -> memref<2000xf32, #tpu.memory_space<vmem_shared>>
        tpu.enqueue_dma source(%arg17 : memref<2000xf32, #tpu.memory_space<vmem>>) target(%dma_start3A_622 : memref<2000xf32, #tpu.memory_space<vmem_shared>>) target_semaphore(%run_scoped3A : memref<!tpu.dma_semaphore, #tpu.memory_space<semaphore_mem>>)
        %dma_wait3A_623 = arith.constant 0 : i32
        %dma_wait3A_624 = tpu.memref_slice %arg18[%dma_wait3A_623] : memref<10000xf32, #tpu.memory_space<vmem_shared>> -> memref<2000xf32, #tpu.memory_space<vmem_shared>>
        %dma_wait3A_625 = arith.constant 0 : i32
        %dma_wait3A_626 = tpu.memref_slice %arg18[%dma_wait3A_625] : memref<10000xf32, #tpu.memory_space<vmem_shared>> -> memref<2000xf32, #tpu.memory_space<vmem_shared>>
        tpu.wait_dma2 semaphore(%run_scoped3A : memref<!tpu.dma_semaphore, #tpu.memory_space<semaphore_mem>>) src(%arg17 : memref<2000xf32, #tpu.memory_space<vmem>>) dst(%dma_wait3A_626 : memref<2000xf32, #tpu.memory_space<vmem_shared>>)
        tpu.yield
      }) : () -> ()
      "tpu.region"() ({
        %run_scoped3A = tpu.sem_alloc : memref<!tpu.dma_semaphore, #tpu.memory_space<semaphore_mem>>
        %dma_start3A_619 = arith.constant 2000 : i32
        %dma_start3A_620 = tpu.memref_slice %arg18[%dma_start3A_619] : memref<10000xf32, #tpu.memory_space<vmem_shared>> -> memref<2000xf32, #tpu.memory_space<vmem_shared>>
        %dma_start3A_621 = arith.constant 2000 : i32
        %dma_start3A_622 = tpu.memref_slice %arg18[%dma_start3A_621] : memref<10000xf32, #tpu.memory_space<vmem_shared>> -> memref<2000xf32, #tpu.memory_space<vmem_shared>>
        tpu.enqueue_dma source(%arg17 : memref<2000xf32, #tpu.memory_space<vmem>>) target(%dma_start3A_622 : memref<2000xf32, #tpu.memory_space<vmem_shared>>) target_semaphore(%run_scoped3A : memref<!tpu.dma_semaphore, #tpu.memory_space<semaphore_mem>>)
        %dma_wait3A_623 = arith.constant 2000 : i32
        %dma_wait3A_624 = tpu.memref_slice %arg18[%dma_wait3A_623] : memref<10000xf32, #tpu.memory_space<vmem_shared>> -> memref<2000xf32, #tpu.memory_space<vmem_shared>>
        %dma_wait3A_625 = arith.constant 2000 : i32
        %dma_wait3A_626 = tpu.memref_slice %arg18[%dma_wait3A_625] : memref<10000xf32, #tpu.memory_space<vmem_shared>> -> memref<2000xf32, #tpu.memory_space<vmem_shared>>
        tpu.wait_dma2 semaphore(%run_scoped3A : memref<!tpu.dma_semaphore, #tpu.memory_space<semaphore_mem>>) src(%arg17 : memref<2000xf32, #tpu.memory_space<vmem>>) dst(%dma_wait3A_626 : memref<2000xf32, #tpu.memory_space<vmem_shared>>)
        tpu.yield
      }) : () -> ()
      "tpu.region"() ({
        %run_scoped3A = tpu.sem_alloc : memref<!tpu.dma_semaphore, #tpu.memory_space<semaphore_mem>>
        %dma_start3A_619 = arith.constant 4000 : i32
        %dma_start3A_620 = tpu.memref_slice %arg18[%dma_start3A_619] : memref<10000xf32, #tpu.memory_space<vmem_shared>> -> memref<2000xf32, #tpu.memory_space<vmem_shared>>
        %dma_start3A_621 = arith.constant 4000 : i32
        %dma_start3A_622 = tpu.memref_slice %arg18[%dma_start3A_621] : memref<10000xf32, #tpu.memory_space<vmem_shared>> -> memref<2000xf32, #tpu.memory_space<vmem_shared>>
        tpu.enqueue_dma source(%arg17 : memref<2000xf32, #tpu.memory_space<vmem>>) target(%dma_start3A_622 : memref<2000xf32, #tpu.memory_space<vmem_shared>>) target_semaphore(%run_scoped3A : memref<!tpu.dma_semaphore, #tpu.memory_space<semaphore_mem>>)
        %dma_wait3A_623 = arith.constant 4000 : i32
        %dma_wait3A_624 = tpu.memref_slice %arg18[%dma_wait3A_623] : memref<10000xf32, #tpu.memory_space<vmem_shared>> -> memref<2000xf32, #tpu.memory_space<vmem_shared>>
        %dma_wait3A_625 = arith.constant 4000 : i32
        %dma_wait3A_626 = tpu.memref_slice %arg18[%dma_wait3A_625] : memref<10000xf32, #tpu.memory_space<vmem_shared>> -> memref<2000xf32, #tpu.memory_space<vmem_shared>>
        tpu.wait_dma2 semaphore(%run_scoped3A : memref<!tpu.dma_semaphore, #tpu.memory_space<semaphore_mem>>) src(%arg17 : memref<2000xf32, #tpu.memory_space<vmem>>) dst(%dma_wait3A_626 : memref<2000xf32, #tpu.memory_space<vmem_shared>>)
        tpu.yield
      }) : () -> ()
      "tpu.region"() ({
        %run_scoped3A = tpu.sem_alloc : memref<!tpu.dma_semaphore, #tpu.memory_space<semaphore_mem>>
        %dma_start3A_619 = arith.constant 6000 : i32
        %dma_start3A_620 = tpu.memref_slice %arg18[%dma_start3A_619] : memref<10000xf32, #tpu.memory_space<vmem_shared>> -> memref<2000xf32, #tpu.memory_space<vmem_shared>>
        %dma_start3A_621 = arith.constant 6000 : i32
        %dma_start3A_622 = tpu.memref_slice %arg18[%dma_start3A_621] : memref<10000xf32, #tpu.memory_space<vmem_shared>> -> memref<2000xf32, #tpu.memory_space<vmem_shared>>
        tpu.enqueue_dma source(%arg17 : memref<2000xf32, #tpu.memory_space<vmem>>) target(%dma_start3A_622 : memref<2000xf32, #tpu.memory_space<vmem_shared>>) target_semaphore(%run_scoped3A : memref<!tpu.dma_semaphore, #tpu.memory_space<semaphore_mem>>)
        %dma_wait3A_623 = arith.constant 6000 : i32
        %dma_wait3A_624 = tpu.memref_slice %arg18[%dma_wait3A_623] : memref<10000xf32, #tpu.memory_space<vmem_shared>> -> memref<2000xf32, #tpu.memory_space<vmem_shared>>
        %dma_wait3A_625 = arith.constant 6000 : i32
        %dma_wait3A_626 = tpu.memref_slice %arg18[%dma_wait3A_625] : memref<10000xf32, #tpu.memory_space<vmem_shared>> -> memref<2000xf32, #tpu.memory_space<vmem_shared>>
        tpu.wait_dma2 semaphore(%run_scoped3A : memref<!tpu.dma_semaphore, #tpu.memory_space<semaphore_mem>>) src(%arg17 : memref<2000xf32, #tpu.memory_space<vmem>>) dst(%dma_wait3A_626 : memref<2000xf32, #tpu.memory_space<vmem_shared>>)
        tpu.yield
      }) : () -> ()
      "tpu.region"() ({
        %run_scoped3A = tpu.sem_alloc : memref<!tpu.dma_semaphore, #tpu.memory_space<semaphore_mem>>
        %dma_start3A_619 = arith.constant 8000 : i32
        %dma_start3A_620 = tpu.memref_slice %arg18[%dma_start3A_619] : memref<10000xf32, #tpu.memory_space<vmem_shared>> -> memref<2000xf32, #tpu.memory_space<vmem_shared>>
        %dma_start3A_621 = arith.constant 8000 : i32
        %dma_start3A_622 = tpu.memref_slice %arg18[%dma_start3A_621] : memref<10000xf32, #tpu.memory_space<vmem_shared>> -> memref<2000xf32, #tpu.memory_space<vmem_shared>>
        tpu.enqueue_dma source(%arg17 : memref<2000xf32, #tpu.memory_space<vmem>>) target(%dma_start3A_622 : memref<2000xf32, #tpu.memory_space<vmem_shared>>) target_semaphore(%run_scoped3A : memref<!tpu.dma_semaphore, #tpu.memory_space<semaphore_mem>>)
        %dma_wait3A_623 = arith.constant 8000 : i32
        %dma_wait3A_624 = tpu.memref_slice %arg18[%dma_wait3A_623] : memref<10000xf32, #tpu.memory_space<vmem_shared>> -> memref<2000xf32, #tpu.memory_space<vmem_shared>>
        %dma_wait3A_625 = arith.constant 8000 : i32
        %dma_wait3A_626 = tpu.memref_slice %arg18[%dma_wait3A_625] : memref<10000xf32, #tpu.memory_space<vmem_shared>> -> memref<2000xf32, #tpu.memory_space<vmem_shared>>
        tpu.wait_dma2 semaphore(%run_scoped3A : memref<!tpu.dma_semaphore, #tpu.memory_space<semaphore_mem>>) src(%arg17 : memref<2000xf32, #tpu.memory_space<vmem>>) dst(%dma_wait3A_626 : memref<2000xf32, #tpu.memory_space<vmem_shared>>)
        tpu.yield
      }) : () -> ()
    } else {
    }
    %scan3A_17 = arith.constant 0 : i32
    %scan3A_18 = arith.constant 0 : i32
    %scan3A_19 = arith.constant 8 : i32
    %scan3A_20 = arith.addi %scan3A_18, %scan3A_19 : i32
    %scan3A_21 = arith.constant 1 : i32
    %scan3A_22 = scf.for %scan3A_612 = %scan3A_18 to %scan3A_20 step %scan3A_21 iter_args(%scan3A_613 = %scan3A_17) -> (i32)  : i32 {
      %mul3A_614 = arith.constant 16 : i32
      %mul3A_615 = arith.muli %scan3A_612, %mul3A_614 : i32
      %add3A_616 = arith.addi %arg1, %mul3A_615 : i32
      %lt3A = arith.constant 125 : i32
      %lt3A_617 = arith.cmpi slt, %add3A_616, %lt3A : i32
      %convert_element_type3A_618 = arith.extui %lt3A_617 : i1 to i32
      %cond3A_619 = arith.constant 0 : i32
      %cond3A_620 = arith.cmpi ne, %convert_element_type3A_618, %cond3A_619 : i32
      scf.if %cond3A_620 {
        %mul3A_622 = arith.constant 80 : i32
        %mul3A_623 = arith.muli %add3A_616, %mul3A_622 : i32
        "tpu.region"() ({
          %run_scoped3A = tpu.sem_alloc : memref<!tpu.dma_semaphore, #tpu.memory_space<semaphore_mem>>
          %dma_start3A_624 = arith.constant 0 : i32
          %dma_start3A_625 = tpu.memref_slice %arg13[%mul3A_623, %dma_start3A_624] : memref<10000x64xf32, #tpu.memory_space<vmem_shared>> -> memref<80x64xf32, #tpu.memory_space<vmem_shared>>
          %dma_start3A_626 = arith.constant 0 : i32
          %dma_start3A_627 = tpu.memref_slice %arg13[%mul3A_623, %dma_start3A_626] : memref<10000x64xf32, #tpu.memory_space<vmem_shared>> -> memref<80x64xf32, #tpu.memory_space<vmem_shared>>
          tpu.enqueue_dma source(%arg12 : memref<80x64xf32, #tpu.memory_space<vmem>>) target(%dma_start3A_627 : memref<80x64xf32, #tpu.memory_space<vmem_shared>>) target_semaphore(%run_scoped3A : memref<!tpu.dma_semaphore, #tpu.memory_space<semaphore_mem>>)
          %dma_wait3A_628 = arith.constant 0 : i32
          %dma_wait3A_629 = tpu.memref_slice %arg13[%mul3A_623, %dma_wait3A_628] : memref<10000x64xf32, #tpu.memory_space<vmem_shared>> -> memref<80x64xf32, #tpu.memory_space<vmem_shared>>
          %dma_wait3A_630 = arith.constant 0 : i32
          %dma_wait3A_631 = tpu.memref_slice %arg13[%mul3A_623, %dma_wait3A_630] : memref<10000x64xf32, #tpu.memory_space<vmem_shared>> -> memref<80x64xf32, #tpu.memory_space<vmem_shared>>
          tpu.wait_dma2 semaphore(%run_scoped3A : memref<!tpu.dma_semaphore, #tpu.memory_space<semaphore_mem>>) src(%arg12 : memref<80x64xf32, #tpu.memory_space<vmem>>) dst(%dma_wait3A_631 : memref<80x64xf32, #tpu.memory_space<vmem_shared>>)
          tpu.yield
        }) : () -> ()
      } else {
      }
      %scan3A_621 = arith.constant 0 : i32
      scf.yield %scan3A_621 : i32
    }
    %scan3A_23 = arith.constant 8 : i32
    %barrier3A = arith.constant 0 : index
    tpu.barrier barrier_id(%barrier3A)
    %dma_start3A = arith.constant 0 : i32
    %dma_start3A_24 = arith.constant 0 : i32
    %dma_start3A_25 = arith.constant 0 : i32
    %dma_start3A_26 = arith.constant 0 : i32
    %dma_start3A_27 = arith.constant 0 : i32
    %dma_start3A_28 = tpu.memref_slice %arg11[%dma_start3A_24, %dma_start3A_26, %dma_start3A_27] : memref<12x80x64xf32, #tpu.memory_space<vmem>> -> memref<1x80x64xf32, #tpu.memory_space<vmem>>
    %dma_start3A_29 = tpu.memref_squeeze %dma_start3A_28 : memref<1x80x64xf32, #tpu.memory_space<vmem>> -> memref<80x64xf32, #tpu.memory_space<vmem>>
    %dma_start3A_30 = arith.constant 0 : i32
    %dma_start3A_31 = tpu.memref_slice %arg9[%dma_start3A, %dma_start3A_30] : memref<125x80xi32, #tpu.memory_space<vmem>> -> memref<1x80xi32, #tpu.memory_space<vmem>>
    %dma_start3A_32 = tpu.memref_squeeze %dma_start3A_31 : memref<1x80xi32, #tpu.memory_space<vmem>> -> memref<80xi32, #tpu.memory_space<vmem>>
    %dma_start3A_33 = arith.constant 0 : i32
    %dma_start3A_34 = arith.constant 0 : i32
    %dma_start3A_35 = tpu.memref_slice %arg2[%dma_start3A_33, %dma_start3A_34] : memref<10000x64xf32, #tpu.memory_space<hbm>> -> memref<10000x64xf32, #tpu.memory_space<hbm>>
    %dma_start3A_36 = tpu.memref_slice %arg14[%dma_start3A_25] : memref<12x!tpu.dma_semaphore, #tpu.memory_space<semaphore_mem>> -> memref<1x!tpu.dma_semaphore, #tpu.memory_space<semaphore_mem>>
    %dma_start3A_37 = tpu.memref_squeeze %dma_start3A_36 : memref<1x!tpu.dma_semaphore, #tpu.memory_space<semaphore_mem>> -> memref<!tpu.dma_semaphore, #tpu.memory_space<semaphore_mem>>
    tpu.enqueue_indirect_dma source(%dma_start3A_35 : memref<10000x64xf32, #tpu.memory_space<hbm>>) target(%dma_start3A_29 : memref<80x64xf32, #tpu.memory_space<vmem>>) offsets(%dma_start3A_32 : memref<80xi32, #tpu.memory_space<vmem>>) semaphore(%dma_start3A_37 : memref<!tpu.dma_semaphore, #tpu.memory_space<semaphore_mem>>)
    %dma_start3A_38 = arith.constant 1 : i32
    %dma_start3A_39 = arith.constant 1 : i32
    %dma_start3A_40 = arith.constant 1 : i32
    %dma_start3A_41 = arith.constant 0 : i32
    %dma_start3A_42 = arith.constant 0 : i32
    %dma_start3A_43 = tpu.memref_slice %arg11[%dma_start3A_39, %dma_start3A_41, %dma_start3A_42] : memref<12x80x64xf32, #tpu.memory_space<vmem>> -> memref<1x80x64xf32, #tpu.memory_space<vmem>>
    %dma_start3A_44 = tpu.memref_squeeze %dma_start3A_43 : memref<1x80x64xf32, #tpu.memory_space<vmem>> -> memref<80x64xf32, #tpu.memory_space<vmem>>
    %dma_start3A_45 = arith.constant 0 : i32
    %dma_start3A_46 = tpu.memref_slice %arg9[%dma_start3A_38, %dma_start3A_45] : memref<125x80xi32, #tpu.memory_space<vmem>> -> memref<1x80xi32, #tpu.memory_space<vmem>>
    %dma_start3A_47 = tpu.memref_squeeze %dma_start3A_46 : memref<1x80xi32, #tpu.memory_space<vmem>> -> memref<80xi32, #tpu.memory_space<vmem>>
    %dma_start3A_48 = arith.constant 0 : i32
    %dma_start3A_49 = arith.constant 0 : i32
    %dma_start3A_50 = tpu.memref_slice %arg2[%dma_start3A_48, %dma_start3A_49] : memref<10000x64xf32, #tpu.memory_space<hbm>> -> memref<10000x64xf32, #tpu.memory_space<hbm>>
    %dma_start3A_51 = tpu.memref_slice %arg14[%dma_start3A_40] : memref<12x!tpu.dma_semaphore, #tpu.memory_space<semaphore_mem>> -> memref<1x!tpu.dma_semaphore, #tpu.memory_space<semaphore_mem>>
    %dma_start3A_52 = tpu.memref_squeeze %dma_start3A_51 : memref<1x!tpu.dma_semaphore, #tpu.memory_space<semaphore_mem>> -> memref<!tpu.dma_semaphore, #tpu.memory_space<semaphore_mem>>
    tpu.enqueue_indirect_dma source(%dma_start3A_50 : memref<10000x64xf32, #tpu.memory_space<hbm>>) target(%dma_start3A_44 : memref<80x64xf32, #tpu.memory_space<vmem>>) offsets(%dma_start3A_47 : memref<80xi32, #tpu.memory_space<vmem>>) semaphore(%dma_start3A_52 : memref<!tpu.dma_semaphore, #tpu.memory_space<semaphore_mem>>)
    %dma_start3A_53 = arith.constant 2 : i32
    %dma_start3A_54 = arith.constant 2 : i32
    %dma_start3A_55 = arith.constant 2 : i32
    %dma_start3A_56 = arith.constant 0 : i32
    %dma_start3A_57 = arith.constant 0 : i32
    %dma_start3A_58 = tpu.memref_slice %arg11[%dma_start3A_54, %dma_start3A_56, %dma_start3A_57] : memref<12x80x64xf32, #tpu.memory_space<vmem>> -> memref<1x80x64xf32, #tpu.memory_space<vmem>>
    %dma_start3A_59 = tpu.memref_squeeze %dma_start3A_58 : memref<1x80x64xf32, #tpu.memory_space<vmem>> -> memref<80x64xf32, #tpu.memory_space<vmem>>
    %dma_start3A_60 = arith.constant 0 : i32
    %dma_start3A_61 = tpu.memref_slice %arg9[%dma_start3A_53, %dma_start3A_60] : memref<125x80xi32, #tpu.memory_space<vmem>> -> memref<1x80xi32, #tpu.memory_space<vmem>>
    %dma_start3A_62 = tpu.memref_squeeze %dma_start3A_61 : memref<1x80xi32, #tpu.memory_space<vmem>> -> memref<80xi32, #tpu.memory_space<vmem>>
    %dma_start3A_63 = arith.constant 0 : i32
    %dma_start3A_64 = arith.constant 0 : i32
    %dma_start3A_65 = tpu.memref_slice %arg2[%dma_start3A_63, %dma_start3A_64] : memref<10000x64xf32, #tpu.memory_space<hbm>> -> memref<10000x64xf32, #tpu.memory_space<hbm>>
    %dma_start3A_66 = tpu.memref_slice %arg14[%dma_start3A_55] : memref<12x!tpu.dma_semaphore, #tpu.memory_space<semaphore_mem>> -> memref<1x!tpu.dma_semaphore, #tpu.memory_space<semaphore_mem>>
    %dma_start3A_67 = tpu.memref_squeeze %dma_start3A_66 : memref<1x!tpu.dma_semaphore, #tpu.memory_space<semaphore_mem>> -> memref<!tpu.dma_semaphore, #tpu.memory_space<semaphore_mem>>
    tpu.enqueue_indirect_dma source(%dma_start3A_65 : memref<10000x64xf32, #tpu.memory_space<hbm>>) target(%dma_start3A_59 : memref<80x64xf32, #tpu.memory_space<vmem>>) offsets(%dma_start3A_62 : memref<80xi32, #tpu.memory_space<vmem>>) semaphore(%dma_start3A_67 : memref<!tpu.dma_semaphore, #tpu.memory_space<semaphore_mem>>)
    %dma_start3A_68 = arith.constant 3 : i32
    %dma_start3A_69 = arith.constant 3 : i32
    %dma_start3A_70 = arith.constant 3 : i32
    %dma_start3A_71 = arith.constant 0 : i32
    %dma_start3A_72 = arith.constant 0 : i32
    %dma_start3A_73 = tpu.memref_slice %arg11[%dma_start3A_69, %dma_start3A_71, %dma_start3A_72] : memref<12x80x64xf32, #tpu.memory_space<vmem>> -> memref<1x80x64xf32, #tpu.memory_space<vmem>>
    %dma_start3A_74 = tpu.memref_squeeze %dma_start3A_73 : memref<1x80x64xf32, #tpu.memory_space<vmem>> -> memref<80x64xf32, #tpu.memory_space<vmem>>
    %dma_start3A_75 = arith.constant 0 : i32
    %dma_start3A_76 = tpu.memref_slice %arg9[%dma_start3A_68, %dma_start3A_75] : memref<125x80xi32, #tpu.memory_space<vmem>> -> memref<1x80xi32, #tpu.memory_space<vmem>>
    %dma_start3A_77 = tpu.memref_squeeze %dma_start3A_76 : memref<1x80xi32, #tpu.memory_space<vmem>> -> memref<80xi32, #tpu.memory_space<vmem>>
    %dma_start3A_78 = arith.constant 0 : i32
    %dma_start3A_79 = arith.constant 0 : i32
    %dma_start3A_80 = tpu.memref_slice %arg2[%dma_start3A_78, %dma_start3A_79] : memref<10000x64xf32, #tpu.memory_space<hbm>> -> memref<10000x64xf32, #tpu.memory_space<hbm>>
    %dma_start3A_81 = tpu.memref_slice %arg14[%dma_start3A_70] : memref<12x!tpu.dma_semaphore, #tpu.memory_space<semaphore_mem>> -> memref<1x!tpu.dma_semaphore, #tpu.memory_space<semaphore_mem>>
    %dma_start3A_82 = tpu.memref_squeeze %dma_start3A_81 : memref<1x!tpu.dma_semaphore, #tpu.memory_space<semaphore_mem>> -> memref<!tpu.dma_semaphore, #tpu.memory_space<semaphore_mem>>
    tpu.enqueue_indirect_dma source(%dma_start3A_80 : memref<10000x64xf32, #tpu.memory_space<hbm>>) target(%dma_start3A_74 : memref<80x64xf32, #tpu.memory_space<vmem>>) offsets(%dma_start3A_77 : memref<80xi32, #tpu.memory_space<vmem>>) semaphore(%dma_start3A_82 : memref<!tpu.dma_semaphore, #tpu.memory_space<semaphore_mem>>)
    %dma_start3A_83 = arith.constant 4 : i32
    %dma_start3A_84 = arith.constant 4 : i32
    %dma_start3A_85 = arith.constant 4 : i32
    %dma_start3A_86 = arith.constant 0 : i32
    %dma_start3A_87 = arith.constant 0 : i32
    %dma_start3A_88 = tpu.memref_slice %arg11[%dma_start3A_84, %dma_start3A_86, %dma_start3A_87] : memref<12x80x64xf32, #tpu.memory_space<vmem>> -> memref<1x80x64xf32, #tpu.memory_space<vmem>>
    %dma_start3A_89 = tpu.memref_squeeze %dma_start3A_88 : memref<1x80x64xf32, #tpu.memory_space<vmem>> -> memref<80x64xf32, #tpu.memory_space<vmem>>
    %dma_start3A_90 = arith.constant 0 : i32
    %dma_start3A_91 = tpu.memref_slice %arg9[%dma_start3A_83, %dma_start3A_90] : memref<125x80xi32, #tpu.memory_space<vmem>> -> memref<1x80xi32, #tpu.memory_space<vmem>>
    %dma_start3A_92 = tpu.memref_squeeze %dma_start3A_91 : memref<1x80xi32, #tpu.memory_space<vmem>> -> memref<80xi32, #tpu.memory_space<vmem>>
    %dma_start3A_93 = arith.constant 0 : i32
    %dma_start3A_94 = arith.constant 0 : i32
    %dma_start3A_95 = tpu.memref_slice %arg2[%dma_start3A_93, %dma_start3A_94] : memref<10000x64xf32, #tpu.memory_space<hbm>> -> memref<10000x64xf32, #tpu.memory_space<hbm>>
    %dma_start3A_96 = tpu.memref_slice %arg14[%dma_start3A_85] : memref<12x!tpu.dma_semaphore, #tpu.memory_space<semaphore_mem>> -> memref<1x!tpu.dma_semaphore, #tpu.memory_space<semaphore_mem>>
    %dma_start3A_97 = tpu.memref_squeeze %dma_start3A_96 : memref<1x!tpu.dma_semaphore, #tpu.memory_space<semaphore_mem>> -> memref<!tpu.dma_semaphore, #tpu.memory_space<semaphore_mem>>
    tpu.enqueue_indirect_dma source(%dma_start3A_95 : memref<10000x64xf32, #tpu.memory_space<hbm>>) target(%dma_start3A_89 : memref<80x64xf32, #tpu.memory_space<vmem>>) offsets(%dma_start3A_92 : memref<80xi32, #tpu.memory_space<vmem>>) semaphore(%dma_start3A_97 : memref<!tpu.dma_semaphore, #tpu.memory_space<semaphore_mem>>)
    %dma_start3A_98 = arith.constant 5 : i32
    %dma_start3A_99 = arith.constant 5 : i32
    %dma_start3A_100 = arith.constant 5 : i32
    %dma_start3A_101 = arith.constant 0 : i32
    %dma_start3A_102 = arith.constant 0 : i32
    %dma_start3A_103 = tpu.memref_slice %arg11[%dma_start3A_99, %dma_start3A_101, %dma_start3A_102] : memref<12x80x64xf32, #tpu.memory_space<vmem>> -> memref<1x80x64xf32, #tpu.memory_space<vmem>>
    %dma_start3A_104 = tpu.memref_squeeze %dma_start3A_103 : memref<1x80x64xf32, #tpu.memory_space<vmem>> -> memref<80x64xf32, #tpu.memory_space<vmem>>
    %dma_start3A_105 = arith.constant 0 : i32
    %dma_start3A_106 = tpu.memref_slice %arg9[%dma_start3A_98, %dma_start3A_105] : memref<125x80xi32, #tpu.memory_space<vmem>> -> memref<1x80xi32, #tpu.memory_space<vmem>>
    %dma_start3A_107 = tpu.memref_squeeze %dma_start3A_106 : memref<1x80xi32, #tpu.memory_space<vmem>> -> memref<80xi32, #tpu.memory_space<vmem>>
    %dma_start3A_108 = arith.constant 0 : i32
    %dma_start3A_109 = arith.constant 0 : i32
    %dma_start3A_110 = tpu.memref_slice %arg2[%dma_start3A_108, %dma_start3A_109] : memref<10000x64xf32, #tpu.memory_space<hbm>> -> memref<10000x64xf32, #tpu.memory_space<hbm>>
    %dma_start3A_111 = tpu.memref_slice %arg14[%dma_start3A_100] : memref<12x!tpu.dma_semaphore, #tpu.memory_space<semaphore_mem>> -> memref<1x!tpu.dma_semaphore, #tpu.memory_space<semaphore_mem>>
    %dma_start3A_112 = tpu.memref_squeeze %dma_start3A_111 : memref<1x!tpu.dma_semaphore, #tpu.memory_space<semaphore_mem>> -> memref<!tpu.dma_semaphore, #tpu.memory_space<semaphore_mem>>
    tpu.enqueue_indirect_dma source(%dma_start3A_110 : memref<10000x64xf32, #tpu.memory_space<hbm>>) target(%dma_start3A_104 : memref<80x64xf32, #tpu.memory_space<vmem>>) offsets(%dma_start3A_107 : memref<80xi32, #tpu.memory_space<vmem>>) semaphore(%dma_start3A_112 : memref<!tpu.dma_semaphore, #tpu.memory_space<semaphore_mem>>)
    %scan3A_113 = arith.constant 0 : i32
    %scan3A_114 = arith.constant 0 : i32
    %scan3A_115 = arith.constant 125 : i32
    %scan3A_116 = arith.addi %scan3A_114, %scan3A_115 : i32
    %scan3A_117 = arith.constant 1 : i32
    %scan3A_118 = scf.for %scan3A_612 = %scan3A_114 to %scan3A_116 step %scan3A_117 iter_args(%scan3A_613 = %scan3A_113) -> (i32)  : i32 {
      %jit3A = arith.constant 12 : i32
      %eq3A_614 = arith.constant 0 : i32
      %eq3A_615 = arith.cmpi eq, %jit3A, %eq3A_614 : i32
      %jit3A_616 = arith.constant 1 : i32
      %select_n3A = arith.select %eq3A_615, %jit3A_616, %jit3A : i32
      %rem3A = arith.remsi %scan3A_612, %select_n3A : i32
      %ne3A = arith.constant 0 : i32
      %ne3A_617 = arith.cmpi ne, %rem3A, %ne3A : i32
      %lt3A = arith.constant 0 : i32
      %lt3A_618 = arith.cmpi slt, %rem3A, %lt3A : i32
      %lt3A_619 = arith.constant 0 : i32
      %lt3A_620 = arith.cmpi slt, %select_n3A, %lt3A_619 : i32
      %ne3A_621 = arith.xori %lt3A_618, %lt3A_620 : i1
      %and3A = arith.andi %ne3A_621, %ne3A_617 : i1
      %add3A_622 = arith.addi %rem3A, %select_n3A : i32
      %select_n3A_623 = arith.select %and3A, %add3A_622, %rem3A : i32
      %dma_wait3A_624 = arith.constant 0 : i32
      %dma_wait3A_625 = arith.constant 0 : i32
      %dma_wait3A_626 = tpu.memref_slice %arg11[%select_n3A_623, %dma_wait3A_624, %dma_wait3A_625] : memref<12x80x64xf32, #tpu.memory_space<vmem>> -> memref<1x80x64xf32, #tpu.memory_space<vmem>>
      %dma_wait3A_627 = tpu.memref_squeeze %dma_wait3A_626 : memref<1x80x64xf32, #tpu.memory_space<vmem>> -> memref<80x64xf32, #tpu.memory_space<vmem>>
      %dma_wait3A_628 = arith.constant 0 : i32
      %dma_wait3A_629 = tpu.memref_slice %arg9[%scan3A_612, %dma_wait3A_628] : memref<125x80xi32, #tpu.memory_space<vmem>> -> memref<1x80xi32, #tpu.memory_space<vmem>>
      %dma_wait3A_630 = tpu.memref_squeeze %dma_wait3A_629 : memref<1x80xi32, #tpu.memory_space<vmem>> -> memref<80xi32, #tpu.memory_space<vmem>>
      %dma_wait3A_631 = arith.constant 0 : i32
      %dma_wait3A_632 = arith.constant 0 : i32
      %dma_wait3A_633 = tpu.memref_slice %arg2[%dma_wait3A_631, %dma_wait3A_632] : memref<10000x64xf32, #tpu.memory_space<hbm>> -> memref<10000x64xf32, #tpu.memory_space<hbm>>
      %dma_wait3A_634 = tpu.memref_slice %arg14[%select_n3A_623] : memref<12x!tpu.dma_semaphore, #tpu.memory_space<semaphore_mem>> -> memref<1x!tpu.dma_semaphore, #tpu.memory_space<semaphore_mem>>
      %dma_wait3A_635 = tpu.memref_squeeze %dma_wait3A_634 : memref<1x!tpu.dma_semaphore, #tpu.memory_space<semaphore_mem>> -> memref<!tpu.dma_semaphore, #tpu.memory_space<semaphore_mem>>
      tpu.wait_indirect_dma semaphore(%dma_wait3A_635 : memref<!tpu.dma_semaphore, #tpu.memory_space<semaphore_mem>>) src(%dma_wait3A_633 : memref<10000x64xf32, #tpu.memory_space<hbm>>) dst(%dma_wait3A_627 : memref<80x64xf32, #tpu.memory_space<vmem>>)
      %dma_start3A_636 = arith.constant 0 : i32
      %dma_start3A_637 = arith.constant 0 : i32
      %dma_start3A_638 = tpu.memref_slice %arg11[%select_n3A_623, %dma_start3A_636, %dma_start3A_637] : memref<12x80x64xf32, #tpu.memory_space<vmem>> -> memref<1x80x64xf32, #tpu.memory_space<vmem>>
      %dma_start3A_639 = tpu.memref_squeeze %dma_start3A_638 : memref<1x80x64xf32, #tpu.memory_space<vmem>> -> memref<80x64xf32, #tpu.memory_space<vmem>>
      %dma_start3A_640 = arith.constant 0 : i32
      %dma_start3A_641 = tpu.memref_slice %arg10[%scan3A_612, %dma_start3A_640] : memref<125x80xi32, #tpu.memory_space<vmem>> -> memref<1x80xi32, #tpu.memory_space<vmem>>
      %dma_start3A_642 = tpu.memref_squeeze %dma_start3A_641 : memref<1x80xi32, #tpu.memory_space<vmem>> -> memref<80xi32, #tpu.memory_space<vmem>>
      %dma_start3A_643 = arith.constant 0 : i32
      %dma_start3A_644 = arith.constant 0 : i32
      %dma_start3A_645 = tpu.memref_slice %arg13[%dma_start3A_643, %dma_start3A_644] : memref<10000x64xf32, #tpu.memory_space<vmem_shared>> -> memref<10000x64xf32, #tpu.memory_space<vmem_shared>>
      %dma_start3A_646 = tpu.memref_slice %arg15[%select_n3A_623] : memref<12x!tpu.dma_semaphore, #tpu.memory_space<semaphore_mem>> -> memref<1x!tpu.dma_semaphore, #tpu.memory_space<semaphore_mem>>
      %dma_start3A_647 = tpu.memref_squeeze %dma_start3A_646 : memref<1x!tpu.dma_semaphore, #tpu.memory_space<semaphore_mem>> -> memref<!tpu.dma_semaphore, #tpu.memory_space<semaphore_mem>>
      tpu.enqueue_indirect_dma source(%dma_start3A_639 : memref<80x64xf32, #tpu.memory_space<vmem>>) target(%dma_start3A_645 : memref<10000x64xf32, #tpu.memory_space<vmem_shared>>) offsets(%dma_start3A_642 : memref<80xi32, #tpu.memory_space<vmem>>) semaphore(%dma_start3A_647 : memref<!tpu.dma_semaphore, #tpu.memory_space<semaphore_mem>>) {add = true}
      "tpu.region"() ({
        %run_scoped3A = tpu.sem_alloc : memref<!tpu.dma_semaphore, #tpu.memory_space<semaphore_mem>>
        %dma_start3A_654 = arith.constant 0 : i32
        %dma_start3A_655 = tpu.memref_slice %arg10[%scan3A_612, %dma_start3A_654] : memref<125x80xi32, #tpu.memory_space<vmem>> -> memref<1x80xi32, #tpu.memory_space<vmem>>
        %dma_start3A_656 = tpu.memref_squeeze %dma_start3A_655 : memref<1x80xi32, #tpu.memory_space<vmem>> -> memref<80xi32, #tpu.memory_space<vmem>>
        %dma_start3A_657 = arith.constant 0 : i32
        %dma_start3A_658 = tpu.memref_slice %arg18[%dma_start3A_657] : memref<10000xf32, #tpu.memory_space<vmem_shared>> -> memref<10000xf32, #tpu.memory_space<vmem_shared>>
        tpu.enqueue_indirect_dma source(%arg16 : memref<80xf32, #tpu.memory_space<vmem>>) target(%dma_start3A_658 : memref<10000xf32, #tpu.memory_space<vmem_shared>>) offsets(%dma_start3A_656 : memref<80xi32, #tpu.memory_space<vmem>>) semaphore(%run_scoped3A : memref<!tpu.dma_semaphore, #tpu.memory_space<semaphore_mem>>) {add = true}
        %dma_wait3A_659 = arith.constant 0 : i32
        %dma_wait3A_660 = tpu.memref_slice %arg10[%scan3A_612, %dma_wait3A_659] : memref<125x80xi32, #tpu.memory_space<vmem>> -> memref<1x80xi32, #tpu.memory_space<vmem>>
        %dma_wait3A_661 = tpu.memref_squeeze %dma_wait3A_660 : memref<1x80xi32, #tpu.memory_space<vmem>> -> memref<80xi32, #tpu.memory_space<vmem>>
        %dma_wait3A_662 = arith.constant 0 : i32
        %dma_wait3A_663 = tpu.memref_slice %arg18[%dma_wait3A_662] : memref<10000xf32, #tpu.memory_space<vmem_shared>> -> memref<10000xf32, #tpu.memory_space<vmem_shared>>
        tpu.wait_indirect_dma semaphore(%run_scoped3A : memref<!tpu.dma_semaphore, #tpu.memory_space<semaphore_mem>>) src(%arg16 : memref<80xf32, #tpu.memory_space<vmem>>) dst(%dma_wait3A_663 : memref<10000xf32, #tpu.memory_space<vmem_shared>>)
        tpu.yield
      }) : () -> ()
      %lt3A_648 = arith.constant 119 : i32
      %lt3A_649 = arith.cmpi slt, %scan3A_612, %lt3A_648 : i32
      %convert_element_type3A_650 = arith.extui %lt3A_649 : i1 to i32
      %cond3A_651 = arith.constant 0 : i32
      %cond3A_652 = arith.cmpi ne, %convert_element_type3A_650, %cond3A_651 : i32
      scf.if %cond3A_652 {
        %add3A_654 = arith.constant 6 : i32
        %add3A_655 = arith.addi %scan3A_612, %add3A_654 : i32
        %jit3A_656 = arith.constant 12 : i32
        %eq3A_657 = arith.constant 0 : i32
        %eq3A_658 = arith.cmpi eq, %jit3A_656, %eq3A_657 : i32
        %jit3A_659 = arith.constant 1 : i32
        %select_n3A_660 = arith.select %eq3A_658, %jit3A_659, %jit3A_656 : i32
        %rem3A_661 = arith.remsi %add3A_655, %select_n3A_660 : i32
        %ne3A_662 = arith.constant 0 : i32
        %ne3A_663 = arith.cmpi ne, %rem3A_661, %ne3A_662 : i32
        %lt3A_664 = arith.constant 0 : i32
        %lt3A_665 = arith.cmpi slt, %rem3A_661, %lt3A_664 : i32
        %lt3A_666 = arith.constant 0 : i32
        %lt3A_667 = arith.cmpi slt, %select_n3A_660, %lt3A_666 : i32
        %ne3A_668 = arith.xori %lt3A_665, %lt3A_667 : i1
        %and3A_669 = arith.andi %ne3A_668, %ne3A_663 : i1
        %add3A_670 = arith.addi %rem3A_661, %select_n3A_660 : i32
        %select_n3A_671 = arith.select %and3A_669, %add3A_670, %rem3A_661 : i32
        %ge3A = arith.constant 6 : i32
        %ge3A_672 = arith.cmpi sge, %scan3A_612, %ge3A : i32
        %convert_element_type3A_673 = arith.extui %ge3A_672 : i1 to i32
        %cond3A_674 = arith.constant 0 : i32
        %cond3A_675 = arith.cmpi ne, %convert_element_type3A_673, %cond3A_674 : i32
        scf.if %cond3A_675 {
          %dma_wait3A_690 = arith.constant 0 : i32
          %dma_wait3A_691 = arith.constant 0 : i32
          %dma_wait3A_692 = tpu.memref_slice %arg11[%select_n3A_671, %dma_wait3A_690, %dma_wait3A_691] : memref<12x80x64xf32, #tpu.memory_space<vmem>> -> memref<1x80x64xf32, #tpu.memory_space<vmem>>
          %dma_wait3A_693 = tpu.memref_squeeze %dma_wait3A_692 : memref<1x80x64xf32, #tpu.memory_space<vmem>> -> memref<80x64xf32, #tpu.memory_space<vmem>>
          %dma_wait3A_694 = arith.constant 0 : i32
          %dma_wait3A_695 = tpu.memref_slice %arg10[%scan3A_612, %dma_wait3A_694] : memref<125x80xi32, #tpu.memory_space<vmem>> -> memref<1x80xi32, #tpu.memory_space<vmem>>
          %dma_wait3A_696 = tpu.memref_squeeze %dma_wait3A_695 : memref<1x80xi32, #tpu.memory_space<vmem>> -> memref<80xi32, #tpu.memory_space<vmem>>
          %dma_wait3A_697 = arith.constant 0 : i32
          %dma_wait3A_698 = arith.constant 0 : i32
          %dma_wait3A_699 = tpu.memref_slice %arg13[%dma_wait3A_697, %dma_wait3A_698] : memref<10000x64xf32, #tpu.memory_space<vmem_shared>> -> memref<10000x64xf32, #tpu.memory_space<vmem_shared>>
          %dma_wait3A_700 = tpu.memref_slice %arg15[%select_n3A_671] : memref<12x!tpu.dma_semaphore, #tpu.memory_space<semaphore_mem>> -> memref<1x!tpu.dma_semaphore, #tpu.memory_space<semaphore_mem>>
          %dma_wait3A_701 = tpu.memref_squeeze %dma_wait3A_700 : memref<1x!tpu.dma_semaphore, #tpu.memory_space<semaphore_mem>> -> memref<!tpu.dma_semaphore, #tpu.memory_space<semaphore_mem>>
          tpu.wait_indirect_dma semaphore(%dma_wait3A_701 : memref<!tpu.dma_semaphore, #tpu.memory_space<semaphore_mem>>) src(%dma_wait3A_693 : memref<80x64xf32, #tpu.memory_space<vmem>>) dst(%dma_wait3A_699 : memref<10000x64xf32, #tpu.memory_space<vmem_shared>>)
        } else {
        }
        %add3A_676 = arith.constant 6 : i32
        %add3A_677 = arith.addi %scan3A_612, %add3A_676 : i32
        %dma_start3A_678 = arith.constant 0 : i32
        %dma_start3A_679 = arith.constant 0 : i32
        %dma_start3A_680 = tpu.memref_slice %arg11[%select_n3A_671, %dma_start3A_678, %dma_start3A_679] : memref<12x80x64xf32, #tpu.memory_space<vmem>> -> memref<1x80x64xf32, #tpu.memory_space<vmem>>
        %dma_start3A_681 = tpu.memref_squeeze %dma_start3A_680 : memref<1x80x64xf32, #tpu.memory_space<vmem>> -> memref<80x64xf32, #tpu.memory_space<vmem>>
        %dma_start3A_682 = arith.constant 0 : i32
        %dma_start3A_683 = tpu.memref_slice %arg9[%add3A_677, %dma_start3A_682] : memref<125x80xi32, #tpu.memory_space<vmem>> -> memref<1x80xi32, #tpu.memory_space<vmem>>
        %dma_start3A_684 = tpu.memref_squeeze %dma_start3A_683 : memref<1x80xi32, #tpu.memory_space<vmem>> -> memref<80xi32, #tpu.memory_space<vmem>>
        %dma_start3A_685 = arith.constant 0 : i32
        %dma_start3A_686 = arith.constant 0 : i32
        %dma_start3A_687 = tpu.memref_slice %arg2[%dma_start3A_685, %dma_start3A_686] : memref<10000x64xf32, #tpu.memory_space<hbm>> -> memref<10000x64xf32, #tpu.memory_space<hbm>>
        %dma_start3A_688 = tpu.memref_slice %arg14[%select_n3A_671] : memref<12x!tpu.dma_semaphore, #tpu.memory_space<semaphore_mem>> -> memref<1x!tpu.dma_semaphore, #tpu.memory_space<semaphore_mem>>
        %dma_start3A_689 = tpu.memref_squeeze %dma_start3A_688 : memref<1x!tpu.dma_semaphore, #tpu.memory_space<semaphore_mem>> -> memref<!tpu.dma_semaphore, #tpu.memory_space<semaphore_mem>>
        tpu.enqueue_indirect_dma source(%dma_start3A_687 : memref<10000x64xf32, #tpu.memory_space<hbm>>) target(%dma_start3A_681 : memref<80x64xf32, #tpu.memory_space<vmem>>) offsets(%dma_start3A_684 : memref<80xi32, #tpu.memory_space<vmem>>) semaphore(%dma_start3A_689 : memref<!tpu.dma_semaphore, #tpu.memory_space<semaphore_mem>>)
      } else {
      }
      %scan3A_653 = arith.constant 0 : i32
      scf.yield %scan3A_653 : i32
    }
    %scan3A_119 = arith.constant 125 : i32
    %dma_wait3A = arith.constant 5 : i32
    %dma_wait3A_120 = arith.constant 0 : i32
    %dma_wait3A_121 = arith.constant 5 : i32
    %dma_wait3A_122 = arith.constant 0 : i32
    %dma_wait3A_123 = arith.constant 0 : i32
    %dma_wait3A_124 = tpu.memref_slice %arg11[%dma_wait3A, %dma_wait3A_122, %dma_wait3A_123] : memref<12x80x64xf32, #tpu.memory_space<vmem>> -> memref<1x80x64xf32, #tpu.memory_space<vmem>>
    %dma_wait3A_125 = tpu.memref_squeeze %dma_wait3A_124 : memref<1x80x64xf32, #tpu.memory_space<vmem>> -> memref<80x64xf32, #tpu.memory_space<vmem>>
    %dma_wait3A_126 = arith.constant 0 : i32
    %dma_wait3A_127 = tpu.memref_slice %arg10[%dma_wait3A_120, %dma_wait3A_126] : memref<125x80xi32, #tpu.memory_space<vmem>> -> memref<1x80xi32, #tpu.memory_space<vmem>>
    %dma_wait3A_128 = tpu.memref_squeeze %dma_wait3A_127 : memref<1x80xi32, #tpu.memory_space<vmem>> -> memref<80xi32, #tpu.memory_space<vmem>>
    %dma_wait3A_129 = arith.constant 0 : i32
    %dma_wait3A_130 = arith.constant 0 : i32
    %dma_wait3A_131 = tpu.memref_slice %arg13[%dma_wait3A_129, %dma_wait3A_130] : memref<10000x64xf32, #tpu.memory_space<vmem_shared>> -> memref<10000x64xf32, #tpu.memory_space<vmem_shared>>
    %dma_wait3A_132 = tpu.memref_slice %arg15[%dma_wait3A_121] : memref<12x!tpu.dma_semaphore, #tpu.memory_space<semaphore_mem>> -> memref<1x!tpu.dma_semaphore, #tpu.memory_space<semaphore_mem>>
    %dma_wait3A_133 = tpu.memref_squeeze %dma_wait3A_132 : memref<1x!tpu.dma_semaphore, #tpu.memory_space<semaphore_mem>> -> memref<!tpu.dma_semaphore, #tpu.memory_space<semaphore_mem>>
    tpu.wait_indirect_dma semaphore(%dma_wait3A_133 : memref<!tpu.dma_semaphore, #tpu.memory_space<semaphore_mem>>) src(%dma_wait3A_125 : memref<80x64xf32, #tpu.memory_space<vmem>>) dst(%dma_wait3A_131 : memref<10000x64xf32, #tpu.memory_space<vmem_shared>>)
    %dma_wait3A_134 = arith.constant 6 : i32
    %dma_wait3A_135 = arith.constant 0 : i32
    %dma_wait3A_136 = arith.constant 6 : i32
    %dma_wait3A_137 = arith.constant 0 : i32
    %dma_wait3A_138 = arith.constant 0 : i32
    %dma_wait3A_139 = tpu.memref_slice %arg11[%dma_wait3A_134, %dma_wait3A_137, %dma_wait3A_138] : memref<12x80x64xf32, #tpu.memory_space<vmem>> -> memref<1x80x64xf32, #tpu.memory_space<vmem>>
    %dma_wait3A_140 = tpu.memref_squeeze %dma_wait3A_139 : memref<1x80x64xf32, #tpu.memory_space<vmem>> -> memref<80x64xf32, #tpu.memory_space<vmem>>
    %dma_wait3A_141 = arith.constant 0 : i32
    %dma_wait3A_142 = tpu.memref_slice %arg10[%dma_wait3A_135, %dma_wait3A_141] : memref<125x80xi32, #tpu.memory_space<vmem>> -> memref<1x80xi32, #tpu.memory_space<vmem>>
    %dma_wait3A_143 = tpu.memref_squeeze %dma_wait3A_142 : memref<1x80xi32, #tpu.memory_space<vmem>> -> memref<80xi32, #tpu.memory_space<vmem>>
    %dma_wait3A_144 = arith.constant 0 : i32
    %dma_wait3A_145 = arith.constant 0 : i32
    %dma_wait3A_146 = tpu.memref_slice %arg13[%dma_wait3A_144, %dma_wait3A_145] : memref<10000x64xf32, #tpu.memory_space<vmem_shared>> -> memref<10000x64xf32, #tpu.memory_space<vmem_shared>>
    %dma_wait3A_147 = tpu.memref_slice %arg15[%dma_wait3A_136] : memref<12x!tpu.dma_semaphore, #tpu.memory_space<semaphore_mem>> -> memref<1x!tpu.dma_semaphore, #tpu.memory_space<semaphore_mem>>
    %dma_wait3A_148 = tpu.memref_squeeze %dma_wait3A_147 : memref<1x!tpu.dma_semaphore, #tpu.memory_space<semaphore_mem>> -> memref<!tpu.dma_semaphore, #tpu.memory_space<semaphore_mem>>
    tpu.wait_indirect_dma semaphore(%dma_wait3A_148 : memref<!tpu.dma_semaphore, #tpu.memory_space<semaphore_mem>>) src(%dma_wait3A_140 : memref<80x64xf32, #tpu.memory_space<vmem>>) dst(%dma_wait3A_146 : memref<10000x64xf32, #tpu.memory_space<vmem_shared>>)
    %dma_wait3A_149 = arith.constant 7 : i32
    %dma_wait3A_150 = arith.constant 0 : i32
    %dma_wait3A_151 = arith.constant 7 : i32
    %dma_wait3A_152 = arith.constant 0 : i32
    %dma_wait3A_153 = arith.constant 0 : i32
    %dma_wait3A_154 = tpu.memref_slice %arg11[%dma_wait3A_149, %dma_wait3A_152, %dma_wait3A_153] : memref<12x80x64xf32, #tpu.memory_space<vmem>> -> memref<1x80x64xf32, #tpu.memory_space<vmem>>
    %dma_wait3A_155 = tpu.memref_squeeze %dma_wait3A_154 : memref<1x80x64xf32, #tpu.memory_space<vmem>> -> memref<80x64xf32, #tpu.memory_space<vmem>>
    %dma_wait3A_156 = arith.constant 0 : i32
    %dma_wait3A_157 = tpu.memref_slice %arg10[%dma_wait3A_150, %dma_wait3A_156] : memref<125x80xi32, #tpu.memory_space<vmem>> -> memref<1x80xi32, #tpu.memory_space<vmem>>
    %dma_wait3A_158 = tpu.memref_squeeze %dma_wait3A_157 : memref<1x80xi32, #tpu.memory_space<vmem>> -> memref<80xi32, #tpu.memory_space<vmem>>
    %dma_wait3A_159 = arith.constant 0 : i32
    %dma_wait3A_160 = arith.constant 0 : i32
    %dma_wait3A_161 = tpu.memref_slice %arg13[%dma_wait3A_159, %dma_wait3A_160] : memref<10000x64xf32, #tpu.memory_space<vmem_shared>> -> memref<10000x64xf32, #tpu.memory_space<vmem_shared>>
    %dma_wait3A_162 = tpu.memref_slice %arg15[%dma_wait3A_151] : memref<12x!tpu.dma_semaphore, #tpu.memory_space<semaphore_mem>> -> memref<1x!tpu.dma_semaphore, #tpu.memory_space<semaphore_mem>>
    %dma_wait3A_163 = tpu.memref_squeeze %dma_wait3A_162 : memref<1x!tpu.dma_semaphore, #tpu.memory_space<semaphore_mem>> -> memref<!tpu.dma_semaphore, #tpu.memory_space<semaphore_mem>>
    tpu.wait_indirect_dma semaphore(%dma_wait3A_163 : memref<!tpu.dma_semaphore, #tpu.memory_space<semaphore_mem>>) src(%dma_wait3A_155 : memref<80x64xf32, #tpu.memory_space<vmem>>) dst(%dma_wait3A_161 : memref<10000x64xf32, #tpu.memory_space<vmem_shared>>)
    %dma_wait3A_164 = arith.constant 8 : i32
    %dma_wait3A_165 = arith.constant 0 : i32
    %dma_wait3A_166 = arith.constant 8 : i32
    %dma_wait3A_167 = arith.constant 0 : i32
    %dma_wait3A_168 = arith.constant 0 : i32
    %dma_wait3A_169 = tpu.memref_slice %arg11[%dma_wait3A_164, %dma_wait3A_167, %dma_wait3A_168] : memref<12x80x64xf32, #tpu.memory_space<vmem>> -> memref<1x80x64xf32, #tpu.memory_space<vmem>>
    %dma_wait3A_170 = tpu.memref_squeeze %dma_wait3A_169 : memref<1x80x64xf32, #tpu.memory_space<vmem>> -> memref<80x64xf32, #tpu.memory_space<vmem>>
    %dma_wait3A_171 = arith.constant 0 : i32
    %dma_wait3A_172 = tpu.memref_slice %arg10[%dma_wait3A_165, %dma_wait3A_171] : memref<125x80xi32, #tpu.memory_space<vmem>> -> memref<1x80xi32, #tpu.memory_space<vmem>>
    %dma_wait3A_173 = tpu.memref_squeeze %dma_wait3A_172 : memref<1x80xi32, #tpu.memory_space<vmem>> -> memref<80xi32, #tpu.memory_space<vmem>>
    %dma_wait3A_174 = arith.constant 0 : i32
    %dma_wait3A_175 = arith.constant 0 : i32
    %dma_wait3A_176 = tpu.memref_slice %arg13[%dma_wait3A_174, %dma_wait3A_175] : memref<10000x64xf32, #tpu.memory_space<vmem_shared>> -> memref<10000x64xf32, #tpu.memory_space<vmem_shared>>
    %dma_wait3A_177 = tpu.memref_slice %arg15[%dma_wait3A_166] : memref<12x!tpu.dma_semaphore, #tpu.memory_space<semaphore_mem>> -> memref<1x!tpu.dma_semaphore, #tpu.memory_space<semaphore_mem>>
    %dma_wait3A_178 = tpu.memref_squeeze %dma_wait3A_177 : memref<1x!tpu.dma_semaphore, #tpu.memory_space<semaphore_mem>> -> memref<!tpu.dma_semaphore, #tpu.memory_space<semaphore_mem>>
    tpu.wait_indirect_dma semaphore(%dma_wait3A_178 : memref<!tpu.dma_semaphore, #tpu.memory_space<semaphore_mem>>) src(%dma_wait3A_170 : memref<80x64xf32, #tpu.memory_space<vmem>>) dst(%dma_wait3A_176 : memref<10000x64xf32, #tpu.memory_space<vmem_shared>>)
    %dma_wait3A_179 = arith.constant 9 : i32
    %dma_wait3A_180 = arith.constant 0 : i32
    %dma_wait3A_181 = arith.constant 9 : i32
    %dma_wait3A_182 = arith.constant 0 : i32
    %dma_wait3A_183 = arith.constant 0 : i32
    %dma_wait3A_184 = tpu.memref_slice %arg11[%dma_wait3A_179, %dma_wait3A_182, %dma_wait3A_183] : memref<12x80x64xf32, #tpu.memory_space<vmem>> -> memref<1x80x64xf32, #tpu.memory_space<vmem>>
    %dma_wait3A_185 = tpu.memref_squeeze %dma_wait3A_184 : memref<1x80x64xf32, #tpu.memory_space<vmem>> -> memref<80x64xf32, #tpu.memory_space<vmem>>
    %dma_wait3A_186 = arith.constant 0 : i32
    %dma_wait3A_187 = tpu.memref_slice %arg10[%dma_wait3A_180, %dma_wait3A_186] : memref<125x80xi32, #tpu.memory_space<vmem>> -> memref<1x80xi32, #tpu.memory_space<vmem>>
    %dma_wait3A_188 = tpu.memref_squeeze %dma_wait3A_187 : memref<1x80xi32, #tpu.memory_space<vmem>> -> memref<80xi32, #tpu.memory_space<vmem>>
    %dma_wait3A_189 = arith.constant 0 : i32
    %dma_wait3A_190 = arith.constant 0 : i32
    %dma_wait3A_191 = tpu.memref_slice %arg13[%dma_wait3A_189, %dma_wait3A_190] : memref<10000x64xf32, #tpu.memory_space<vmem_shared>> -> memref<10000x64xf32, #tpu.memory_space<vmem_shared>>
    %dma_wait3A_192 = tpu.memref_slice %arg15[%dma_wait3A_181] : memref<12x!tpu.dma_semaphore, #tpu.memory_space<semaphore_mem>> -> memref<1x!tpu.dma_semaphore, #tpu.memory_space<semaphore_mem>>
    %dma_wait3A_193 = tpu.memref_squeeze %dma_wait3A_192 : memref<1x!tpu.dma_semaphore, #tpu.memory_space<semaphore_mem>> -> memref<!tpu.dma_semaphore, #tpu.memory_space<semaphore_mem>>
    tpu.wait_indirect_dma semaphore(%dma_wait3A_193 : memref<!tpu.dma_semaphore, #tpu.memory_space<semaphore_mem>>) src(%dma_wait3A_185 : memref<80x64xf32, #tpu.memory_space<vmem>>) dst(%dma_wait3A_191 : memref<10000x64xf32, #tpu.memory_space<vmem_shared>>)
    %dma_wait3A_194 = arith.constant 10 : i32
    %dma_wait3A_195 = arith.constant 0 : i32
    %dma_wait3A_196 = arith.constant 10 : i32
    %dma_wait3A_197 = arith.constant 0 : i32
    %dma_wait3A_198 = arith.constant 0 : i32
    %dma_wait3A_199 = tpu.memref_slice %arg11[%dma_wait3A_194, %dma_wait3A_197, %dma_wait3A_198] : memref<12x80x64xf32, #tpu.memory_space<vmem>> -> memref<1x80x64xf32, #tpu.memory_space<vmem>>
    %dma_wait3A_200 = tpu.memref_squeeze %dma_wait3A_199 : memref<1x80x64xf32, #tpu.memory_space<vmem>> -> memref<80x64xf32, #tpu.memory_space<vmem>>
    %dma_wait3A_201 = arith.constant 0 : i32
    %dma_wait3A_202 = tpu.memref_slice %arg10[%dma_wait3A_195, %dma_wait3A_201] : memref<125x80xi32, #tpu.memory_space<vmem>> -> memref<1x80xi32, #tpu.memory_space<vmem>>
    %dma_wait3A_203 = tpu.memref_squeeze %dma_wait3A_202 : memref<1x80xi32, #tpu.memory_space<vmem>> -> memref<80xi32, #tpu.memory_space<vmem>>
    %dma_wait3A_204 = arith.constant 0 : i32
    %dma_wait3A_205 = arith.constant 0 : i32
    %dma_wait3A_206 = tpu.memref_slice %arg13[%dma_wait3A_204, %dma_wait3A_205] : memref<10000x64xf32, #tpu.memory_space<vmem_shared>> -> memref<10000x64xf32, #tpu.memory_space<vmem_shared>>
    %dma_wait3A_207 = tpu.memref_slice %arg15[%dma_wait3A_196] : memref<12x!tpu.dma_semaphore, #tpu.memory_space<semaphore_mem>> -> memref<1x!tpu.dma_semaphore, #tpu.memory_space<semaphore_mem>>
    %dma_wait3A_208 = tpu.memref_squeeze %dma_wait3A_207 : memref<1x!tpu.dma_semaphore, #tpu.memory_space<semaphore_mem>> -> memref<!tpu.dma_semaphore, #tpu.memory_space<semaphore_mem>>
    tpu.wait_indirect_dma semaphore(%dma_wait3A_208 : memref<!tpu.dma_semaphore, #tpu.memory_space<semaphore_mem>>) src(%dma_wait3A_200 : memref<80x64xf32, #tpu.memory_space<vmem>>) dst(%dma_wait3A_206 : memref<10000x64xf32, #tpu.memory_space<vmem_shared>>)
    %dma_wait3A_209 = arith.constant 11 : i32
    %dma_wait3A_210 = arith.constant 0 : i32
    %dma_wait3A_211 = arith.constant 11 : i32
    %dma_wait3A_212 = arith.constant 0 : i32
    %dma_wait3A_213 = arith.constant 0 : i32
    %dma_wait3A_214 = tpu.memref_slice %arg11[%dma_wait3A_209, %dma_wait3A_212, %dma_wait3A_213] : memref<12x80x64xf32, #tpu.memory_space<vmem>> -> memref<1x80x64xf32, #tpu.memory_space<vmem>>
    %dma_wait3A_215 = tpu.memref_squeeze %dma_wait3A_214 : memref<1x80x64xf32, #tpu.memory_space<vmem>> -> memref<80x64xf32, #tpu.memory_space<vmem>>
    %dma_wait3A_216 = arith.constant 0 : i32
    %dma_wait3A_217 = tpu.memref_slice %arg10[%dma_wait3A_210, %dma_wait3A_216] : memref<125x80xi32, #tpu.memory_space<vmem>> -> memref<1x80xi32, #tpu.memory_space<vmem>>
    %dma_wait3A_218 = tpu.memref_squeeze %dma_wait3A_217 : memref<1x80xi32, #tpu.memory_space<vmem>> -> memref<80xi32, #tpu.memory_space<vmem>>
    %dma_wait3A_219 = arith.constant 0 : i32
    %dma_wait3A_220 = arith.constant 0 : i32
    %dma_wait3A_221 = tpu.memref_slice %arg13[%dma_wait3A_219, %dma_wait3A_220] : memref<10000x64xf32, #tpu.memory_space<vmem_shared>> -> memref<10000x64xf32, #tpu.memory_space<vmem_shared>>
    %dma_wait3A_222 = tpu.memref_slice %arg15[%dma_wait3A_211] : memref<12x!tpu.dma_semaphore, #tpu.memory_space<semaphore_mem>> -> memref<1x!tpu.dma_semaphore, #tpu.memory_space<semaphore_mem>>
    %dma_wait3A_223 = tpu.memref_squeeze %dma_wait3A_222 : memref<1x!tpu.dma_semaphore, #tpu.memory_space<semaphore_mem>> -> memref<!tpu.dma_semaphore, #tpu.memory_space<semaphore_mem>>
    tpu.wait_indirect_dma semaphore(%dma_wait3A_223 : memref<!tpu.dma_semaphore, #tpu.memory_space<semaphore_mem>>) src(%dma_wait3A_215 : memref<80x64xf32, #tpu.memory_space<vmem>>) dst(%dma_wait3A_221 : memref<10000x64xf32, #tpu.memory_space<vmem_shared>>)
    %dma_wait3A_224 = arith.constant 0 : i32
    %dma_wait3A_225 = arith.constant 0 : i32
    %dma_wait3A_226 = arith.constant 0 : i32
    %dma_wait3A_227 = arith.constant 0 : i32
    %dma_wait3A_228 = arith.constant 0 : i32
    %dma_wait3A_229 = tpu.memref_slice %arg11[%dma_wait3A_224, %dma_wait3A_227, %dma_wait3A_228] : memref<12x80x64xf32, #tpu.memory_space<vmem>> -> memref<1x80x64xf32, #tpu.memory_space<vmem>>
    %dma_wait3A_230 = tpu.memref_squeeze %dma_wait3A_229 : memref<1x80x64xf32, #tpu.memory_space<vmem>> -> memref<80x64xf32, #tpu.memory_space<vmem>>
    %dma_wait3A_231 = arith.constant 0 : i32
    %dma_wait3A_232 = tpu.memref_slice %arg10[%dma_wait3A_225, %dma_wait3A_231] : memref<125x80xi32, #tpu.memory_space<vmem>> -> memref<1x80xi32, #tpu.memory_space<vmem>>
    %dma_wait3A_233 = tpu.memref_squeeze %dma_wait3A_232 : memref<1x80xi32, #tpu.memory_space<vmem>> -> memref<80xi32, #tpu.memory_space<vmem>>
    %dma_wait3A_234 = arith.constant 0 : i32
    %dma_wait3A_235 = arith.constant 0 : i32
    %dma_wait3A_236 = tpu.memref_slice %arg13[%dma_wait3A_234, %dma_wait3A_235] : memref<10000x64xf32, #tpu.memory_space<vmem_shared>> -> memref<10000x64xf32, #tpu.memory_space<vmem_shared>>
    %dma_wait3A_237 = tpu.memref_slice %arg15[%dma_wait3A_226] : memref<12x!tpu.dma_semaphore, #tpu.memory_space<semaphore_mem>> -> memref<1x!tpu.dma_semaphore, #tpu.memory_space<semaphore_mem>>
    %dma_wait3A_238 = tpu.memref_squeeze %dma_wait3A_237 : memref<1x!tpu.dma_semaphore, #tpu.memory_space<semaphore_mem>> -> memref<!tpu.dma_semaphore, #tpu.memory_space<semaphore_mem>>
    tpu.wait_indirect_dma semaphore(%dma_wait3A_238 : memref<!tpu.dma_semaphore, #tpu.memory_space<semaphore_mem>>) src(%dma_wait3A_230 : memref<80x64xf32, #tpu.memory_space<vmem>>) dst(%dma_wait3A_236 : memref<10000x64xf32, #tpu.memory_space<vmem_shared>>)
    %dma_wait3A_239 = arith.constant 1 : i32
    %dma_wait3A_240 = arith.constant 0 : i32
    %dma_wait3A_241 = arith.constant 1 : i32
    %dma_wait3A_242 = arith.constant 0 : i32
    %dma_wait3A_243 = arith.constant 0 : i32
    %dma_wait3A_244 = tpu.memref_slice %arg11[%dma_wait3A_239, %dma_wait3A_242, %dma_wait3A_243] : memref<12x80x64xf32, #tpu.memory_space<vmem>> -> memref<1x80x64xf32, #tpu.memory_space<vmem>>
    %dma_wait3A_245 = tpu.memref_squeeze %dma_wait3A_244 : memref<1x80x64xf32, #tpu.memory_space<vmem>> -> memref<80x64xf32, #tpu.memory_space<vmem>>
    %dma_wait3A_246 = arith.constant 0 : i32
    %dma_wait3A_247 = tpu.memref_slice %arg10[%dma_wait3A_240, %dma_wait3A_246] : memref<125x80xi32, #tpu.memory_space<vmem>> -> memref<1x80xi32, #tpu.memory_space<vmem>>
    %dma_wait3A_248 = tpu.memref_squeeze %dma_wait3A_247 : memref<1x80xi32, #tpu.memory_space<vmem>> -> memref<80xi32, #tpu.memory_space<vmem>>
    %dma_wait3A_249 = arith.constant 0 : i32
    %dma_wait3A_250 = arith.constant 0 : i32
    %dma_wait3A_251 = tpu.memref_slice %arg13[%dma_wait3A_249, %dma_wait3A_250] : memref<10000x64xf32, #tpu.memory_space<vmem_shared>> -> memref<10000x64xf32, #tpu.memory_space<vmem_shared>>
    %dma_wait3A_252 = tpu.memref_slice %arg15[%dma_wait3A_241] : memref<12x!tpu.dma_semaphore, #tpu.memory_space<semaphore_mem>> -> memref<1x!tpu.dma_semaphore, #tpu.memory_space<semaphore_mem>>
    %dma_wait3A_253 = tpu.memref_squeeze %dma_wait3A_252 : memref<1x!tpu.dma_semaphore, #tpu.memory_space<semaphore_mem>> -> memref<!tpu.dma_semaphore, #tpu.memory_space<semaphore_mem>>
    tpu.wait_indirect_dma semaphore(%dma_wait3A_253 : memref<!tpu.dma_semaphore, #tpu.memory_space<semaphore_mem>>) src(%dma_wait3A_245 : memref<80x64xf32, #tpu.memory_space<vmem>>) dst(%dma_wait3A_251 : memref<10000x64xf32, #tpu.memory_space<vmem_shared>>)
    %dma_wait3A_254 = arith.constant 2 : i32
    %dma_wait3A_255 = arith.constant 0 : i32
    %dma_wait3A_256 = arith.constant 2 : i32
    %dma_wait3A_257 = arith.constant 0 : i32
    %dma_wait3A_258 = arith.constant 0 : i32
    %dma_wait3A_259 = tpu.memref_slice %arg11[%dma_wait3A_254, %dma_wait3A_257, %dma_wait3A_258] : memref<12x80x64xf32, #tpu.memory_space<vmem>> -> memref<1x80x64xf32, #tpu.memory_space<vmem>>
    %dma_wait3A_260 = tpu.memref_squeeze %dma_wait3A_259 : memref<1x80x64xf32, #tpu.memory_space<vmem>> -> memref<80x64xf32, #tpu.memory_space<vmem>>
    %dma_wait3A_261 = arith.constant 0 : i32
    %dma_wait3A_262 = tpu.memref_slice %arg10[%dma_wait3A_255, %dma_wait3A_261] : memref<125x80xi32, #tpu.memory_space<vmem>> -> memref<1x80xi32, #tpu.memory_space<vmem>>
    %dma_wait3A_263 = tpu.memref_squeeze %dma_wait3A_262 : memref<1x80xi32, #tpu.memory_space<vmem>> -> memref<80xi32, #tpu.memory_space<vmem>>
    %dma_wait3A_264 = arith.constant 0 : i32
    %dma_wait3A_265 = arith.constant 0 : i32
    %dma_wait3A_266 = tpu.memref_slice %arg13[%dma_wait3A_264, %dma_wait3A_265] : memref<10000x64xf32, #tpu.memory_space<vmem_shared>> -> memref<10000x64xf32, #tpu.memory_space<vmem_shared>>
    %dma_wait3A_267 = tpu.memref_slice %arg15[%dma_wait3A_256] : memref<12x!tpu.dma_semaphore, #tpu.memory_space<semaphore_mem>> -> memref<1x!tpu.dma_semaphore, #tpu.memory_space<semaphore_mem>>
    %dma_wait3A_268 = tpu.memref_squeeze %dma_wait3A_267 : memref<1x!tpu.dma_semaphore, #tpu.memory_space<semaphore_mem>> -> memref<!tpu.dma_semaphore, #tpu.memory_space<semaphore_mem>>
    tpu.wait_indirect_dma semaphore(%dma_wait3A_268 : memref<!tpu.dma_semaphore, #tpu.memory_space<semaphore_mem>>) src(%dma_wait3A_260 : memref<80x64xf32, #tpu.memory_space<vmem>>) dst(%dma_wait3A_266 : memref<10000x64xf32, #tpu.memory_space<vmem_shared>>)
    %dma_wait3A_269 = arith.constant 3 : i32
    %dma_wait3A_270 = arith.constant 0 : i32
    %dma_wait3A_271 = arith.constant 3 : i32
    %dma_wait3A_272 = arith.constant 0 : i32
    %dma_wait3A_273 = arith.constant 0 : i32
    %dma_wait3A_274 = tpu.memref_slice %arg11[%dma_wait3A_269, %dma_wait3A_272, %dma_wait3A_273] : memref<12x80x64xf32, #tpu.memory_space<vmem>> -> memref<1x80x64xf32, #tpu.memory_space<vmem>>
    %dma_wait3A_275 = tpu.memref_squeeze %dma_wait3A_274 : memref<1x80x64xf32, #tpu.memory_space<vmem>> -> memref<80x64xf32, #tpu.memory_space<vmem>>
    %dma_wait3A_276 = arith.constant 0 : i32
    %dma_wait3A_277 = tpu.memref_slice %arg10[%dma_wait3A_270, %dma_wait3A_276] : memref<125x80xi32, #tpu.memory_space<vmem>> -> memref<1x80xi32, #tpu.memory_space<vmem>>
    %dma_wait3A_278 = tpu.memref_squeeze %dma_wait3A_277 : memref<1x80xi32, #tpu.memory_space<vmem>> -> memref<80xi32, #tpu.memory_space<vmem>>
    %dma_wait3A_279 = arith.constant 0 : i32
    %dma_wait3A_280 = arith.constant 0 : i32
    %dma_wait3A_281 = tpu.memref_slice %arg13[%dma_wait3A_279, %dma_wait3A_280] : memref<10000x64xf32, #tpu.memory_space<vmem_shared>> -> memref<10000x64xf32, #tpu.memory_space<vmem_shared>>
    %dma_wait3A_282 = tpu.memref_slice %arg15[%dma_wait3A_271] : memref<12x!tpu.dma_semaphore, #tpu.memory_space<semaphore_mem>> -> memref<1x!tpu.dma_semaphore, #tpu.memory_space<semaphore_mem>>
    %dma_wait3A_283 = tpu.memref_squeeze %dma_wait3A_282 : memref<1x!tpu.dma_semaphore, #tpu.memory_space<semaphore_mem>> -> memref<!tpu.dma_semaphore, #tpu.memory_space<semaphore_mem>>
    tpu.wait_indirect_dma semaphore(%dma_wait3A_283 : memref<!tpu.dma_semaphore, #tpu.memory_space<semaphore_mem>>) src(%dma_wait3A_275 : memref<80x64xf32, #tpu.memory_space<vmem>>) dst(%dma_wait3A_281 : memref<10000x64xf32, #tpu.memory_space<vmem_shared>>)
    %dma_wait3A_284 = arith.constant 4 : i32
    %dma_wait3A_285 = arith.constant 0 : i32
    %dma_wait3A_286 = arith.constant 4 : i32
    %dma_wait3A_287 = arith.constant 0 : i32
    %dma_wait3A_288 = arith.constant 0 : i32
    %dma_wait3A_289 = tpu.memref_slice %arg11[%dma_wait3A_284, %dma_wait3A_287, %dma_wait3A_288] : memref<12x80x64xf32, #tpu.memory_space<vmem>> -> memref<1x80x64xf32, #tpu.memory_space<vmem>>
    %dma_wait3A_290 = tpu.memref_squeeze %dma_wait3A_289 : memref<1x80x64xf32, #tpu.memory_space<vmem>> -> memref<80x64xf32, #tpu.memory_space<vmem>>
    %dma_wait3A_291 = arith.constant 0 : i32
    %dma_wait3A_292 = tpu.memref_slice %arg10[%dma_wait3A_285, %dma_wait3A_291] : memref<125x80xi32, #tpu.memory_space<vmem>> -> memref<1x80xi32, #tpu.memory_space<vmem>>
    %dma_wait3A_293 = tpu.memref_squeeze %dma_wait3A_292 : memref<1x80xi32, #tpu.memory_space<vmem>> -> memref<80xi32, #tpu.memory_space<vmem>>
    %dma_wait3A_294 = arith.constant 0 : i32
    %dma_wait3A_295 = arith.constant 0 : i32
    %dma_wait3A_296 = tpu.memref_slice %arg13[%dma_wait3A_294, %dma_wait3A_295] : memref<10000x64xf32, #tpu.memory_space<vmem_shared>> -> memref<10000x64xf32, #tpu.memory_space<vmem_shared>>
    %dma_wait3A_297 = tpu.memref_slice %arg15[%dma_wait3A_286] : memref<12x!tpu.dma_semaphore, #tpu.memory_space<semaphore_mem>> -> memref<1x!tpu.dma_semaphore, #tpu.memory_space<semaphore_mem>>
    %dma_wait3A_298 = tpu.memref_squeeze %dma_wait3A_297 : memref<1x!tpu.dma_semaphore, #tpu.memory_space<semaphore_mem>> -> memref<!tpu.dma_semaphore, #tpu.memory_space<semaphore_mem>>
    tpu.wait_indirect_dma semaphore(%dma_wait3A_298 : memref<!tpu.dma_semaphore, #tpu.memory_space<semaphore_mem>>) src(%dma_wait3A_290 : memref<80x64xf32, #tpu.memory_space<vmem>>) dst(%dma_wait3A_296 : memref<10000x64xf32, #tpu.memory_space<vmem_shared>>)
    %dma_start3A_299 = arith.constant 0 : i32
    %dma_start3A_300 = arith.constant 0 : i32
    %dma_start3A_301 = arith.constant 0 : i32
    %dma_start3A_302 = arith.constant 0 : i32
    %dma_start3A_303 = arith.constant 0 : i32
    %dma_start3A_304 = tpu.memref_slice %arg11[%dma_start3A_300, %dma_start3A_302, %dma_start3A_303] : memref<12x80x64xf32, #tpu.memory_space<vmem>> -> memref<1x80x64xf32, #tpu.memory_space<vmem>>
    %dma_start3A_305 = tpu.memref_squeeze %dma_start3A_304 : memref<1x80x64xf32, #tpu.memory_space<vmem>> -> memref<80x64xf32, #tpu.memory_space<vmem>>
    %dma_start3A_306 = arith.constant 0 : i32
    %dma_start3A_307 = tpu.memref_slice %arg9[%dma_start3A_299, %dma_start3A_306] : memref<125x80xi32, #tpu.memory_space<vmem>> -> memref<1x80xi32, #tpu.memory_space<vmem>>
    %dma_start3A_308 = tpu.memref_squeeze %dma_start3A_307 : memref<1x80xi32, #tpu.memory_space<vmem>> -> memref<80xi32, #tpu.memory_space<vmem>>
    %dma_start3A_309 = arith.constant 0 : i32
    %dma_start3A_310 = arith.constant 0 : i32
    %dma_start3A_311 = tpu.memref_slice %arg3[%dma_start3A_309, %dma_start3A_310] : memref<10000x64xf32, #tpu.memory_space<hbm>> -> memref<10000x64xf32, #tpu.memory_space<hbm>>
    %dma_start3A_312 = tpu.memref_slice %arg14[%dma_start3A_301] : memref<12x!tpu.dma_semaphore, #tpu.memory_space<semaphore_mem>> -> memref<1x!tpu.dma_semaphore, #tpu.memory_space<semaphore_mem>>
    %dma_start3A_313 = tpu.memref_squeeze %dma_start3A_312 : memref<1x!tpu.dma_semaphore, #tpu.memory_space<semaphore_mem>> -> memref<!tpu.dma_semaphore, #tpu.memory_space<semaphore_mem>>
    tpu.enqueue_indirect_dma source(%dma_start3A_311 : memref<10000x64xf32, #tpu.memory_space<hbm>>) target(%dma_start3A_305 : memref<80x64xf32, #tpu.memory_space<vmem>>) offsets(%dma_start3A_308 : memref<80xi32, #tpu.memory_space<vmem>>) semaphore(%dma_start3A_313 : memref<!tpu.dma_semaphore, #tpu.memory_space<semaphore_mem>>)
    %dma_start3A_314 = arith.constant 1 : i32
    %dma_start3A_315 = arith.constant 1 : i32
    %dma_start3A_316 = arith.constant 1 : i32
    %dma_start3A_317 = arith.constant 0 : i32
    %dma_start3A_318 = arith.constant 0 : i32
    %dma_start3A_319 = tpu.memref_slice %arg11[%dma_start3A_315, %dma_start3A_317, %dma_start3A_318] : memref<12x80x64xf32, #tpu.memory_space<vmem>> -> memref<1x80x64xf32, #tpu.memory_space<vmem>>
    %dma_start3A_320 = tpu.memref_squeeze %dma_start3A_319 : memref<1x80x64xf32, #tpu.memory_space<vmem>> -> memref<80x64xf32, #tpu.memory_space<vmem>>
    %dma_start3A_321 = arith.constant 0 : i32
    %dma_start3A_322 = tpu.memref_slice %arg9[%dma_start3A_314, %dma_start3A_321] : memref<125x80xi32, #tpu.memory_space<vmem>> -> memref<1x80xi32, #tpu.memory_space<vmem>>
    %dma_start3A_323 = tpu.memref_squeeze %dma_start3A_322 : memref<1x80xi32, #tpu.memory_space<vmem>> -> memref<80xi32, #tpu.memory_space<vmem>>
    %dma_start3A_324 = arith.constant 0 : i32
    %dma_start3A_325 = arith.constant 0 : i32
    %dma_start3A_326 = tpu.memref_slice %arg3[%dma_start3A_324, %dma_start3A_325] : memref<10000x64xf32, #tpu.memory_space<hbm>> -> memref<10000x64xf32, #tpu.memory_space<hbm>>
    %dma_start3A_327 = tpu.memref_slice %arg14[%dma_start3A_316] : memref<12x!tpu.dma_semaphore, #tpu.memory_space<semaphore_mem>> -> memref<1x!tpu.dma_semaphore, #tpu.memory_space<semaphore_mem>>
    %dma_start3A_328 = tpu.memref_squeeze %dma_start3A_327 : memref<1x!tpu.dma_semaphore, #tpu.memory_space<semaphore_mem>> -> memref<!tpu.dma_semaphore, #tpu.memory_space<semaphore_mem>>
    tpu.enqueue_indirect_dma source(%dma_start3A_326 : memref<10000x64xf32, #tpu.memory_space<hbm>>) target(%dma_start3A_320 : memref<80x64xf32, #tpu.memory_space<vmem>>) offsets(%dma_start3A_323 : memref<80xi32, #tpu.memory_space<vmem>>) semaphore(%dma_start3A_328 : memref<!tpu.dma_semaphore, #tpu.memory_space<semaphore_mem>>)
    %dma_start3A_329 = arith.constant 2 : i32
    %dma_start3A_330 = arith.constant 2 : i32
    %dma_start3A_331 = arith.constant 2 : i32
    %dma_start3A_332 = arith.constant 0 : i32
    %dma_start3A_333 = arith.constant 0 : i32
    %dma_start3A_334 = tpu.memref_slice %arg11[%dma_start3A_330, %dma_start3A_332, %dma_start3A_333] : memref<12x80x64xf32, #tpu.memory_space<vmem>> -> memref<1x80x64xf32, #tpu.memory_space<vmem>>
    %dma_start3A_335 = tpu.memref_squeeze %dma_start3A_334 : memref<1x80x64xf32, #tpu.memory_space<vmem>> -> memref<80x64xf32, #tpu.memory_space<vmem>>
    %dma_start3A_336 = arith.constant 0 : i32
    %dma_start3A_337 = tpu.memref_slice %arg9[%dma_start3A_329, %dma_start3A_336] : memref<125x80xi32, #tpu.memory_space<vmem>> -> memref<1x80xi32, #tpu.memory_space<vmem>>
    %dma_start3A_338 = tpu.memref_squeeze %dma_start3A_337 : memref<1x80xi32, #tpu.memory_space<vmem>> -> memref<80xi32, #tpu.memory_space<vmem>>
    %dma_start3A_339 = arith.constant 0 : i32
    %dma_start3A_340 = arith.constant 0 : i32
    %dma_start3A_341 = tpu.memref_slice %arg3[%dma_start3A_339, %dma_start3A_340] : memref<10000x64xf32, #tpu.memory_space<hbm>> -> memref<10000x64xf32, #tpu.memory_space<hbm>>
    %dma_start3A_342 = tpu.memref_slice %arg14[%dma_start3A_331] : memref<12x!tpu.dma_semaphore, #tpu.memory_space<semaphore_mem>> -> memref<1x!tpu.dma_semaphore, #tpu.memory_space<semaphore_mem>>
    %dma_start3A_343 = tpu.memref_squeeze %dma_start3A_342 : memref<1x!tpu.dma_semaphore, #tpu.memory_space<semaphore_mem>> -> memref<!tpu.dma_semaphore, #tpu.memory_space<semaphore_mem>>
    tpu.enqueue_indirect_dma source(%dma_start3A_341 : memref<10000x64xf32, #tpu.memory_space<hbm>>) target(%dma_start3A_335 : memref<80x64xf32, #tpu.memory_space<vmem>>) offsets(%dma_start3A_338 : memref<80xi32, #tpu.memory_space<vmem>>) semaphore(%dma_start3A_343 : memref<!tpu.dma_semaphore, #tpu.memory_space<semaphore_mem>>)
    %dma_start3A_344 = arith.constant 3 : i32
    %dma_start3A_345 = arith.constant 3 : i32
    %dma_start3A_346 = arith.constant 3 : i32
    %dma_start3A_347 = arith.constant 0 : i32
    %dma_start3A_348 = arith.constant 0 : i32
    %dma_start3A_349 = tpu.memref_slice %arg11[%dma_start3A_345, %dma_start3A_347, %dma_start3A_348] : memref<12x80x64xf32, #tpu.memory_space<vmem>> -> memref<1x80x64xf32, #tpu.memory_space<vmem>>
    %dma_start3A_350 = tpu.memref_squeeze %dma_start3A_349 : memref<1x80x64xf32, #tpu.memory_space<vmem>> -> memref<80x64xf32, #tpu.memory_space<vmem>>
    %dma_start3A_351 = arith.constant 0 : i32
    %dma_start3A_352 = tpu.memref_slice %arg9[%dma_start3A_344, %dma_start3A_351] : memref<125x80xi32, #tpu.memory_space<vmem>> -> memref<1x80xi32, #tpu.memory_space<vmem>>
    %dma_start3A_353 = tpu.memref_squeeze %dma_start3A_352 : memref<1x80xi32, #tpu.memory_space<vmem>> -> memref<80xi32, #tpu.memory_space<vmem>>
    %dma_start3A_354 = arith.constant 0 : i32
    %dma_start3A_355 = arith.constant 0 : i32
    %dma_start3A_356 = tpu.memref_slice %arg3[%dma_start3A_354, %dma_start3A_355] : memref<10000x64xf32, #tpu.memory_space<hbm>> -> memref<10000x64xf32, #tpu.memory_space<hbm>>
    %dma_start3A_357 = tpu.memref_slice %arg14[%dma_start3A_346] : memref<12x!tpu.dma_semaphore, #tpu.memory_space<semaphore_mem>> -> memref<1x!tpu.dma_semaphore, #tpu.memory_space<semaphore_mem>>
    %dma_start3A_358 = tpu.memref_squeeze %dma_start3A_357 : memref<1x!tpu.dma_semaphore, #tpu.memory_space<semaphore_mem>> -> memref<!tpu.dma_semaphore, #tpu.memory_space<semaphore_mem>>
    tpu.enqueue_indirect_dma source(%dma_start3A_356 : memref<10000x64xf32, #tpu.memory_space<hbm>>) target(%dma_start3A_350 : memref<80x64xf32, #tpu.memory_space<vmem>>) offsets(%dma_start3A_353 : memref<80xi32, #tpu.memory_space<vmem>>) semaphore(%dma_start3A_358 : memref<!tpu.dma_semaphore, #tpu.memory_space<semaphore_mem>>)
    %dma_start3A_359 = arith.constant 4 : i32
    %dma_start3A_360 = arith.constant 4 : i32
    %dma_start3A_361 = arith.constant 4 : i32
    %dma_start3A_362 = arith.constant 0 : i32
    %dma_start3A_363 = arith.constant 0 : i32
    %dma_start3A_364 = tpu.memref_slice %arg11[%dma_start3A_360, %dma_start3A_362, %dma_start3A_363] : memref<12x80x64xf32, #tpu.memory_space<vmem>> -> memref<1x80x64xf32, #tpu.memory_space<vmem>>
    %dma_start3A_365 = tpu.memref_squeeze %dma_start3A_364 : memref<1x80x64xf32, #tpu.memory_space<vmem>> -> memref<80x64xf32, #tpu.memory_space<vmem>>
    %dma_start3A_366 = arith.constant 0 : i32
    %dma_start3A_367 = tpu.memref_slice %arg9[%dma_start3A_359, %dma_start3A_366] : memref<125x80xi32, #tpu.memory_space<vmem>> -> memref<1x80xi32, #tpu.memory_space<vmem>>
    %dma_start3A_368 = tpu.memref_squeeze %dma_start3A_367 : memref<1x80xi32, #tpu.memory_space<vmem>> -> memref<80xi32, #tpu.memory_space<vmem>>
    %dma_start3A_369 = arith.constant 0 : i32
    %dma_start3A_370 = arith.constant 0 : i32
    %dma_start3A_371 = tpu.memref_slice %arg3[%dma_start3A_369, %dma_start3A_370] : memref<10000x64xf32, #tpu.memory_space<hbm>> -> memref<10000x64xf32, #tpu.memory_space<hbm>>
    %dma_start3A_372 = tpu.memref_slice %arg14[%dma_start3A_361] : memref<12x!tpu.dma_semaphore, #tpu.memory_space<semaphore_mem>> -> memref<1x!tpu.dma_semaphore, #tpu.memory_space<semaphore_mem>>
    %dma_start3A_373 = tpu.memref_squeeze %dma_start3A_372 : memref<1x!tpu.dma_semaphore, #tpu.memory_space<semaphore_mem>> -> memref<!tpu.dma_semaphore, #tpu.memory_space<semaphore_mem>>
    tpu.enqueue_indirect_dma source(%dma_start3A_371 : memref<10000x64xf32, #tpu.memory_space<hbm>>) target(%dma_start3A_365 : memref<80x64xf32, #tpu.memory_space<vmem>>) offsets(%dma_start3A_368 : memref<80xi32, #tpu.memory_space<vmem>>) semaphore(%dma_start3A_373 : memref<!tpu.dma_semaphore, #tpu.memory_space<semaphore_mem>>)
    %dma_start3A_374 = arith.constant 5 : i32
    %dma_start3A_375 = arith.constant 5 : i32
    %dma_start3A_376 = arith.constant 5 : i32
    %dma_start3A_377 = arith.constant 0 : i32
    %dma_start3A_378 = arith.constant 0 : i32
    %dma_start3A_379 = tpu.memref_slice %arg11[%dma_start3A_375, %dma_start3A_377, %dma_start3A_378] : memref<12x80x64xf32, #tpu.memory_space<vmem>> -> memref<1x80x64xf32, #tpu.memory_space<vmem>>
    %dma_start3A_380 = tpu.memref_squeeze %dma_start3A_379 : memref<1x80x64xf32, #tpu.memory_space<vmem>> -> memref<80x64xf32, #tpu.memory_space<vmem>>
    %dma_start3A_381 = arith.constant 0 : i32
    %dma_start3A_382 = tpu.memref_slice %arg9[%dma_start3A_374, %dma_start3A_381] : memref<125x80xi32, #tpu.memory_space<vmem>> -> memref<1x80xi32, #tpu.memory_space<vmem>>
    %dma_start3A_383 = tpu.memref_squeeze %dma_start3A_382 : memref<1x80xi32, #tpu.memory_space<vmem>> -> memref<80xi32, #tpu.memory_space<vmem>>
    %dma_start3A_384 = arith.constant 0 : i32
    %dma_start3A_385 = arith.constant 0 : i32
    %dma_start3A_386 = tpu.memref_slice %arg3[%dma_start3A_384, %dma_start3A_385] : memref<10000x64xf32, #tpu.memory_space<hbm>> -> memref<10000x64xf32, #tpu.memory_space<hbm>>
    %dma_start3A_387 = tpu.memref_slice %arg14[%dma_start3A_376] : memref<12x!tpu.dma_semaphore, #tpu.memory_space<semaphore_mem>> -> memref<1x!tpu.dma_semaphore, #tpu.memory_space<semaphore_mem>>
    %dma_start3A_388 = tpu.memref_squeeze %dma_start3A_387 : memref<1x!tpu.dma_semaphore, #tpu.memory_space<semaphore_mem>> -> memref<!tpu.dma_semaphore, #tpu.memory_space<semaphore_mem>>
    tpu.enqueue_indirect_dma source(%dma_start3A_386 : memref<10000x64xf32, #tpu.memory_space<hbm>>) target(%dma_start3A_380 : memref<80x64xf32, #tpu.memory_space<vmem>>) offsets(%dma_start3A_383 : memref<80xi32, #tpu.memory_space<vmem>>) semaphore(%dma_start3A_388 : memref<!tpu.dma_semaphore, #tpu.memory_space<semaphore_mem>>)
    %barrier3A_389 = arith.constant 0 : index
    tpu.barrier barrier_id(%barrier3A_389)
    %scan3A_390 = arith.constant 0 : i32
    %scan3A_391 = arith.constant 0 : i32
    %scan3A_392 = arith.constant 8 : i32
    %scan3A_393 = arith.addi %scan3A_391, %scan3A_392 : i32
    %scan3A_394 = arith.constant 1 : i32
    %scan3A_395 = scf.for %scan3A_612 = %scan3A_391 to %scan3A_393 step %scan3A_394 iter_args(%scan3A_613 = %scan3A_390) -> (i32)  : i32 {
      %mul3A_614 = arith.constant 16 : i32
      %mul3A_615 = arith.muli %scan3A_612, %mul3A_614 : i32
      %add3A_616 = arith.addi %arg1, %mul3A_615 : i32
      %lt3A = arith.constant 125 : i32
      %lt3A_617 = arith.cmpi slt, %add3A_616, %lt3A : i32
      %convert_element_type3A_618 = arith.extui %lt3A_617 : i1 to i32
      %cond3A_619 = arith.constant 0 : i32
      %cond3A_620 = arith.cmpi ne, %convert_element_type3A_618, %cond3A_619 : i32
      scf.if %cond3A_620 {
        %mul3A_622 = arith.constant 80 : i32
        %mul3A_623 = arith.muli %add3A_616, %mul3A_622 : i32
        "tpu.region"() ({
          %run_scoped3A = tpu.sem_alloc : memref<!tpu.dma_semaphore, #tpu.memory_space<semaphore_mem>>
          %dma_start3A_624 = arith.constant 0 : i32
          %dma_start3A_625 = tpu.memref_slice %arg13[%mul3A_623, %dma_start3A_624] : memref<10000x64xf32, #tpu.memory_space<vmem_shared>> -> memref<80x64xf32, #tpu.memory_space<vmem_shared>>
          %dma_start3A_626 = arith.constant 0 : i32
          %dma_start3A_627 = tpu.memref_slice %arg13[%mul3A_623, %dma_start3A_626] : memref<10000x64xf32, #tpu.memory_space<vmem_shared>> -> memref<80x64xf32, #tpu.memory_space<vmem_shared>>
          tpu.enqueue_dma source(%dma_start3A_627 : memref<80x64xf32, #tpu.memory_space<vmem_shared>>) target(%arg12 : memref<80x64xf32, #tpu.memory_space<vmem>>) target_semaphore(%run_scoped3A : memref<!tpu.dma_semaphore, #tpu.memory_space<semaphore_mem>>)
          %dma_wait3A_628 = arith.constant 0 : i32
          %dma_wait3A_629 = tpu.memref_slice %arg13[%mul3A_623, %dma_wait3A_628] : memref<10000x64xf32, #tpu.memory_space<vmem_shared>> -> memref<80x64xf32, #tpu.memory_space<vmem_shared>>
          %dma_wait3A_630 = arith.constant 0 : i32
          %dma_wait3A_631 = tpu.memref_slice %arg13[%mul3A_623, %dma_wait3A_630] : memref<10000x64xf32, #tpu.memory_space<vmem_shared>> -> memref<80x64xf32, #tpu.memory_space<vmem_shared>>
          tpu.wait_dma2 semaphore(%run_scoped3A : memref<!tpu.dma_semaphore, #tpu.memory_space<semaphore_mem>>) src(%dma_wait3A_631 : memref<80x64xf32, #tpu.memory_space<vmem_shared>>) dst(%arg12 : memref<80x64xf32, #tpu.memory_space<vmem>>)
          tpu.yield
        }) : () -> ()
        "tpu.region"() ({
          %run_scoped3A = tpu.sem_alloc : memref<!tpu.dma_semaphore, #tpu.memory_space<semaphore_mem>>
          %dma_start3A_624 = arith.constant 0 : i32
          %dma_start3A_625 = tpu.memref_slice %arg6[%arg0, %mul3A_623, %dma_start3A_624] : memref<2x10000x64xf32, #tpu.memory_space<hbm>> -> memref<1x80x64xf32, #tpu.memory_space<hbm>>
          %dma_start3A_626 = tpu.memref_squeeze %dma_start3A_625 : memref<1x80x64xf32, #tpu.memory_space<hbm>> -> memref<80x64xf32, #tpu.memory_space<hbm>>
          %dma_start3A_627 = arith.constant 0 : i32
          %dma_start3A_628 = tpu.memref_slice %arg6[%arg0, %mul3A_623, %dma_start3A_627] : memref<2x10000x64xf32, #tpu.memory_space<hbm>> -> memref<1x80x64xf32, #tpu.memory_space<hbm>>
          %dma_start3A_629 = tpu.memref_squeeze %dma_start3A_628 : memref<1x80x64xf32, #tpu.memory_space<hbm>> -> memref<80x64xf32, #tpu.memory_space<hbm>>
          tpu.enqueue_dma source(%arg12 : memref<80x64xf32, #tpu.memory_space<vmem>>) target(%dma_start3A_629 : memref<80x64xf32, #tpu.memory_space<hbm>>) target_semaphore(%run_scoped3A : memref<!tpu.dma_semaphore, #tpu.memory_space<semaphore_mem>>)
          %dma_wait3A_630 = arith.constant 0 : i32
          %dma_wait3A_631 = tpu.memref_slice %arg6[%arg0, %mul3A_623, %dma_wait3A_630] : memref<2x10000x64xf32, #tpu.memory_space<hbm>> -> memref<1x80x64xf32, #tpu.memory_space<hbm>>
          %dma_wait3A_632 = tpu.memref_squeeze %dma_wait3A_631 : memref<1x80x64xf32, #tpu.memory_space<hbm>> -> memref<80x64xf32, #tpu.memory_space<hbm>>
          %dma_wait3A_633 = arith.constant 0 : i32
          %dma_wait3A_634 = tpu.memref_slice %arg6[%arg0, %mul3A_623, %dma_wait3A_633] : memref<2x10000x64xf32, #tpu.memory_space<hbm>> -> memref<1x80x64xf32, #tpu.memory_space<hbm>>
          %dma_wait3A_635 = tpu.memref_squeeze %dma_wait3A_634 : memref<1x80x64xf32, #tpu.memory_space<hbm>> -> memref<80x64xf32, #tpu.memory_space<hbm>>
          tpu.wait_dma2 semaphore(%run_scoped3A : memref<!tpu.dma_semaphore, #tpu.memory_space<semaphore_mem>>) src(%arg12 : memref<80x64xf32, #tpu.memory_space<vmem>>) dst(%dma_wait3A_635 : memref<80x64xf32, #tpu.memory_space<hbm>>)
          tpu.yield
        }) : () -> ()
      } else {
      }
      %scan3A_621 = arith.constant 0 : i32
      scf.yield %scan3A_621 : i32
    }
    %scan3A_396 = arith.constant 8 : i32
    %scan3A_397 = arith.constant 0 : i32
    %scan3A_398 = arith.constant 0 : i32
    %scan3A_399 = arith.constant 320 : i32
    %scan3A_400 = arith.addi %scan3A_398, %scan3A_399 : i32
    %scan3A_401 = arith.constant 1 : i32
    %scan3A_402 = scf.for %scan3A_612 = %scan3A_398 to %scan3A_400 step %scan3A_401 iter_args(%scan3A_613 = %scan3A_397) -> (i32)  : i32 {
      %jit3A = arith.constant 4 : i32
      %div3A = arith.divsi %scan3A_612, %jit3A : i32
      %sign3A = arith.constant 0 : i32
      %sign3A_614 = arith.cmpi sgt, %scan3A_612, %sign3A : i32
      %sign3A_615 = arith.extui %sign3A_614 : i1 to i32
      %sign3A_616 = arith.constant 0 : i32
      %sign3A_617 = arith.cmpi slt, %scan3A_612, %sign3A_616 : i32
      %sign3A_618 = arith.extui %sign3A_617 : i1 to i32
      %sign3A_619 = arith.subi %sign3A_615, %sign3A_618 : i32
      %sign3A_620 = arith.constant 0 : i32
      %sign3A_621 = arith.cmpi sgt, %jit3A, %sign3A_620 : i32
      %sign3A_622 = arith.extui %sign3A_621 : i1 to i32
      %sign3A_623 = arith.constant 0 : i32
      %sign3A_624 = arith.cmpi slt, %jit3A, %sign3A_623 : i32
      %sign3A_625 = arith.extui %sign3A_624 : i1 to i32
      %sign3A_626 = arith.subi %sign3A_622, %sign3A_625 : i32
      %ne3A = arith.cmpi ne, %sign3A_619, %sign3A_626 : i32
      %rem3A = arith.remsi %scan3A_612, %jit3A : i32
      %ne3A_627 = arith.constant 0 : i32
      %ne3A_628 = arith.cmpi ne, %rem3A, %ne3A_627 : i32
      %and3A = arith.andi %ne3A, %ne3A_628 : i1
      %sub3A = arith.constant 1 : i32
      %sub3A_629 = arith.subi %div3A, %sub3A : i32
      %select_n3A = arith.select %and3A, %sub3A_629, %div3A : i32
      %jit3A_630 = arith.constant 4 : i32
      %eq3A_631 = arith.constant 0 : i32
      %eq3A_632 = arith.cmpi eq, %jit3A_630, %eq3A_631 : i32
      %jit3A_633 = arith.constant 1 : i32
      %select_n3A_634 = arith.select %eq3A_632, %jit3A_633, %jit3A_630 : i32
      %rem3A_635 = arith.remsi %scan3A_612, %select_n3A_634 : i32
      %ne3A_636 = arith.constant 0 : i32
      %ne3A_637 = arith.cmpi ne, %rem3A_635, %ne3A_636 : i32
      %lt3A = arith.constant 0 : i32
      %lt3A_638 = arith.cmpi slt, %rem3A_635, %lt3A : i32
      %lt3A_639 = arith.constant 0 : i32
      %lt3A_640 = arith.cmpi slt, %select_n3A_634, %lt3A_639 : i32
      %ne3A_641 = arith.xori %lt3A_638, %lt3A_640 : i1
      %and3A_642 = arith.andi %ne3A_641, %ne3A_637 : i1
      %add3A_643 = arith.addi %rem3A_635, %select_n3A_634 : i32
      %select_n3A_644 = arith.select %and3A_642, %add3A_643, %rem3A_635 : i32
      %mul3A_645 = arith.constant 16 : i32
      %mul3A_646 = arith.muli %select_n3A_644, %mul3A_645 : i32
      %swap3A = arith.index_cast %select_n3A : i32 to index
      %swap3A_647 = arith.index_cast %mul3A_646 : i32 to index
      %swap3A_648 = tpu.vector_load %arg12[%swap3A, %swap3A_647] {strides = array<i32>} : memref<80x64xf32, #tpu.memory_space<vmem>>, vector<1x16xf32>,
      %swap3A_649 = vector.shape_cast %swap3A_648 : vector<1x16xf32> to vector<16xf32>
      %swap3A_650 = vector.shape_cast %broadcast_in_dim3A_1 : vector<16xf32> to vector<1x16xf32>
      tpu.vector_store %arg12[%swap3A, %swap3A_647], %swap3A_650 {strides = array<i32>} : memref<80x64xf32, #tpu.memory_space<vmem>>, vector<1x16xf32>,
      %scan3A_651 = arith.constant 0 : i32
      scf.yield %scan3A_651 : i32
    }
    %scan3A_403 = arith.constant 320 : i32
    %scan3A_404 = arith.constant 0 : i32
    %scan3A_405 = arith.constant 0 : i32
    %scan3A_406 = arith.constant 8 : i32
    %scan3A_407 = arith.addi %scan3A_405, %scan3A_406 : i32
    %scan3A_408 = arith.constant 1 : i32
    %scan3A_409 = scf.for %scan3A_612 = %scan3A_405 to %scan3A_407 step %scan3A_408 iter_args(%scan3A_613 = %scan3A_404) -> (i32)  : i32 {
      %mul3A_614 = arith.constant 16 : i32
      %mul3A_615 = arith.muli %scan3A_612, %mul3A_614 : i32
      %add3A_616 = arith.addi %arg1, %mul3A_615 : i32
      %lt3A = arith.constant 125 : i32
      %lt3A_617 = arith.cmpi slt, %add3A_616, %lt3A : i32
      %convert_element_type3A_618 = arith.extui %lt3A_617 : i1 to i32
      %cond3A_619 = arith.constant 0 : i32
      %cond3A_620 = arith.cmpi ne, %convert_element_type3A_618, %cond3A_619 : i32
      scf.if %cond3A_620 {
        %mul3A_622 = arith.constant 80 : i32
        %mul3A_623 = arith.muli %add3A_616, %mul3A_622 : i32
        "tpu.region"() ({
          %run_scoped3A = tpu.sem_alloc : memref<!tpu.dma_semaphore, #tpu.memory_space<semaphore_mem>>
          %dma_start3A_624 = arith.constant 0 : i32
          %dma_start3A_625 = tpu.memref_slice %arg13[%mul3A_623, %dma_start3A_624] : memref<10000x64xf32, #tpu.memory_space<vmem_shared>> -> memref<80x64xf32, #tpu.memory_space<vmem_shared>>
          %dma_start3A_626 = arith.constant 0 : i32
          %dma_start3A_627 = tpu.memref_slice %arg13[%mul3A_623, %dma_start3A_626] : memref<10000x64xf32, #tpu.memory_space<vmem_shared>> -> memref<80x64xf32, #tpu.memory_space<vmem_shared>>
          tpu.enqueue_dma source(%arg12 : memref<80x64xf32, #tpu.memory_space<vmem>>) target(%dma_start3A_627 : memref<80x64xf32, #tpu.memory_space<vmem_shared>>) target_semaphore(%run_scoped3A : memref<!tpu.dma_semaphore, #tpu.memory_space<semaphore_mem>>)
          %dma_wait3A_628 = arith.constant 0 : i32
          %dma_wait3A_629 = tpu.memref_slice %arg13[%mul3A_623, %dma_wait3A_628] : memref<10000x64xf32, #tpu.memory_space<vmem_shared>> -> memref<80x64xf32, #tpu.memory_space<vmem_shared>>
          %dma_wait3A_630 = arith.constant 0 : i32
          %dma_wait3A_631 = tpu.memref_slice %arg13[%mul3A_623, %dma_wait3A_630] : memref<10000x64xf32, #tpu.memory_space<vmem_shared>> -> memref<80x64xf32, #tpu.memory_space<vmem_shared>>
          tpu.wait_dma2 semaphore(%run_scoped3A : memref<!tpu.dma_semaphore, #tpu.memory_space<semaphore_mem>>) src(%arg12 : memref<80x64xf32, #tpu.memory_space<vmem>>) dst(%dma_wait3A_631 : memref<80x64xf32, #tpu.memory_space<vmem_shared>>)
          tpu.yield
        }) : () -> ()
      } else {
      }
      %scan3A_621 = arith.constant 0 : i32
      scf.yield %scan3A_621 : i32
    }
    %scan3A_410 = arith.constant 8 : i32
    %barrier3A_411 = arith.constant 0 : index
    tpu.barrier barrier_id(%barrier3A_411)
    %scan3A_412 = arith.constant 0 : i32
    %scan3A_413 = arith.constant 0 : i32
    %scan3A_414 = arith.constant 125 : i32
    %scan3A_415 = arith.addi %scan3A_413, %scan3A_414 : i32
    %scan3A_416 = arith.constant 1 : i32
    %scan3A_417 = scf.for %scan3A_612 = %scan3A_413 to %scan3A_415 step %scan3A_416 iter_args(%scan3A_613 = %scan3A_412) -> (i32)  : i32 {
      %jit3A = arith.constant 12 : i32
      %eq3A_614 = arith.constant 0 : i32
      %eq3A_615 = arith.cmpi eq, %jit3A, %eq3A_614 : i32
      %jit3A_616 = arith.constant 1 : i32
      %select_n3A = arith.select %eq3A_615, %jit3A_616, %jit3A : i32
      %rem3A = arith.remsi %scan3A_612, %select_n3A : i32
      %ne3A = arith.constant 0 : i32
      %ne3A_617 = arith.cmpi ne, %rem3A, %ne3A : i32
      %lt3A = arith.constant 0 : i32
      %lt3A_618 = arith.cmpi slt, %rem3A, %lt3A : i32
      %lt3A_619 = arith.constant 0 : i32
      %lt3A_620 = arith.cmpi slt, %select_n3A, %lt3A_619 : i32
      %ne3A_621 = arith.xori %lt3A_618, %lt3A_620 : i1
      %and3A = arith.andi %ne3A_621, %ne3A_617 : i1
      %add3A_622 = arith.addi %rem3A, %select_n3A : i32
      %select_n3A_623 = arith.select %and3A, %add3A_622, %rem3A : i32
      %dma_wait3A_624 = arith.constant 0 : i32
      %dma_wait3A_625 = arith.constant 0 : i32
      %dma_wait3A_626 = tpu.memref_slice %arg11[%select_n3A_623, %dma_wait3A_624, %dma_wait3A_625] : memref<12x80x64xf32, #tpu.memory_space<vmem>> -> memref<1x80x64xf32, #tpu.memory_space<vmem>>
      %dma_wait3A_627 = tpu.memref_squeeze %dma_wait3A_626 : memref<1x80x64xf32, #tpu.memory_space<vmem>> -> memref<80x64xf32, #tpu.memory_space<vmem>>
      %dma_wait3A_628 = arith.constant 0 : i32
      %dma_wait3A_629 = tpu.memref_slice %arg9[%scan3A_612, %dma_wait3A_628] : memref<125x80xi32, #tpu.memory_space<vmem>> -> memref<1x80xi32, #tpu.memory_space<vmem>>
      %dma_wait3A_630 = tpu.memref_squeeze %dma_wait3A_629 : memref<1x80xi32, #tpu.memory_space<vmem>> -> memref<80xi32, #tpu.memory_space<vmem>>
      %dma_wait3A_631 = arith.constant 0 : i32
      %dma_wait3A_632 = arith.constant 0 : i32
      %dma_wait3A_633 = tpu.memref_slice %arg3[%dma_wait3A_631, %dma_wait3A_632] : memref<10000x64xf32, #tpu.memory_space<hbm>> -> memref<10000x64xf32, #tpu.memory_space<hbm>>
      %dma_wait3A_634 = tpu.memref_slice %arg14[%select_n3A_623] : memref<12x!tpu.dma_semaphore, #tpu.memory_space<semaphore_mem>> -> memref<1x!tpu.dma_semaphore, #tpu.memory_space<semaphore_mem>>
      %dma_wait3A_635 = tpu.memref_squeeze %dma_wait3A_634 : memref<1x!tpu.dma_semaphore, #tpu.memory_space<semaphore_mem>> -> memref<!tpu.dma_semaphore, #tpu.memory_space<semaphore_mem>>
      tpu.wait_indirect_dma semaphore(%dma_wait3A_635 : memref<!tpu.dma_semaphore, #tpu.memory_space<semaphore_mem>>) src(%dma_wait3A_633 : memref<10000x64xf32, #tpu.memory_space<hbm>>) dst(%dma_wait3A_627 : memref<80x64xf32, #tpu.memory_space<vmem>>)
      %dma_start3A_636 = arith.constant 0 : i32
      %dma_start3A_637 = arith.constant 0 : i32
      %dma_start3A_638 = tpu.memref_slice %arg11[%select_n3A_623, %dma_start3A_636, %dma_start3A_637] : memref<12x80x64xf32, #tpu.memory_space<vmem>> -> memref<1x80x64xf32, #tpu.memory_space<vmem>>
      %dma_start3A_639 = tpu.memref_squeeze %dma_start3A_638 : memref<1x80x64xf32, #tpu.memory_space<vmem>> -> memref<80x64xf32, #tpu.memory_space<vmem>>
      %dma_start3A_640 = arith.constant 0 : i32
      %dma_start3A_641 = tpu.memref_slice %arg10[%scan3A_612, %dma_start3A_640] : memref<125x80xi32, #tpu.memory_space<vmem>> -> memref<1x80xi32, #tpu.memory_space<vmem>>
      %dma_start3A_642 = tpu.memref_squeeze %dma_start3A_641 : memref<1x80xi32, #tpu.memory_space<vmem>> -> memref<80xi32, #tpu.memory_space<vmem>>
      %dma_start3A_643 = arith.constant 0 : i32
      %dma_start3A_644 = arith.constant 0 : i32
      %dma_start3A_645 = tpu.memref_slice %arg13[%dma_start3A_643, %dma_start3A_644] : memref<10000x64xf32, #tpu.memory_space<vmem_shared>> -> memref<10000x64xf32, #tpu.memory_space<vmem_shared>>
      %dma_start3A_646 = tpu.memref_slice %arg15[%select_n3A_623] : memref<12x!tpu.dma_semaphore, #tpu.memory_space<semaphore_mem>> -> memref<1x!tpu.dma_semaphore, #tpu.memory_space<semaphore_mem>>
      %dma_start3A_647 = tpu.memref_squeeze %dma_start3A_646 : memref<1x!tpu.dma_semaphore, #tpu.memory_space<semaphore_mem>> -> memref<!tpu.dma_semaphore, #tpu.memory_space<semaphore_mem>>
      tpu.enqueue_indirect_dma source(%dma_start3A_639 : memref<80x64xf32, #tpu.memory_space<vmem>>) target(%dma_start3A_645 : memref<10000x64xf32, #tpu.memory_space<vmem_shared>>) offsets(%dma_start3A_642 : memref<80xi32, #tpu.memory_space<vmem>>) semaphore(%dma_start3A_647 : memref<!tpu.dma_semaphore, #tpu.memory_space<semaphore_mem>>) {add = true}
      %lt3A_648 = arith.constant 119 : i32
      %lt3A_649 = arith.cmpi slt, %scan3A_612, %lt3A_648 : i32
      %convert_element_type3A_650 = arith.extui %lt3A_649 : i1 to i32
      %cond3A_651 = arith.constant 0 : i32
      %cond3A_652 = arith.cmpi ne, %convert_element_type3A_650, %cond3A_651 : i32
      scf.if %cond3A_652 {
        %add3A_654 = arith.constant 6 : i32
        %add3A_655 = arith.addi %scan3A_612, %add3A_654 : i32
        %jit3A_656 = arith.constant 12 : i32
        %eq3A_657 = arith.constant 0 : i32
        %eq3A_658 = arith.cmpi eq, %jit3A_656, %eq3A_657 : i32
        %jit3A_659 = arith.constant 1 : i32
        %select_n3A_660 = arith.select %eq3A_658, %jit3A_659, %jit3A_656 : i32
        %rem3A_661 = arith.remsi %add3A_655, %select_n3A_660 : i32
        %ne3A_662 = arith.constant 0 : i32
        %ne3A_663 = arith.cmpi ne, %rem3A_661, %ne3A_662 : i32
        %lt3A_664 = arith.constant 0 : i32
        %lt3A_665 = arith.cmpi slt, %rem3A_661, %lt3A_664 : i32
        %lt3A_666 = arith.constant 0 : i32
        %lt3A_667 = arith.cmpi slt, %select_n3A_660, %lt3A_666 : i32
        %ne3A_668 = arith.xori %lt3A_665, %lt3A_667 : i1
        %and3A_669 = arith.andi %ne3A_668, %ne3A_663 : i1
        %add3A_670 = arith.addi %rem3A_661, %select_n3A_660 : i32
        %select_n3A_671 = arith.select %and3A_669, %add3A_670, %rem3A_661 : i32
        %ge3A = arith.constant 6 : i32
        %ge3A_672 = arith.cmpi sge, %scan3A_612, %ge3A : i32
        %convert_element_type3A_673 = arith.extui %ge3A_672 : i1 to i32
        %cond3A_674 = arith.constant 0 : i32
        %cond3A_675 = arith.cmpi ne, %convert_element_type3A_673, %cond3A_674 : i32
        scf.if %cond3A_675 {
          %dma_wait3A_690 = arith.constant 0 : i32
          %dma_wait3A_691 = arith.constant 0 : i32
          %dma_wait3A_692 = tpu.memref_slice %arg11[%select_n3A_671, %dma_wait3A_690, %dma_wait3A_691] : memref<12x80x64xf32, #tpu.memory_space<vmem>> -> memref<1x80x64xf32, #tpu.memory_space<vmem>>
          %dma_wait3A_693 = tpu.memref_squeeze %dma_wait3A_692 : memref<1x80x64xf32, #tpu.memory_space<vmem>> -> memref<80x64xf32, #tpu.memory_space<vmem>>
          %dma_wait3A_694 = arith.constant 0 : i32
          %dma_wait3A_695 = tpu.memref_slice %arg10[%scan3A_612, %dma_wait3A_694] : memref<125x80xi32, #tpu.memory_space<vmem>> -> memref<1x80xi32, #tpu.memory_space<vmem>>
          %dma_wait3A_696 = tpu.memref_squeeze %dma_wait3A_695 : memref<1x80xi32, #tpu.memory_space<vmem>> -> memref<80xi32, #tpu.memory_space<vmem>>
          %dma_wait3A_697 = arith.constant 0 : i32
          %dma_wait3A_698 = arith.constant 0 : i32
          %dma_wait3A_699 = tpu.memref_slice %arg13[%dma_wait3A_697, %dma_wait3A_698] : memref<10000x64xf32, #tpu.memory_space<vmem_shared>> -> memref<10000x64xf32, #tpu.memory_space<vmem_shared>>
          %dma_wait3A_700 = tpu.memref_slice %arg15[%select_n3A_671] : memref<12x!tpu.dma_semaphore, #tpu.memory_space<semaphore_mem>> -> memref<1x!tpu.dma_semaphore, #tpu.memory_space<semaphore_mem>>
          %dma_wait3A_701 = tpu.memref_squeeze %dma_wait3A_700 : memref<1x!tpu.dma_semaphore, #tpu.memory_space<semaphore_mem>> -> memref<!tpu.dma_semaphore, #tpu.memory_space<semaphore_mem>>
          tpu.wait_indirect_dma semaphore(%dma_wait3A_701 : memref<!tpu.dma_semaphore, #tpu.memory_space<semaphore_mem>>) src(%dma_wait3A_693 : memref<80x64xf32, #tpu.memory_space<vmem>>) dst(%dma_wait3A_699 : memref<10000x64xf32, #tpu.memory_space<vmem_shared>>)
        } else {
        }
        %add3A_676 = arith.constant 6 : i32
        %add3A_677 = arith.addi %scan3A_612, %add3A_676 : i32
        %dma_start3A_678 = arith.constant 0 : i32
        %dma_start3A_679 = arith.constant 0 : i32
        %dma_start3A_680 = tpu.memref_slice %arg11[%select_n3A_671, %dma_start3A_678, %dma_start3A_679] : memref<12x80x64xf32, #tpu.memory_space<vmem>> -> memref<1x80x64xf32, #tpu.memory_space<vmem>>
        %dma_start3A_681 = tpu.memref_squeeze %dma_start3A_680 : memref<1x80x64xf32, #tpu.memory_space<vmem>> -> memref<80x64xf32, #tpu.memory_space<vmem>>
        %dma_start3A_682 = arith.constant 0 : i32
        %dma_start3A_683 = tpu.memref_slice %arg9[%add3A_677, %dma_start3A_682] : memref<125x80xi32, #tpu.memory_space<vmem>> -> memref<1x80xi32, #tpu.memory_space<vmem>>
        %dma_start3A_684 = tpu.memref_squeeze %dma_start3A_683 : memref<1x80xi32, #tpu.memory_space<vmem>> -> memref<80xi32, #tpu.memory_space<vmem>>
        %dma_start3A_685 = arith.constant 0 : i32
        %dma_start3A_686 = arith.constant 0 : i32
        %dma_start3A_687 = tpu.memref_slice %arg3[%dma_start3A_685, %dma_start3A_686] : memref<10000x64xf32, #tpu.memory_space<hbm>> -> memref<10000x64xf32, #tpu.memory_space<hbm>>
        %dma_start3A_688 = tpu.memref_slice %arg14[%select_n3A_671] : memref<12x!tpu.dma_semaphore, #tpu.memory_space<semaphore_mem>> -> memref<1x!tpu.dma_semaphore, #tpu.memory_space<semaphore_mem>>
        %dma_start3A_689 = tpu.memref_squeeze %dma_start3A_688 : memref<1x!tpu.dma_semaphore, #tpu.memory_space<semaphore_mem>> -> memref<!tpu.dma_semaphore, #tpu.memory_space<semaphore_mem>>
        tpu.enqueue_indirect_dma source(%dma_start3A_687 : memref<10000x64xf32, #tpu.memory_space<hbm>>) target(%dma_start3A_681 : memref<80x64xf32, #tpu.memory_space<vmem>>) offsets(%dma_start3A_684 : memref<80xi32, #tpu.memory_space<vmem>>) semaphore(%dma_start3A_689 : memref<!tpu.dma_semaphore, #tpu.memory_space<semaphore_mem>>)
      } else {
      }
      %scan3A_653 = arith.constant 0 : i32
      scf.yield %scan3A_653 : i32
    }
    %scan3A_418 = arith.constant 125 : i32
    %dma_wait3A_419 = arith.constant 5 : i32
    %dma_wait3A_420 = arith.constant 0 : i32
    %dma_wait3A_421 = arith.constant 5 : i32
    %dma_wait3A_422 = arith.constant 0 : i32
    %dma_wait3A_423 = arith.constant 0 : i32
    %dma_wait3A_424 = tpu.memref_slice %arg11[%dma_wait3A_419, %dma_wait3A_422, %dma_wait3A_423] : memref<12x80x64xf32, #tpu.memory_space<vmem>> -> memref<1x80x64xf32, #tpu.memory_space<vmem>>
    %dma_wait3A_425 = tpu.memref_squeeze %dma_wait3A_424 : memref<1x80x64xf32, #tpu.memory_space<vmem>> -> memref<80x64xf32, #tpu.memory_space<vmem>>
    %dma_wait3A_426 = arith.constant 0 : i32
    %dma_wait3A_427 = tpu.memref_slice %arg10[%dma_wait3A_420, %dma_wait3A_426] : memref<125x80xi32, #tpu.memory_space<vmem>> -> memref<1x80xi32, #tpu.memory_space<vmem>>
    %dma_wait3A_428 = tpu.memref_squeeze %dma_wait3A_427 : memref<1x80xi32, #tpu.memory_space<vmem>> -> memref<80xi32, #tpu.memory_space<vmem>>
    %dma_wait3A_429 = arith.constant 0 : i32
    %dma_wait3A_430 = arith.constant 0 : i32
    %dma_wait3A_431 = tpu.memref_slice %arg13[%dma_wait3A_429, %dma_wait3A_430] : memref<10000x64xf32, #tpu.memory_space<vmem_shared>> -> memref<10000x64xf32, #tpu.memory_space<vmem_shared>>
    %dma_wait3A_432 = tpu.memref_slice %arg15[%dma_wait3A_421] : memref<12x!tpu.dma_semaphore, #tpu.memory_space<semaphore_mem>> -> memref<1x!tpu.dma_semaphore, #tpu.memory_space<semaphore_mem>>
    %dma_wait3A_433 = tpu.memref_squeeze %dma_wait3A_432 : memref<1x!tpu.dma_semaphore, #tpu.memory_space<semaphore_mem>> -> memref<!tpu.dma_semaphore, #tpu.memory_space<semaphore_mem>>
    tpu.wait_indirect_dma semaphore(%dma_wait3A_433 : memref<!tpu.dma_semaphore, #tpu.memory_space<semaphore_mem>>) src(%dma_wait3A_425 : memref<80x64xf32, #tpu.memory_space<vmem>>) dst(%dma_wait3A_431 : memref<10000x64xf32, #tpu.memory_space<vmem_shared>>)
    %dma_wait3A_434 = arith.constant 6 : i32
    %dma_wait3A_435 = arith.constant 0 : i32
    %dma_wait3A_436 = arith.constant 6 : i32
    %dma_wait3A_437 = arith.constant 0 : i32
    %dma_wait3A_438 = arith.constant 0 : i32
    %dma_wait3A_439 = tpu.memref_slice %arg11[%dma_wait3A_434, %dma_wait3A_437, %dma_wait3A_438] : memref<12x80x64xf32, #tpu.memory_space<vmem>> -> memref<1x80x64xf32, #tpu.memory_space<vmem>>
    %dma_wait3A_440 = tpu.memref_squeeze %dma_wait3A_439 : memref<1x80x64xf32, #tpu.memory_space<vmem>> -> memref<80x64xf32, #tpu.memory_space<vmem>>
    %dma_wait3A_441 = arith.constant 0 : i32
    %dma_wait3A_442 = tpu.memref_slice %arg10[%dma_wait3A_435, %dma_wait3A_441] : memref<125x80xi32, #tpu.memory_space<vmem>> -> memref<1x80xi32, #tpu.memory_space<vmem>>
    %dma_wait3A_443 = tpu.memref_squeeze %dma_wait3A_442 : memref<1x80xi32, #tpu.memory_space<vmem>> -> memref<80xi32, #tpu.memory_space<vmem>>
    %dma_wait3A_444 = arith.constant 0 : i32
    %dma_wait3A_445 = arith.constant 0 : i32
    %dma_wait3A_446 = tpu.memref_slice %arg13[%dma_wait3A_444, %dma_wait3A_445] : memref<10000x64xf32, #tpu.memory_space<vmem_shared>> -> memref<10000x64xf32, #tpu.memory_space<vmem_shared>>
    %dma_wait3A_447 = tpu.memref_slice %arg15[%dma_wait3A_436] : memref<12x!tpu.dma_semaphore, #tpu.memory_space<semaphore_mem>> -> memref<1x!tpu.dma_semaphore, #tpu.memory_space<semaphore_mem>>
    %dma_wait3A_448 = tpu.memref_squeeze %dma_wait3A_447 : memref<1x!tpu.dma_semaphore, #tpu.memory_space<semaphore_mem>> -> memref<!tpu.dma_semaphore, #tpu.memory_space<semaphore_mem>>
    tpu.wait_indirect_dma semaphore(%dma_wait3A_448 : memref<!tpu.dma_semaphore, #tpu.memory_space<semaphore_mem>>) src(%dma_wait3A_440 : memref<80x64xf32, #tpu.memory_space<vmem>>) dst(%dma_wait3A_446 : memref<10000x64xf32, #tpu.memory_space<vmem_shared>>)
    %dma_wait3A_449 = arith.constant 7 : i32
    %dma_wait3A_450 = arith.constant 0 : i32
    %dma_wait3A_451 = arith.constant 7 : i32
    %dma_wait3A_452 = arith.constant 0 : i32
    %dma_wait3A_453 = arith.constant 0 : i32
    %dma_wait3A_454 = tpu.memref_slice %arg11[%dma_wait3A_449, %dma_wait3A_452, %dma_wait3A_453] : memref<12x80x64xf32, #tpu.memory_space<vmem>> -> memref<1x80x64xf32, #tpu.memory_space<vmem>>
    %dma_wait3A_455 = tpu.memref_squeeze %dma_wait3A_454 : memref<1x80x64xf32, #tpu.memory_space<vmem>> -> memref<80x64xf32, #tpu.memory_space<vmem>>
    %dma_wait3A_456 = arith.constant 0 : i32
    %dma_wait3A_457 = tpu.memref_slice %arg10[%dma_wait3A_450, %dma_wait3A_456] : memref<125x80xi32, #tpu.memory_space<vmem>> -> memref<1x80xi32, #tpu.memory_space<vmem>>
    %dma_wait3A_458 = tpu.memref_squeeze %dma_wait3A_457 : memref<1x80xi32, #tpu.memory_space<vmem>> -> memref<80xi32, #tpu.memory_space<vmem>>
    %dma_wait3A_459 = arith.constant 0 : i32
    %dma_wait3A_460 = arith.constant 0 : i32
    %dma_wait3A_461 = tpu.memref_slice %arg13[%dma_wait3A_459, %dma_wait3A_460] : memref<10000x64xf32, #tpu.memory_space<vmem_shared>> -> memref<10000x64xf32, #tpu.memory_space<vmem_shared>>
    %dma_wait3A_462 = tpu.memref_slice %arg15[%dma_wait3A_451] : memref<12x!tpu.dma_semaphore, #tpu.memory_space<semaphore_mem>> -> memref<1x!tpu.dma_semaphore, #tpu.memory_space<semaphore_mem>>
    %dma_wait3A_463 = tpu.memref_squeeze %dma_wait3A_462 : memref<1x!tpu.dma_semaphore, #tpu.memory_space<semaphore_mem>> -> memref<!tpu.dma_semaphore, #tpu.memory_space<semaphore_mem>>
    tpu.wait_indirect_dma semaphore(%dma_wait3A_463 : memref<!tpu.dma_semaphore, #tpu.memory_space<semaphore_mem>>) src(%dma_wait3A_455 : memref<80x64xf32, #tpu.memory_space<vmem>>) dst(%dma_wait3A_461 : memref<10000x64xf32, #tpu.memory_space<vmem_shared>>)
    %dma_wait3A_464 = arith.constant 8 : i32
    %dma_wait3A_465 = arith.constant 0 : i32
    %dma_wait3A_466 = arith.constant 8 : i32
    %dma_wait3A_467 = arith.constant 0 : i32
    %dma_wait3A_468 = arith.constant 0 : i32
    %dma_wait3A_469 = tpu.memref_slice %arg11[%dma_wait3A_464, %dma_wait3A_467, %dma_wait3A_468] : memref<12x80x64xf32, #tpu.memory_space<vmem>> -> memref<1x80x64xf32, #tpu.memory_space<vmem>>
    %dma_wait3A_470 = tpu.memref_squeeze %dma_wait3A_469 : memref<1x80x64xf32, #tpu.memory_space<vmem>> -> memref<80x64xf32, #tpu.memory_space<vmem>>
    %dma_wait3A_471 = arith.constant 0 : i32
    %dma_wait3A_472 = tpu.memref_slice %arg10[%dma_wait3A_465, %dma_wait3A_471] : memref<125x80xi32, #tpu.memory_space<vmem>> -> memref<1x80xi32, #tpu.memory_space<vmem>>
    %dma_wait3A_473 = tpu.memref_squeeze %dma_wait3A_472 : memref<1x80xi32, #tpu.memory_space<vmem>> -> memref<80xi32, #tpu.memory_space<vmem>>
    %dma_wait3A_474 = arith.constant 0 : i32
    %dma_wait3A_475 = arith.constant 0 : i32
    %dma_wait3A_476 = tpu.memref_slice %arg13[%dma_wait3A_474, %dma_wait3A_475] : memref<10000x64xf32, #tpu.memory_space<vmem_shared>> -> memref<10000x64xf32, #tpu.memory_space<vmem_shared>>
    %dma_wait3A_477 = tpu.memref_slice %arg15[%dma_wait3A_466] : memref<12x!tpu.dma_semaphore, #tpu.memory_space<semaphore_mem>> -> memref<1x!tpu.dma_semaphore, #tpu.memory_space<semaphore_mem>>
    %dma_wait3A_478 = tpu.memref_squeeze %dma_wait3A_477 : memref<1x!tpu.dma_semaphore, #tpu.memory_space<semaphore_mem>> -> memref<!tpu.dma_semaphore, #tpu.memory_space<semaphore_mem>>
    tpu.wait_indirect_dma semaphore(%dma_wait3A_478 : memref<!tpu.dma_semaphore, #tpu.memory_space<semaphore_mem>>) src(%dma_wait3A_470 : memref<80x64xf32, #tpu.memory_space<vmem>>) dst(%dma_wait3A_476 : memref<10000x64xf32, #tpu.memory_space<vmem_shared>>)
    %dma_wait3A_479 = arith.constant 9 : i32
    %dma_wait3A_480 = arith.constant 0 : i32
    %dma_wait3A_481 = arith.constant 9 : i32
    %dma_wait3A_482 = arith.constant 0 : i32
    %dma_wait3A_483 = arith.constant 0 : i32
    %dma_wait3A_484 = tpu.memref_slice %arg11[%dma_wait3A_479, %dma_wait3A_482, %dma_wait3A_483] : memref<12x80x64xf32, #tpu.memory_space<vmem>> -> memref<1x80x64xf32, #tpu.memory_space<vmem>>
    %dma_wait3A_485 = tpu.memref_squeeze %dma_wait3A_484 : memref<1x80x64xf32, #tpu.memory_space<vmem>> -> memref<80x64xf32, #tpu.memory_space<vmem>>
    %dma_wait3A_486 = arith.constant 0 : i32
    %dma_wait3A_487 = tpu.memref_slice %arg10[%dma_wait3A_480, %dma_wait3A_486] : memref<125x80xi32, #tpu.memory_space<vmem>> -> memref<1x80xi32, #tpu.memory_space<vmem>>
    %dma_wait3A_488 = tpu.memref_squeeze %dma_wait3A_487 : memref<1x80xi32, #tpu.memory_space<vmem>> -> memref<80xi32, #tpu.memory_space<vmem>>
    %dma_wait3A_489 = arith.constant 0 : i32
    %dma_wait3A_490 = arith.constant 0 : i32
    %dma_wait3A_491 = tpu.memref_slice %arg13[%dma_wait3A_489, %dma_wait3A_490] : memref<10000x64xf32, #tpu.memory_space<vmem_shared>> -> memref<10000x64xf32, #tpu.memory_space<vmem_shared>>
    %dma_wait3A_492 = tpu.memref_slice %arg15[%dma_wait3A_481] : memref<12x!tpu.dma_semaphore, #tpu.memory_space<semaphore_mem>> -> memref<1x!tpu.dma_semaphore, #tpu.memory_space<semaphore_mem>>
    %dma_wait3A_493 = tpu.memref_squeeze %dma_wait3A_492 : memref<1x!tpu.dma_semaphore, #tpu.memory_space<semaphore_mem>> -> memref<!tpu.dma_semaphore, #tpu.memory_space<semaphore_mem>>
    tpu.wait_indirect_dma semaphore(%dma_wait3A_493 : memref<!tpu.dma_semaphore, #tpu.memory_space<semaphore_mem>>) src(%dma_wait3A_485 : memref<80x64xf32, #tpu.memory_space<vmem>>) dst(%dma_wait3A_491 : memref<10000x64xf32, #tpu.memory_space<vmem_shared>>)
    %dma_wait3A_494 = arith.constant 10 : i32
    %dma_wait3A_495 = arith.constant 0 : i32
    %dma_wait3A_496 = arith.constant 10 : i32
    %dma_wait3A_497 = arith.constant 0 : i32
    %dma_wait3A_498 = arith.constant 0 : i32
    %dma_wait3A_499 = tpu.memref_slice %arg11[%dma_wait3A_494, %dma_wait3A_497, %dma_wait3A_498] : memref<12x80x64xf32, #tpu.memory_space<vmem>> -> memref<1x80x64xf32, #tpu.memory_space<vmem>>
    %dma_wait3A_500 = tpu.memref_squeeze %dma_wait3A_499 : memref<1x80x64xf32, #tpu.memory_space<vmem>> -> memref<80x64xf32, #tpu.memory_space<vmem>>
    %dma_wait3A_501 = arith.constant 0 : i32
    %dma_wait3A_502 = tpu.memref_slice %arg10[%dma_wait3A_495, %dma_wait3A_501] : memref<125x80xi32, #tpu.memory_space<vmem>> -> memref<1x80xi32, #tpu.memory_space<vmem>>
    %dma_wait3A_503 = tpu.memref_squeeze %dma_wait3A_502 : memref<1x80xi32, #tpu.memory_space<vmem>> -> memref<80xi32, #tpu.memory_space<vmem>>
    %dma_wait3A_504 = arith.constant 0 : i32
    %dma_wait3A_505 = arith.constant 0 : i32
    %dma_wait3A_506 = tpu.memref_slice %arg13[%dma_wait3A_504, %dma_wait3A_505] : memref<10000x64xf32, #tpu.memory_space<vmem_shared>> -> memref<10000x64xf32, #tpu.memory_space<vmem_shared>>
    %dma_wait3A_507 = tpu.memref_slice %arg15[%dma_wait3A_496] : memref<12x!tpu.dma_semaphore, #tpu.memory_space<semaphore_mem>> -> memref<1x!tpu.dma_semaphore, #tpu.memory_space<semaphore_mem>>
    %dma_wait3A_508 = tpu.memref_squeeze %dma_wait3A_507 : memref<1x!tpu.dma_semaphore, #tpu.memory_space<semaphore_mem>> -> memref<!tpu.dma_semaphore, #tpu.memory_space<semaphore_mem>>
    tpu.wait_indirect_dma semaphore(%dma_wait3A_508 : memref<!tpu.dma_semaphore, #tpu.memory_space<semaphore_mem>>) src(%dma_wait3A_500 : memref<80x64xf32, #tpu.memory_space<vmem>>) dst(%dma_wait3A_506 : memref<10000x64xf32, #tpu.memory_space<vmem_shared>>)
    %dma_wait3A_509 = arith.constant 11 : i32
    %dma_wait3A_510 = arith.constant 0 : i32
    %dma_wait3A_511 = arith.constant 11 : i32
    %dma_wait3A_512 = arith.constant 0 : i32
    %dma_wait3A_513 = arith.constant 0 : i32
    %dma_wait3A_514 = tpu.memref_slice %arg11[%dma_wait3A_509, %dma_wait3A_512, %dma_wait3A_513] : memref<12x80x64xf32, #tpu.memory_space<vmem>> -> memref<1x80x64xf32, #tpu.memory_space<vmem>>
    %dma_wait3A_515 = tpu.memref_squeeze %dma_wait3A_514 : memref<1x80x64xf32, #tpu.memory_space<vmem>> -> memref<80x64xf32, #tpu.memory_space<vmem>>
    %dma_wait3A_516 = arith.constant 0 : i32
    %dma_wait3A_517 = tpu.memref_slice %arg10[%dma_wait3A_510, %dma_wait3A_516] : memref<125x80xi32, #tpu.memory_space<vmem>> -> memref<1x80xi32, #tpu.memory_space<vmem>>
    %dma_wait3A_518 = tpu.memref_squeeze %dma_wait3A_517 : memref<1x80xi32, #tpu.memory_space<vmem>> -> memref<80xi32, #tpu.memory_space<vmem>>
    %dma_wait3A_519 = arith.constant 0 : i32
    %dma_wait3A_520 = arith.constant 0 : i32
    %dma_wait3A_521 = tpu.memref_slice %arg13[%dma_wait3A_519, %dma_wait3A_520] : memref<10000x64xf32, #tpu.memory_space<vmem_shared>> -> memref<10000x64xf32, #tpu.memory_space<vmem_shared>>
    %dma_wait3A_522 = tpu.memref_slice %arg15[%dma_wait3A_511] : memref<12x!tpu.dma_semaphore, #tpu.memory_space<semaphore_mem>> -> memref<1x!tpu.dma_semaphore, #tpu.memory_space<semaphore_mem>>
    %dma_wait3A_523 = tpu.memref_squeeze %dma_wait3A_522 : memref<1x!tpu.dma_semaphore, #tpu.memory_space<semaphore_mem>> -> memref<!tpu.dma_semaphore, #tpu.memory_space<semaphore_mem>>
    tpu.wait_indirect_dma semaphore(%dma_wait3A_523 : memref<!tpu.dma_semaphore, #tpu.memory_space<semaphore_mem>>) src(%dma_wait3A_515 : memref<80x64xf32, #tpu.memory_space<vmem>>) dst(%dma_wait3A_521 : memref<10000x64xf32, #tpu.memory_space<vmem_shared>>)
    %dma_wait3A_524 = arith.constant 0 : i32
    %dma_wait3A_525 = arith.constant 0 : i32
    %dma_wait3A_526 = arith.constant 0 : i32
    %dma_wait3A_527 = arith.constant 0 : i32
    %dma_wait3A_528 = arith.constant 0 : i32
    %dma_wait3A_529 = tpu.memref_slice %arg11[%dma_wait3A_524, %dma_wait3A_527, %dma_wait3A_528] : memref<12x80x64xf32, #tpu.memory_space<vmem>> -> memref<1x80x64xf32, #tpu.memory_space<vmem>>
    %dma_wait3A_530 = tpu.memref_squeeze %dma_wait3A_529 : memref<1x80x64xf32, #tpu.memory_space<vmem>> -> memref<80x64xf32, #tpu.memory_space<vmem>>
    %dma_wait3A_531 = arith.constant 0 : i32
    %dma_wait3A_532 = tpu.memref_slice %arg10[%dma_wait3A_525, %dma_wait3A_531] : memref<125x80xi32, #tpu.memory_space<vmem>> -> memref<1x80xi32, #tpu.memory_space<vmem>>
    %dma_wait3A_533 = tpu.memref_squeeze %dma_wait3A_532 : memref<1x80xi32, #tpu.memory_space<vmem>> -> memref<80xi32, #tpu.memory_space<vmem>>
    %dma_wait3A_534 = arith.constant 0 : i32
    %dma_wait3A_535 = arith.constant 0 : i32
    %dma_wait3A_536 = tpu.memref_slice %arg13[%dma_wait3A_534, %dma_wait3A_535] : memref<10000x64xf32, #tpu.memory_space<vmem_shared>> -> memref<10000x64xf32, #tpu.memory_space<vmem_shared>>
    %dma_wait3A_537 = tpu.memref_slice %arg15[%dma_wait3A_526] : memref<12x!tpu.dma_semaphore, #tpu.memory_space<semaphore_mem>> -> memref<1x!tpu.dma_semaphore, #tpu.memory_space<semaphore_mem>>
    %dma_wait3A_538 = tpu.memref_squeeze %dma_wait3A_537 : memref<1x!tpu.dma_semaphore, #tpu.memory_space<semaphore_mem>> -> memref<!tpu.dma_semaphore, #tpu.memory_space<semaphore_mem>>
    tpu.wait_indirect_dma semaphore(%dma_wait3A_538 : memref<!tpu.dma_semaphore, #tpu.memory_space<semaphore_mem>>) src(%dma_wait3A_530 : memref<80x64xf32, #tpu.memory_space<vmem>>) dst(%dma_wait3A_536 : memref<10000x64xf32, #tpu.memory_space<vmem_shared>>)
    %dma_wait3A_539 = arith.constant 1 : i32
    %dma_wait3A_540 = arith.constant 0 : i32
    %dma_wait3A_541 = arith.constant 1 : i32
    %dma_wait3A_542 = arith.constant 0 : i32
    %dma_wait3A_543 = arith.constant 0 : i32
    %dma_wait3A_544 = tpu.memref_slice %arg11[%dma_wait3A_539, %dma_wait3A_542, %dma_wait3A_543] : memref<12x80x64xf32, #tpu.memory_space<vmem>> -> memref<1x80x64xf32, #tpu.memory_space<vmem>>
    %dma_wait3A_545 = tpu.memref_squeeze %dma_wait3A_544 : memref<1x80x64xf32, #tpu.memory_space<vmem>> -> memref<80x64xf32, #tpu.memory_space<vmem>>
    %dma_wait3A_546 = arith.constant 0 : i32
    %dma_wait3A_547 = tpu.memref_slice %arg10[%dma_wait3A_540, %dma_wait3A_546] : memref<125x80xi32, #tpu.memory_space<vmem>> -> memref<1x80xi32, #tpu.memory_space<vmem>>
    %dma_wait3A_548 = tpu.memref_squeeze %dma_wait3A_547 : memref<1x80xi32, #tpu.memory_space<vmem>> -> memref<80xi32, #tpu.memory_space<vmem>>
    %dma_wait3A_549 = arith.constant 0 : i32
    %dma_wait3A_550 = arith.constant 0 : i32
    %dma_wait3A_551 = tpu.memref_slice %arg13[%dma_wait3A_549, %dma_wait3A_550] : memref<10000x64xf32, #tpu.memory_space<vmem_shared>> -> memref<10000x64xf32, #tpu.memory_space<vmem_shared>>
    %dma_wait3A_552 = tpu.memref_slice %arg15[%dma_wait3A_541] : memref<12x!tpu.dma_semaphore, #tpu.memory_space<semaphore_mem>> -> memref<1x!tpu.dma_semaphore, #tpu.memory_space<semaphore_mem>>
    %dma_wait3A_553 = tpu.memref_squeeze %dma_wait3A_552 : memref<1x!tpu.dma_semaphore, #tpu.memory_space<semaphore_mem>> -> memref<!tpu.dma_semaphore, #tpu.memory_space<semaphore_mem>>
    tpu.wait_indirect_dma semaphore(%dma_wait3A_553 : memref<!tpu.dma_semaphore, #tpu.memory_space<semaphore_mem>>) src(%dma_wait3A_545 : memref<80x64xf32, #tpu.memory_space<vmem>>) dst(%dma_wait3A_551 : memref<10000x64xf32, #tpu.memory_space<vmem_shared>>)
    %dma_wait3A_554 = arith.constant 2 : i32
    %dma_wait3A_555 = arith.constant 0 : i32
    %dma_wait3A_556 = arith.constant 2 : i32
    %dma_wait3A_557 = arith.constant 0 : i32
    %dma_wait3A_558 = arith.constant 0 : i32
    %dma_wait3A_559 = tpu.memref_slice %arg11[%dma_wait3A_554, %dma_wait3A_557, %dma_wait3A_558] : memref<12x80x64xf32, #tpu.memory_space<vmem>> -> memref<1x80x64xf32, #tpu.memory_space<vmem>>
    %dma_wait3A_560 = tpu.memref_squeeze %dma_wait3A_559 : memref<1x80x64xf32, #tpu.memory_space<vmem>> -> memref<80x64xf32, #tpu.memory_space<vmem>>
    %dma_wait3A_561 = arith.constant 0 : i32
    %dma_wait3A_562 = tpu.memref_slice %arg10[%dma_wait3A_555, %dma_wait3A_561] : memref<125x80xi32, #tpu.memory_space<vmem>> -> memref<1x80xi32, #tpu.memory_space<vmem>>
    %dma_wait3A_563 = tpu.memref_squeeze %dma_wait3A_562 : memref<1x80xi32, #tpu.memory_space<vmem>> -> memref<80xi32, #tpu.memory_space<vmem>>
    %dma_wait3A_564 = arith.constant 0 : i32
    %dma_wait3A_565 = arith.constant 0 : i32
    %dma_wait3A_566 = tpu.memref_slice %arg13[%dma_wait3A_564, %dma_wait3A_565] : memref<10000x64xf32, #tpu.memory_space<vmem_shared>> -> memref<10000x64xf32, #tpu.memory_space<vmem_shared>>
    %dma_wait3A_567 = tpu.memref_slice %arg15[%dma_wait3A_556] : memref<12x!tpu.dma_semaphore, #tpu.memory_space<semaphore_mem>> -> memref<1x!tpu.dma_semaphore, #tpu.memory_space<semaphore_mem>>
    %dma_wait3A_568 = tpu.memref_squeeze %dma_wait3A_567 : memref<1x!tpu.dma_semaphore, #tpu.memory_space<semaphore_mem>> -> memref<!tpu.dma_semaphore, #tpu.memory_space<semaphore_mem>>
    tpu.wait_indirect_dma semaphore(%dma_wait3A_568 : memref<!tpu.dma_semaphore, #tpu.memory_space<semaphore_mem>>) src(%dma_wait3A_560 : memref<80x64xf32, #tpu.memory_space<vmem>>) dst(%dma_wait3A_566 : memref<10000x64xf32, #tpu.memory_space<vmem_shared>>)
    %dma_wait3A_569 = arith.constant 3 : i32
    %dma_wait3A_570 = arith.constant 0 : i32
    %dma_wait3A_571 = arith.constant 3 : i32
    %dma_wait3A_572 = arith.constant 0 : i32
    %dma_wait3A_573 = arith.constant 0 : i32
    %dma_wait3A_574 = tpu.memref_slice %arg11[%dma_wait3A_569, %dma_wait3A_572, %dma_wait3A_573] : memref<12x80x64xf32, #tpu.memory_space<vmem>> -> memref<1x80x64xf32, #tpu.memory_space<vmem>>
    %dma_wait3A_575 = tpu.memref_squeeze %dma_wait3A_574 : memref<1x80x64xf32, #tpu.memory_space<vmem>> -> memref<80x64xf32, #tpu.memory_space<vmem>>
    %dma_wait3A_576 = arith.constant 0 : i32
    %dma_wait3A_577 = tpu.memref_slice %arg10[%dma_wait3A_570, %dma_wait3A_576] : memref<125x80xi32, #tpu.memory_space<vmem>> -> memref<1x80xi32, #tpu.memory_space<vmem>>
    %dma_wait3A_578 = tpu.memref_squeeze %dma_wait3A_577 : memref<1x80xi32, #tpu.memory_space<vmem>> -> memref<80xi32, #tpu.memory_space<vmem>>
    %dma_wait3A_579 = arith.constant 0 : i32
    %dma_wait3A_580 = arith.constant 0 : i32
    %dma_wait3A_581 = tpu.memref_slice %arg13[%dma_wait3A_579, %dma_wait3A_580] : memref<10000x64xf32, #tpu.memory_space<vmem_shared>> -> memref<10000x64xf32, #tpu.memory_space<vmem_shared>>
    %dma_wait3A_582 = tpu.memref_slice %arg15[%dma_wait3A_571] : memref<12x!tpu.dma_semaphore, #tpu.memory_space<semaphore_mem>> -> memref<1x!tpu.dma_semaphore, #tpu.memory_space<semaphore_mem>>
    %dma_wait3A_583 = tpu.memref_squeeze %dma_wait3A_582 : memref<1x!tpu.dma_semaphore, #tpu.memory_space<semaphore_mem>> -> memref<!tpu.dma_semaphore, #tpu.memory_space<semaphore_mem>>
    tpu.wait_indirect_dma semaphore(%dma_wait3A_583 : memref<!tpu.dma_semaphore, #tpu.memory_space<semaphore_mem>>) src(%dma_wait3A_575 : memref<80x64xf32, #tpu.memory_space<vmem>>) dst(%dma_wait3A_581 : memref<10000x64xf32, #tpu.memory_space<vmem_shared>>)
    %dma_wait3A_584 = arith.constant 4 : i32
    %dma_wait3A_585 = arith.constant 0 : i32
    %dma_wait3A_586 = arith.constant 4 : i32
    %dma_wait3A_587 = arith.constant 0 : i32
    %dma_wait3A_588 = arith.constant 0 : i32
    %dma_wait3A_589 = tpu.memref_slice %arg11[%dma_wait3A_584, %dma_wait3A_587, %dma_wait3A_588] : memref<12x80x64xf32, #tpu.memory_space<vmem>> -> memref<1x80x64xf32, #tpu.memory_space<vmem>>
    %dma_wait3A_590 = tpu.memref_squeeze %dma_wait3A_589 : memref<1x80x64xf32, #tpu.memory_space<vmem>> -> memref<80x64xf32, #tpu.memory_space<vmem>>
    %dma_wait3A_591 = arith.constant 0 : i32
    %dma_wait3A_592 = tpu.memref_slice %arg10[%dma_wait3A_585, %dma_wait3A_591] : memref<125x80xi32, #tpu.memory_space<vmem>> -> memref<1x80xi32, #tpu.memory_space<vmem>>
    %dma_wait3A_593 = tpu.memref_squeeze %dma_wait3A_592 : memref<1x80xi32, #tpu.memory_space<vmem>> -> memref<80xi32, #tpu.memory_space<vmem>>
    %dma_wait3A_594 = arith.constant 0 : i32
    %dma_wait3A_595 = arith.constant 0 : i32
    %dma_wait3A_596 = tpu.memref_slice %arg13[%dma_wait3A_594, %dma_wait3A_595] : memref<10000x64xf32, #tpu.memory_space<vmem_shared>> -> memref<10000x64xf32, #tpu.memory_space<vmem_shared>>
    %dma_wait3A_597 = tpu.memref_slice %arg15[%dma_wait3A_586] : memref<12x!tpu.dma_semaphore, #tpu.memory_space<semaphore_mem>> -> memref<1x!tpu.dma_semaphore, #tpu.memory_space<semaphore_mem>>
    %dma_wait3A_598 = tpu.memref_squeeze %dma_wait3A_597 : memref<1x!tpu.dma_semaphore, #tpu.memory_space<semaphore_mem>> -> memref<!tpu.dma_semaphore, #tpu.memory_space<semaphore_mem>>
    tpu.wait_indirect_dma semaphore(%dma_wait3A_598 : memref<!tpu.dma_semaphore, #tpu.memory_space<semaphore_mem>>) src(%dma_wait3A_590 : memref<80x64xf32, #tpu.memory_space<vmem>>) dst(%dma_wait3A_596 : memref<10000x64xf32, #tpu.memory_space<vmem_shared>>)
    %barrier3A_599 = arith.constant 0 : index
    tpu.barrier barrier_id(%barrier3A_599)
    %scan3A_600 = arith.constant 0 : i32
    %scan3A_601 = arith.constant 0 : i32
    %scan3A_602 = arith.constant 8 : i32
    %scan3A_603 = arith.addi %scan3A_601, %scan3A_602 : i32
    %scan3A_604 = arith.constant 1 : i32
    %scan3A_605 = scf.for %scan3A_612 = %scan3A_601 to %scan3A_603 step %scan3A_604 iter_args(%scan3A_613 = %scan3A_600) -> (i32)  : i32 {
      %mul3A_614 = arith.constant 16 : i32
      %mul3A_615 = arith.muli %scan3A_612, %mul3A_614 : i32
      %add3A_616 = arith.addi %arg1, %mul3A_615 : i32
      %lt3A = arith.constant 125 : i32
      %lt3A_617 = arith.cmpi slt, %add3A_616, %lt3A : i32
      %convert_element_type3A_618 = arith.extui %lt3A_617 : i1 to i32
      %cond3A_619 = arith.constant 0 : i32
      %cond3A_620 = arith.cmpi ne, %convert_element_type3A_618, %cond3A_619 : i32
      scf.if %cond3A_620 {
        %mul3A_622 = arith.constant 80 : i32
        %mul3A_623 = arith.muli %add3A_616, %mul3A_622 : i32
        "tpu.region"() ({
          %run_scoped3A = tpu.sem_alloc : memref<!tpu.dma_semaphore, #tpu.memory_space<semaphore_mem>>
          %dma_start3A_624 = arith.constant 0 : i32
          %dma_start3A_625 = tpu.memref_slice %arg13[%mul3A_623, %dma_start3A_624] : memref<10000x64xf32, #tpu.memory_space<vmem_shared>> -> memref<80x64xf32, #tpu.memory_space<vmem_shared>>
          %dma_start3A_626 = arith.constant 0 : i32
          %dma_start3A_627 = tpu.memref_slice %arg13[%mul3A_623, %dma_start3A_626] : memref<10000x64xf32, #tpu.memory_space<vmem_shared>> -> memref<80x64xf32, #tpu.memory_space<vmem_shared>>
          tpu.enqueue_dma source(%dma_start3A_627 : memref<80x64xf32, #tpu.memory_space<vmem_shared>>) target(%arg12 : memref<80x64xf32, #tpu.memory_space<vmem>>) target_semaphore(%run_scoped3A : memref<!tpu.dma_semaphore, #tpu.memory_space<semaphore_mem>>)
          %dma_wait3A_628 = arith.constant 0 : i32
          %dma_wait3A_629 = tpu.memref_slice %arg13[%mul3A_623, %dma_wait3A_628] : memref<10000x64xf32, #tpu.memory_space<vmem_shared>> -> memref<80x64xf32, #tpu.memory_space<vmem_shared>>
          %dma_wait3A_630 = arith.constant 0 : i32
          %dma_wait3A_631 = tpu.memref_slice %arg13[%mul3A_623, %dma_wait3A_630] : memref<10000x64xf32, #tpu.memory_space<vmem_shared>> -> memref<80x64xf32, #tpu.memory_space<vmem_shared>>
          tpu.wait_dma2 semaphore(%run_scoped3A : memref<!tpu.dma_semaphore, #tpu.memory_space<semaphore_mem>>) src(%dma_wait3A_631 : memref<80x64xf32, #tpu.memory_space<vmem_shared>>) dst(%arg12 : memref<80x64xf32, #tpu.memory_space<vmem>>)
          tpu.yield
        }) : () -> ()
        "tpu.region"() ({
          %run_scoped3A = tpu.sem_alloc : memref<!tpu.dma_semaphore, #tpu.memory_space<semaphore_mem>>
          %dma_start3A_624 = arith.constant 0 : i32
          %dma_start3A_625 = tpu.memref_slice %arg7[%arg0, %mul3A_623, %dma_start3A_624] : memref<2x10000x64xf32, #tpu.memory_space<hbm>> -> memref<1x80x64xf32, #tpu.memory_space<hbm>>
          %dma_start3A_626 = tpu.memref_squeeze %dma_start3A_625 : memref<1x80x64xf32, #tpu.memory_space<hbm>> -> memref<80x64xf32, #tpu.memory_space<hbm>>
          %dma_start3A_627 = arith.constant 0 : i32
          %dma_start3A_628 = tpu.memref_slice %arg7[%arg0, %mul3A_623, %dma_start3A_627] : memref<2x10000x64xf32, #tpu.memory_space<hbm>> -> memref<1x80x64xf32, #tpu.memory_space<hbm>>
          %dma_start3A_629 = tpu.memref_squeeze %dma_start3A_628 : memref<1x80x64xf32, #tpu.memory_space<hbm>> -> memref<80x64xf32, #tpu.memory_space<hbm>>
          tpu.enqueue_dma source(%arg12 : memref<80x64xf32, #tpu.memory_space<vmem>>) target(%dma_start3A_629 : memref<80x64xf32, #tpu.memory_space<hbm>>) target_semaphore(%run_scoped3A : memref<!tpu.dma_semaphore, #tpu.memory_space<semaphore_mem>>)
          %dma_wait3A_630 = arith.constant 0 : i32
          %dma_wait3A_631 = tpu.memref_slice %arg7[%arg0, %mul3A_623, %dma_wait3A_630] : memref<2x10000x64xf32, #tpu.memory_space<hbm>> -> memref<1x80x64xf32, #tpu.memory_space<hbm>>
          %dma_wait3A_632 = tpu.memref_squeeze %dma_wait3A_631 : memref<1x80x64xf32, #tpu.memory_space<hbm>> -> memref<80x64xf32, #tpu.memory_space<hbm>>
          %dma_wait3A_633 = arith.constant 0 : i32
          %dma_wait3A_634 = tpu.memref_slice %arg7[%arg0, %mul3A_623, %dma_wait3A_633] : memref<2x10000x64xf32, #tpu.memory_space<hbm>> -> memref<1x80x64xf32, #tpu.memory_space<hbm>>
          %dma_wait3A_635 = tpu.memref_squeeze %dma_wait3A_634 : memref<1x80x64xf32, #tpu.memory_space<hbm>> -> memref<80x64xf32, #tpu.memory_space<hbm>>
          tpu.wait_dma2 semaphore(%run_scoped3A : memref<!tpu.dma_semaphore, #tpu.memory_space<semaphore_mem>>) src(%arg12 : memref<80x64xf32, #tpu.memory_space<vmem>>) dst(%dma_wait3A_635 : memref<80x64xf32, #tpu.memory_space<hbm>>)
          tpu.yield
        }) : () -> ()
      } else {
      }
      %scan3A_621 = arith.constant 0 : i32
      scf.yield %scan3A_621 : i32
    }
    %scan3A_606 = arith.constant 8 : i32
    %eq3A_607 = arith.constant 0 : i32
    %eq3A_608 = arith.cmpi eq, %arg1, %eq3A_607 : i32
    %convert_element_type3A_609 = arith.extui %eq3A_608 : i1 to i32
    %cond3A_610 = arith.constant 0 : i32
    %cond3A_611 = arith.cmpi ne, %convert_element_type3A_609, %cond3A_610 : i32
    scf.if %cond3A_611 {
      "tpu.region"() ({
        %run_scoped3A = tpu.sem_alloc : memref<!tpu.dma_semaphore, #tpu.memory_space<semaphore_mem>>
        %dma_start3A_612 = arith.constant 0 : i32
        %dma_start3A_613 = tpu.memref_slice %arg18[%dma_start3A_612] : memref<10000xf32, #tpu.memory_space<vmem_shared>> -> memref<2000xf32, #tpu.memory_space<vmem_shared>>
        %dma_start3A_614 = arith.constant 0 : i32
        %dma_start3A_615 = tpu.memref_slice %arg18[%dma_start3A_614] : memref<10000xf32, #tpu.memory_space<vmem_shared>> -> memref<2000xf32, #tpu.memory_space<vmem_shared>>
        tpu.enqueue_dma source(%dma_start3A_615 : memref<2000xf32, #tpu.memory_space<vmem_shared>>) target(%arg17 : memref<2000xf32, #tpu.memory_space<vmem>>) target_semaphore(%run_scoped3A : memref<!tpu.dma_semaphore, #tpu.memory_space<semaphore_mem>>)
        %dma_wait3A_616 = arith.constant 0 : i32
        %dma_wait3A_617 = tpu.memref_slice %arg18[%dma_wait3A_616] : memref<10000xf32, #tpu.memory_space<vmem_shared>> -> memref<2000xf32, #tpu.memory_space<vmem_shared>>
        %dma_wait3A_618 = arith.constant 0 : i32
        %dma_wait3A_619 = tpu.memref_slice %arg18[%dma_wait3A_618] : memref<10000xf32, #tpu.memory_space<vmem_shared>> -> memref<2000xf32, #tpu.memory_space<vmem_shared>>
        tpu.wait_dma2 semaphore(%run_scoped3A : memref<!tpu.dma_semaphore, #tpu.memory_space<semaphore_mem>>) src(%dma_wait3A_619 : memref<2000xf32, #tpu.memory_space<vmem_shared>>) dst(%arg17 : memref<2000xf32, #tpu.memory_space<vmem>>)
        tpu.yield
      }) : () -> ()
      "tpu.region"() ({
        %run_scoped3A = tpu.sem_alloc : memref<!tpu.dma_semaphore, #tpu.memory_space<semaphore_mem>>
        %dma_start3A_612 = arith.constant 0 : i32
        %dma_start3A_613 = tpu.memref_slice %arg8[%arg0, %dma_start3A_612] : memref<2x10000xf32, #tpu.memory_space<hbm>> -> memref<1x2000xf32, #tpu.memory_space<hbm>>
        %dma_start3A_614 = tpu.memref_squeeze %dma_start3A_613 : memref<1x2000xf32, #tpu.memory_space<hbm>> -> memref<2000xf32, #tpu.memory_space<hbm>>
        %dma_start3A_615 = arith.constant 0 : i32
        %dma_start3A_616 = tpu.memref_slice %arg8[%arg0, %dma_start3A_615] : memref<2x10000xf32, #tpu.memory_space<hbm>> -> memref<1x2000xf32, #tpu.memory_space<hbm>>
        %dma_start3A_617 = tpu.memref_squeeze %dma_start3A_616 : memref<1x2000xf32, #tpu.memory_space<hbm>> -> memref<2000xf32, #tpu.memory_space<hbm>>
        tpu.enqueue_dma source(%arg17 : memref<2000xf32, #tpu.memory_space<vmem>>) target(%dma_start3A_617 : memref<2000xf32, #tpu.memory_space<hbm>>) target_semaphore(%run_scoped3A : memref<!tpu.dma_semaphore, #tpu.memory_space<semaphore_mem>>)
        %dma_wait3A_618 = arith.constant 0 : i32
        %dma_wait3A_619 = tpu.memref_slice %arg8[%arg0, %dma_wait3A_618] : memref<2x10000xf32, #tpu.memory_space<hbm>> -> memref<1x2000xf32, #tpu.memory_space<hbm>>
        %dma_wait3A_620 = tpu.memref_squeeze %dma_wait3A_619 : memref<1x2000xf32, #tpu.memory_space<hbm>> -> memref<2000xf32, #tpu.memory_space<hbm>>
        %dma_wait3A_621 = arith.constant 0 : i32
        %dma_wait3A_622 = tpu.memref_slice %arg8[%arg0, %dma_wait3A_621] : memref<2x10000xf32, #tpu.memory_space<hbm>> -> memref<1x2000xf32, #tpu.memory_space<hbm>>
        %dma_wait3A_623 = tpu.memref_squeeze %dma_wait3A_622 : memref<1x2000xf32, #tpu.memory_space<hbm>> -> memref<2000xf32, #tpu.memory_space<hbm>>
        tpu.wait_dma2 semaphore(%run_scoped3A : memref<!tpu.dma_semaphore, #tpu.memory_space<semaphore_mem>>) src(%arg17 : memref<2000xf32, #tpu.memory_space<vmem>>) dst(%dma_wait3A_623 : memref<2000xf32, #tpu.memory_space<hbm>>)
        tpu.yield
      }) : () -> ()
      "tpu.region"() ({
        %run_scoped3A = tpu.sem_alloc : memref<!tpu.dma_semaphore, #tpu.memory_space<semaphore_mem>>
        %dma_start3A_612 = arith.constant 2000 : i32
        %dma_start3A_613 = tpu.memref_slice %arg18[%dma_start3A_612] : memref<10000xf32, #tpu.memory_space<vmem_shared>> -> memref<2000xf32, #tpu.memory_space<vmem_shared>>
        %dma_start3A_614 = arith.constant 2000 : i32
        %dma_start3A_615 = tpu.memref_slice %arg18[%dma_start3A_614] : memref<10000xf32, #tpu.memory_space<vmem_shared>> -> memref<2000xf32, #tpu.memory_space<vmem_shared>>
        tpu.enqueue_dma source(%dma_start3A_615 : memref<2000xf32, #tpu.memory_space<vmem_shared>>) target(%arg17 : memref<2000xf32, #tpu.memory_space<vmem>>) target_semaphore(%run_scoped3A : memref<!tpu.dma_semaphore, #tpu.memory_space<semaphore_mem>>)
        %dma_wait3A_616 = arith.constant 2000 : i32
        %dma_wait3A_617 = tpu.memref_slice %arg18[%dma_wait3A_616] : memref<10000xf32, #tpu.memory_space<vmem_shared>> -> memref<2000xf32, #tpu.memory_space<vmem_shared>>
        %dma_wait3A_618 = arith.constant 2000 : i32
        %dma_wait3A_619 = tpu.memref_slice %arg18[%dma_wait3A_618] : memref<10000xf32, #tpu.memory_space<vmem_shared>> -> memref<2000xf32, #tpu.memory_space<vmem_shared>>
        tpu.wait_dma2 semaphore(%run_scoped3A : memref<!tpu.dma_semaphore, #tpu.memory_space<semaphore_mem>>) src(%dma_wait3A_619 : memref<2000xf32, #tpu.memory_space<vmem_shared>>) dst(%arg17 : memref<2000xf32, #tpu.memory_space<vmem>>)
        tpu.yield
      }) : () -> ()
      "tpu.region"() ({
        %run_scoped3A = tpu.sem_alloc : memref<!tpu.dma_semaphore, #tpu.memory_space<semaphore_mem>>
        %dma_start3A_612 = arith.constant 2000 : i32
        %dma_start3A_613 = tpu.memref_slice %arg8[%arg0, %dma_start3A_612] : memref<2x10000xf32, #tpu.memory_space<hbm>> -> memref<1x2000xf32, #tpu.memory_space<hbm>>
        %dma_start3A_614 = tpu.memref_squeeze %dma_start3A_613 : memref<1x2000xf32, #tpu.memory_space<hbm>> -> memref<2000xf32, #tpu.memory_space<hbm>>
        %dma_start3A_615 = arith.constant 2000 : i32
        %dma_start3A_616 = tpu.memref_slice %arg8[%arg0, %dma_start3A_615] : memref<2x10000xf32, #tpu.memory_space<hbm>> -> memref<1x2000xf32, #tpu.memory_space<hbm>>
        %dma_start3A_617 = tpu.memref_squeeze %dma_start3A_616 : memref<1x2000xf32, #tpu.memory_space<hbm>> -> memref<2000xf32, #tpu.memory_space<hbm>>
        tpu.enqueue_dma source(%arg17 : memref<2000xf32, #tpu.memory_space<vmem>>) target(%dma_start3A_617 : memref<2000xf32, #tpu.memory_space<hbm>>) target_semaphore(%run_scoped3A : memref<!tpu.dma_semaphore, #tpu.memory_space<semaphore_mem>>)
        %dma_wait3A_618 = arith.constant 2000 : i32
        %dma_wait3A_619 = tpu.memref_slice %arg8[%arg0, %dma_wait3A_618] : memref<2x10000xf32, #tpu.memory_space<hbm>> -> memref<1x2000xf32, #tpu.memory_space<hbm>>
        %dma_wait3A_620 = tpu.memref_squeeze %dma_wait3A_619 : memref<1x2000xf32, #tpu.memory_space<hbm>> -> memref<2000xf32, #tpu.memory_space<hbm>>
        %dma_wait3A_621 = arith.constant 2000 : i32
        %dma_wait3A_622 = tpu.memref_slice %arg8[%arg0, %dma_wait3A_621] : memref<2x10000xf32, #tpu.memory_space<hbm>> -> memref<1x2000xf32, #tpu.memory_space<hbm>>
        %dma_wait3A_623 = tpu.memref_squeeze %dma_wait3A_622 : memref<1x2000xf32, #tpu.memory_space<hbm>> -> memref<2000xf32, #tpu.memory_space<hbm>>
        tpu.wait_dma2 semaphore(%run_scoped3A : memref<!tpu.dma_semaphore, #tpu.memory_space<semaphore_mem>>) src(%arg17 : memref<2000xf32, #tpu.memory_space<vmem>>) dst(%dma_wait3A_623 : memref<2000xf32, #tpu.memory_space<hbm>>)
        tpu.yield
      }) : () -> ()
      "tpu.region"() ({
        %run_scoped3A = tpu.sem_alloc : memref<!tpu.dma_semaphore, #tpu.memory_space<semaphore_mem>>
        %dma_start3A_612 = arith.constant 4000 : i32
        %dma_start3A_613 = tpu.memref_slice %arg18[%dma_start3A_612] : memref<10000xf32, #tpu.memory_space<vmem_shared>> -> memref<2000xf32, #tpu.memory_space<vmem_shared>>
        %dma_start3A_614 = arith.constant 4000 : i32
        %dma_start3A_615 = tpu.memref_slice %arg18[%dma_start3A_614] : memref<10000xf32, #tpu.memory_space<vmem_shared>> -> memref<2000xf32, #tpu.memory_space<vmem_shared>>
        tpu.enqueue_dma source(%dma_start3A_615 : memref<2000xf32, #tpu.memory_space<vmem_shared>>) target(%arg17 : memref<2000xf32, #tpu.memory_space<vmem>>) target_semaphore(%run_scoped3A : memref<!tpu.dma_semaphore, #tpu.memory_space<semaphore_mem>>)
        %dma_wait3A_616 = arith.constant 4000 : i32
        %dma_wait3A_617 = tpu.memref_slice %arg18[%dma_wait3A_616] : memref<10000xf32, #tpu.memory_space<vmem_shared>> -> memref<2000xf32, #tpu.memory_space<vmem_shared>>
        %dma_wait3A_618 = arith.constant 4000 : i32
        %dma_wait3A_619 = tpu.memref_slice %arg18[%dma_wait3A_618] : memref<10000xf32, #tpu.memory_space<vmem_shared>> -> memref<2000xf32, #tpu.memory_space<vmem_shared>>
        tpu.wait_dma2 semaphore(%run_scoped3A : memref<!tpu.dma_semaphore, #tpu.memory_space<semaphore_mem>>) src(%dma_wait3A_619 : memref<2000xf32, #tpu.memory_space<vmem_shared>>) dst(%arg17 : memref<2000xf32, #tpu.memory_space<vmem>>)
        tpu.yield
      }) : () -> ()
      "tpu.region"() ({
        %run_scoped3A = tpu.sem_alloc : memref<!tpu.dma_semaphore, #tpu.memory_space<semaphore_mem>>
        %dma_start3A_612 = arith.constant 4000 : i32
        %dma_start3A_613 = tpu.memref_slice %arg8[%arg0, %dma_start3A_612] : memref<2x10000xf32, #tpu.memory_space<hbm>> -> memref<1x2000xf32, #tpu.memory_space<hbm>>
        %dma_start3A_614 = tpu.memref_squeeze %dma_start3A_613 : memref<1x2000xf32, #tpu.memory_space<hbm>> -> memref<2000xf32, #tpu.memory_space<hbm>>
        %dma_start3A_615 = arith.constant 4000 : i32
        %dma_start3A_616 = tpu.memref_slice %arg8[%arg0, %dma_start3A_615] : memref<2x10000xf32, #tpu.memory_space<hbm>> -> memref<1x2000xf32, #tpu.memory_space<hbm>>
        %dma_start3A_617 = tpu.memref_squeeze %dma_start3A_616 : memref<1x2000xf32, #tpu.memory_space<hbm>> -> memref<2000xf32, #tpu.memory_space<hbm>>
        tpu.enqueue_dma source(%arg17 : memref<2000xf32, #tpu.memory_space<vmem>>) target(%dma_start3A_617 : memref<2000xf32, #tpu.memory_space<hbm>>) target_semaphore(%run_scoped3A : memref<!tpu.dma_semaphore, #tpu.memory_space<semaphore_mem>>)
        %dma_wait3A_618 = arith.constant 4000 : i32
        %dma_wait3A_619 = tpu.memref_slice %arg8[%arg0, %dma_wait3A_618] : memref<2x10000xf32, #tpu.memory_space<hbm>> -> memref<1x2000xf32, #tpu.memory_space<hbm>>
        %dma_wait3A_620 = tpu.memref_squeeze %dma_wait3A_619 : memref<1x2000xf32, #tpu.memory_space<hbm>> -> memref<2000xf32, #tpu.memory_space<hbm>>
        %dma_wait3A_621 = arith.constant 4000 : i32
        %dma_wait3A_622 = tpu.memref_slice %arg8[%arg0, %dma_wait3A_621] : memref<2x10000xf32, #tpu.memory_space<hbm>> -> memref<1x2000xf32, #tpu.memory_space<hbm>>
        %dma_wait3A_623 = tpu.memref_squeeze %dma_wait3A_622 : memref<1x2000xf32, #tpu.memory_space<hbm>> -> memref<2000xf32, #tpu.memory_space<hbm>>
        tpu.wait_dma2 semaphore(%run_scoped3A : memref<!tpu.dma_semaphore, #tpu.memory_space<semaphore_mem>>) src(%arg17 : memref<2000xf32, #tpu.memory_space<vmem>>) dst(%dma_wait3A_623 : memref<2000xf32, #tpu.memory_space<hbm>>)
        tpu.yield
      }) : () -> ()
      "tpu.region"() ({
        %run_scoped3A = tpu.sem_alloc : memref<!tpu.dma_semaphore, #tpu.memory_space<semaphore_mem>>
        %dma_start3A_612 = arith.constant 6000 : i32
        %dma_start3A_613 = tpu.memref_slice %arg18[%dma_start3A_612] : memref<10000xf32, #tpu.memory_space<vmem_shared>> -> memref<2000xf32, #tpu.memory_space<vmem_shared>>
        %dma_start3A_614 = arith.constant 6000 : i32
        %dma_start3A_615 = tpu.memref_slice %arg18[%dma_start3A_614] : memref<10000xf32, #tpu.memory_space<vmem_shared>> -> memref<2000xf32, #tpu.memory_space<vmem_shared>>
        tpu.enqueue_dma source(%dma_start3A_615 : memref<2000xf32, #tpu.memory_space<vmem_shared>>) target(%arg17 : memref<2000xf32, #tpu.memory_space<vmem>>) target_semaphore(%run_scoped3A : memref<!tpu.dma_semaphore, #tpu.memory_space<semaphore_mem>>)
        %dma_wait3A_616 = arith.constant 6000 : i32
        %dma_wait3A_617 = tpu.memref_slice %arg18[%dma_wait3A_616] : memref<10000xf32, #tpu.memory_space<vmem_shared>> -> memref<2000xf32, #tpu.memory_space<vmem_shared>>
        %dma_wait3A_618 = arith.constant 6000 : i32
        %dma_wait3A_619 = tpu.memref_slice %arg18[%dma_wait3A_618] : memref<10000xf32, #tpu.memory_space<vmem_shared>> -> memref<2000xf32, #tpu.memory_space<vmem_shared>>
        tpu.wait_dma2 semaphore(%run_scoped3A : memref<!tpu.dma_semaphore, #tpu.memory_space<semaphore_mem>>) src(%dma_wait3A_619 : memref<2000xf32, #tpu.memory_space<vmem_shared>>) dst(%arg17 : memref<2000xf32, #tpu.memory_space<vmem>>)
        tpu.yield
      }) : () -> ()
      "tpu.region"() ({
        %run_scoped3A = tpu.sem_alloc : memref<!tpu.dma_semaphore, #tpu.memory_space<semaphore_mem>>
        %dma_start3A_612 = arith.constant 6000 : i32
        %dma_start3A_613 = tpu.memref_slice %arg8[%arg0, %dma_start3A_612] : memref<2x10000xf32, #tpu.memory_space<hbm>> -> memref<1x2000xf32, #tpu.memory_space<hbm>>
        %dma_start3A_614 = tpu.memref_squeeze %dma_start3A_613 : memref<1x2000xf32, #tpu.memory_space<hbm>> -> memref<2000xf32, #tpu.memory_space<hbm>>
        %dma_start3A_615 = arith.constant 6000 : i32
        %dma_start3A_616 = tpu.memref_slice %arg8[%arg0, %dma_start3A_615] : memref<2x10000xf32, #tpu.memory_space<hbm>> -> memref<1x2000xf32, #tpu.memory_space<hbm>>
        %dma_start3A_617 = tpu.memref_squeeze %dma_start3A_616 : memref<1x2000xf32, #tpu.memory_space<hbm>> -> memref<2000xf32, #tpu.memory_space<hbm>>
        tpu.enqueue_dma source(%arg17 : memref<2000xf32, #tpu.memory_space<vmem>>) target(%dma_start3A_617 : memref<2000xf32, #tpu.memory_space<hbm>>) target_semaphore(%run_scoped3A : memref<!tpu.dma_semaphore, #tpu.memory_space<semaphore_mem>>)
        %dma_wait3A_618 = arith.constant 6000 : i32
        %dma_wait3A_619 = tpu.memref_slice %arg8[%arg0, %dma_wait3A_618] : memref<2x10000xf32, #tpu.memory_space<hbm>> -> memref<1x2000xf32, #tpu.memory_space<hbm>>
        %dma_wait3A_620 = tpu.memref_squeeze %dma_wait3A_619 : memref<1x2000xf32, #tpu.memory_space<hbm>> -> memref<2000xf32, #tpu.memory_space<hbm>>
        %dma_wait3A_621 = arith.constant 6000 : i32
        %dma_wait3A_622 = tpu.memref_slice %arg8[%arg0, %dma_wait3A_621] : memref<2x10000xf32, #tpu.memory_space<hbm>> -> memref<1x2000xf32, #tpu.memory_space<hbm>>
        %dma_wait3A_623 = tpu.memref_squeeze %dma_wait3A_622 : memref<1x2000xf32, #tpu.memory_space<hbm>> -> memref<2000xf32, #tpu.memory_space<hbm>>
        tpu.wait_dma2 semaphore(%run_scoped3A : memref<!tpu.dma_semaphore, #tpu.memory_space<semaphore_mem>>) src(%arg17 : memref<2000xf32, #tpu.memory_space<vmem>>) dst(%dma_wait3A_623 : memref<2000xf32, #tpu.memory_space<hbm>>)
        tpu.yield
      }) : () -> ()
      "tpu.region"() ({
        %run_scoped3A = tpu.sem_alloc : memref<!tpu.dma_semaphore, #tpu.memory_space<semaphore_mem>>
        %dma_start3A_612 = arith.constant 8000 : i32
        %dma_start3A_613 = tpu.memref_slice %arg18[%dma_start3A_612] : memref<10000xf32, #tpu.memory_space<vmem_shared>> -> memref<2000xf32, #tpu.memory_space<vmem_shared>>
        %dma_start3A_614 = arith.constant 8000 : i32
        %dma_start3A_615 = tpu.memref_slice %arg18[%dma_start3A_614] : memref<10000xf32, #tpu.memory_space<vmem_shared>> -> memref<2000xf32, #tpu.memory_space<vmem_shared>>
        tpu.enqueue_dma source(%dma_start3A_615 : memref<2000xf32, #tpu.memory_space<vmem_shared>>) target(%arg17 : memref<2000xf32, #tpu.memory_space<vmem>>) target_semaphore(%run_scoped3A : memref<!tpu.dma_semaphore, #tpu.memory_space<semaphore_mem>>)
        %dma_wait3A_616 = arith.constant 8000 : i32
        %dma_wait3A_617 = tpu.memref_slice %arg18[%dma_wait3A_616] : memref<10000xf32, #tpu.memory_space<vmem_shared>> -> memref<2000xf32, #tpu.memory_space<vmem_shared>>
        %dma_wait3A_618 = arith.constant 8000 : i32
        %dma_wait3A_619 = tpu.memref_slice %arg18[%dma_wait3A_618] : memref<10000xf32, #tpu.memory_space<vmem_shared>> -> memref<2000xf32, #tpu.memory_space<vmem_shared>>
        tpu.wait_dma2 semaphore(%run_scoped3A : memref<!tpu.dma_semaphore, #tpu.memory_space<semaphore_mem>>) src(%dma_wait3A_619 : memref<2000xf32, #tpu.memory_space<vmem_shared>>) dst(%arg17 : memref<2000xf32, #tpu.memory_space<vmem>>)
        tpu.yield
      }) : () -> ()
      "tpu.region"() ({
        %run_scoped3A = tpu.sem_alloc : memref<!tpu.dma_semaphore, #tpu.memory_space<semaphore_mem>>
        %dma_start3A_612 = arith.constant 8000 : i32
        %dma_start3A_613 = tpu.memref_slice %arg8[%arg0, %dma_start3A_612] : memref<2x10000xf32, #tpu.memory_space<hbm>> -> memref<1x2000xf32, #tpu.memory_space<hbm>>
        %dma_start3A_614 = tpu.memref_squeeze %dma_start3A_613 : memref<1x2000xf32, #tpu.memory_space<hbm>> -> memref<2000xf32, #tpu.memory_space<hbm>>
        %dma_start3A_615 = arith.constant 8000 : i32
        %dma_start3A_616 = tpu.memref_slice %arg8[%arg0, %dma_start3A_615] : memref<2x10000xf32, #tpu.memory_space<hbm>> -> memref<1x2000xf32, #tpu.memory_space<hbm>>
        %dma_start3A_617 = tpu.memref_squeeze %dma_start3A_616 : memref<1x2000xf32, #tpu.memory_space<hbm>> -> memref<2000xf32, #tpu.memory_space<hbm>>
        tpu.enqueue_dma source(%arg17 : memref<2000xf32, #tpu.memory_space<vmem>>) target(%dma_start3A_617 : memref<2000xf32, #tpu.memory_space<hbm>>) target_semaphore(%run_scoped3A : memref<!tpu.dma_semaphore, #tpu.memory_space<semaphore_mem>>)
        %dma_wait3A_618 = arith.constant 8000 : i32
        %dma_wait3A_619 = tpu.memref_slice %arg8[%arg0, %dma_wait3A_618] : memref<2x10000xf32, #tpu.memory_space<hbm>> -> memref<1x2000xf32, #tpu.memory_space<hbm>>
        %dma_wait3A_620 = tpu.memref_squeeze %dma_wait3A_619 : memref<1x2000xf32, #tpu.memory_space<hbm>> -> memref<2000xf32, #tpu.memory_space<hbm>>
        %dma_wait3A_621 = arith.constant 8000 : i32
        %dma_wait3A_622 = tpu.memref_slice %arg8[%arg0, %dma_wait3A_621] : memref<2x10000xf32, #tpu.memory_space<hbm>> -> memref<1x2000xf32, #tpu.memory_space<hbm>>
        %dma_wait3A_623 = tpu.memref_squeeze %dma_wait3A_622 : memref<1x2000xf32, #tpu.memory_space<hbm>> -> memref<2000xf32, #tpu.memory_space<hbm>>
        tpu.wait_dma2 semaphore(%run_scoped3A : memref<!tpu.dma_semaphore, #tpu.memory_space<semaphore_mem>>) src(%arg17 : memref<2000xf32, #tpu.memory_space<vmem>>) dst(%dma_wait3A_623 : memref<2000xf32, #tpu.memory_space<hbm>>)
        tpu.yield
      }) : () -> ()
    } else {
    }
    return
  }
}

#map = affine_map<(d0, d1) -> (0, 0)>
#map1 = affine_map<(d0, d1) -> (0, 0, 0)>
module attributes {stable_mosaic.version = 14 : i64} {
  func.func @body(%arg0: i32, %arg1: i32, %arg2: memref<10000x64xf32, #tpu.memory_space<hbm>>, %arg3: memref<10000x64xf32, #tpu.memory_space<hbm>>, %arg4: memref<32x125x80xi32, #tpu.memory_space<hbm>>, %arg5: memref<32x125x80xi32, #tpu.memory_space<hbm>>, %arg6: memref<2x10000x64xf32, #tpu.memory_space<hbm>>, %arg7: memref<2x10000x64xf32, #tpu.memory_space<hbm>>, %arg8: memref<125x80xi32, #tpu.memory_space<vmem>>, %arg9: memref<125x80xi32, #tpu.memory_space<vmem>>, %arg10: memref<12x80x64xf32, #tpu.memory_space<vmem>>, %arg11: memref<80x64xf32, #tpu.memory_space<vmem>>, %arg12: memref<10000x64xf32, #tpu.memory_space<vmem_shared>>, %arg13: memref<12x!tpu.dma_semaphore, #tpu.memory_space<semaphore_mem>>, %arg14: memref<12x!tpu.dma_semaphore, #tpu.memory_space<semaphore_mem>>) attributes {dimension_semantics = [#tpu.dimension_semantics<core_parallel>, #tpu.dimension_semantics<subcore_parallel>], iteration_bounds = array<i64: 2, 16>, scalar_prefetch = 0 : i64, scratch_operands = 7 : i64, tpu.core_type = #tpu.core_type<sc_vector_subcore>, window_params = [{transform_indices = #map}, {transform_indices = #map}, {transform_indices = #map1}, {transform_indices = #map1}, {transform_indices = #map1}, {transform_indices = #map1}]} {
    %mul3A = arith.constant 2 : i32
    %mul3A_0 = arith.muli %arg1, %mul3A : i32
    %add3A = arith.addi %mul3A_0, %arg0 : i32
    "tpu.region"() ({
      %run_scoped3A = tpu.sem_alloc : memref<!tpu.dma_semaphore, #tpu.memory_space<semaphore_mem>>
      %dma_start3A_598 = arith.constant 0 : i32
      %dma_start3A_599 = arith.constant 0 : i32
      %dma_start3A_600 = tpu.memref_slice %arg4[%add3A, %dma_start3A_598, %dma_start3A_599] : memref<32x125x80xi32, #tpu.memory_space<hbm>> -> memref<1x125x80xi32, #tpu.memory_space<hbm>>
      %dma_start3A_601 = tpu.memref_squeeze %dma_start3A_600 : memref<1x125x80xi32, #tpu.memory_space<hbm>> -> memref<125x80xi32, #tpu.memory_space<hbm>>
      %dma_start3A_602 = arith.constant 0 : i32
      %dma_start3A_603 = arith.constant 0 : i32
      %dma_start3A_604 = tpu.memref_slice %arg4[%add3A, %dma_start3A_602, %dma_start3A_603] : memref<32x125x80xi32, #tpu.memory_space<hbm>> -> memref<1x125x80xi32, #tpu.memory_space<hbm>>
      %dma_start3A_605 = tpu.memref_squeeze %dma_start3A_604 : memref<1x125x80xi32, #tpu.memory_space<hbm>> -> memref<125x80xi32, #tpu.memory_space<hbm>>
      tpu.enqueue_dma source(%dma_start3A_605 : memref<125x80xi32, #tpu.memory_space<hbm>>) target(%arg8 : memref<125x80xi32, #tpu.memory_space<vmem>>) target_semaphore(%run_scoped3A : memref<!tpu.dma_semaphore, #tpu.memory_space<semaphore_mem>>)
      %dma_wait3A_606 = arith.constant 0 : i32
      %dma_wait3A_607 = arith.constant 0 : i32
      %dma_wait3A_608 = tpu.memref_slice %arg4[%add3A, %dma_wait3A_606, %dma_wait3A_607] : memref<32x125x80xi32, #tpu.memory_space<hbm>> -> memref<1x125x80xi32, #tpu.memory_space<hbm>>
      %dma_wait3A_609 = tpu.memref_squeeze %dma_wait3A_608 : memref<1x125x80xi32, #tpu.memory_space<hbm>> -> memref<125x80xi32, #tpu.memory_space<hbm>>
      %dma_wait3A_610 = arith.constant 0 : i32
      %dma_wait3A_611 = arith.constant 0 : i32
      %dma_wait3A_612 = tpu.memref_slice %arg4[%add3A, %dma_wait3A_610, %dma_wait3A_611] : memref<32x125x80xi32, #tpu.memory_space<hbm>> -> memref<1x125x80xi32, #tpu.memory_space<hbm>>
      %dma_wait3A_613 = tpu.memref_squeeze %dma_wait3A_612 : memref<1x125x80xi32, #tpu.memory_space<hbm>> -> memref<125x80xi32, #tpu.memory_space<hbm>>
      tpu.wait_dma2 semaphore(%run_scoped3A : memref<!tpu.dma_semaphore, #tpu.memory_space<semaphore_mem>>) src(%dma_wait3A_613 : memref<125x80xi32, #tpu.memory_space<hbm>>) dst(%arg8 : memref<125x80xi32, #tpu.memory_space<vmem>>)
      tpu.yield
    }) : () -> ()
    "tpu.region"() ({
      %run_scoped3A = tpu.sem_alloc : memref<!tpu.dma_semaphore, #tpu.memory_space<semaphore_mem>>
      %dma_start3A_598 = arith.constant 0 : i32
      %dma_start3A_599 = arith.constant 0 : i32
      %dma_start3A_600 = tpu.memref_slice %arg5[%add3A, %dma_start3A_598, %dma_start3A_599] : memref<32x125x80xi32, #tpu.memory_space<hbm>> -> memref<1x125x80xi32, #tpu.memory_space<hbm>>
      %dma_start3A_601 = tpu.memref_squeeze %dma_start3A_600 : memref<1x125x80xi32, #tpu.memory_space<hbm>> -> memref<125x80xi32, #tpu.memory_space<hbm>>
      %dma_start3A_602 = arith.constant 0 : i32
      %dma_start3A_603 = arith.constant 0 : i32
      %dma_start3A_604 = tpu.memref_slice %arg5[%add3A, %dma_start3A_602, %dma_start3A_603] : memref<32x125x80xi32, #tpu.memory_space<hbm>> -> memref<1x125x80xi32, #tpu.memory_space<hbm>>
      %dma_start3A_605 = tpu.memref_squeeze %dma_start3A_604 : memref<1x125x80xi32, #tpu.memory_space<hbm>> -> memref<125x80xi32, #tpu.memory_space<hbm>>
      tpu.enqueue_dma source(%dma_start3A_605 : memref<125x80xi32, #tpu.memory_space<hbm>>) target(%arg9 : memref<125x80xi32, #tpu.memory_space<vmem>>) target_semaphore(%run_scoped3A : memref<!tpu.dma_semaphore, #tpu.memory_space<semaphore_mem>>)
      %dma_wait3A_606 = arith.constant 0 : i32
      %dma_wait3A_607 = arith.constant 0 : i32
      %dma_wait3A_608 = tpu.memref_slice %arg5[%add3A, %dma_wait3A_606, %dma_wait3A_607] : memref<32x125x80xi32, #tpu.memory_space<hbm>> -> memref<1x125x80xi32, #tpu.memory_space<hbm>>
      %dma_wait3A_609 = tpu.memref_squeeze %dma_wait3A_608 : memref<1x125x80xi32, #tpu.memory_space<hbm>> -> memref<125x80xi32, #tpu.memory_space<hbm>>
      %dma_wait3A_610 = arith.constant 0 : i32
      %dma_wait3A_611 = arith.constant 0 : i32
      %dma_wait3A_612 = tpu.memref_slice %arg5[%add3A, %dma_wait3A_610, %dma_wait3A_611] : memref<32x125x80xi32, #tpu.memory_space<hbm>> -> memref<1x125x80xi32, #tpu.memory_space<hbm>>
      %dma_wait3A_613 = tpu.memref_squeeze %dma_wait3A_612 : memref<1x125x80xi32, #tpu.memory_space<hbm>> -> memref<125x80xi32, #tpu.memory_space<hbm>>
      tpu.wait_dma2 semaphore(%run_scoped3A : memref<!tpu.dma_semaphore, #tpu.memory_space<semaphore_mem>>) src(%dma_wait3A_613 : memref<125x80xi32, #tpu.memory_space<hbm>>) dst(%arg9 : memref<125x80xi32, #tpu.memory_space<vmem>>)
      tpu.yield
    }) : () -> ()
    %broadcast_in_dim3A = arith.constant 0.000000e+00 : f32
    %broadcast_in_dim3A_1 = vector.broadcast %broadcast_in_dim3A : f32 to vector<16xf32>
    %scan3A = arith.constant 0 : i32
    %scan3A_2 = arith.constant 0 : i32
    %scan3A_3 = arith.constant 320 : i32
    %scan3A_4 = arith.addi %scan3A_2, %scan3A_3 : i32
    %scan3A_5 = arith.constant 1 : i32
    %scan3A_6 = scf.for %scan3A_598 = %scan3A_2 to %scan3A_4 step %scan3A_5 iter_args(%scan3A_599 = %scan3A) -> (i32)  : i32 {
      %jit3A = arith.constant 4 : i32
      %div3A = arith.divsi %scan3A_598, %jit3A : i32
      %sign3A = arith.constant 0 : i32
      %sign3A_600 = arith.cmpi sgt, %scan3A_598, %sign3A : i32
      %sign3A_601 = arith.extui %sign3A_600 : i1 to i32
      %sign3A_602 = arith.constant 0 : i32
      %sign3A_603 = arith.cmpi slt, %scan3A_598, %sign3A_602 : i32
      %sign3A_604 = arith.extui %sign3A_603 : i1 to i32
      %sign3A_605 = arith.subi %sign3A_601, %sign3A_604 : i32
      %sign3A_606 = arith.constant 0 : i32
      %sign3A_607 = arith.cmpi sgt, %jit3A, %sign3A_606 : i32
      %sign3A_608 = arith.extui %sign3A_607 : i1 to i32
      %sign3A_609 = arith.constant 0 : i32
      %sign3A_610 = arith.cmpi slt, %jit3A, %sign3A_609 : i32
      %sign3A_611 = arith.extui %sign3A_610 : i1 to i32
      %sign3A_612 = arith.subi %sign3A_608, %sign3A_611 : i32
      %ne3A = arith.cmpi ne, %sign3A_605, %sign3A_612 : i32
      %rem3A = arith.remsi %scan3A_598, %jit3A : i32
      %ne3A_613 = arith.constant 0 : i32
      %ne3A_614 = arith.cmpi ne, %rem3A, %ne3A_613 : i32
      %and3A = arith.andi %ne3A, %ne3A_614 : i1
      %sub3A = arith.constant 1 : i32
      %sub3A_615 = arith.subi %div3A, %sub3A : i32
      %select_n3A = arith.select %and3A, %sub3A_615, %div3A : i32
      %jit3A_616 = arith.constant 4 : i32
      %eq3A = arith.constant 0 : i32
      %eq3A_617 = arith.cmpi eq, %jit3A_616, %eq3A : i32
      %jit3A_618 = arith.constant 1 : i32
      %select_n3A_619 = arith.select %eq3A_617, %jit3A_618, %jit3A_616 : i32
      %rem3A_620 = arith.remsi %scan3A_598, %select_n3A_619 : i32
      %ne3A_621 = arith.constant 0 : i32
      %ne3A_622 = arith.cmpi ne, %rem3A_620, %ne3A_621 : i32
      %lt3A = arith.constant 0 : i32
      %lt3A_623 = arith.cmpi slt, %rem3A_620, %lt3A : i32
      %lt3A_624 = arith.constant 0 : i32
      %lt3A_625 = arith.cmpi slt, %select_n3A_619, %lt3A_624 : i32
      %ne3A_626 = arith.xori %lt3A_623, %lt3A_625 : i1
      %and3A_627 = arith.andi %ne3A_626, %ne3A_622 : i1
      %add3A_628 = arith.addi %rem3A_620, %select_n3A_619 : i32
      %select_n3A_629 = arith.select %and3A_627, %add3A_628, %rem3A_620 : i32
      %mul3A_630 = arith.constant 16 : i32
      %mul3A_631 = arith.muli %select_n3A_629, %mul3A_630 : i32
      %swap3A = arith.index_cast %select_n3A : i32 to index
      %swap3A_632 = arith.index_cast %mul3A_631 : i32 to index
      %swap3A_633 = tpu.vector_load %arg11[%swap3A, %swap3A_632] {strides = array<i32>} : memref<80x64xf32, #tpu.memory_space<vmem>>, vector<1x16xf32>,
      %swap3A_634 = vector.shape_cast %swap3A_633 : vector<1x16xf32> to vector<16xf32>
      %swap3A_635 = vector.shape_cast %broadcast_in_dim3A_1 : vector<16xf32> to vector<1x16xf32>
      tpu.vector_store %arg11[%swap3A, %swap3A_632], %swap3A_635 {strides = array<i32>} : memref<80x64xf32, #tpu.memory_space<vmem>>, vector<1x16xf32>,
      %scan3A_636 = arith.constant 0 : i32
      scf.yield %scan3A_636 : i32
    }
    %scan3A_7 = arith.constant 320 : i32
    %scan3A_8 = arith.constant 0 : i32
    %scan3A_9 = arith.constant 0 : i32
    %scan3A_10 = arith.constant 8 : i32
    %scan3A_11 = arith.addi %scan3A_9, %scan3A_10 : i32
    %scan3A_12 = arith.constant 1 : i32
    %scan3A_13 = scf.for %scan3A_598 = %scan3A_9 to %scan3A_11 step %scan3A_12 iter_args(%scan3A_599 = %scan3A_8) -> (i32)  : i32 {
      %mul3A_600 = arith.constant 16 : i32
      %mul3A_601 = arith.muli %scan3A_598, %mul3A_600 : i32
      %add3A_602 = arith.addi %arg1, %mul3A_601 : i32
      %lt3A = arith.constant 125 : i32
      %lt3A_603 = arith.cmpi slt, %add3A_602, %lt3A : i32
      %convert_element_type3A = arith.extui %lt3A_603 : i1 to i32
      %cond3A = arith.constant 0 : i32
      %cond3A_604 = arith.cmpi ne, %convert_element_type3A, %cond3A : i32
      scf.if %cond3A_604 {
        %mul3A_606 = arith.constant 80 : i32
        %mul3A_607 = arith.muli %add3A_602, %mul3A_606 : i32
        "tpu.region"() ({
          %run_scoped3A = tpu.sem_alloc : memref<!tpu.dma_semaphore, #tpu.memory_space<semaphore_mem>>
          %dma_start3A_608 = arith.constant 0 : i32
          %dma_start3A_609 = tpu.memref_slice %arg12[%mul3A_607, %dma_start3A_608] : memref<10000x64xf32, #tpu.memory_space<vmem_shared>> -> memref<80x64xf32, #tpu.memory_space<vmem_shared>>
          %dma_start3A_610 = arith.constant 0 : i32
          %dma_start3A_611 = tpu.memref_slice %arg12[%mul3A_607, %dma_start3A_610] : memref<10000x64xf32, #tpu.memory_space<vmem_shared>> -> memref<80x64xf32, #tpu.memory_space<vmem_shared>>
          tpu.enqueue_dma source(%arg11 : memref<80x64xf32, #tpu.memory_space<vmem>>) target(%dma_start3A_611 : memref<80x64xf32, #tpu.memory_space<vmem_shared>>) target_semaphore(%run_scoped3A : memref<!tpu.dma_semaphore, #tpu.memory_space<semaphore_mem>>)
          %dma_wait3A_612 = arith.constant 0 : i32
          %dma_wait3A_613 = tpu.memref_slice %arg12[%mul3A_607, %dma_wait3A_612] : memref<10000x64xf32, #tpu.memory_space<vmem_shared>> -> memref<80x64xf32, #tpu.memory_space<vmem_shared>>
          %dma_wait3A_614 = arith.constant 0 : i32
          %dma_wait3A_615 = tpu.memref_slice %arg12[%mul3A_607, %dma_wait3A_614] : memref<10000x64xf32, #tpu.memory_space<vmem_shared>> -> memref<80x64xf32, #tpu.memory_space<vmem_shared>>
          tpu.wait_dma2 semaphore(%run_scoped3A : memref<!tpu.dma_semaphore, #tpu.memory_space<semaphore_mem>>) src(%arg11 : memref<80x64xf32, #tpu.memory_space<vmem>>) dst(%dma_wait3A_615 : memref<80x64xf32, #tpu.memory_space<vmem_shared>>)
          tpu.yield
        }) : () -> ()
      } else {
      }
      %scan3A_605 = arith.constant 0 : i32
      scf.yield %scan3A_605 : i32
    }
    %scan3A_14 = arith.constant 8 : i32
    %barrier3A = arith.constant 0 : index
    tpu.barrier barrier_id(%barrier3A)
    %dma_start3A = arith.constant 0 : i32
    %dma_start3A_15 = arith.constant 0 : i32
    %dma_start3A_16 = arith.constant 0 : i32
    %dma_start3A_17 = arith.constant 0 : i32
    %dma_start3A_18 = arith.constant 0 : i32
    %dma_start3A_19 = tpu.memref_slice %arg10[%dma_start3A_15, %dma_start3A_17, %dma_start3A_18] : memref<12x80x64xf32, #tpu.memory_space<vmem>> -> memref<1x80x64xf32, #tpu.memory_space<vmem>>
    %dma_start3A_20 = tpu.memref_squeeze %dma_start3A_19 : memref<1x80x64xf32, #tpu.memory_space<vmem>> -> memref<80x64xf32, #tpu.memory_space<vmem>>
    %dma_start3A_21 = arith.constant 0 : i32
    %dma_start3A_22 = tpu.memref_slice %arg8[%dma_start3A, %dma_start3A_21] : memref<125x80xi32, #tpu.memory_space<vmem>> -> memref<1x80xi32, #tpu.memory_space<vmem>>
    %dma_start3A_23 = tpu.memref_squeeze %dma_start3A_22 : memref<1x80xi32, #tpu.memory_space<vmem>> -> memref<80xi32, #tpu.memory_space<vmem>>
    %dma_start3A_24 = arith.constant 0 : i32
    %dma_start3A_25 = arith.constant 0 : i32
    %dma_start3A_26 = tpu.memref_slice %arg2[%dma_start3A_24, %dma_start3A_25] : memref<10000x64xf32, #tpu.memory_space<hbm>> -> memref<10000x64xf32, #tpu.memory_space<hbm>>
    %dma_start3A_27 = tpu.memref_slice %arg13[%dma_start3A_16] : memref<12x!tpu.dma_semaphore, #tpu.memory_space<semaphore_mem>> -> memref<1x!tpu.dma_semaphore, #tpu.memory_space<semaphore_mem>>
    %dma_start3A_28 = tpu.memref_squeeze %dma_start3A_27 : memref<1x!tpu.dma_semaphore, #tpu.memory_space<semaphore_mem>> -> memref<!tpu.dma_semaphore, #tpu.memory_space<semaphore_mem>>
    tpu.enqueue_indirect_dma source(%dma_start3A_26 : memref<10000x64xf32, #tpu.memory_space<hbm>>) target(%dma_start3A_20 : memref<80x64xf32, #tpu.memory_space<vmem>>) offsets(%dma_start3A_23 : memref<80xi32, #tpu.memory_space<vmem>>) semaphore(%dma_start3A_28 : memref<!tpu.dma_semaphore, #tpu.memory_space<semaphore_mem>>)
    %dma_start3A_29 = arith.constant 1 : i32
    %dma_start3A_30 = arith.constant 1 : i32
    %dma_start3A_31 = arith.constant 1 : i32
    %dma_start3A_32 = arith.constant 0 : i32
    %dma_start3A_33 = arith.constant 0 : i32
    %dma_start3A_34 = tpu.memref_slice %arg10[%dma_start3A_30, %dma_start3A_32, %dma_start3A_33] : memref<12x80x64xf32, #tpu.memory_space<vmem>> -> memref<1x80x64xf32, #tpu.memory_space<vmem>>
    %dma_start3A_35 = tpu.memref_squeeze %dma_start3A_34 : memref<1x80x64xf32, #tpu.memory_space<vmem>> -> memref<80x64xf32, #tpu.memory_space<vmem>>
    %dma_start3A_36 = arith.constant 0 : i32
    %dma_start3A_37 = tpu.memref_slice %arg8[%dma_start3A_29, %dma_start3A_36] : memref<125x80xi32, #tpu.memory_space<vmem>> -> memref<1x80xi32, #tpu.memory_space<vmem>>
    %dma_start3A_38 = tpu.memref_squeeze %dma_start3A_37 : memref<1x80xi32, #tpu.memory_space<vmem>> -> memref<80xi32, #tpu.memory_space<vmem>>
    %dma_start3A_39 = arith.constant 0 : i32
    %dma_start3A_40 = arith.constant 0 : i32
    %dma_start3A_41 = tpu.memref_slice %arg2[%dma_start3A_39, %dma_start3A_40] : memref<10000x64xf32, #tpu.memory_space<hbm>> -> memref<10000x64xf32, #tpu.memory_space<hbm>>
    %dma_start3A_42 = tpu.memref_slice %arg13[%dma_start3A_31] : memref<12x!tpu.dma_semaphore, #tpu.memory_space<semaphore_mem>> -> memref<1x!tpu.dma_semaphore, #tpu.memory_space<semaphore_mem>>
    %dma_start3A_43 = tpu.memref_squeeze %dma_start3A_42 : memref<1x!tpu.dma_semaphore, #tpu.memory_space<semaphore_mem>> -> memref<!tpu.dma_semaphore, #tpu.memory_space<semaphore_mem>>
    tpu.enqueue_indirect_dma source(%dma_start3A_41 : memref<10000x64xf32, #tpu.memory_space<hbm>>) target(%dma_start3A_35 : memref<80x64xf32, #tpu.memory_space<vmem>>) offsets(%dma_start3A_38 : memref<80xi32, #tpu.memory_space<vmem>>) semaphore(%dma_start3A_43 : memref<!tpu.dma_semaphore, #tpu.memory_space<semaphore_mem>>)
    %dma_start3A_44 = arith.constant 2 : i32
    %dma_start3A_45 = arith.constant 2 : i32
    %dma_start3A_46 = arith.constant 2 : i32
    %dma_start3A_47 = arith.constant 0 : i32
    %dma_start3A_48 = arith.constant 0 : i32
    %dma_start3A_49 = tpu.memref_slice %arg10[%dma_start3A_45, %dma_start3A_47, %dma_start3A_48] : memref<12x80x64xf32, #tpu.memory_space<vmem>> -> memref<1x80x64xf32, #tpu.memory_space<vmem>>
    %dma_start3A_50 = tpu.memref_squeeze %dma_start3A_49 : memref<1x80x64xf32, #tpu.memory_space<vmem>> -> memref<80x64xf32, #tpu.memory_space<vmem>>
    %dma_start3A_51 = arith.constant 0 : i32
    %dma_start3A_52 = tpu.memref_slice %arg8[%dma_start3A_44, %dma_start3A_51] : memref<125x80xi32, #tpu.memory_space<vmem>> -> memref<1x80xi32, #tpu.memory_space<vmem>>
    %dma_start3A_53 = tpu.memref_squeeze %dma_start3A_52 : memref<1x80xi32, #tpu.memory_space<vmem>> -> memref<80xi32, #tpu.memory_space<vmem>>
    %dma_start3A_54 = arith.constant 0 : i32
    %dma_start3A_55 = arith.constant 0 : i32
    %dma_start3A_56 = tpu.memref_slice %arg2[%dma_start3A_54, %dma_start3A_55] : memref<10000x64xf32, #tpu.memory_space<hbm>> -> memref<10000x64xf32, #tpu.memory_space<hbm>>
    %dma_start3A_57 = tpu.memref_slice %arg13[%dma_start3A_46] : memref<12x!tpu.dma_semaphore, #tpu.memory_space<semaphore_mem>> -> memref<1x!tpu.dma_semaphore, #tpu.memory_space<semaphore_mem>>
    %dma_start3A_58 = tpu.memref_squeeze %dma_start3A_57 : memref<1x!tpu.dma_semaphore, #tpu.memory_space<semaphore_mem>> -> memref<!tpu.dma_semaphore, #tpu.memory_space<semaphore_mem>>
    tpu.enqueue_indirect_dma source(%dma_start3A_56 : memref<10000x64xf32, #tpu.memory_space<hbm>>) target(%dma_start3A_50 : memref<80x64xf32, #tpu.memory_space<vmem>>) offsets(%dma_start3A_53 : memref<80xi32, #tpu.memory_space<vmem>>) semaphore(%dma_start3A_58 : memref<!tpu.dma_semaphore, #tpu.memory_space<semaphore_mem>>)
    %dma_start3A_59 = arith.constant 3 : i32
    %dma_start3A_60 = arith.constant 3 : i32
    %dma_start3A_61 = arith.constant 3 : i32
    %dma_start3A_62 = arith.constant 0 : i32
    %dma_start3A_63 = arith.constant 0 : i32
    %dma_start3A_64 = tpu.memref_slice %arg10[%dma_start3A_60, %dma_start3A_62, %dma_start3A_63] : memref<12x80x64xf32, #tpu.memory_space<vmem>> -> memref<1x80x64xf32, #tpu.memory_space<vmem>>
    %dma_start3A_65 = tpu.memref_squeeze %dma_start3A_64 : memref<1x80x64xf32, #tpu.memory_space<vmem>> -> memref<80x64xf32, #tpu.memory_space<vmem>>
    %dma_start3A_66 = arith.constant 0 : i32
    %dma_start3A_67 = tpu.memref_slice %arg8[%dma_start3A_59, %dma_start3A_66] : memref<125x80xi32, #tpu.memory_space<vmem>> -> memref<1x80xi32, #tpu.memory_space<vmem>>
    %dma_start3A_68 = tpu.memref_squeeze %dma_start3A_67 : memref<1x80xi32, #tpu.memory_space<vmem>> -> memref<80xi32, #tpu.memory_space<vmem>>
    %dma_start3A_69 = arith.constant 0 : i32
    %dma_start3A_70 = arith.constant 0 : i32
    %dma_start3A_71 = tpu.memref_slice %arg2[%dma_start3A_69, %dma_start3A_70] : memref<10000x64xf32, #tpu.memory_space<hbm>> -> memref<10000x64xf32, #tpu.memory_space<hbm>>
    %dma_start3A_72 = tpu.memref_slice %arg13[%dma_start3A_61] : memref<12x!tpu.dma_semaphore, #tpu.memory_space<semaphore_mem>> -> memref<1x!tpu.dma_semaphore, #tpu.memory_space<semaphore_mem>>
    %dma_start3A_73 = tpu.memref_squeeze %dma_start3A_72 : memref<1x!tpu.dma_semaphore, #tpu.memory_space<semaphore_mem>> -> memref<!tpu.dma_semaphore, #tpu.memory_space<semaphore_mem>>
    tpu.enqueue_indirect_dma source(%dma_start3A_71 : memref<10000x64xf32, #tpu.memory_space<hbm>>) target(%dma_start3A_65 : memref<80x64xf32, #tpu.memory_space<vmem>>) offsets(%dma_start3A_68 : memref<80xi32, #tpu.memory_space<vmem>>) semaphore(%dma_start3A_73 : memref<!tpu.dma_semaphore, #tpu.memory_space<semaphore_mem>>)
    %dma_start3A_74 = arith.constant 4 : i32
    %dma_start3A_75 = arith.constant 4 : i32
    %dma_start3A_76 = arith.constant 4 : i32
    %dma_start3A_77 = arith.constant 0 : i32
    %dma_start3A_78 = arith.constant 0 : i32
    %dma_start3A_79 = tpu.memref_slice %arg10[%dma_start3A_75, %dma_start3A_77, %dma_start3A_78] : memref<12x80x64xf32, #tpu.memory_space<vmem>> -> memref<1x80x64xf32, #tpu.memory_space<vmem>>
    %dma_start3A_80 = tpu.memref_squeeze %dma_start3A_79 : memref<1x80x64xf32, #tpu.memory_space<vmem>> -> memref<80x64xf32, #tpu.memory_space<vmem>>
    %dma_start3A_81 = arith.constant 0 : i32
    %dma_start3A_82 = tpu.memref_slice %arg8[%dma_start3A_74, %dma_start3A_81] : memref<125x80xi32, #tpu.memory_space<vmem>> -> memref<1x80xi32, #tpu.memory_space<vmem>>
    %dma_start3A_83 = tpu.memref_squeeze %dma_start3A_82 : memref<1x80xi32, #tpu.memory_space<vmem>> -> memref<80xi32, #tpu.memory_space<vmem>>
    %dma_start3A_84 = arith.constant 0 : i32
    %dma_start3A_85 = arith.constant 0 : i32
    %dma_start3A_86 = tpu.memref_slice %arg2[%dma_start3A_84, %dma_start3A_85] : memref<10000x64xf32, #tpu.memory_space<hbm>> -> memref<10000x64xf32, #tpu.memory_space<hbm>>
    %dma_start3A_87 = tpu.memref_slice %arg13[%dma_start3A_76] : memref<12x!tpu.dma_semaphore, #tpu.memory_space<semaphore_mem>> -> memref<1x!tpu.dma_semaphore, #tpu.memory_space<semaphore_mem>>
    %dma_start3A_88 = tpu.memref_squeeze %dma_start3A_87 : memref<1x!tpu.dma_semaphore, #tpu.memory_space<semaphore_mem>> -> memref<!tpu.dma_semaphore, #tpu.memory_space<semaphore_mem>>
    tpu.enqueue_indirect_dma source(%dma_start3A_86 : memref<10000x64xf32, #tpu.memory_space<hbm>>) target(%dma_start3A_80 : memref<80x64xf32, #tpu.memory_space<vmem>>) offsets(%dma_start3A_83 : memref<80xi32, #tpu.memory_space<vmem>>) semaphore(%dma_start3A_88 : memref<!tpu.dma_semaphore, #tpu.memory_space<semaphore_mem>>)
    %dma_start3A_89 = arith.constant 5 : i32
    %dma_start3A_90 = arith.constant 5 : i32
    %dma_start3A_91 = arith.constant 5 : i32
    %dma_start3A_92 = arith.constant 0 : i32
    %dma_start3A_93 = arith.constant 0 : i32
    %dma_start3A_94 = tpu.memref_slice %arg10[%dma_start3A_90, %dma_start3A_92, %dma_start3A_93] : memref<12x80x64xf32, #tpu.memory_space<vmem>> -> memref<1x80x64xf32, #tpu.memory_space<vmem>>
    %dma_start3A_95 = tpu.memref_squeeze %dma_start3A_94 : memref<1x80x64xf32, #tpu.memory_space<vmem>> -> memref<80x64xf32, #tpu.memory_space<vmem>>
    %dma_start3A_96 = arith.constant 0 : i32
    %dma_start3A_97 = tpu.memref_slice %arg8[%dma_start3A_89, %dma_start3A_96] : memref<125x80xi32, #tpu.memory_space<vmem>> -> memref<1x80xi32, #tpu.memory_space<vmem>>
    %dma_start3A_98 = tpu.memref_squeeze %dma_start3A_97 : memref<1x80xi32, #tpu.memory_space<vmem>> -> memref<80xi32, #tpu.memory_space<vmem>>
    %dma_start3A_99 = arith.constant 0 : i32
    %dma_start3A_100 = arith.constant 0 : i32
    %dma_start3A_101 = tpu.memref_slice %arg2[%dma_start3A_99, %dma_start3A_100] : memref<10000x64xf32, #tpu.memory_space<hbm>> -> memref<10000x64xf32, #tpu.memory_space<hbm>>
    %dma_start3A_102 = tpu.memref_slice %arg13[%dma_start3A_91] : memref<12x!tpu.dma_semaphore, #tpu.memory_space<semaphore_mem>> -> memref<1x!tpu.dma_semaphore, #tpu.memory_space<semaphore_mem>>
    %dma_start3A_103 = tpu.memref_squeeze %dma_start3A_102 : memref<1x!tpu.dma_semaphore, #tpu.memory_space<semaphore_mem>> -> memref<!tpu.dma_semaphore, #tpu.memory_space<semaphore_mem>>
    tpu.enqueue_indirect_dma source(%dma_start3A_101 : memref<10000x64xf32, #tpu.memory_space<hbm>>) target(%dma_start3A_95 : memref<80x64xf32, #tpu.memory_space<vmem>>) offsets(%dma_start3A_98 : memref<80xi32, #tpu.memory_space<vmem>>) semaphore(%dma_start3A_103 : memref<!tpu.dma_semaphore, #tpu.memory_space<semaphore_mem>>)
    %scan3A_104 = arith.constant 0 : i32
    %scan3A_105 = arith.constant 0 : i32
    %scan3A_106 = arith.constant 125 : i32
    %scan3A_107 = arith.addi %scan3A_105, %scan3A_106 : i32
    %scan3A_108 = arith.constant 1 : i32
    %scan3A_109 = scf.for %scan3A_598 = %scan3A_105 to %scan3A_107 step %scan3A_108 iter_args(%scan3A_599 = %scan3A_104) -> (i32)  : i32 {
      %jit3A = arith.constant 12 : i32
      %eq3A = arith.constant 0 : i32
      %eq3A_600 = arith.cmpi eq, %jit3A, %eq3A : i32
      %jit3A_601 = arith.constant 1 : i32
      %select_n3A = arith.select %eq3A_600, %jit3A_601, %jit3A : i32
      %rem3A = arith.remsi %scan3A_598, %select_n3A : i32
      %ne3A = arith.constant 0 : i32
      %ne3A_602 = arith.cmpi ne, %rem3A, %ne3A : i32
      %lt3A = arith.constant 0 : i32
      %lt3A_603 = arith.cmpi slt, %rem3A, %lt3A : i32
      %lt3A_604 = arith.constant 0 : i32
      %lt3A_605 = arith.cmpi slt, %select_n3A, %lt3A_604 : i32
      %ne3A_606 = arith.xori %lt3A_603, %lt3A_605 : i1
      %and3A = arith.andi %ne3A_606, %ne3A_602 : i1
      %add3A_607 = arith.addi %rem3A, %select_n3A : i32
      %select_n3A_608 = arith.select %and3A, %add3A_607, %rem3A : i32
      %dma_wait3A_609 = arith.constant 0 : i32
      %dma_wait3A_610 = arith.constant 0 : i32
      %dma_wait3A_611 = tpu.memref_slice %arg10[%select_n3A_608, %dma_wait3A_609, %dma_wait3A_610] : memref<12x80x64xf32, #tpu.memory_space<vmem>> -> memref<1x80x64xf32, #tpu.memory_space<vmem>>
      %dma_wait3A_612 = tpu.memref_squeeze %dma_wait3A_611 : memref<1x80x64xf32, #tpu.memory_space<vmem>> -> memref<80x64xf32, #tpu.memory_space<vmem>>
      %dma_wait3A_613 = arith.constant 0 : i32
      %dma_wait3A_614 = tpu.memref_slice %arg8[%scan3A_598, %dma_wait3A_613] : memref<125x80xi32, #tpu.memory_space<vmem>> -> memref<1x80xi32, #tpu.memory_space<vmem>>
      %dma_wait3A_615 = tpu.memref_squeeze %dma_wait3A_614 : memref<1x80xi32, #tpu.memory_space<vmem>> -> memref<80xi32, #tpu.memory_space<vmem>>
      %dma_wait3A_616 = arith.constant 0 : i32
      %dma_wait3A_617 = arith.constant 0 : i32
      %dma_wait3A_618 = tpu.memref_slice %arg2[%dma_wait3A_616, %dma_wait3A_617] : memref<10000x64xf32, #tpu.memory_space<hbm>> -> memref<10000x64xf32, #tpu.memory_space<hbm>>
      %dma_wait3A_619 = tpu.memref_slice %arg13[%select_n3A_608] : memref<12x!tpu.dma_semaphore, #tpu.memory_space<semaphore_mem>> -> memref<1x!tpu.dma_semaphore, #tpu.memory_space<semaphore_mem>>
      %dma_wait3A_620 = tpu.memref_squeeze %dma_wait3A_619 : memref<1x!tpu.dma_semaphore, #tpu.memory_space<semaphore_mem>> -> memref<!tpu.dma_semaphore, #tpu.memory_space<semaphore_mem>>
      tpu.wait_indirect_dma semaphore(%dma_wait3A_620 : memref<!tpu.dma_semaphore, #tpu.memory_space<semaphore_mem>>) src(%dma_wait3A_618 : memref<10000x64xf32, #tpu.memory_space<hbm>>) dst(%dma_wait3A_612 : memref<80x64xf32, #tpu.memory_space<vmem>>)
      %dma_start3A_621 = arith.constant 0 : i32
      %dma_start3A_622 = arith.constant 0 : i32
      %dma_start3A_623 = tpu.memref_slice %arg10[%select_n3A_608, %dma_start3A_621, %dma_start3A_622] : memref<12x80x64xf32, #tpu.memory_space<vmem>> -> memref<1x80x64xf32, #tpu.memory_space<vmem>>
      %dma_start3A_624 = tpu.memref_squeeze %dma_start3A_623 : memref<1x80x64xf32, #tpu.memory_space<vmem>> -> memref<80x64xf32, #tpu.memory_space<vmem>>
      %dma_start3A_625 = arith.constant 0 : i32
      %dma_start3A_626 = tpu.memref_slice %arg9[%scan3A_598, %dma_start3A_625] : memref<125x80xi32, #tpu.memory_space<vmem>> -> memref<1x80xi32, #tpu.memory_space<vmem>>
      %dma_start3A_627 = tpu.memref_squeeze %dma_start3A_626 : memref<1x80xi32, #tpu.memory_space<vmem>> -> memref<80xi32, #tpu.memory_space<vmem>>
      %dma_start3A_628 = arith.constant 0 : i32
      %dma_start3A_629 = arith.constant 0 : i32
      %dma_start3A_630 = tpu.memref_slice %arg12[%dma_start3A_628, %dma_start3A_629] : memref<10000x64xf32, #tpu.memory_space<vmem_shared>> -> memref<10000x64xf32, #tpu.memory_space<vmem_shared>>
      %dma_start3A_631 = tpu.memref_slice %arg14[%select_n3A_608] : memref<12x!tpu.dma_semaphore, #tpu.memory_space<semaphore_mem>> -> memref<1x!tpu.dma_semaphore, #tpu.memory_space<semaphore_mem>>
      %dma_start3A_632 = tpu.memref_squeeze %dma_start3A_631 : memref<1x!tpu.dma_semaphore, #tpu.memory_space<semaphore_mem>> -> memref<!tpu.dma_semaphore, #tpu.memory_space<semaphore_mem>>
      tpu.enqueue_indirect_dma source(%dma_start3A_624 : memref<80x64xf32, #tpu.memory_space<vmem>>) target(%dma_start3A_630 : memref<10000x64xf32, #tpu.memory_space<vmem_shared>>) offsets(%dma_start3A_627 : memref<80xi32, #tpu.memory_space<vmem>>) semaphore(%dma_start3A_632 : memref<!tpu.dma_semaphore, #tpu.memory_space<semaphore_mem>>) {add = true}
      %lt3A_633 = arith.constant 119 : i32
      %lt3A_634 = arith.cmpi slt, %scan3A_598, %lt3A_633 : i32
      %convert_element_type3A = arith.extui %lt3A_634 : i1 to i32
      %cond3A = arith.constant 0 : i32
      %cond3A_635 = arith.cmpi ne, %convert_element_type3A, %cond3A : i32
      scf.if %cond3A_635 {
        %add3A_637 = arith.constant 6 : i32
        %add3A_638 = arith.addi %scan3A_598, %add3A_637 : i32
        %jit3A_639 = arith.constant 12 : i32
        %eq3A_640 = arith.constant 0 : i32
        %eq3A_641 = arith.cmpi eq, %jit3A_639, %eq3A_640 : i32
        %jit3A_642 = arith.constant 1 : i32
        %select_n3A_643 = arith.select %eq3A_641, %jit3A_642, %jit3A_639 : i32
        %rem3A_644 = arith.remsi %add3A_638, %select_n3A_643 : i32
        %ne3A_645 = arith.constant 0 : i32
        %ne3A_646 = arith.cmpi ne, %rem3A_644, %ne3A_645 : i32
        %lt3A_647 = arith.constant 0 : i32
        %lt3A_648 = arith.cmpi slt, %rem3A_644, %lt3A_647 : i32
        %lt3A_649 = arith.constant 0 : i32
        %lt3A_650 = arith.cmpi slt, %select_n3A_643, %lt3A_649 : i32
        %ne3A_651 = arith.xori %lt3A_648, %lt3A_650 : i1
        %and3A_652 = arith.andi %ne3A_651, %ne3A_646 : i1
        %add3A_653 = arith.addi %rem3A_644, %select_n3A_643 : i32
        %select_n3A_654 = arith.select %and3A_652, %add3A_653, %rem3A_644 : i32
        %ge3A = arith.constant 6 : i32
        %ge3A_655 = arith.cmpi sge, %scan3A_598, %ge3A : i32
        %convert_element_type3A_656 = arith.extui %ge3A_655 : i1 to i32
        %cond3A_657 = arith.constant 0 : i32
        %cond3A_658 = arith.cmpi ne, %convert_element_type3A_656, %cond3A_657 : i32
        scf.if %cond3A_658 {
          %dma_wait3A_673 = arith.constant 0 : i32
          %dma_wait3A_674 = arith.constant 0 : i32
          %dma_wait3A_675 = tpu.memref_slice %arg10[%select_n3A_654, %dma_wait3A_673, %dma_wait3A_674] : memref<12x80x64xf32, #tpu.memory_space<vmem>> -> memref<1x80x64xf32, #tpu.memory_space<vmem>>
          %dma_wait3A_676 = tpu.memref_squeeze %dma_wait3A_675 : memref<1x80x64xf32, #tpu.memory_space<vmem>> -> memref<80x64xf32, #tpu.memory_space<vmem>>
          %dma_wait3A_677 = arith.constant 0 : i32
          %dma_wait3A_678 = tpu.memref_slice %arg9[%scan3A_598, %dma_wait3A_677] : memref<125x80xi32, #tpu.memory_space<vmem>> -> memref<1x80xi32, #tpu.memory_space<vmem>>
          %dma_wait3A_679 = tpu.memref_squeeze %dma_wait3A_678 : memref<1x80xi32, #tpu.memory_space<vmem>> -> memref<80xi32, #tpu.memory_space<vmem>>
          %dma_wait3A_680 = arith.constant 0 : i32
          %dma_wait3A_681 = arith.constant 0 : i32
          %dma_wait3A_682 = tpu.memref_slice %arg12[%dma_wait3A_680, %dma_wait3A_681] : memref<10000x64xf32, #tpu.memory_space<vmem_shared>> -> memref<10000x64xf32, #tpu.memory_space<vmem_shared>>
          %dma_wait3A_683 = tpu.memref_slice %arg14[%select_n3A_654] : memref<12x!tpu.dma_semaphore, #tpu.memory_space<semaphore_mem>> -> memref<1x!tpu.dma_semaphore, #tpu.memory_space<semaphore_mem>>
          %dma_wait3A_684 = tpu.memref_squeeze %dma_wait3A_683 : memref<1x!tpu.dma_semaphore, #tpu.memory_space<semaphore_mem>> -> memref<!tpu.dma_semaphore, #tpu.memory_space<semaphore_mem>>
          tpu.wait_indirect_dma semaphore(%dma_wait3A_684 : memref<!tpu.dma_semaphore, #tpu.memory_space<semaphore_mem>>) src(%dma_wait3A_676 : memref<80x64xf32, #tpu.memory_space<vmem>>) dst(%dma_wait3A_682 : memref<10000x64xf32, #tpu.memory_space<vmem_shared>>)
        } else {
        }
        %add3A_659 = arith.constant 6 : i32
        %add3A_660 = arith.addi %scan3A_598, %add3A_659 : i32
        %dma_start3A_661 = arith.constant 0 : i32
        %dma_start3A_662 = arith.constant 0 : i32
        %dma_start3A_663 = tpu.memref_slice %arg10[%select_n3A_654, %dma_start3A_661, %dma_start3A_662] : memref<12x80x64xf32, #tpu.memory_space<vmem>> -> memref<1x80x64xf32, #tpu.memory_space<vmem>>
        %dma_start3A_664 = tpu.memref_squeeze %dma_start3A_663 : memref<1x80x64xf32, #tpu.memory_space<vmem>> -> memref<80x64xf32, #tpu.memory_space<vmem>>
        %dma_start3A_665 = arith.constant 0 : i32
        %dma_start3A_666 = tpu.memref_slice %arg8[%add3A_660, %dma_start3A_665] : memref<125x80xi32, #tpu.memory_space<vmem>> -> memref<1x80xi32, #tpu.memory_space<vmem>>
        %dma_start3A_667 = tpu.memref_squeeze %dma_start3A_666 : memref<1x80xi32, #tpu.memory_space<vmem>> -> memref<80xi32, #tpu.memory_space<vmem>>
        %dma_start3A_668 = arith.constant 0 : i32
        %dma_start3A_669 = arith.constant 0 : i32
        %dma_start3A_670 = tpu.memref_slice %arg2[%dma_start3A_668, %dma_start3A_669] : memref<10000x64xf32, #tpu.memory_space<hbm>> -> memref<10000x64xf32, #tpu.memory_space<hbm>>
        %dma_start3A_671 = tpu.memref_slice %arg13[%select_n3A_654] : memref<12x!tpu.dma_semaphore, #tpu.memory_space<semaphore_mem>> -> memref<1x!tpu.dma_semaphore, #tpu.memory_space<semaphore_mem>>
        %dma_start3A_672 = tpu.memref_squeeze %dma_start3A_671 : memref<1x!tpu.dma_semaphore, #tpu.memory_space<semaphore_mem>> -> memref<!tpu.dma_semaphore, #tpu.memory_space<semaphore_mem>>
        tpu.enqueue_indirect_dma source(%dma_start3A_670 : memref<10000x64xf32, #tpu.memory_space<hbm>>) target(%dma_start3A_664 : memref<80x64xf32, #tpu.memory_space<vmem>>) offsets(%dma_start3A_667 : memref<80xi32, #tpu.memory_space<vmem>>) semaphore(%dma_start3A_672 : memref<!tpu.dma_semaphore, #tpu.memory_space<semaphore_mem>>)
      } else {
      }
      %scan3A_636 = arith.constant 0 : i32
      scf.yield %scan3A_636 : i32
    }
    %scan3A_110 = arith.constant 125 : i32
    %dma_wait3A = arith.constant 5 : i32
    %dma_wait3A_111 = arith.constant 0 : i32
    %dma_wait3A_112 = arith.constant 5 : i32
    %dma_wait3A_113 = arith.constant 0 : i32
    %dma_wait3A_114 = arith.constant 0 : i32
    %dma_wait3A_115 = tpu.memref_slice %arg10[%dma_wait3A, %dma_wait3A_113, %dma_wait3A_114] : memref<12x80x64xf32, #tpu.memory_space<vmem>> -> memref<1x80x64xf32, #tpu.memory_space<vmem>>
    %dma_wait3A_116 = tpu.memref_squeeze %dma_wait3A_115 : memref<1x80x64xf32, #tpu.memory_space<vmem>> -> memref<80x64xf32, #tpu.memory_space<vmem>>
    %dma_wait3A_117 = arith.constant 0 : i32
    %dma_wait3A_118 = tpu.memref_slice %arg9[%dma_wait3A_111, %dma_wait3A_117] : memref<125x80xi32, #tpu.memory_space<vmem>> -> memref<1x80xi32, #tpu.memory_space<vmem>>
    %dma_wait3A_119 = tpu.memref_squeeze %dma_wait3A_118 : memref<1x80xi32, #tpu.memory_space<vmem>> -> memref<80xi32, #tpu.memory_space<vmem>>
    %dma_wait3A_120 = arith.constant 0 : i32
    %dma_wait3A_121 = arith.constant 0 : i32
    %dma_wait3A_122 = tpu.memref_slice %arg12[%dma_wait3A_120, %dma_wait3A_121] : memref<10000x64xf32, #tpu.memory_space<vmem_shared>> -> memref<10000x64xf32, #tpu.memory_space<vmem_shared>>
    %dma_wait3A_123 = tpu.memref_slice %arg14[%dma_wait3A_112] : memref<12x!tpu.dma_semaphore, #tpu.memory_space<semaphore_mem>> -> memref<1x!tpu.dma_semaphore, #tpu.memory_space<semaphore_mem>>
    %dma_wait3A_124 = tpu.memref_squeeze %dma_wait3A_123 : memref<1x!tpu.dma_semaphore, #tpu.memory_space<semaphore_mem>> -> memref<!tpu.dma_semaphore, #tpu.memory_space<semaphore_mem>>
    tpu.wait_indirect_dma semaphore(%dma_wait3A_124 : memref<!tpu.dma_semaphore, #tpu.memory_space<semaphore_mem>>) src(%dma_wait3A_116 : memref<80x64xf32, #tpu.memory_space<vmem>>) dst(%dma_wait3A_122 : memref<10000x64xf32, #tpu.memory_space<vmem_shared>>)
    %dma_wait3A_125 = arith.constant 6 : i32
    %dma_wait3A_126 = arith.constant 0 : i32
    %dma_wait3A_127 = arith.constant 6 : i32
    %dma_wait3A_128 = arith.constant 0 : i32
    %dma_wait3A_129 = arith.constant 0 : i32
    %dma_wait3A_130 = tpu.memref_slice %arg10[%dma_wait3A_125, %dma_wait3A_128, %dma_wait3A_129] : memref<12x80x64xf32, #tpu.memory_space<vmem>> -> memref<1x80x64xf32, #tpu.memory_space<vmem>>
    %dma_wait3A_131 = tpu.memref_squeeze %dma_wait3A_130 : memref<1x80x64xf32, #tpu.memory_space<vmem>> -> memref<80x64xf32, #tpu.memory_space<vmem>>
    %dma_wait3A_132 = arith.constant 0 : i32
    %dma_wait3A_133 = tpu.memref_slice %arg9[%dma_wait3A_126, %dma_wait3A_132] : memref<125x80xi32, #tpu.memory_space<vmem>> -> memref<1x80xi32, #tpu.memory_space<vmem>>
    %dma_wait3A_134 = tpu.memref_squeeze %dma_wait3A_133 : memref<1x80xi32, #tpu.memory_space<vmem>> -> memref<80xi32, #tpu.memory_space<vmem>>
    %dma_wait3A_135 = arith.constant 0 : i32
    %dma_wait3A_136 = arith.constant 0 : i32
    %dma_wait3A_137 = tpu.memref_slice %arg12[%dma_wait3A_135, %dma_wait3A_136] : memref<10000x64xf32, #tpu.memory_space<vmem_shared>> -> memref<10000x64xf32, #tpu.memory_space<vmem_shared>>
    %dma_wait3A_138 = tpu.memref_slice %arg14[%dma_wait3A_127] : memref<12x!tpu.dma_semaphore, #tpu.memory_space<semaphore_mem>> -> memref<1x!tpu.dma_semaphore, #tpu.memory_space<semaphore_mem>>
    %dma_wait3A_139 = tpu.memref_squeeze %dma_wait3A_138 : memref<1x!tpu.dma_semaphore, #tpu.memory_space<semaphore_mem>> -> memref<!tpu.dma_semaphore, #tpu.memory_space<semaphore_mem>>
    tpu.wait_indirect_dma semaphore(%dma_wait3A_139 : memref<!tpu.dma_semaphore, #tpu.memory_space<semaphore_mem>>) src(%dma_wait3A_131 : memref<80x64xf32, #tpu.memory_space<vmem>>) dst(%dma_wait3A_137 : memref<10000x64xf32, #tpu.memory_space<vmem_shared>>)
    %dma_wait3A_140 = arith.constant 7 : i32
    %dma_wait3A_141 = arith.constant 0 : i32
    %dma_wait3A_142 = arith.constant 7 : i32
    %dma_wait3A_143 = arith.constant 0 : i32
    %dma_wait3A_144 = arith.constant 0 : i32
    %dma_wait3A_145 = tpu.memref_slice %arg10[%dma_wait3A_140, %dma_wait3A_143, %dma_wait3A_144] : memref<12x80x64xf32, #tpu.memory_space<vmem>> -> memref<1x80x64xf32, #tpu.memory_space<vmem>>
    %dma_wait3A_146 = tpu.memref_squeeze %dma_wait3A_145 : memref<1x80x64xf32, #tpu.memory_space<vmem>> -> memref<80x64xf32, #tpu.memory_space<vmem>>
    %dma_wait3A_147 = arith.constant 0 : i32
    %dma_wait3A_148 = tpu.memref_slice %arg9[%dma_wait3A_141, %dma_wait3A_147] : memref<125x80xi32, #tpu.memory_space<vmem>> -> memref<1x80xi32, #tpu.memory_space<vmem>>
    %dma_wait3A_149 = tpu.memref_squeeze %dma_wait3A_148 : memref<1x80xi32, #tpu.memory_space<vmem>> -> memref<80xi32, #tpu.memory_space<vmem>>
    %dma_wait3A_150 = arith.constant 0 : i32
    %dma_wait3A_151 = arith.constant 0 : i32
    %dma_wait3A_152 = tpu.memref_slice %arg12[%dma_wait3A_150, %dma_wait3A_151] : memref<10000x64xf32, #tpu.memory_space<vmem_shared>> -> memref<10000x64xf32, #tpu.memory_space<vmem_shared>>
    %dma_wait3A_153 = tpu.memref_slice %arg14[%dma_wait3A_142] : memref<12x!tpu.dma_semaphore, #tpu.memory_space<semaphore_mem>> -> memref<1x!tpu.dma_semaphore, #tpu.memory_space<semaphore_mem>>
    %dma_wait3A_154 = tpu.memref_squeeze %dma_wait3A_153 : memref<1x!tpu.dma_semaphore, #tpu.memory_space<semaphore_mem>> -> memref<!tpu.dma_semaphore, #tpu.memory_space<semaphore_mem>>
    tpu.wait_indirect_dma semaphore(%dma_wait3A_154 : memref<!tpu.dma_semaphore, #tpu.memory_space<semaphore_mem>>) src(%dma_wait3A_146 : memref<80x64xf32, #tpu.memory_space<vmem>>) dst(%dma_wait3A_152 : memref<10000x64xf32, #tpu.memory_space<vmem_shared>>)
    %dma_wait3A_155 = arith.constant 8 : i32
    %dma_wait3A_156 = arith.constant 0 : i32
    %dma_wait3A_157 = arith.constant 8 : i32
    %dma_wait3A_158 = arith.constant 0 : i32
    %dma_wait3A_159 = arith.constant 0 : i32
    %dma_wait3A_160 = tpu.memref_slice %arg10[%dma_wait3A_155, %dma_wait3A_158, %dma_wait3A_159] : memref<12x80x64xf32, #tpu.memory_space<vmem>> -> memref<1x80x64xf32, #tpu.memory_space<vmem>>
    %dma_wait3A_161 = tpu.memref_squeeze %dma_wait3A_160 : memref<1x80x64xf32, #tpu.memory_space<vmem>> -> memref<80x64xf32, #tpu.memory_space<vmem>>
    %dma_wait3A_162 = arith.constant 0 : i32
    %dma_wait3A_163 = tpu.memref_slice %arg9[%dma_wait3A_156, %dma_wait3A_162] : memref<125x80xi32, #tpu.memory_space<vmem>> -> memref<1x80xi32, #tpu.memory_space<vmem>>
    %dma_wait3A_164 = tpu.memref_squeeze %dma_wait3A_163 : memref<1x80xi32, #tpu.memory_space<vmem>> -> memref<80xi32, #tpu.memory_space<vmem>>
    %dma_wait3A_165 = arith.constant 0 : i32
    %dma_wait3A_166 = arith.constant 0 : i32
    %dma_wait3A_167 = tpu.memref_slice %arg12[%dma_wait3A_165, %dma_wait3A_166] : memref<10000x64xf32, #tpu.memory_space<vmem_shared>> -> memref<10000x64xf32, #tpu.memory_space<vmem_shared>>
    %dma_wait3A_168 = tpu.memref_slice %arg14[%dma_wait3A_157] : memref<12x!tpu.dma_semaphore, #tpu.memory_space<semaphore_mem>> -> memref<1x!tpu.dma_semaphore, #tpu.memory_space<semaphore_mem>>
    %dma_wait3A_169 = tpu.memref_squeeze %dma_wait3A_168 : memref<1x!tpu.dma_semaphore, #tpu.memory_space<semaphore_mem>> -> memref<!tpu.dma_semaphore, #tpu.memory_space<semaphore_mem>>
    tpu.wait_indirect_dma semaphore(%dma_wait3A_169 : memref<!tpu.dma_semaphore, #tpu.memory_space<semaphore_mem>>) src(%dma_wait3A_161 : memref<80x64xf32, #tpu.memory_space<vmem>>) dst(%dma_wait3A_167 : memref<10000x64xf32, #tpu.memory_space<vmem_shared>>)
    %dma_wait3A_170 = arith.constant 9 : i32
    %dma_wait3A_171 = arith.constant 0 : i32
    %dma_wait3A_172 = arith.constant 9 : i32
    %dma_wait3A_173 = arith.constant 0 : i32
    %dma_wait3A_174 = arith.constant 0 : i32
    %dma_wait3A_175 = tpu.memref_slice %arg10[%dma_wait3A_170, %dma_wait3A_173, %dma_wait3A_174] : memref<12x80x64xf32, #tpu.memory_space<vmem>> -> memref<1x80x64xf32, #tpu.memory_space<vmem>>
    %dma_wait3A_176 = tpu.memref_squeeze %dma_wait3A_175 : memref<1x80x64xf32, #tpu.memory_space<vmem>> -> memref<80x64xf32, #tpu.memory_space<vmem>>
    %dma_wait3A_177 = arith.constant 0 : i32
    %dma_wait3A_178 = tpu.memref_slice %arg9[%dma_wait3A_171, %dma_wait3A_177] : memref<125x80xi32, #tpu.memory_space<vmem>> -> memref<1x80xi32, #tpu.memory_space<vmem>>
    %dma_wait3A_179 = tpu.memref_squeeze %dma_wait3A_178 : memref<1x80xi32, #tpu.memory_space<vmem>> -> memref<80xi32, #tpu.memory_space<vmem>>
    %dma_wait3A_180 = arith.constant 0 : i32
    %dma_wait3A_181 = arith.constant 0 : i32
    %dma_wait3A_182 = tpu.memref_slice %arg12[%dma_wait3A_180, %dma_wait3A_181] : memref<10000x64xf32, #tpu.memory_space<vmem_shared>> -> memref<10000x64xf32, #tpu.memory_space<vmem_shared>>
    %dma_wait3A_183 = tpu.memref_slice %arg14[%dma_wait3A_172] : memref<12x!tpu.dma_semaphore, #tpu.memory_space<semaphore_mem>> -> memref<1x!tpu.dma_semaphore, #tpu.memory_space<semaphore_mem>>
    %dma_wait3A_184 = tpu.memref_squeeze %dma_wait3A_183 : memref<1x!tpu.dma_semaphore, #tpu.memory_space<semaphore_mem>> -> memref<!tpu.dma_semaphore, #tpu.memory_space<semaphore_mem>>
    tpu.wait_indirect_dma semaphore(%dma_wait3A_184 : memref<!tpu.dma_semaphore, #tpu.memory_space<semaphore_mem>>) src(%dma_wait3A_176 : memref<80x64xf32, #tpu.memory_space<vmem>>) dst(%dma_wait3A_182 : memref<10000x64xf32, #tpu.memory_space<vmem_shared>>)
    %dma_wait3A_185 = arith.constant 10 : i32
    %dma_wait3A_186 = arith.constant 0 : i32
    %dma_wait3A_187 = arith.constant 10 : i32
    %dma_wait3A_188 = arith.constant 0 : i32
    %dma_wait3A_189 = arith.constant 0 : i32
    %dma_wait3A_190 = tpu.memref_slice %arg10[%dma_wait3A_185, %dma_wait3A_188, %dma_wait3A_189] : memref<12x80x64xf32, #tpu.memory_space<vmem>> -> memref<1x80x64xf32, #tpu.memory_space<vmem>>
    %dma_wait3A_191 = tpu.memref_squeeze %dma_wait3A_190 : memref<1x80x64xf32, #tpu.memory_space<vmem>> -> memref<80x64xf32, #tpu.memory_space<vmem>>
    %dma_wait3A_192 = arith.constant 0 : i32
    %dma_wait3A_193 = tpu.memref_slice %arg9[%dma_wait3A_186, %dma_wait3A_192] : memref<125x80xi32, #tpu.memory_space<vmem>> -> memref<1x80xi32, #tpu.memory_space<vmem>>
    %dma_wait3A_194 = tpu.memref_squeeze %dma_wait3A_193 : memref<1x80xi32, #tpu.memory_space<vmem>> -> memref<80xi32, #tpu.memory_space<vmem>>
    %dma_wait3A_195 = arith.constant 0 : i32
    %dma_wait3A_196 = arith.constant 0 : i32
    %dma_wait3A_197 = tpu.memref_slice %arg12[%dma_wait3A_195, %dma_wait3A_196] : memref<10000x64xf32, #tpu.memory_space<vmem_shared>> -> memref<10000x64xf32, #tpu.memory_space<vmem_shared>>
    %dma_wait3A_198 = tpu.memref_slice %arg14[%dma_wait3A_187] : memref<12x!tpu.dma_semaphore, #tpu.memory_space<semaphore_mem>> -> memref<1x!tpu.dma_semaphore, #tpu.memory_space<semaphore_mem>>
    %dma_wait3A_199 = tpu.memref_squeeze %dma_wait3A_198 : memref<1x!tpu.dma_semaphore, #tpu.memory_space<semaphore_mem>> -> memref<!tpu.dma_semaphore, #tpu.memory_space<semaphore_mem>>
    tpu.wait_indirect_dma semaphore(%dma_wait3A_199 : memref<!tpu.dma_semaphore, #tpu.memory_space<semaphore_mem>>) src(%dma_wait3A_191 : memref<80x64xf32, #tpu.memory_space<vmem>>) dst(%dma_wait3A_197 : memref<10000x64xf32, #tpu.memory_space<vmem_shared>>)
    %dma_wait3A_200 = arith.constant 11 : i32
    %dma_wait3A_201 = arith.constant 0 : i32
    %dma_wait3A_202 = arith.constant 11 : i32
    %dma_wait3A_203 = arith.constant 0 : i32
    %dma_wait3A_204 = arith.constant 0 : i32
    %dma_wait3A_205 = tpu.memref_slice %arg10[%dma_wait3A_200, %dma_wait3A_203, %dma_wait3A_204] : memref<12x80x64xf32, #tpu.memory_space<vmem>> -> memref<1x80x64xf32, #tpu.memory_space<vmem>>
    %dma_wait3A_206 = tpu.memref_squeeze %dma_wait3A_205 : memref<1x80x64xf32, #tpu.memory_space<vmem>> -> memref<80x64xf32, #tpu.memory_space<vmem>>
    %dma_wait3A_207 = arith.constant 0 : i32
    %dma_wait3A_208 = tpu.memref_slice %arg9[%dma_wait3A_201, %dma_wait3A_207] : memref<125x80xi32, #tpu.memory_space<vmem>> -> memref<1x80xi32, #tpu.memory_space<vmem>>
    %dma_wait3A_209 = tpu.memref_squeeze %dma_wait3A_208 : memref<1x80xi32, #tpu.memory_space<vmem>> -> memref<80xi32, #tpu.memory_space<vmem>>
    %dma_wait3A_210 = arith.constant 0 : i32
    %dma_wait3A_211 = arith.constant 0 : i32
    %dma_wait3A_212 = tpu.memref_slice %arg12[%dma_wait3A_210, %dma_wait3A_211] : memref<10000x64xf32, #tpu.memory_space<vmem_shared>> -> memref<10000x64xf32, #tpu.memory_space<vmem_shared>>
    %dma_wait3A_213 = tpu.memref_slice %arg14[%dma_wait3A_202] : memref<12x!tpu.dma_semaphore, #tpu.memory_space<semaphore_mem>> -> memref<1x!tpu.dma_semaphore, #tpu.memory_space<semaphore_mem>>
    %dma_wait3A_214 = tpu.memref_squeeze %dma_wait3A_213 : memref<1x!tpu.dma_semaphore, #tpu.memory_space<semaphore_mem>> -> memref<!tpu.dma_semaphore, #tpu.memory_space<semaphore_mem>>
    tpu.wait_indirect_dma semaphore(%dma_wait3A_214 : memref<!tpu.dma_semaphore, #tpu.memory_space<semaphore_mem>>) src(%dma_wait3A_206 : memref<80x64xf32, #tpu.memory_space<vmem>>) dst(%dma_wait3A_212 : memref<10000x64xf32, #tpu.memory_space<vmem_shared>>)
    %dma_wait3A_215 = arith.constant 0 : i32
    %dma_wait3A_216 = arith.constant 0 : i32
    %dma_wait3A_217 = arith.constant 0 : i32
    %dma_wait3A_218 = arith.constant 0 : i32
    %dma_wait3A_219 = arith.constant 0 : i32
    %dma_wait3A_220 = tpu.memref_slice %arg10[%dma_wait3A_215, %dma_wait3A_218, %dma_wait3A_219] : memref<12x80x64xf32, #tpu.memory_space<vmem>> -> memref<1x80x64xf32, #tpu.memory_space<vmem>>
    %dma_wait3A_221 = tpu.memref_squeeze %dma_wait3A_220 : memref<1x80x64xf32, #tpu.memory_space<vmem>> -> memref<80x64xf32, #tpu.memory_space<vmem>>
    %dma_wait3A_222 = arith.constant 0 : i32
    %dma_wait3A_223 = tpu.memref_slice %arg9[%dma_wait3A_216, %dma_wait3A_222] : memref<125x80xi32, #tpu.memory_space<vmem>> -> memref<1x80xi32, #tpu.memory_space<vmem>>
    %dma_wait3A_224 = tpu.memref_squeeze %dma_wait3A_223 : memref<1x80xi32, #tpu.memory_space<vmem>> -> memref<80xi32, #tpu.memory_space<vmem>>
    %dma_wait3A_225 = arith.constant 0 : i32
    %dma_wait3A_226 = arith.constant 0 : i32
    %dma_wait3A_227 = tpu.memref_slice %arg12[%dma_wait3A_225, %dma_wait3A_226] : memref<10000x64xf32, #tpu.memory_space<vmem_shared>> -> memref<10000x64xf32, #tpu.memory_space<vmem_shared>>
    %dma_wait3A_228 = tpu.memref_slice %arg14[%dma_wait3A_217] : memref<12x!tpu.dma_semaphore, #tpu.memory_space<semaphore_mem>> -> memref<1x!tpu.dma_semaphore, #tpu.memory_space<semaphore_mem>>
    %dma_wait3A_229 = tpu.memref_squeeze %dma_wait3A_228 : memref<1x!tpu.dma_semaphore, #tpu.memory_space<semaphore_mem>> -> memref<!tpu.dma_semaphore, #tpu.memory_space<semaphore_mem>>
    tpu.wait_indirect_dma semaphore(%dma_wait3A_229 : memref<!tpu.dma_semaphore, #tpu.memory_space<semaphore_mem>>) src(%dma_wait3A_221 : memref<80x64xf32, #tpu.memory_space<vmem>>) dst(%dma_wait3A_227 : memref<10000x64xf32, #tpu.memory_space<vmem_shared>>)
    %dma_wait3A_230 = arith.constant 1 : i32
    %dma_wait3A_231 = arith.constant 0 : i32
    %dma_wait3A_232 = arith.constant 1 : i32
    %dma_wait3A_233 = arith.constant 0 : i32
    %dma_wait3A_234 = arith.constant 0 : i32
    %dma_wait3A_235 = tpu.memref_slice %arg10[%dma_wait3A_230, %dma_wait3A_233, %dma_wait3A_234] : memref<12x80x64xf32, #tpu.memory_space<vmem>> -> memref<1x80x64xf32, #tpu.memory_space<vmem>>
    %dma_wait3A_236 = tpu.memref_squeeze %dma_wait3A_235 : memref<1x80x64xf32, #tpu.memory_space<vmem>> -> memref<80x64xf32, #tpu.memory_space<vmem>>
    %dma_wait3A_237 = arith.constant 0 : i32
    %dma_wait3A_238 = tpu.memref_slice %arg9[%dma_wait3A_231, %dma_wait3A_237] : memref<125x80xi32, #tpu.memory_space<vmem>> -> memref<1x80xi32, #tpu.memory_space<vmem>>
    %dma_wait3A_239 = tpu.memref_squeeze %dma_wait3A_238 : memref<1x80xi32, #tpu.memory_space<vmem>> -> memref<80xi32, #tpu.memory_space<vmem>>
    %dma_wait3A_240 = arith.constant 0 : i32
    %dma_wait3A_241 = arith.constant 0 : i32
    %dma_wait3A_242 = tpu.memref_slice %arg12[%dma_wait3A_240, %dma_wait3A_241] : memref<10000x64xf32, #tpu.memory_space<vmem_shared>> -> memref<10000x64xf32, #tpu.memory_space<vmem_shared>>
    %dma_wait3A_243 = tpu.memref_slice %arg14[%dma_wait3A_232] : memref<12x!tpu.dma_semaphore, #tpu.memory_space<semaphore_mem>> -> memref<1x!tpu.dma_semaphore, #tpu.memory_space<semaphore_mem>>
    %dma_wait3A_244 = tpu.memref_squeeze %dma_wait3A_243 : memref<1x!tpu.dma_semaphore, #tpu.memory_space<semaphore_mem>> -> memref<!tpu.dma_semaphore, #tpu.memory_space<semaphore_mem>>
    tpu.wait_indirect_dma semaphore(%dma_wait3A_244 : memref<!tpu.dma_semaphore, #tpu.memory_space<semaphore_mem>>) src(%dma_wait3A_236 : memref<80x64xf32, #tpu.memory_space<vmem>>) dst(%dma_wait3A_242 : memref<10000x64xf32, #tpu.memory_space<vmem_shared>>)
    %dma_wait3A_245 = arith.constant 2 : i32
    %dma_wait3A_246 = arith.constant 0 : i32
    %dma_wait3A_247 = arith.constant 2 : i32
    %dma_wait3A_248 = arith.constant 0 : i32
    %dma_wait3A_249 = arith.constant 0 : i32
    %dma_wait3A_250 = tpu.memref_slice %arg10[%dma_wait3A_245, %dma_wait3A_248, %dma_wait3A_249] : memref<12x80x64xf32, #tpu.memory_space<vmem>> -> memref<1x80x64xf32, #tpu.memory_space<vmem>>
    %dma_wait3A_251 = tpu.memref_squeeze %dma_wait3A_250 : memref<1x80x64xf32, #tpu.memory_space<vmem>> -> memref<80x64xf32, #tpu.memory_space<vmem>>
    %dma_wait3A_252 = arith.constant 0 : i32
    %dma_wait3A_253 = tpu.memref_slice %arg9[%dma_wait3A_246, %dma_wait3A_252] : memref<125x80xi32, #tpu.memory_space<vmem>> -> memref<1x80xi32, #tpu.memory_space<vmem>>
    %dma_wait3A_254 = tpu.memref_squeeze %dma_wait3A_253 : memref<1x80xi32, #tpu.memory_space<vmem>> -> memref<80xi32, #tpu.memory_space<vmem>>
    %dma_wait3A_255 = arith.constant 0 : i32
    %dma_wait3A_256 = arith.constant 0 : i32
    %dma_wait3A_257 = tpu.memref_slice %arg12[%dma_wait3A_255, %dma_wait3A_256] : memref<10000x64xf32, #tpu.memory_space<vmem_shared>> -> memref<10000x64xf32, #tpu.memory_space<vmem_shared>>
    %dma_wait3A_258 = tpu.memref_slice %arg14[%dma_wait3A_247] : memref<12x!tpu.dma_semaphore, #tpu.memory_space<semaphore_mem>> -> memref<1x!tpu.dma_semaphore, #tpu.memory_space<semaphore_mem>>
    %dma_wait3A_259 = tpu.memref_squeeze %dma_wait3A_258 : memref<1x!tpu.dma_semaphore, #tpu.memory_space<semaphore_mem>> -> memref<!tpu.dma_semaphore, #tpu.memory_space<semaphore_mem>>
    tpu.wait_indirect_dma semaphore(%dma_wait3A_259 : memref<!tpu.dma_semaphore, #tpu.memory_space<semaphore_mem>>) src(%dma_wait3A_251 : memref<80x64xf32, #tpu.memory_space<vmem>>) dst(%dma_wait3A_257 : memref<10000x64xf32, #tpu.memory_space<vmem_shared>>)
    %dma_wait3A_260 = arith.constant 3 : i32
    %dma_wait3A_261 = arith.constant 0 : i32
    %dma_wait3A_262 = arith.constant 3 : i32
    %dma_wait3A_263 = arith.constant 0 : i32
    %dma_wait3A_264 = arith.constant 0 : i32
    %dma_wait3A_265 = tpu.memref_slice %arg10[%dma_wait3A_260, %dma_wait3A_263, %dma_wait3A_264] : memref<12x80x64xf32, #tpu.memory_space<vmem>> -> memref<1x80x64xf32, #tpu.memory_space<vmem>>
    %dma_wait3A_266 = tpu.memref_squeeze %dma_wait3A_265 : memref<1x80x64xf32, #tpu.memory_space<vmem>> -> memref<80x64xf32, #tpu.memory_space<vmem>>
    %dma_wait3A_267 = arith.constant 0 : i32
    %dma_wait3A_268 = tpu.memref_slice %arg9[%dma_wait3A_261, %dma_wait3A_267] : memref<125x80xi32, #tpu.memory_space<vmem>> -> memref<1x80xi32, #tpu.memory_space<vmem>>
    %dma_wait3A_269 = tpu.memref_squeeze %dma_wait3A_268 : memref<1x80xi32, #tpu.memory_space<vmem>> -> memref<80xi32, #tpu.memory_space<vmem>>
    %dma_wait3A_270 = arith.constant 0 : i32
    %dma_wait3A_271 = arith.constant 0 : i32
    %dma_wait3A_272 = tpu.memref_slice %arg12[%dma_wait3A_270, %dma_wait3A_271] : memref<10000x64xf32, #tpu.memory_space<vmem_shared>> -> memref<10000x64xf32, #tpu.memory_space<vmem_shared>>
    %dma_wait3A_273 = tpu.memref_slice %arg14[%dma_wait3A_262] : memref<12x!tpu.dma_semaphore, #tpu.memory_space<semaphore_mem>> -> memref<1x!tpu.dma_semaphore, #tpu.memory_space<semaphore_mem>>
    %dma_wait3A_274 = tpu.memref_squeeze %dma_wait3A_273 : memref<1x!tpu.dma_semaphore, #tpu.memory_space<semaphore_mem>> -> memref<!tpu.dma_semaphore, #tpu.memory_space<semaphore_mem>>
    tpu.wait_indirect_dma semaphore(%dma_wait3A_274 : memref<!tpu.dma_semaphore, #tpu.memory_space<semaphore_mem>>) src(%dma_wait3A_266 : memref<80x64xf32, #tpu.memory_space<vmem>>) dst(%dma_wait3A_272 : memref<10000x64xf32, #tpu.memory_space<vmem_shared>>)
    %dma_wait3A_275 = arith.constant 4 : i32
    %dma_wait3A_276 = arith.constant 0 : i32
    %dma_wait3A_277 = arith.constant 4 : i32
    %dma_wait3A_278 = arith.constant 0 : i32
    %dma_wait3A_279 = arith.constant 0 : i32
    %dma_wait3A_280 = tpu.memref_slice %arg10[%dma_wait3A_275, %dma_wait3A_278, %dma_wait3A_279] : memref<12x80x64xf32, #tpu.memory_space<vmem>> -> memref<1x80x64xf32, #tpu.memory_space<vmem>>
    %dma_wait3A_281 = tpu.memref_squeeze %dma_wait3A_280 : memref<1x80x64xf32, #tpu.memory_space<vmem>> -> memref<80x64xf32, #tpu.memory_space<vmem>>
    %dma_wait3A_282 = arith.constant 0 : i32
    %dma_wait3A_283 = tpu.memref_slice %arg9[%dma_wait3A_276, %dma_wait3A_282] : memref<125x80xi32, #tpu.memory_space<vmem>> -> memref<1x80xi32, #tpu.memory_space<vmem>>
    %dma_wait3A_284 = tpu.memref_squeeze %dma_wait3A_283 : memref<1x80xi32, #tpu.memory_space<vmem>> -> memref<80xi32, #tpu.memory_space<vmem>>
    %dma_wait3A_285 = arith.constant 0 : i32
    %dma_wait3A_286 = arith.constant 0 : i32
    %dma_wait3A_287 = tpu.memref_slice %arg12[%dma_wait3A_285, %dma_wait3A_286] : memref<10000x64xf32, #tpu.memory_space<vmem_shared>> -> memref<10000x64xf32, #tpu.memory_space<vmem_shared>>
    %dma_wait3A_288 = tpu.memref_slice %arg14[%dma_wait3A_277] : memref<12x!tpu.dma_semaphore, #tpu.memory_space<semaphore_mem>> -> memref<1x!tpu.dma_semaphore, #tpu.memory_space<semaphore_mem>>
    %dma_wait3A_289 = tpu.memref_squeeze %dma_wait3A_288 : memref<1x!tpu.dma_semaphore, #tpu.memory_space<semaphore_mem>> -> memref<!tpu.dma_semaphore, #tpu.memory_space<semaphore_mem>>
    tpu.wait_indirect_dma semaphore(%dma_wait3A_289 : memref<!tpu.dma_semaphore, #tpu.memory_space<semaphore_mem>>) src(%dma_wait3A_281 : memref<80x64xf32, #tpu.memory_space<vmem>>) dst(%dma_wait3A_287 : memref<10000x64xf32, #tpu.memory_space<vmem_shared>>)
    %dma_start3A_290 = arith.constant 0 : i32
    %dma_start3A_291 = arith.constant 0 : i32
    %dma_start3A_292 = arith.constant 0 : i32
    %dma_start3A_293 = arith.constant 0 : i32
    %dma_start3A_294 = arith.constant 0 : i32
    %dma_start3A_295 = tpu.memref_slice %arg10[%dma_start3A_291, %dma_start3A_293, %dma_start3A_294] : memref<12x80x64xf32, #tpu.memory_space<vmem>> -> memref<1x80x64xf32, #tpu.memory_space<vmem>>
    %dma_start3A_296 = tpu.memref_squeeze %dma_start3A_295 : memref<1x80x64xf32, #tpu.memory_space<vmem>> -> memref<80x64xf32, #tpu.memory_space<vmem>>
    %dma_start3A_297 = arith.constant 0 : i32
    %dma_start3A_298 = tpu.memref_slice %arg8[%dma_start3A_290, %dma_start3A_297] : memref<125x80xi32, #tpu.memory_space<vmem>> -> memref<1x80xi32, #tpu.memory_space<vmem>>
    %dma_start3A_299 = tpu.memref_squeeze %dma_start3A_298 : memref<1x80xi32, #tpu.memory_space<vmem>> -> memref<80xi32, #tpu.memory_space<vmem>>
    %dma_start3A_300 = arith.constant 0 : i32
    %dma_start3A_301 = arith.constant 0 : i32
    %dma_start3A_302 = tpu.memref_slice %arg3[%dma_start3A_300, %dma_start3A_301] : memref<10000x64xf32, #tpu.memory_space<hbm>> -> memref<10000x64xf32, #tpu.memory_space<hbm>>
    %dma_start3A_303 = tpu.memref_slice %arg13[%dma_start3A_292] : memref<12x!tpu.dma_semaphore, #tpu.memory_space<semaphore_mem>> -> memref<1x!tpu.dma_semaphore, #tpu.memory_space<semaphore_mem>>
    %dma_start3A_304 = tpu.memref_squeeze %dma_start3A_303 : memref<1x!tpu.dma_semaphore, #tpu.memory_space<semaphore_mem>> -> memref<!tpu.dma_semaphore, #tpu.memory_space<semaphore_mem>>
    tpu.enqueue_indirect_dma source(%dma_start3A_302 : memref<10000x64xf32, #tpu.memory_space<hbm>>) target(%dma_start3A_296 : memref<80x64xf32, #tpu.memory_space<vmem>>) offsets(%dma_start3A_299 : memref<80xi32, #tpu.memory_space<vmem>>) semaphore(%dma_start3A_304 : memref<!tpu.dma_semaphore, #tpu.memory_space<semaphore_mem>>)
    %dma_start3A_305 = arith.constant 1 : i32
    %dma_start3A_306 = arith.constant 1 : i32
    %dma_start3A_307 = arith.constant 1 : i32
    %dma_start3A_308 = arith.constant 0 : i32
    %dma_start3A_309 = arith.constant 0 : i32
    %dma_start3A_310 = tpu.memref_slice %arg10[%dma_start3A_306, %dma_start3A_308, %dma_start3A_309] : memref<12x80x64xf32, #tpu.memory_space<vmem>> -> memref<1x80x64xf32, #tpu.memory_space<vmem>>
    %dma_start3A_311 = tpu.memref_squeeze %dma_start3A_310 : memref<1x80x64xf32, #tpu.memory_space<vmem>> -> memref<80x64xf32, #tpu.memory_space<vmem>>
    %dma_start3A_312 = arith.constant 0 : i32
    %dma_start3A_313 = tpu.memref_slice %arg8[%dma_start3A_305, %dma_start3A_312] : memref<125x80xi32, #tpu.memory_space<vmem>> -> memref<1x80xi32, #tpu.memory_space<vmem>>
    %dma_start3A_314 = tpu.memref_squeeze %dma_start3A_313 : memref<1x80xi32, #tpu.memory_space<vmem>> -> memref<80xi32, #tpu.memory_space<vmem>>
    %dma_start3A_315 = arith.constant 0 : i32
    %dma_start3A_316 = arith.constant 0 : i32
    %dma_start3A_317 = tpu.memref_slice %arg3[%dma_start3A_315, %dma_start3A_316] : memref<10000x64xf32, #tpu.memory_space<hbm>> -> memref<10000x64xf32, #tpu.memory_space<hbm>>
    %dma_start3A_318 = tpu.memref_slice %arg13[%dma_start3A_307] : memref<12x!tpu.dma_semaphore, #tpu.memory_space<semaphore_mem>> -> memref<1x!tpu.dma_semaphore, #tpu.memory_space<semaphore_mem>>
    %dma_start3A_319 = tpu.memref_squeeze %dma_start3A_318 : memref<1x!tpu.dma_semaphore, #tpu.memory_space<semaphore_mem>> -> memref<!tpu.dma_semaphore, #tpu.memory_space<semaphore_mem>>
    tpu.enqueue_indirect_dma source(%dma_start3A_317 : memref<10000x64xf32, #tpu.memory_space<hbm>>) target(%dma_start3A_311 : memref<80x64xf32, #tpu.memory_space<vmem>>) offsets(%dma_start3A_314 : memref<80xi32, #tpu.memory_space<vmem>>) semaphore(%dma_start3A_319 : memref<!tpu.dma_semaphore, #tpu.memory_space<semaphore_mem>>)
    %dma_start3A_320 = arith.constant 2 : i32
    %dma_start3A_321 = arith.constant 2 : i32
    %dma_start3A_322 = arith.constant 2 : i32
    %dma_start3A_323 = arith.constant 0 : i32
    %dma_start3A_324 = arith.constant 0 : i32
    %dma_start3A_325 = tpu.memref_slice %arg10[%dma_start3A_321, %dma_start3A_323, %dma_start3A_324] : memref<12x80x64xf32, #tpu.memory_space<vmem>> -> memref<1x80x64xf32, #tpu.memory_space<vmem>>
    %dma_start3A_326 = tpu.memref_squeeze %dma_start3A_325 : memref<1x80x64xf32, #tpu.memory_space<vmem>> -> memref<80x64xf32, #tpu.memory_space<vmem>>
    %dma_start3A_327 = arith.constant 0 : i32
    %dma_start3A_328 = tpu.memref_slice %arg8[%dma_start3A_320, %dma_start3A_327] : memref<125x80xi32, #tpu.memory_space<vmem>> -> memref<1x80xi32, #tpu.memory_space<vmem>>
    %dma_start3A_329 = tpu.memref_squeeze %dma_start3A_328 : memref<1x80xi32, #tpu.memory_space<vmem>> -> memref<80xi32, #tpu.memory_space<vmem>>
    %dma_start3A_330 = arith.constant 0 : i32
    %dma_start3A_331 = arith.constant 0 : i32
    %dma_start3A_332 = tpu.memref_slice %arg3[%dma_start3A_330, %dma_start3A_331] : memref<10000x64xf32, #tpu.memory_space<hbm>> -> memref<10000x64xf32, #tpu.memory_space<hbm>>
    %dma_start3A_333 = tpu.memref_slice %arg13[%dma_start3A_322] : memref<12x!tpu.dma_semaphore, #tpu.memory_space<semaphore_mem>> -> memref<1x!tpu.dma_semaphore, #tpu.memory_space<semaphore_mem>>
    %dma_start3A_334 = tpu.memref_squeeze %dma_start3A_333 : memref<1x!tpu.dma_semaphore, #tpu.memory_space<semaphore_mem>> -> memref<!tpu.dma_semaphore, #tpu.memory_space<semaphore_mem>>
    tpu.enqueue_indirect_dma source(%dma_start3A_332 : memref<10000x64xf32, #tpu.memory_space<hbm>>) target(%dma_start3A_326 : memref<80x64xf32, #tpu.memory_space<vmem>>) offsets(%dma_start3A_329 : memref<80xi32, #tpu.memory_space<vmem>>) semaphore(%dma_start3A_334 : memref<!tpu.dma_semaphore, #tpu.memory_space<semaphore_mem>>)
    %dma_start3A_335 = arith.constant 3 : i32
    %dma_start3A_336 = arith.constant 3 : i32
    %dma_start3A_337 = arith.constant 3 : i32
    %dma_start3A_338 = arith.constant 0 : i32
    %dma_start3A_339 = arith.constant 0 : i32
    %dma_start3A_340 = tpu.memref_slice %arg10[%dma_start3A_336, %dma_start3A_338, %dma_start3A_339] : memref<12x80x64xf32, #tpu.memory_space<vmem>> -> memref<1x80x64xf32, #tpu.memory_space<vmem>>
    %dma_start3A_341 = tpu.memref_squeeze %dma_start3A_340 : memref<1x80x64xf32, #tpu.memory_space<vmem>> -> memref<80x64xf32, #tpu.memory_space<vmem>>
    %dma_start3A_342 = arith.constant 0 : i32
    %dma_start3A_343 = tpu.memref_slice %arg8[%dma_start3A_335, %dma_start3A_342] : memref<125x80xi32, #tpu.memory_space<vmem>> -> memref<1x80xi32, #tpu.memory_space<vmem>>
    %dma_start3A_344 = tpu.memref_squeeze %dma_start3A_343 : memref<1x80xi32, #tpu.memory_space<vmem>> -> memref<80xi32, #tpu.memory_space<vmem>>
    %dma_start3A_345 = arith.constant 0 : i32
    %dma_start3A_346 = arith.constant 0 : i32
    %dma_start3A_347 = tpu.memref_slice %arg3[%dma_start3A_345, %dma_start3A_346] : memref<10000x64xf32, #tpu.memory_space<hbm>> -> memref<10000x64xf32, #tpu.memory_space<hbm>>
    %dma_start3A_348 = tpu.memref_slice %arg13[%dma_start3A_337] : memref<12x!tpu.dma_semaphore, #tpu.memory_space<semaphore_mem>> -> memref<1x!tpu.dma_semaphore, #tpu.memory_space<semaphore_mem>>
    %dma_start3A_349 = tpu.memref_squeeze %dma_start3A_348 : memref<1x!tpu.dma_semaphore, #tpu.memory_space<semaphore_mem>> -> memref<!tpu.dma_semaphore, #tpu.memory_space<semaphore_mem>>
    tpu.enqueue_indirect_dma source(%dma_start3A_347 : memref<10000x64xf32, #tpu.memory_space<hbm>>) target(%dma_start3A_341 : memref<80x64xf32, #tpu.memory_space<vmem>>) offsets(%dma_start3A_344 : memref<80xi32, #tpu.memory_space<vmem>>) semaphore(%dma_start3A_349 : memref<!tpu.dma_semaphore, #tpu.memory_space<semaphore_mem>>)
    %dma_start3A_350 = arith.constant 4 : i32
    %dma_start3A_351 = arith.constant 4 : i32
    %dma_start3A_352 = arith.constant 4 : i32
    %dma_start3A_353 = arith.constant 0 : i32
    %dma_start3A_354 = arith.constant 0 : i32
    %dma_start3A_355 = tpu.memref_slice %arg10[%dma_start3A_351, %dma_start3A_353, %dma_start3A_354] : memref<12x80x64xf32, #tpu.memory_space<vmem>> -> memref<1x80x64xf32, #tpu.memory_space<vmem>>
    %dma_start3A_356 = tpu.memref_squeeze %dma_start3A_355 : memref<1x80x64xf32, #tpu.memory_space<vmem>> -> memref<80x64xf32, #tpu.memory_space<vmem>>
    %dma_start3A_357 = arith.constant 0 : i32
    %dma_start3A_358 = tpu.memref_slice %arg8[%dma_start3A_350, %dma_start3A_357] : memref<125x80xi32, #tpu.memory_space<vmem>> -> memref<1x80xi32, #tpu.memory_space<vmem>>
    %dma_start3A_359 = tpu.memref_squeeze %dma_start3A_358 : memref<1x80xi32, #tpu.memory_space<vmem>> -> memref<80xi32, #tpu.memory_space<vmem>>
    %dma_start3A_360 = arith.constant 0 : i32
    %dma_start3A_361 = arith.constant 0 : i32
    %dma_start3A_362 = tpu.memref_slice %arg3[%dma_start3A_360, %dma_start3A_361] : memref<10000x64xf32, #tpu.memory_space<hbm>> -> memref<10000x64xf32, #tpu.memory_space<hbm>>
    %dma_start3A_363 = tpu.memref_slice %arg13[%dma_start3A_352] : memref<12x!tpu.dma_semaphore, #tpu.memory_space<semaphore_mem>> -> memref<1x!tpu.dma_semaphore, #tpu.memory_space<semaphore_mem>>
    %dma_start3A_364 = tpu.memref_squeeze %dma_start3A_363 : memref<1x!tpu.dma_semaphore, #tpu.memory_space<semaphore_mem>> -> memref<!tpu.dma_semaphore, #tpu.memory_space<semaphore_mem>>
    tpu.enqueue_indirect_dma source(%dma_start3A_362 : memref<10000x64xf32, #tpu.memory_space<hbm>>) target(%dma_start3A_356 : memref<80x64xf32, #tpu.memory_space<vmem>>) offsets(%dma_start3A_359 : memref<80xi32, #tpu.memory_space<vmem>>) semaphore(%dma_start3A_364 : memref<!tpu.dma_semaphore, #tpu.memory_space<semaphore_mem>>)
    %dma_start3A_365 = arith.constant 5 : i32
    %dma_start3A_366 = arith.constant 5 : i32
    %dma_start3A_367 = arith.constant 5 : i32
    %dma_start3A_368 = arith.constant 0 : i32
    %dma_start3A_369 = arith.constant 0 : i32
    %dma_start3A_370 = tpu.memref_slice %arg10[%dma_start3A_366, %dma_start3A_368, %dma_start3A_369] : memref<12x80x64xf32, #tpu.memory_space<vmem>> -> memref<1x80x64xf32, #tpu.memory_space<vmem>>
    %dma_start3A_371 = tpu.memref_squeeze %dma_start3A_370 : memref<1x80x64xf32, #tpu.memory_space<vmem>> -> memref<80x64xf32, #tpu.memory_space<vmem>>
    %dma_start3A_372 = arith.constant 0 : i32
    %dma_start3A_373 = tpu.memref_slice %arg8[%dma_start3A_365, %dma_start3A_372] : memref<125x80xi32, #tpu.memory_space<vmem>> -> memref<1x80xi32, #tpu.memory_space<vmem>>
    %dma_start3A_374 = tpu.memref_squeeze %dma_start3A_373 : memref<1x80xi32, #tpu.memory_space<vmem>> -> memref<80xi32, #tpu.memory_space<vmem>>
    %dma_start3A_375 = arith.constant 0 : i32
    %dma_start3A_376 = arith.constant 0 : i32
    %dma_start3A_377 = tpu.memref_slice %arg3[%dma_start3A_375, %dma_start3A_376] : memref<10000x64xf32, #tpu.memory_space<hbm>> -> memref<10000x64xf32, #tpu.memory_space<hbm>>
    %dma_start3A_378 = tpu.memref_slice %arg13[%dma_start3A_367] : memref<12x!tpu.dma_semaphore, #tpu.memory_space<semaphore_mem>> -> memref<1x!tpu.dma_semaphore, #tpu.memory_space<semaphore_mem>>
    %dma_start3A_379 = tpu.memref_squeeze %dma_start3A_378 : memref<1x!tpu.dma_semaphore, #tpu.memory_space<semaphore_mem>> -> memref<!tpu.dma_semaphore, #tpu.memory_space<semaphore_mem>>
    tpu.enqueue_indirect_dma source(%dma_start3A_377 : memref<10000x64xf32, #tpu.memory_space<hbm>>) target(%dma_start3A_371 : memref<80x64xf32, #tpu.memory_space<vmem>>) offsets(%dma_start3A_374 : memref<80xi32, #tpu.memory_space<vmem>>) semaphore(%dma_start3A_379 : memref<!tpu.dma_semaphore, #tpu.memory_space<semaphore_mem>>)
    %barrier3A_380 = arith.constant 0 : index
    tpu.barrier barrier_id(%barrier3A_380)
    %scan3A_381 = arith.constant 0 : i32
    %scan3A_382 = arith.constant 0 : i32
    %scan3A_383 = arith.constant 8 : i32
    %scan3A_384 = arith.addi %scan3A_382, %scan3A_383 : i32
    %scan3A_385 = arith.constant 1 : i32
    %scan3A_386 = scf.for %scan3A_598 = %scan3A_382 to %scan3A_384 step %scan3A_385 iter_args(%scan3A_599 = %scan3A_381) -> (i32)  : i32 {
      %mul3A_600 = arith.constant 16 : i32
      %mul3A_601 = arith.muli %scan3A_598, %mul3A_600 : i32
      %add3A_602 = arith.addi %arg1, %mul3A_601 : i32
      %lt3A = arith.constant 125 : i32
      %lt3A_603 = arith.cmpi slt, %add3A_602, %lt3A : i32
      %convert_element_type3A = arith.extui %lt3A_603 : i1 to i32
      %cond3A = arith.constant 0 : i32
      %cond3A_604 = arith.cmpi ne, %convert_element_type3A, %cond3A : i32
      scf.if %cond3A_604 {
        %mul3A_606 = arith.constant 80 : i32
        %mul3A_607 = arith.muli %add3A_602, %mul3A_606 : i32
        "tpu.region"() ({
          %run_scoped3A = tpu.sem_alloc : memref<!tpu.dma_semaphore, #tpu.memory_space<semaphore_mem>>
          %dma_start3A_608 = arith.constant 0 : i32
          %dma_start3A_609 = tpu.memref_slice %arg12[%mul3A_607, %dma_start3A_608] : memref<10000x64xf32, #tpu.memory_space<vmem_shared>> -> memref<80x64xf32, #tpu.memory_space<vmem_shared>>
          %dma_start3A_610 = arith.constant 0 : i32
          %dma_start3A_611 = tpu.memref_slice %arg12[%mul3A_607, %dma_start3A_610] : memref<10000x64xf32, #tpu.memory_space<vmem_shared>> -> memref<80x64xf32, #tpu.memory_space<vmem_shared>>
          tpu.enqueue_dma source(%dma_start3A_611 : memref<80x64xf32, #tpu.memory_space<vmem_shared>>) target(%arg11 : memref<80x64xf32, #tpu.memory_space<vmem>>) target_semaphore(%run_scoped3A : memref<!tpu.dma_semaphore, #tpu.memory_space<semaphore_mem>>)
          %dma_wait3A_612 = arith.constant 0 : i32
          %dma_wait3A_613 = tpu.memref_slice %arg12[%mul3A_607, %dma_wait3A_612] : memref<10000x64xf32, #tpu.memory_space<vmem_shared>> -> memref<80x64xf32, #tpu.memory_space<vmem_shared>>
          %dma_wait3A_614 = arith.constant 0 : i32
          %dma_wait3A_615 = tpu.memref_slice %arg12[%mul3A_607, %dma_wait3A_614] : memref<10000x64xf32, #tpu.memory_space<vmem_shared>> -> memref<80x64xf32, #tpu.memory_space<vmem_shared>>
          tpu.wait_dma2 semaphore(%run_scoped3A : memref<!tpu.dma_semaphore, #tpu.memory_space<semaphore_mem>>) src(%dma_wait3A_615 : memref<80x64xf32, #tpu.memory_space<vmem_shared>>) dst(%arg11 : memref<80x64xf32, #tpu.memory_space<vmem>>)
          tpu.yield
        }) : () -> ()
        "tpu.region"() ({
          %run_scoped3A = tpu.sem_alloc : memref<!tpu.dma_semaphore, #tpu.memory_space<semaphore_mem>>
          %dma_start3A_608 = arith.constant 0 : i32
          %dma_start3A_609 = tpu.memref_slice %arg6[%arg0, %mul3A_607, %dma_start3A_608] : memref<2x10000x64xf32, #tpu.memory_space<hbm>> -> memref<1x80x64xf32, #tpu.memory_space<hbm>>
          %dma_start3A_610 = tpu.memref_squeeze %dma_start3A_609 : memref<1x80x64xf32, #tpu.memory_space<hbm>> -> memref<80x64xf32, #tpu.memory_space<hbm>>
          %dma_start3A_611 = arith.constant 0 : i32
          %dma_start3A_612 = tpu.memref_slice %arg6[%arg0, %mul3A_607, %dma_start3A_611] : memref<2x10000x64xf32, #tpu.memory_space<hbm>> -> memref<1x80x64xf32, #tpu.memory_space<hbm>>
          %dma_start3A_613 = tpu.memref_squeeze %dma_start3A_612 : memref<1x80x64xf32, #tpu.memory_space<hbm>> -> memref<80x64xf32, #tpu.memory_space<hbm>>
          tpu.enqueue_dma source(%arg11 : memref<80x64xf32, #tpu.memory_space<vmem>>) target(%dma_start3A_613 : memref<80x64xf32, #tpu.memory_space<hbm>>) target_semaphore(%run_scoped3A : memref<!tpu.dma_semaphore, #tpu.memory_space<semaphore_mem>>)
          %dma_wait3A_614 = arith.constant 0 : i32
          %dma_wait3A_615 = tpu.memref_slice %arg6[%arg0, %mul3A_607, %dma_wait3A_614] : memref<2x10000x64xf32, #tpu.memory_space<hbm>> -> memref<1x80x64xf32, #tpu.memory_space<hbm>>
          %dma_wait3A_616 = tpu.memref_squeeze %dma_wait3A_615 : memref<1x80x64xf32, #tpu.memory_space<hbm>> -> memref<80x64xf32, #tpu.memory_space<hbm>>
          %dma_wait3A_617 = arith.constant 0 : i32
          %dma_wait3A_618 = tpu.memref_slice %arg6[%arg0, %mul3A_607, %dma_wait3A_617] : memref<2x10000x64xf32, #tpu.memory_space<hbm>> -> memref<1x80x64xf32, #tpu.memory_space<hbm>>
          %dma_wait3A_619 = tpu.memref_squeeze %dma_wait3A_618 : memref<1x80x64xf32, #tpu.memory_space<hbm>> -> memref<80x64xf32, #tpu.memory_space<hbm>>
          tpu.wait_dma2 semaphore(%run_scoped3A : memref<!tpu.dma_semaphore, #tpu.memory_space<semaphore_mem>>) src(%arg11 : memref<80x64xf32, #tpu.memory_space<vmem>>) dst(%dma_wait3A_619 : memref<80x64xf32, #tpu.memory_space<hbm>>)
          tpu.yield
        }) : () -> ()
      } else {
      }
      %scan3A_605 = arith.constant 0 : i32
      scf.yield %scan3A_605 : i32
    }
    %scan3A_387 = arith.constant 8 : i32
    %scan3A_388 = arith.constant 0 : i32
    %scan3A_389 = arith.constant 0 : i32
    %scan3A_390 = arith.constant 320 : i32
    %scan3A_391 = arith.addi %scan3A_389, %scan3A_390 : i32
    %scan3A_392 = arith.constant 1 : i32
    %scan3A_393 = scf.for %scan3A_598 = %scan3A_389 to %scan3A_391 step %scan3A_392 iter_args(%scan3A_599 = %scan3A_388) -> (i32)  : i32 {
      %jit3A = arith.constant 4 : i32
      %div3A = arith.divsi %scan3A_598, %jit3A : i32
      %sign3A = arith.constant 0 : i32
      %sign3A_600 = arith.cmpi sgt, %scan3A_598, %sign3A : i32
      %sign3A_601 = arith.extui %sign3A_600 : i1 to i32
      %sign3A_602 = arith.constant 0 : i32
      %sign3A_603 = arith.cmpi slt, %scan3A_598, %sign3A_602 : i32
      %sign3A_604 = arith.extui %sign3A_603 : i1 to i32
      %sign3A_605 = arith.subi %sign3A_601, %sign3A_604 : i32
      %sign3A_606 = arith.constant 0 : i32
      %sign3A_607 = arith.cmpi sgt, %jit3A, %sign3A_606 : i32
      %sign3A_608 = arith.extui %sign3A_607 : i1 to i32
      %sign3A_609 = arith.constant 0 : i32
      %sign3A_610 = arith.cmpi slt, %jit3A, %sign3A_609 : i32
      %sign3A_611 = arith.extui %sign3A_610 : i1 to i32
      %sign3A_612 = arith.subi %sign3A_608, %sign3A_611 : i32
      %ne3A = arith.cmpi ne, %sign3A_605, %sign3A_612 : i32
      %rem3A = arith.remsi %scan3A_598, %jit3A : i32
      %ne3A_613 = arith.constant 0 : i32
      %ne3A_614 = arith.cmpi ne, %rem3A, %ne3A_613 : i32
      %and3A = arith.andi %ne3A, %ne3A_614 : i1
      %sub3A = arith.constant 1 : i32
      %sub3A_615 = arith.subi %div3A, %sub3A : i32
      %select_n3A = arith.select %and3A, %sub3A_615, %div3A : i32
      %jit3A_616 = arith.constant 4 : i32
      %eq3A = arith.constant 0 : i32
      %eq3A_617 = arith.cmpi eq, %jit3A_616, %eq3A : i32
      %jit3A_618 = arith.constant 1 : i32
      %select_n3A_619 = arith.select %eq3A_617, %jit3A_618, %jit3A_616 : i32
      %rem3A_620 = arith.remsi %scan3A_598, %select_n3A_619 : i32
      %ne3A_621 = arith.constant 0 : i32
      %ne3A_622 = arith.cmpi ne, %rem3A_620, %ne3A_621 : i32
      %lt3A = arith.constant 0 : i32
      %lt3A_623 = arith.cmpi slt, %rem3A_620, %lt3A : i32
      %lt3A_624 = arith.constant 0 : i32
      %lt3A_625 = arith.cmpi slt, %select_n3A_619, %lt3A_624 : i32
      %ne3A_626 = arith.xori %lt3A_623, %lt3A_625 : i1
      %and3A_627 = arith.andi %ne3A_626, %ne3A_622 : i1
      %add3A_628 = arith.addi %rem3A_620, %select_n3A_619 : i32
      %select_n3A_629 = arith.select %and3A_627, %add3A_628, %rem3A_620 : i32
      %mul3A_630 = arith.constant 16 : i32
      %mul3A_631 = arith.muli %select_n3A_629, %mul3A_630 : i32
      %swap3A = arith.index_cast %select_n3A : i32 to index
      %swap3A_632 = arith.index_cast %mul3A_631 : i32 to index
      %swap3A_633 = tpu.vector_load %arg11[%swap3A, %swap3A_632] {strides = array<i32>} : memref<80x64xf32, #tpu.memory_space<vmem>>, vector<1x16xf32>,
      %swap3A_634 = vector.shape_cast %swap3A_633 : vector<1x16xf32> to vector<16xf32>
      %swap3A_635 = vector.shape_cast %broadcast_in_dim3A_1 : vector<16xf32> to vector<1x16xf32>
      tpu.vector_store %arg11[%swap3A, %swap3A_632], %swap3A_635 {strides = array<i32>} : memref<80x64xf32, #tpu.memory_space<vmem>>, vector<1x16xf32>,
      %scan3A_636 = arith.constant 0 : i32
      scf.yield %scan3A_636 : i32
    }
    %scan3A_394 = arith.constant 320 : i32
    %scan3A_395 = arith.constant 0 : i32
    %scan3A_396 = arith.constant 0 : i32
    %scan3A_397 = arith.constant 8 : i32
    %scan3A_398 = arith.addi %scan3A_396, %scan3A_397 : i32
    %scan3A_399 = arith.constant 1 : i32
    %scan3A_400 = scf.for %scan3A_598 = %scan3A_396 to %scan3A_398 step %scan3A_399 iter_args(%scan3A_599 = %scan3A_395) -> (i32)  : i32 {
      %mul3A_600 = arith.constant 16 : i32
      %mul3A_601 = arith.muli %scan3A_598, %mul3A_600 : i32
      %add3A_602 = arith.addi %arg1, %mul3A_601 : i32
      %lt3A = arith.constant 125 : i32
      %lt3A_603 = arith.cmpi slt, %add3A_602, %lt3A : i32
      %convert_element_type3A = arith.extui %lt3A_603 : i1 to i32
      %cond3A = arith.constant 0 : i32
      %cond3A_604 = arith.cmpi ne, %convert_element_type3A, %cond3A : i32
      scf.if %cond3A_604 {
        %mul3A_606 = arith.constant 80 : i32
        %mul3A_607 = arith.muli %add3A_602, %mul3A_606 : i32
        "tpu.region"() ({
          %run_scoped3A = tpu.sem_alloc : memref<!tpu.dma_semaphore, #tpu.memory_space<semaphore_mem>>
          %dma_start3A_608 = arith.constant 0 : i32
          %dma_start3A_609 = tpu.memref_slice %arg12[%mul3A_607, %dma_start3A_608] : memref<10000x64xf32, #tpu.memory_space<vmem_shared>> -> memref<80x64xf32, #tpu.memory_space<vmem_shared>>
          %dma_start3A_610 = arith.constant 0 : i32
          %dma_start3A_611 = tpu.memref_slice %arg12[%mul3A_607, %dma_start3A_610] : memref<10000x64xf32, #tpu.memory_space<vmem_shared>> -> memref<80x64xf32, #tpu.memory_space<vmem_shared>>
          tpu.enqueue_dma source(%arg11 : memref<80x64xf32, #tpu.memory_space<vmem>>) target(%dma_start3A_611 : memref<80x64xf32, #tpu.memory_space<vmem_shared>>) target_semaphore(%run_scoped3A : memref<!tpu.dma_semaphore, #tpu.memory_space<semaphore_mem>>)
          %dma_wait3A_612 = arith.constant 0 : i32
          %dma_wait3A_613 = tpu.memref_slice %arg12[%mul3A_607, %dma_wait3A_612] : memref<10000x64xf32, #tpu.memory_space<vmem_shared>> -> memref<80x64xf32, #tpu.memory_space<vmem_shared>>
          %dma_wait3A_614 = arith.constant 0 : i32
          %dma_wait3A_615 = tpu.memref_slice %arg12[%mul3A_607, %dma_wait3A_614] : memref<10000x64xf32, #tpu.memory_space<vmem_shared>> -> memref<80x64xf32, #tpu.memory_space<vmem_shared>>
          tpu.wait_dma2 semaphore(%run_scoped3A : memref<!tpu.dma_semaphore, #tpu.memory_space<semaphore_mem>>) src(%arg11 : memref<80x64xf32, #tpu.memory_space<vmem>>) dst(%dma_wait3A_615 : memref<80x64xf32, #tpu.memory_space<vmem_shared>>)
          tpu.yield
        }) : () -> ()
      } else {
      }
      %scan3A_605 = arith.constant 0 : i32
      scf.yield %scan3A_605 : i32
    }
    %scan3A_401 = arith.constant 8 : i32
    %barrier3A_402 = arith.constant 0 : index
    tpu.barrier barrier_id(%barrier3A_402)
    %scan3A_403 = arith.constant 0 : i32
    %scan3A_404 = arith.constant 0 : i32
    %scan3A_405 = arith.constant 125 : i32
    %scan3A_406 = arith.addi %scan3A_404, %scan3A_405 : i32
    %scan3A_407 = arith.constant 1 : i32
    %scan3A_408 = scf.for %scan3A_598 = %scan3A_404 to %scan3A_406 step %scan3A_407 iter_args(%scan3A_599 = %scan3A_403) -> (i32)  : i32 {
      %jit3A = arith.constant 12 : i32
      %eq3A = arith.constant 0 : i32
      %eq3A_600 = arith.cmpi eq, %jit3A, %eq3A : i32
      %jit3A_601 = arith.constant 1 : i32
      %select_n3A = arith.select %eq3A_600, %jit3A_601, %jit3A : i32
      %rem3A = arith.remsi %scan3A_598, %select_n3A : i32
      %ne3A = arith.constant 0 : i32
      %ne3A_602 = arith.cmpi ne, %rem3A, %ne3A : i32
      %lt3A = arith.constant 0 : i32
      %lt3A_603 = arith.cmpi slt, %rem3A, %lt3A : i32
      %lt3A_604 = arith.constant 0 : i32
      %lt3A_605 = arith.cmpi slt, %select_n3A, %lt3A_604 : i32
      %ne3A_606 = arith.xori %lt3A_603, %lt3A_605 : i1
      %and3A = arith.andi %ne3A_606, %ne3A_602 : i1
      %add3A_607 = arith.addi %rem3A, %select_n3A : i32
      %select_n3A_608 = arith.select %and3A, %add3A_607, %rem3A : i32
      %dma_wait3A_609 = arith.constant 0 : i32
      %dma_wait3A_610 = arith.constant 0 : i32
      %dma_wait3A_611 = tpu.memref_slice %arg10[%select_n3A_608, %dma_wait3A_609, %dma_wait3A_610] : memref<12x80x64xf32, #tpu.memory_space<vmem>> -> memref<1x80x64xf32, #tpu.memory_space<vmem>>
      %dma_wait3A_612 = tpu.memref_squeeze %dma_wait3A_611 : memref<1x80x64xf32, #tpu.memory_space<vmem>> -> memref<80x64xf32, #tpu.memory_space<vmem>>
      %dma_wait3A_613 = arith.constant 0 : i32
      %dma_wait3A_614 = tpu.memref_slice %arg8[%scan3A_598, %dma_wait3A_613] : memref<125x80xi32, #tpu.memory_space<vmem>> -> memref<1x80xi32, #tpu.memory_space<vmem>>
      %dma_wait3A_615 = tpu.memref_squeeze %dma_wait3A_614 : memref<1x80xi32, #tpu.memory_space<vmem>> -> memref<80xi32, #tpu.memory_space<vmem>>
      %dma_wait3A_616 = arith.constant 0 : i32
      %dma_wait3A_617 = arith.constant 0 : i32
      %dma_wait3A_618 = tpu.memref_slice %arg3[%dma_wait3A_616, %dma_wait3A_617] : memref<10000x64xf32, #tpu.memory_space<hbm>> -> memref<10000x64xf32, #tpu.memory_space<hbm>>
      %dma_wait3A_619 = tpu.memref_slice %arg13[%select_n3A_608] : memref<12x!tpu.dma_semaphore, #tpu.memory_space<semaphore_mem>> -> memref<1x!tpu.dma_semaphore, #tpu.memory_space<semaphore_mem>>
      %dma_wait3A_620 = tpu.memref_squeeze %dma_wait3A_619 : memref<1x!tpu.dma_semaphore, #tpu.memory_space<semaphore_mem>> -> memref<!tpu.dma_semaphore, #tpu.memory_space<semaphore_mem>>
      tpu.wait_indirect_dma semaphore(%dma_wait3A_620 : memref<!tpu.dma_semaphore, #tpu.memory_space<semaphore_mem>>) src(%dma_wait3A_618 : memref<10000x64xf32, #tpu.memory_space<hbm>>) dst(%dma_wait3A_612 : memref<80x64xf32, #tpu.memory_space<vmem>>)
      %dma_start3A_621 = arith.constant 0 : i32
      %dma_start3A_622 = arith.constant 0 : i32
      %dma_start3A_623 = tpu.memref_slice %arg10[%select_n3A_608, %dma_start3A_621, %dma_start3A_622] : memref<12x80x64xf32, #tpu.memory_space<vmem>> -> memref<1x80x64xf32, #tpu.memory_space<vmem>>
      %dma_start3A_624 = tpu.memref_squeeze %dma_start3A_623 : memref<1x80x64xf32, #tpu.memory_space<vmem>> -> memref<80x64xf32, #tpu.memory_space<vmem>>
      %dma_start3A_625 = arith.constant 0 : i32
      %dma_start3A_626 = tpu.memref_slice %arg9[%scan3A_598, %dma_start3A_625] : memref<125x80xi32, #tpu.memory_space<vmem>> -> memref<1x80xi32, #tpu.memory_space<vmem>>
      %dma_start3A_627 = tpu.memref_squeeze %dma_start3A_626 : memref<1x80xi32, #tpu.memory_space<vmem>> -> memref<80xi32, #tpu.memory_space<vmem>>
      %dma_start3A_628 = arith.constant 0 : i32
      %dma_start3A_629 = arith.constant 0 : i32
      %dma_start3A_630 = tpu.memref_slice %arg12[%dma_start3A_628, %dma_start3A_629] : memref<10000x64xf32, #tpu.memory_space<vmem_shared>> -> memref<10000x64xf32, #tpu.memory_space<vmem_shared>>
      %dma_start3A_631 = tpu.memref_slice %arg14[%select_n3A_608] : memref<12x!tpu.dma_semaphore, #tpu.memory_space<semaphore_mem>> -> memref<1x!tpu.dma_semaphore, #tpu.memory_space<semaphore_mem>>
      %dma_start3A_632 = tpu.memref_squeeze %dma_start3A_631 : memref<1x!tpu.dma_semaphore, #tpu.memory_space<semaphore_mem>> -> memref<!tpu.dma_semaphore, #tpu.memory_space<semaphore_mem>>
      tpu.enqueue_indirect_dma source(%dma_start3A_624 : memref<80x64xf32, #tpu.memory_space<vmem>>) target(%dma_start3A_630 : memref<10000x64xf32, #tpu.memory_space<vmem_shared>>) offsets(%dma_start3A_627 : memref<80xi32, #tpu.memory_space<vmem>>) semaphore(%dma_start3A_632 : memref<!tpu.dma_semaphore, #tpu.memory_space<semaphore_mem>>) {add = true}
      %lt3A_633 = arith.constant 119 : i32
      %lt3A_634 = arith.cmpi slt, %scan3A_598, %lt3A_633 : i32
      %convert_element_type3A = arith.extui %lt3A_634 : i1 to i32
      %cond3A = arith.constant 0 : i32
      %cond3A_635 = arith.cmpi ne, %convert_element_type3A, %cond3A : i32
      scf.if %cond3A_635 {
        %add3A_637 = arith.constant 6 : i32
        %add3A_638 = arith.addi %scan3A_598, %add3A_637 : i32
        %jit3A_639 = arith.constant 12 : i32
        %eq3A_640 = arith.constant 0 : i32
        %eq3A_641 = arith.cmpi eq, %jit3A_639, %eq3A_640 : i32
        %jit3A_642 = arith.constant 1 : i32
        %select_n3A_643 = arith.select %eq3A_641, %jit3A_642, %jit3A_639 : i32
        %rem3A_644 = arith.remsi %add3A_638, %select_n3A_643 : i32
        %ne3A_645 = arith.constant 0 : i32
        %ne3A_646 = arith.cmpi ne, %rem3A_644, %ne3A_645 : i32
        %lt3A_647 = arith.constant 0 : i32
        %lt3A_648 = arith.cmpi slt, %rem3A_644, %lt3A_647 : i32
        %lt3A_649 = arith.constant 0 : i32
        %lt3A_650 = arith.cmpi slt, %select_n3A_643, %lt3A_649 : i32
        %ne3A_651 = arith.xori %lt3A_648, %lt3A_650 : i1
        %and3A_652 = arith.andi %ne3A_651, %ne3A_646 : i1
        %add3A_653 = arith.addi %rem3A_644, %select_n3A_643 : i32
        %select_n3A_654 = arith.select %and3A_652, %add3A_653, %rem3A_644 : i32
        %ge3A = arith.constant 6 : i32
        %ge3A_655 = arith.cmpi sge, %scan3A_598, %ge3A : i32
        %convert_element_type3A_656 = arith.extui %ge3A_655 : i1 to i32
        %cond3A_657 = arith.constant 0 : i32
        %cond3A_658 = arith.cmpi ne, %convert_element_type3A_656, %cond3A_657 : i32
        scf.if %cond3A_658 {
          %dma_wait3A_673 = arith.constant 0 : i32
          %dma_wait3A_674 = arith.constant 0 : i32
          %dma_wait3A_675 = tpu.memref_slice %arg10[%select_n3A_654, %dma_wait3A_673, %dma_wait3A_674] : memref<12x80x64xf32, #tpu.memory_space<vmem>> -> memref<1x80x64xf32, #tpu.memory_space<vmem>>
          %dma_wait3A_676 = tpu.memref_squeeze %dma_wait3A_675 : memref<1x80x64xf32, #tpu.memory_space<vmem>> -> memref<80x64xf32, #tpu.memory_space<vmem>>
          %dma_wait3A_677 = arith.constant 0 : i32
          %dma_wait3A_678 = tpu.memref_slice %arg9[%scan3A_598, %dma_wait3A_677] : memref<125x80xi32, #tpu.memory_space<vmem>> -> memref<1x80xi32, #tpu.memory_space<vmem>>
          %dma_wait3A_679 = tpu.memref_squeeze %dma_wait3A_678 : memref<1x80xi32, #tpu.memory_space<vmem>> -> memref<80xi32, #tpu.memory_space<vmem>>
          %dma_wait3A_680 = arith.constant 0 : i32
          %dma_wait3A_681 = arith.constant 0 : i32
          %dma_wait3A_682 = tpu.memref_slice %arg12[%dma_wait3A_680, %dma_wait3A_681] : memref<10000x64xf32, #tpu.memory_space<vmem_shared>> -> memref<10000x64xf32, #tpu.memory_space<vmem_shared>>
          %dma_wait3A_683 = tpu.memref_slice %arg14[%select_n3A_654] : memref<12x!tpu.dma_semaphore, #tpu.memory_space<semaphore_mem>> -> memref<1x!tpu.dma_semaphore, #tpu.memory_space<semaphore_mem>>
          %dma_wait3A_684 = tpu.memref_squeeze %dma_wait3A_683 : memref<1x!tpu.dma_semaphore, #tpu.memory_space<semaphore_mem>> -> memref<!tpu.dma_semaphore, #tpu.memory_space<semaphore_mem>>
          tpu.wait_indirect_dma semaphore(%dma_wait3A_684 : memref<!tpu.dma_semaphore, #tpu.memory_space<semaphore_mem>>) src(%dma_wait3A_676 : memref<80x64xf32, #tpu.memory_space<vmem>>) dst(%dma_wait3A_682 : memref<10000x64xf32, #tpu.memory_space<vmem_shared>>)
        } else {
        }
        %add3A_659 = arith.constant 6 : i32
        %add3A_660 = arith.addi %scan3A_598, %add3A_659 : i32
        %dma_start3A_661 = arith.constant 0 : i32
        %dma_start3A_662 = arith.constant 0 : i32
        %dma_start3A_663 = tpu.memref_slice %arg10[%select_n3A_654, %dma_start3A_661, %dma_start3A_662] : memref<12x80x64xf32, #tpu.memory_space<vmem>> -> memref<1x80x64xf32, #tpu.memory_space<vmem>>
        %dma_start3A_664 = tpu.memref_squeeze %dma_start3A_663 : memref<1x80x64xf32, #tpu.memory_space<vmem>> -> memref<80x64xf32, #tpu.memory_space<vmem>>
        %dma_start3A_665 = arith.constant 0 : i32
        %dma_start3A_666 = tpu.memref_slice %arg8[%add3A_660, %dma_start3A_665] : memref<125x80xi32, #tpu.memory_space<vmem>> -> memref<1x80xi32, #tpu.memory_space<vmem>>
        %dma_start3A_667 = tpu.memref_squeeze %dma_start3A_666 : memref<1x80xi32, #tpu.memory_space<vmem>> -> memref<80xi32, #tpu.memory_space<vmem>>
        %dma_start3A_668 = arith.constant 0 : i32
        %dma_start3A_669 = arith.constant 0 : i32
        %dma_start3A_670 = tpu.memref_slice %arg3[%dma_start3A_668, %dma_start3A_669] : memref<10000x64xf32, #tpu.memory_space<hbm>> -> memref<10000x64xf32, #tpu.memory_space<hbm>>
        %dma_start3A_671 = tpu.memref_slice %arg13[%select_n3A_654] : memref<12x!tpu.dma_semaphore, #tpu.memory_space<semaphore_mem>> -> memref<1x!tpu.dma_semaphore, #tpu.memory_space<semaphore_mem>>
        %dma_start3A_672 = tpu.memref_squeeze %dma_start3A_671 : memref<1x!tpu.dma_semaphore, #tpu.memory_space<semaphore_mem>> -> memref<!tpu.dma_semaphore, #tpu.memory_space<semaphore_mem>>
        tpu.enqueue_indirect_dma source(%dma_start3A_670 : memref<10000x64xf32, #tpu.memory_space<hbm>>) target(%dma_start3A_664 : memref<80x64xf32, #tpu.memory_space<vmem>>) offsets(%dma_start3A_667 : memref<80xi32, #tpu.memory_space<vmem>>) semaphore(%dma_start3A_672 : memref<!tpu.dma_semaphore, #tpu.memory_space<semaphore_mem>>)
      } else {
      }
      %scan3A_636 = arith.constant 0 : i32
      scf.yield %scan3A_636 : i32
    }
    %scan3A_409 = arith.constant 125 : i32
    %dma_wait3A_410 = arith.constant 5 : i32
    %dma_wait3A_411 = arith.constant 0 : i32
    %dma_wait3A_412 = arith.constant 5 : i32
    %dma_wait3A_413 = arith.constant 0 : i32
    %dma_wait3A_414 = arith.constant 0 : i32
    %dma_wait3A_415 = tpu.memref_slice %arg10[%dma_wait3A_410, %dma_wait3A_413, %dma_wait3A_414] : memref<12x80x64xf32, #tpu.memory_space<vmem>> -> memref<1x80x64xf32, #tpu.memory_space<vmem>>
    %dma_wait3A_416 = tpu.memref_squeeze %dma_wait3A_415 : memref<1x80x64xf32, #tpu.memory_space<vmem>> -> memref<80x64xf32, #tpu.memory_space<vmem>>
    %dma_wait3A_417 = arith.constant 0 : i32
    %dma_wait3A_418 = tpu.memref_slice %arg9[%dma_wait3A_411, %dma_wait3A_417] : memref<125x80xi32, #tpu.memory_space<vmem>> -> memref<1x80xi32, #tpu.memory_space<vmem>>
    %dma_wait3A_419 = tpu.memref_squeeze %dma_wait3A_418 : memref<1x80xi32, #tpu.memory_space<vmem>> -> memref<80xi32, #tpu.memory_space<vmem>>
    %dma_wait3A_420 = arith.constant 0 : i32
    %dma_wait3A_421 = arith.constant 0 : i32
    %dma_wait3A_422 = tpu.memref_slice %arg12[%dma_wait3A_420, %dma_wait3A_421] : memref<10000x64xf32, #tpu.memory_space<vmem_shared>> -> memref<10000x64xf32, #tpu.memory_space<vmem_shared>>
    %dma_wait3A_423 = tpu.memref_slice %arg14[%dma_wait3A_412] : memref<12x!tpu.dma_semaphore, #tpu.memory_space<semaphore_mem>> -> memref<1x!tpu.dma_semaphore, #tpu.memory_space<semaphore_mem>>
    %dma_wait3A_424 = tpu.memref_squeeze %dma_wait3A_423 : memref<1x!tpu.dma_semaphore, #tpu.memory_space<semaphore_mem>> -> memref<!tpu.dma_semaphore, #tpu.memory_space<semaphore_mem>>
    tpu.wait_indirect_dma semaphore(%dma_wait3A_424 : memref<!tpu.dma_semaphore, #tpu.memory_space<semaphore_mem>>) src(%dma_wait3A_416 : memref<80x64xf32, #tpu.memory_space<vmem>>) dst(%dma_wait3A_422 : memref<10000x64xf32, #tpu.memory_space<vmem_shared>>)
    %dma_wait3A_425 = arith.constant 6 : i32
    %dma_wait3A_426 = arith.constant 0 : i32
    %dma_wait3A_427 = arith.constant 6 : i32
    %dma_wait3A_428 = arith.constant 0 : i32
    %dma_wait3A_429 = arith.constant 0 : i32
    %dma_wait3A_430 = tpu.memref_slice %arg10[%dma_wait3A_425, %dma_wait3A_428, %dma_wait3A_429] : memref<12x80x64xf32, #tpu.memory_space<vmem>> -> memref<1x80x64xf32, #tpu.memory_space<vmem>>
    %dma_wait3A_431 = tpu.memref_squeeze %dma_wait3A_430 : memref<1x80x64xf32, #tpu.memory_space<vmem>> -> memref<80x64xf32, #tpu.memory_space<vmem>>
    %dma_wait3A_432 = arith.constant 0 : i32
    %dma_wait3A_433 = tpu.memref_slice %arg9[%dma_wait3A_426, %dma_wait3A_432] : memref<125x80xi32, #tpu.memory_space<vmem>> -> memref<1x80xi32, #tpu.memory_space<vmem>>
    %dma_wait3A_434 = tpu.memref_squeeze %dma_wait3A_433 : memref<1x80xi32, #tpu.memory_space<vmem>> -> memref<80xi32, #tpu.memory_space<vmem>>
    %dma_wait3A_435 = arith.constant 0 : i32
    %dma_wait3A_436 = arith.constant 0 : i32
    %dma_wait3A_437 = tpu.memref_slice %arg12[%dma_wait3A_435, %dma_wait3A_436] : memref<10000x64xf32, #tpu.memory_space<vmem_shared>> -> memref<10000x64xf32, #tpu.memory_space<vmem_shared>>
    %dma_wait3A_438 = tpu.memref_slice %arg14[%dma_wait3A_427] : memref<12x!tpu.dma_semaphore, #tpu.memory_space<semaphore_mem>> -> memref<1x!tpu.dma_semaphore, #tpu.memory_space<semaphore_mem>>
    %dma_wait3A_439 = tpu.memref_squeeze %dma_wait3A_438 : memref<1x!tpu.dma_semaphore, #tpu.memory_space<semaphore_mem>> -> memref<!tpu.dma_semaphore, #tpu.memory_space<semaphore_mem>>
    tpu.wait_indirect_dma semaphore(%dma_wait3A_439 : memref<!tpu.dma_semaphore, #tpu.memory_space<semaphore_mem>>) src(%dma_wait3A_431 : memref<80x64xf32, #tpu.memory_space<vmem>>) dst(%dma_wait3A_437 : memref<10000x64xf32, #tpu.memory_space<vmem_shared>>)
    %dma_wait3A_440 = arith.constant 7 : i32
    %dma_wait3A_441 = arith.constant 0 : i32
    %dma_wait3A_442 = arith.constant 7 : i32
    %dma_wait3A_443 = arith.constant 0 : i32
    %dma_wait3A_444 = arith.constant 0 : i32
    %dma_wait3A_445 = tpu.memref_slice %arg10[%dma_wait3A_440, %dma_wait3A_443, %dma_wait3A_444] : memref<12x80x64xf32, #tpu.memory_space<vmem>> -> memref<1x80x64xf32, #tpu.memory_space<vmem>>
    %dma_wait3A_446 = tpu.memref_squeeze %dma_wait3A_445 : memref<1x80x64xf32, #tpu.memory_space<vmem>> -> memref<80x64xf32, #tpu.memory_space<vmem>>
    %dma_wait3A_447 = arith.constant 0 : i32
    %dma_wait3A_448 = tpu.memref_slice %arg9[%dma_wait3A_441, %dma_wait3A_447] : memref<125x80xi32, #tpu.memory_space<vmem>> -> memref<1x80xi32, #tpu.memory_space<vmem>>
    %dma_wait3A_449 = tpu.memref_squeeze %dma_wait3A_448 : memref<1x80xi32, #tpu.memory_space<vmem>> -> memref<80xi32, #tpu.memory_space<vmem>>
    %dma_wait3A_450 = arith.constant 0 : i32
    %dma_wait3A_451 = arith.constant 0 : i32
    %dma_wait3A_452 = tpu.memref_slice %arg12[%dma_wait3A_450, %dma_wait3A_451] : memref<10000x64xf32, #tpu.memory_space<vmem_shared>> -> memref<10000x64xf32, #tpu.memory_space<vmem_shared>>
    %dma_wait3A_453 = tpu.memref_slice %arg14[%dma_wait3A_442] : memref<12x!tpu.dma_semaphore, #tpu.memory_space<semaphore_mem>> -> memref<1x!tpu.dma_semaphore, #tpu.memory_space<semaphore_mem>>
    %dma_wait3A_454 = tpu.memref_squeeze %dma_wait3A_453 : memref<1x!tpu.dma_semaphore, #tpu.memory_space<semaphore_mem>> -> memref<!tpu.dma_semaphore, #tpu.memory_space<semaphore_mem>>
    tpu.wait_indirect_dma semaphore(%dma_wait3A_454 : memref<!tpu.dma_semaphore, #tpu.memory_space<semaphore_mem>>) src(%dma_wait3A_446 : memref<80x64xf32, #tpu.memory_space<vmem>>) dst(%dma_wait3A_452 : memref<10000x64xf32, #tpu.memory_space<vmem_shared>>)
    %dma_wait3A_455 = arith.constant 8 : i32
    %dma_wait3A_456 = arith.constant 0 : i32
    %dma_wait3A_457 = arith.constant 8 : i32
    %dma_wait3A_458 = arith.constant 0 : i32
    %dma_wait3A_459 = arith.constant 0 : i32
    %dma_wait3A_460 = tpu.memref_slice %arg10[%dma_wait3A_455, %dma_wait3A_458, %dma_wait3A_459] : memref<12x80x64xf32, #tpu.memory_space<vmem>> -> memref<1x80x64xf32, #tpu.memory_space<vmem>>
    %dma_wait3A_461 = tpu.memref_squeeze %dma_wait3A_460 : memref<1x80x64xf32, #tpu.memory_space<vmem>> -> memref<80x64xf32, #tpu.memory_space<vmem>>
    %dma_wait3A_462 = arith.constant 0 : i32
    %dma_wait3A_463 = tpu.memref_slice %arg9[%dma_wait3A_456, %dma_wait3A_462] : memref<125x80xi32, #tpu.memory_space<vmem>> -> memref<1x80xi32, #tpu.memory_space<vmem>>
    %dma_wait3A_464 = tpu.memref_squeeze %dma_wait3A_463 : memref<1x80xi32, #tpu.memory_space<vmem>> -> memref<80xi32, #tpu.memory_space<vmem>>
    %dma_wait3A_465 = arith.constant 0 : i32
    %dma_wait3A_466 = arith.constant 0 : i32
    %dma_wait3A_467 = tpu.memref_slice %arg12[%dma_wait3A_465, %dma_wait3A_466] : memref<10000x64xf32, #tpu.memory_space<vmem_shared>> -> memref<10000x64xf32, #tpu.memory_space<vmem_shared>>
    %dma_wait3A_468 = tpu.memref_slice %arg14[%dma_wait3A_457] : memref<12x!tpu.dma_semaphore, #tpu.memory_space<semaphore_mem>> -> memref<1x!tpu.dma_semaphore, #tpu.memory_space<semaphore_mem>>
    %dma_wait3A_469 = tpu.memref_squeeze %dma_wait3A_468 : memref<1x!tpu.dma_semaphore, #tpu.memory_space<semaphore_mem>> -> memref<!tpu.dma_semaphore, #tpu.memory_space<semaphore_mem>>
    tpu.wait_indirect_dma semaphore(%dma_wait3A_469 : memref<!tpu.dma_semaphore, #tpu.memory_space<semaphore_mem>>) src(%dma_wait3A_461 : memref<80x64xf32, #tpu.memory_space<vmem>>) dst(%dma_wait3A_467 : memref<10000x64xf32, #tpu.memory_space<vmem_shared>>)
    %dma_wait3A_470 = arith.constant 9 : i32
    %dma_wait3A_471 = arith.constant 0 : i32
    %dma_wait3A_472 = arith.constant 9 : i32
    %dma_wait3A_473 = arith.constant 0 : i32
    %dma_wait3A_474 = arith.constant 0 : i32
    %dma_wait3A_475 = tpu.memref_slice %arg10[%dma_wait3A_470, %dma_wait3A_473, %dma_wait3A_474] : memref<12x80x64xf32, #tpu.memory_space<vmem>> -> memref<1x80x64xf32, #tpu.memory_space<vmem>>
    %dma_wait3A_476 = tpu.memref_squeeze %dma_wait3A_475 : memref<1x80x64xf32, #tpu.memory_space<vmem>> -> memref<80x64xf32, #tpu.memory_space<vmem>>
    %dma_wait3A_477 = arith.constant 0 : i32
    %dma_wait3A_478 = tpu.memref_slice %arg9[%dma_wait3A_471, %dma_wait3A_477] : memref<125x80xi32, #tpu.memory_space<vmem>> -> memref<1x80xi32, #tpu.memory_space<vmem>>
    %dma_wait3A_479 = tpu.memref_squeeze %dma_wait3A_478 : memref<1x80xi32, #tpu.memory_space<vmem>> -> memref<80xi32, #tpu.memory_space<vmem>>
    %dma_wait3A_480 = arith.constant 0 : i32
    %dma_wait3A_481 = arith.constant 0 : i32
    %dma_wait3A_482 = tpu.memref_slice %arg12[%dma_wait3A_480, %dma_wait3A_481] : memref<10000x64xf32, #tpu.memory_space<vmem_shared>> -> memref<10000x64xf32, #tpu.memory_space<vmem_shared>>
    %dma_wait3A_483 = tpu.memref_slice %arg14[%dma_wait3A_472] : memref<12x!tpu.dma_semaphore, #tpu.memory_space<semaphore_mem>> -> memref<1x!tpu.dma_semaphore, #tpu.memory_space<semaphore_mem>>
    %dma_wait3A_484 = tpu.memref_squeeze %dma_wait3A_483 : memref<1x!tpu.dma_semaphore, #tpu.memory_space<semaphore_mem>> -> memref<!tpu.dma_semaphore, #tpu.memory_space<semaphore_mem>>
    tpu.wait_indirect_dma semaphore(%dma_wait3A_484 : memref<!tpu.dma_semaphore, #tpu.memory_space<semaphore_mem>>) src(%dma_wait3A_476 : memref<80x64xf32, #tpu.memory_space<vmem>>) dst(%dma_wait3A_482 : memref<10000x64xf32, #tpu.memory_space<vmem_shared>>)
    %dma_wait3A_485 = arith.constant 10 : i32
    %dma_wait3A_486 = arith.constant 0 : i32
    %dma_wait3A_487 = arith.constant 10 : i32
    %dma_wait3A_488 = arith.constant 0 : i32
    %dma_wait3A_489 = arith.constant 0 : i32
    %dma_wait3A_490 = tpu.memref_slice %arg10[%dma_wait3A_485, %dma_wait3A_488, %dma_wait3A_489] : memref<12x80x64xf32, #tpu.memory_space<vmem>> -> memref<1x80x64xf32, #tpu.memory_space<vmem>>
    %dma_wait3A_491 = tpu.memref_squeeze %dma_wait3A_490 : memref<1x80x64xf32, #tpu.memory_space<vmem>> -> memref<80x64xf32, #tpu.memory_space<vmem>>
    %dma_wait3A_492 = arith.constant 0 : i32
    %dma_wait3A_493 = tpu.memref_slice %arg9[%dma_wait3A_486, %dma_wait3A_492] : memref<125x80xi32, #tpu.memory_space<vmem>> -> memref<1x80xi32, #tpu.memory_space<vmem>>
    %dma_wait3A_494 = tpu.memref_squeeze %dma_wait3A_493 : memref<1x80xi32, #tpu.memory_space<vmem>> -> memref<80xi32, #tpu.memory_space<vmem>>
    %dma_wait3A_495 = arith.constant 0 : i32
    %dma_wait3A_496 = arith.constant 0 : i32
    %dma_wait3A_497 = tpu.memref_slice %arg12[%dma_wait3A_495, %dma_wait3A_496] : memref<10000x64xf32, #tpu.memory_space<vmem_shared>> -> memref<10000x64xf32, #tpu.memory_space<vmem_shared>>
    %dma_wait3A_498 = tpu.memref_slice %arg14[%dma_wait3A_487] : memref<12x!tpu.dma_semaphore, #tpu.memory_space<semaphore_mem>> -> memref<1x!tpu.dma_semaphore, #tpu.memory_space<semaphore_mem>>
    %dma_wait3A_499 = tpu.memref_squeeze %dma_wait3A_498 : memref<1x!tpu.dma_semaphore, #tpu.memory_space<semaphore_mem>> -> memref<!tpu.dma_semaphore, #tpu.memory_space<semaphore_mem>>
    tpu.wait_indirect_dma semaphore(%dma_wait3A_499 : memref<!tpu.dma_semaphore, #tpu.memory_space<semaphore_mem>>) src(%dma_wait3A_491 : memref<80x64xf32, #tpu.memory_space<vmem>>) dst(%dma_wait3A_497 : memref<10000x64xf32, #tpu.memory_space<vmem_shared>>)
    %dma_wait3A_500 = arith.constant 11 : i32
    %dma_wait3A_501 = arith.constant 0 : i32
    %dma_wait3A_502 = arith.constant 11 : i32
    %dma_wait3A_503 = arith.constant 0 : i32
    %dma_wait3A_504 = arith.constant 0 : i32
    %dma_wait3A_505 = tpu.memref_slice %arg10[%dma_wait3A_500, %dma_wait3A_503, %dma_wait3A_504] : memref<12x80x64xf32, #tpu.memory_space<vmem>> -> memref<1x80x64xf32, #tpu.memory_space<vmem>>
    %dma_wait3A_506 = tpu.memref_squeeze %dma_wait3A_505 : memref<1x80x64xf32, #tpu.memory_space<vmem>> -> memref<80x64xf32, #tpu.memory_space<vmem>>
    %dma_wait3A_507 = arith.constant 0 : i32
    %dma_wait3A_508 = tpu.memref_slice %arg9[%dma_wait3A_501, %dma_wait3A_507] : memref<125x80xi32, #tpu.memory_space<vmem>> -> memref<1x80xi32, #tpu.memory_space<vmem>>
    %dma_wait3A_509 = tpu.memref_squeeze %dma_wait3A_508 : memref<1x80xi32, #tpu.memory_space<vmem>> -> memref<80xi32, #tpu.memory_space<vmem>>
    %dma_wait3A_510 = arith.constant 0 : i32
    %dma_wait3A_511 = arith.constant 0 : i32
    %dma_wait3A_512 = tpu.memref_slice %arg12[%dma_wait3A_510, %dma_wait3A_511] : memref<10000x64xf32, #tpu.memory_space<vmem_shared>> -> memref<10000x64xf32, #tpu.memory_space<vmem_shared>>
    %dma_wait3A_513 = tpu.memref_slice %arg14[%dma_wait3A_502] : memref<12x!tpu.dma_semaphore, #tpu.memory_space<semaphore_mem>> -> memref<1x!tpu.dma_semaphore, #tpu.memory_space<semaphore_mem>>
    %dma_wait3A_514 = tpu.memref_squeeze %dma_wait3A_513 : memref<1x!tpu.dma_semaphore, #tpu.memory_space<semaphore_mem>> -> memref<!tpu.dma_semaphore, #tpu.memory_space<semaphore_mem>>
    tpu.wait_indirect_dma semaphore(%dma_wait3A_514 : memref<!tpu.dma_semaphore, #tpu.memory_space<semaphore_mem>>) src(%dma_wait3A_506 : memref<80x64xf32, #tpu.memory_space<vmem>>) dst(%dma_wait3A_512 : memref<10000x64xf32, #tpu.memory_space<vmem_shared>>)
    %dma_wait3A_515 = arith.constant 0 : i32
    %dma_wait3A_516 = arith.constant 0 : i32
    %dma_wait3A_517 = arith.constant 0 : i32
    %dma_wait3A_518 = arith.constant 0 : i32
    %dma_wait3A_519 = arith.constant 0 : i32
    %dma_wait3A_520 = tpu.memref_slice %arg10[%dma_wait3A_515, %dma_wait3A_518, %dma_wait3A_519] : memref<12x80x64xf32, #tpu.memory_space<vmem>> -> memref<1x80x64xf32, #tpu.memory_space<vmem>>
    %dma_wait3A_521 = tpu.memref_squeeze %dma_wait3A_520 : memref<1x80x64xf32, #tpu.memory_space<vmem>> -> memref<80x64xf32, #tpu.memory_space<vmem>>
    %dma_wait3A_522 = arith.constant 0 : i32
    %dma_wait3A_523 = tpu.memref_slice %arg9[%dma_wait3A_516, %dma_wait3A_522] : memref<125x80xi32, #tpu.memory_space<vmem>> -> memref<1x80xi32, #tpu.memory_space<vmem>>
    %dma_wait3A_524 = tpu.memref_squeeze %dma_wait3A_523 : memref<1x80xi32, #tpu.memory_space<vmem>> -> memref<80xi32, #tpu.memory_space<vmem>>
    %dma_wait3A_525 = arith.constant 0 : i32
    %dma_wait3A_526 = arith.constant 0 : i32
    %dma_wait3A_527 = tpu.memref_slice %arg12[%dma_wait3A_525, %dma_wait3A_526] : memref<10000x64xf32, #tpu.memory_space<vmem_shared>> -> memref<10000x64xf32, #tpu.memory_space<vmem_shared>>
    %dma_wait3A_528 = tpu.memref_slice %arg14[%dma_wait3A_517] : memref<12x!tpu.dma_semaphore, #tpu.memory_space<semaphore_mem>> -> memref<1x!tpu.dma_semaphore, #tpu.memory_space<semaphore_mem>>
    %dma_wait3A_529 = tpu.memref_squeeze %dma_wait3A_528 : memref<1x!tpu.dma_semaphore, #tpu.memory_space<semaphore_mem>> -> memref<!tpu.dma_semaphore, #tpu.memory_space<semaphore_mem>>
    tpu.wait_indirect_dma semaphore(%dma_wait3A_529 : memref<!tpu.dma_semaphore, #tpu.memory_space<semaphore_mem>>) src(%dma_wait3A_521 : memref<80x64xf32, #tpu.memory_space<vmem>>) dst(%dma_wait3A_527 : memref<10000x64xf32, #tpu.memory_space<vmem_shared>>)
    %dma_wait3A_530 = arith.constant 1 : i32
    %dma_wait3A_531 = arith.constant 0 : i32
    %dma_wait3A_532 = arith.constant 1 : i32
    %dma_wait3A_533 = arith.constant 0 : i32
    %dma_wait3A_534 = arith.constant 0 : i32
    %dma_wait3A_535 = tpu.memref_slice %arg10[%dma_wait3A_530, %dma_wait3A_533, %dma_wait3A_534] : memref<12x80x64xf32, #tpu.memory_space<vmem>> -> memref<1x80x64xf32, #tpu.memory_space<vmem>>
    %dma_wait3A_536 = tpu.memref_squeeze %dma_wait3A_535 : memref<1x80x64xf32, #tpu.memory_space<vmem>> -> memref<80x64xf32, #tpu.memory_space<vmem>>
    %dma_wait3A_537 = arith.constant 0 : i32
    %dma_wait3A_538 = tpu.memref_slice %arg9[%dma_wait3A_531, %dma_wait3A_537] : memref<125x80xi32, #tpu.memory_space<vmem>> -> memref<1x80xi32, #tpu.memory_space<vmem>>
    %dma_wait3A_539 = tpu.memref_squeeze %dma_wait3A_538 : memref<1x80xi32, #tpu.memory_space<vmem>> -> memref<80xi32, #tpu.memory_space<vmem>>
    %dma_wait3A_540 = arith.constant 0 : i32
    %dma_wait3A_541 = arith.constant 0 : i32
    %dma_wait3A_542 = tpu.memref_slice %arg12[%dma_wait3A_540, %dma_wait3A_541] : memref<10000x64xf32, #tpu.memory_space<vmem_shared>> -> memref<10000x64xf32, #tpu.memory_space<vmem_shared>>
    %dma_wait3A_543 = tpu.memref_slice %arg14[%dma_wait3A_532] : memref<12x!tpu.dma_semaphore, #tpu.memory_space<semaphore_mem>> -> memref<1x!tpu.dma_semaphore, #tpu.memory_space<semaphore_mem>>
    %dma_wait3A_544 = tpu.memref_squeeze %dma_wait3A_543 : memref<1x!tpu.dma_semaphore, #tpu.memory_space<semaphore_mem>> -> memref<!tpu.dma_semaphore, #tpu.memory_space<semaphore_mem>>
    tpu.wait_indirect_dma semaphore(%dma_wait3A_544 : memref<!tpu.dma_semaphore, #tpu.memory_space<semaphore_mem>>) src(%dma_wait3A_536 : memref<80x64xf32, #tpu.memory_space<vmem>>) dst(%dma_wait3A_542 : memref<10000x64xf32, #tpu.memory_space<vmem_shared>>)
    %dma_wait3A_545 = arith.constant 2 : i32
    %dma_wait3A_546 = arith.constant 0 : i32
    %dma_wait3A_547 = arith.constant 2 : i32
    %dma_wait3A_548 = arith.constant 0 : i32
    %dma_wait3A_549 = arith.constant 0 : i32
    %dma_wait3A_550 = tpu.memref_slice %arg10[%dma_wait3A_545, %dma_wait3A_548, %dma_wait3A_549] : memref<12x80x64xf32, #tpu.memory_space<vmem>> -> memref<1x80x64xf32, #tpu.memory_space<vmem>>
    %dma_wait3A_551 = tpu.memref_squeeze %dma_wait3A_550 : memref<1x80x64xf32, #tpu.memory_space<vmem>> -> memref<80x64xf32, #tpu.memory_space<vmem>>
    %dma_wait3A_552 = arith.constant 0 : i32
    %dma_wait3A_553 = tpu.memref_slice %arg9[%dma_wait3A_546, %dma_wait3A_552] : memref<125x80xi32, #tpu.memory_space<vmem>> -> memref<1x80xi32, #tpu.memory_space<vmem>>
    %dma_wait3A_554 = tpu.memref_squeeze %dma_wait3A_553 : memref<1x80xi32, #tpu.memory_space<vmem>> -> memref<80xi32, #tpu.memory_space<vmem>>
    %dma_wait3A_555 = arith.constant 0 : i32
    %dma_wait3A_556 = arith.constant 0 : i32
    %dma_wait3A_557 = tpu.memref_slice %arg12[%dma_wait3A_555, %dma_wait3A_556] : memref<10000x64xf32, #tpu.memory_space<vmem_shared>> -> memref<10000x64xf32, #tpu.memory_space<vmem_shared>>
    %dma_wait3A_558 = tpu.memref_slice %arg14[%dma_wait3A_547] : memref<12x!tpu.dma_semaphore, #tpu.memory_space<semaphore_mem>> -> memref<1x!tpu.dma_semaphore, #tpu.memory_space<semaphore_mem>>
    %dma_wait3A_559 = tpu.memref_squeeze %dma_wait3A_558 : memref<1x!tpu.dma_semaphore, #tpu.memory_space<semaphore_mem>> -> memref<!tpu.dma_semaphore, #tpu.memory_space<semaphore_mem>>
    tpu.wait_indirect_dma semaphore(%dma_wait3A_559 : memref<!tpu.dma_semaphore, #tpu.memory_space<semaphore_mem>>) src(%dma_wait3A_551 : memref<80x64xf32, #tpu.memory_space<vmem>>) dst(%dma_wait3A_557 : memref<10000x64xf32, #tpu.memory_space<vmem_shared>>)
    %dma_wait3A_560 = arith.constant 3 : i32
    %dma_wait3A_561 = arith.constant 0 : i32
    %dma_wait3A_562 = arith.constant 3 : i32
    %dma_wait3A_563 = arith.constant 0 : i32
    %dma_wait3A_564 = arith.constant 0 : i32
    %dma_wait3A_565 = tpu.memref_slice %arg10[%dma_wait3A_560, %dma_wait3A_563, %dma_wait3A_564] : memref<12x80x64xf32, #tpu.memory_space<vmem>> -> memref<1x80x64xf32, #tpu.memory_space<vmem>>
    %dma_wait3A_566 = tpu.memref_squeeze %dma_wait3A_565 : memref<1x80x64xf32, #tpu.memory_space<vmem>> -> memref<80x64xf32, #tpu.memory_space<vmem>>
    %dma_wait3A_567 = arith.constant 0 : i32
    %dma_wait3A_568 = tpu.memref_slice %arg9[%dma_wait3A_561, %dma_wait3A_567] : memref<125x80xi32, #tpu.memory_space<vmem>> -> memref<1x80xi32, #tpu.memory_space<vmem>>
    %dma_wait3A_569 = tpu.memref_squeeze %dma_wait3A_568 : memref<1x80xi32, #tpu.memory_space<vmem>> -> memref<80xi32, #tpu.memory_space<vmem>>
    %dma_wait3A_570 = arith.constant 0 : i32
    %dma_wait3A_571 = arith.constant 0 : i32
    %dma_wait3A_572 = tpu.memref_slice %arg12[%dma_wait3A_570, %dma_wait3A_571] : memref<10000x64xf32, #tpu.memory_space<vmem_shared>> -> memref<10000x64xf32, #tpu.memory_space<vmem_shared>>
    %dma_wait3A_573 = tpu.memref_slice %arg14[%dma_wait3A_562] : memref<12x!tpu.dma_semaphore, #tpu.memory_space<semaphore_mem>> -> memref<1x!tpu.dma_semaphore, #tpu.memory_space<semaphore_mem>>
    %dma_wait3A_574 = tpu.memref_squeeze %dma_wait3A_573 : memref<1x!tpu.dma_semaphore, #tpu.memory_space<semaphore_mem>> -> memref<!tpu.dma_semaphore, #tpu.memory_space<semaphore_mem>>
    tpu.wait_indirect_dma semaphore(%dma_wait3A_574 : memref<!tpu.dma_semaphore, #tpu.memory_space<semaphore_mem>>) src(%dma_wait3A_566 : memref<80x64xf32, #tpu.memory_space<vmem>>) dst(%dma_wait3A_572 : memref<10000x64xf32, #tpu.memory_space<vmem_shared>>)
    %dma_wait3A_575 = arith.constant 4 : i32
    %dma_wait3A_576 = arith.constant 0 : i32
    %dma_wait3A_577 = arith.constant 4 : i32
    %dma_wait3A_578 = arith.constant 0 : i32
    %dma_wait3A_579 = arith.constant 0 : i32
    %dma_wait3A_580 = tpu.memref_slice %arg10[%dma_wait3A_575, %dma_wait3A_578, %dma_wait3A_579] : memref<12x80x64xf32, #tpu.memory_space<vmem>> -> memref<1x80x64xf32, #tpu.memory_space<vmem>>
    %dma_wait3A_581 = tpu.memref_squeeze %dma_wait3A_580 : memref<1x80x64xf32, #tpu.memory_space<vmem>> -> memref<80x64xf32, #tpu.memory_space<vmem>>
    %dma_wait3A_582 = arith.constant 0 : i32
    %dma_wait3A_583 = tpu.memref_slice %arg9[%dma_wait3A_576, %dma_wait3A_582] : memref<125x80xi32, #tpu.memory_space<vmem>> -> memref<1x80xi32, #tpu.memory_space<vmem>>
    %dma_wait3A_584 = tpu.memref_squeeze %dma_wait3A_583 : memref<1x80xi32, #tpu.memory_space<vmem>> -> memref<80xi32, #tpu.memory_space<vmem>>
    %dma_wait3A_585 = arith.constant 0 : i32
    %dma_wait3A_586 = arith.constant 0 : i32
    %dma_wait3A_587 = tpu.memref_slice %arg12[%dma_wait3A_585, %dma_wait3A_586] : memref<10000x64xf32, #tpu.memory_space<vmem_shared>> -> memref<10000x64xf32, #tpu.memory_space<vmem_shared>>
    %dma_wait3A_588 = tpu.memref_slice %arg14[%dma_wait3A_577] : memref<12x!tpu.dma_semaphore, #tpu.memory_space<semaphore_mem>> -> memref<1x!tpu.dma_semaphore, #tpu.memory_space<semaphore_mem>>
    %dma_wait3A_589 = tpu.memref_squeeze %dma_wait3A_588 : memref<1x!tpu.dma_semaphore, #tpu.memory_space<semaphore_mem>> -> memref<!tpu.dma_semaphore, #tpu.memory_space<semaphore_mem>>
    tpu.wait_indirect_dma semaphore(%dma_wait3A_589 : memref<!tpu.dma_semaphore, #tpu.memory_space<semaphore_mem>>) src(%dma_wait3A_581 : memref<80x64xf32, #tpu.memory_space<vmem>>) dst(%dma_wait3A_587 : memref<10000x64xf32, #tpu.memory_space<vmem_shared>>)
    %barrier3A_590 = arith.constant 0 : index
    tpu.barrier barrier_id(%barrier3A_590)
    %scan3A_591 = arith.constant 0 : i32
    %scan3A_592 = arith.constant 0 : i32
    %scan3A_593 = arith.constant 8 : i32
    %scan3A_594 = arith.addi %scan3A_592, %scan3A_593 : i32
    %scan3A_595 = arith.constant 1 : i32
    %scan3A_596 = scf.for %scan3A_598 = %scan3A_592 to %scan3A_594 step %scan3A_595 iter_args(%scan3A_599 = %scan3A_591) -> (i32)  : i32 {
      %mul3A_600 = arith.constant 16 : i32
      %mul3A_601 = arith.muli %scan3A_598, %mul3A_600 : i32
      %add3A_602 = arith.addi %arg1, %mul3A_601 : i32
      %lt3A = arith.constant 125 : i32
      %lt3A_603 = arith.cmpi slt, %add3A_602, %lt3A : i32
      %convert_element_type3A = arith.extui %lt3A_603 : i1 to i32
      %cond3A = arith.constant 0 : i32
      %cond3A_604 = arith.cmpi ne, %convert_element_type3A, %cond3A : i32
      scf.if %cond3A_604 {
        %mul3A_606 = arith.constant 80 : i32
        %mul3A_607 = arith.muli %add3A_602, %mul3A_606 : i32
        "tpu.region"() ({
          %run_scoped3A = tpu.sem_alloc : memref<!tpu.dma_semaphore, #tpu.memory_space<semaphore_mem>>
          %dma_start3A_608 = arith.constant 0 : i32
          %dma_start3A_609 = tpu.memref_slice %arg12[%mul3A_607, %dma_start3A_608] : memref<10000x64xf32, #tpu.memory_space<vmem_shared>> -> memref<80x64xf32, #tpu.memory_space<vmem_shared>>
          %dma_start3A_610 = arith.constant 0 : i32
          %dma_start3A_611 = tpu.memref_slice %arg12[%mul3A_607, %dma_start3A_610] : memref<10000x64xf32, #tpu.memory_space<vmem_shared>> -> memref<80x64xf32, #tpu.memory_space<vmem_shared>>
          tpu.enqueue_dma source(%dma_start3A_611 : memref<80x64xf32, #tpu.memory_space<vmem_shared>>) target(%arg11 : memref<80x64xf32, #tpu.memory_space<vmem>>) target_semaphore(%run_scoped3A : memref<!tpu.dma_semaphore, #tpu.memory_space<semaphore_mem>>)
          %dma_wait3A_612 = arith.constant 0 : i32
          %dma_wait3A_613 = tpu.memref_slice %arg12[%mul3A_607, %dma_wait3A_612] : memref<10000x64xf32, #tpu.memory_space<vmem_shared>> -> memref<80x64xf32, #tpu.memory_space<vmem_shared>>
          %dma_wait3A_614 = arith.constant 0 : i32
          %dma_wait3A_615 = tpu.memref_slice %arg12[%mul3A_607, %dma_wait3A_614] : memref<10000x64xf32, #tpu.memory_space<vmem_shared>> -> memref<80x64xf32, #tpu.memory_space<vmem_shared>>
          tpu.wait_dma2 semaphore(%run_scoped3A : memref<!tpu.dma_semaphore, #tpu.memory_space<semaphore_mem>>) src(%dma_wait3A_615 : memref<80x64xf32, #tpu.memory_space<vmem_shared>>) dst(%arg11 : memref<80x64xf32, #tpu.memory_space<vmem>>)
          tpu.yield
        }) : () -> ()
        "tpu.region"() ({
          %run_scoped3A = tpu.sem_alloc : memref<!tpu.dma_semaphore, #tpu.memory_space<semaphore_mem>>
          %dma_start3A_608 = arith.constant 0 : i32
          %dma_start3A_609 = tpu.memref_slice %arg7[%arg0, %mul3A_607, %dma_start3A_608] : memref<2x10000x64xf32, #tpu.memory_space<hbm>> -> memref<1x80x64xf32, #tpu.memory_space<hbm>>
          %dma_start3A_610 = tpu.memref_squeeze %dma_start3A_609 : memref<1x80x64xf32, #tpu.memory_space<hbm>> -> memref<80x64xf32, #tpu.memory_space<hbm>>
          %dma_start3A_611 = arith.constant 0 : i32
          %dma_start3A_612 = tpu.memref_slice %arg7[%arg0, %mul3A_607, %dma_start3A_611] : memref<2x10000x64xf32, #tpu.memory_space<hbm>> -> memref<1x80x64xf32, #tpu.memory_space<hbm>>
          %dma_start3A_613 = tpu.memref_squeeze %dma_start3A_612 : memref<1x80x64xf32, #tpu.memory_space<hbm>> -> memref<80x64xf32, #tpu.memory_space<hbm>>
          tpu.enqueue_dma source(%arg11 : memref<80x64xf32, #tpu.memory_space<vmem>>) target(%dma_start3A_613 : memref<80x64xf32, #tpu.memory_space<hbm>>) target_semaphore(%run_scoped3A : memref<!tpu.dma_semaphore, #tpu.memory_space<semaphore_mem>>)
          %dma_wait3A_614 = arith.constant 0 : i32
          %dma_wait3A_615 = tpu.memref_slice %arg7[%arg0, %mul3A_607, %dma_wait3A_614] : memref<2x10000x64xf32, #tpu.memory_space<hbm>> -> memref<1x80x64xf32, #tpu.memory_space<hbm>>
          %dma_wait3A_616 = tpu.memref_squeeze %dma_wait3A_615 : memref<1x80x64xf32, #tpu.memory_space<hbm>> -> memref<80x64xf32, #tpu.memory_space<hbm>>
          %dma_wait3A_617 = arith.constant 0 : i32
          %dma_wait3A_618 = tpu.memref_slice %arg7[%arg0, %mul3A_607, %dma_wait3A_617] : memref<2x10000x64xf32, #tpu.memory_space<hbm>> -> memref<1x80x64xf32, #tpu.memory_space<hbm>>
          %dma_wait3A_619 = tpu.memref_squeeze %dma_wait3A_618 : memref<1x80x64xf32, #tpu.memory_space<hbm>> -> memref<80x64xf32, #tpu.memory_space<hbm>>
          tpu.wait_dma2 semaphore(%run_scoped3A : memref<!tpu.dma_semaphore, #tpu.memory_space<semaphore_mem>>) src(%arg11 : memref<80x64xf32, #tpu.memory_space<vmem>>) dst(%dma_wait3A_619 : memref<80x64xf32, #tpu.memory_space<hbm>>)
          tpu.yield
        }) : () -> ()
      } else {
      }
      %scan3A_605 = arith.constant 0 : i32
      scf.yield %scan3A_605 : i32
    }
    %scan3A_597 = arith.constant 8 : i32
    return
  }
}

module attributes {stable_mosaic.version = 14 : i64} {
  func.func @_mid_body(%arg0: i32, %arg1: memref<1000x64xf32, #tpu.memory_space<vmem>>, %arg2: memref<1000x64xf32, #tpu.memory_space<vmem>>, %arg3: memref<1000x64xf32, #tpu.memory_space<vmem>>, %arg4: memref<1000x64xf32, #tpu.memory_space<vmem>>, %arg5: memref<1000x128xf32, #tpu.memory_space<vmem>>, %arg6: memref<1000x1xf32, #tpu.memory_space<vmem>>, %arg7: memref<1000x1xf32, #tpu.memory_space<vmem>>, %arg8: memref<128x128xf32, #tpu.memory_space<vmem>>, %arg9: memref<128x128xf32, #tpu.memory_space<vmem>>, %arg10: memref<1x128xf32, #tpu.memory_space<vmem>>, %arg11: memref<128x128xf32, #tpu.memory_space<vmem>>, %arg12: memref<1x128xf32, #tpu.memory_space<vmem>>, %arg13: memref<1000x64xf32, #tpu.memory_space<vmem>>, %arg14: memref<1000x64xf32, #tpu.memory_space<vmem>>, %arg15: memref<1000x128xf32, #tpu.memory_space<vmem>>) attributes {dimension_semantics = [#tpu.dimension_semantics<arbitrary>], iteration_bounds = array<i64: 10>, scalar_prefetch = 0 : i64, scratch_operands = 0 : i64, tpu.core_type = #tpu.core_type<tc>, window_params = [{transform_indices = @transform_0, window_bounds = array<i64: 1000, 64>}, {transform_indices = @transform_1, window_bounds = array<i64: 1000, 64>}, {transform_indices = @transform_2, window_bounds = array<i64: 1000, 64>}, {transform_indices = @transform_3, window_bounds = array<i64: 1000, 64>}, {transform_indices = @transform_4, window_bounds = array<i64: 1000, 128>}, {transform_indices = @transform_5, window_bounds = array<i64: 1000, 1>}, {transform_indices = @transform_6, window_bounds = array<i64: 1000, 1>}, {pipeline_mode = #tpu.pipeline_mode<synchronous>, transform_indices = @transform_7, window_bounds = array<i64: 128, 128>}, {pipeline_mode = #tpu.pipeline_mode<synchronous>, transform_indices = @transform_8, window_bounds = array<i64: 128, 128>}, {pipeline_mode = #tpu.pipeline_mode<synchronous>, transform_indices = @transform_9, window_bounds = array<i64: 1, 128>}, {pipeline_mode = #tpu.pipeline_mode<synchronous>, transform_indices = @transform_10, window_bounds = array<i64: 128, 128>}, {pipeline_mode = #tpu.pipeline_mode<synchronous>, transform_indices = @transform_11, window_bounds = array<i64: 1, 128>}, {transform_indices = @transform_12, window_bounds = array<i64: 1000, 64>}, {transform_indices = @transform_13, window_bounds = array<i64: 1000, 64>}, {transform_indices = @transform_14, window_bounds = array<i64: 1000, 128>}]} {
    %get3A = arith.constant 0 : index
    %get3A_0 = arith.constant 0 : index
    %get3A_1 = vector.load %arg6[%get3A, %get3A_0] : memref<1000x1xf32, #tpu.memory_space<vmem>>, vector<1000x1xf32>
    %get3A_2 = arith.constant 0 : index
    %get3A_3 = arith.constant 0 : index
    %get3A_4 = vector.load %arg7[%get3A_2, %get3A_3] : memref<1000x1xf32, #tpu.memory_space<vmem>>, vector<1000x1xf32>
    %add3A = arith.addf %get3A_1, %get3A_4 : vector<1000x1xf32>
    %max3A = arith.constant 1.000000e+00 : f32
    %max3A_5 = vector.broadcast %max3A : f32 to vector<1000x1xf32>
    %max3A_6 = arith.maximumf %add3A, %max3A_5 : vector<1000x1xf32>
    %get3A_7 = arith.constant 0 : index
    %get3A_8 = arith.constant 0 : index
    %get3A_9 = vector.load %arg1[%get3A_7, %get3A_8] : memref<1000x64xf32, #tpu.memory_space<vmem>>, vector<1000x64xf32>
    %get3A_10 = arith.constant 0 : index
    %get3A_11 = arith.constant 0 : index
    %get3A_12 = vector.load %arg2[%get3A_10, %get3A_11] : memref<1000x64xf32, #tpu.memory_space<vmem>>, vector<1000x64xf32>
    %add3A_13 = arith.addf %get3A_9, %get3A_12 : vector<1000x64xf32>
    %get3A_14 = arith.constant 0 : index
    %get3A_15 = arith.constant 0 : index
    %get3A_16 = vector.load %arg3[%get3A_14, %get3A_15] : memref<1000x64xf32, #tpu.memory_space<vmem>>, vector<1000x64xf32>
    %get3A_17 = arith.constant 0 : index
    %get3A_18 = arith.constant 0 : index
    %get3A_19 = vector.load %arg4[%get3A_17, %get3A_18] : memref<1000x64xf32, #tpu.memory_space<vmem>>, vector<1000x64xf32>
    %add3A_20 = arith.addf %get3A_16, %get3A_19 : vector<1000x64xf32>
    %concatenate3A = tpu.concatenate %add3A_13, %add3A_20 in 1 : vector<1000x64xf32>, vector<1000x64xf32> -> vector<1000x128xf32>
    %div3A = vector.broadcast %max3A_6 : vector<1000x1xf32> to vector<1000x128xf32>
    %div3A_21 = arith.divf %concatenate3A, %div3A : vector<1000x128xf32>
    %get3A_22 = arith.constant 0 : index
    %get3A_23 = arith.constant 0 : index
    %get3A_24 = vector.load %arg5[%get3A_22, %get3A_23] : memref<1000x128xf32, #tpu.memory_space<vmem>>, vector<1000x128xf32>
    %get3A_25 = arith.constant 0 : index
    %get3A_26 = arith.constant 0 : index
    %get3A_27 = vector.load %arg9[%get3A_25, %get3A_26] : memref<128x128xf32, #tpu.memory_space<vmem>>, vector<128x128xf32>
    %dot_general3A = arith.constant dense<0.000000e+00> : vector<1000x128xf32>
    %dot_general3A_28 = tpu.matmul %get3A_24, %get3A_27, %dot_general3A {dimension_numbers = #tpu.dot_dimension_numbers<[1], [0], [0], [1], [0, 0, 1, 1], [], []>, transpose_lhs_hint = false} : vector<1000x128xf32>, vector<128x128xf32>, vector<1000x128xf32> -> vector<1000x128xf32>
    %get3A_29 = arith.constant 0 : index
    %get3A_30 = arith.constant 0 : index
    %get3A_31 = vector.load %arg10[%get3A_29, %get3A_30] : memref<1x128xf32, #tpu.memory_space<vmem>>, vector<1x128xf32>
    %add3A_32 = vector.broadcast %get3A_31 : vector<1x128xf32> to vector<1000x128xf32>
    %add3A_33 = arith.addf %dot_general3A_28, %add3A_32 : vector<1000x128xf32>
    %get3A_34 = arith.constant 0 : index
    %get3A_35 = arith.constant 0 : index
    %get3A_36 = vector.load %arg8[%get3A_34, %get3A_35] : memref<128x128xf32, #tpu.memory_space<vmem>>, vector<128x128xf32>
    %dot_general3A_37 = arith.constant dense<0.000000e+00> : vector<1000x128xf32>
    %dot_general3A_38 = tpu.matmul %div3A_21, %get3A_36, %dot_general3A_37 {dimension_numbers = #tpu.dot_dimension_numbers<[1], [0], [0], [1], [0, 0, 1, 1], [], []>, transpose_lhs_hint = false} : vector<1000x128xf32>, vector<128x128xf32>, vector<1000x128xf32> -> vector<1000x128xf32>
    %add3A_39 = arith.addf %dot_general3A_38, %add3A_33 : vector<1000x128xf32>
    %max3A_40 = arith.constant 0.000000e+00 : f32
    %max3A_41 = vector.broadcast %max3A_40 : f32 to vector<1000x128xf32>
    %max3A_42 = arith.maximumf %add3A_39, %max3A_41 : vector<1000x128xf32>
    %slice3A = vector.extract_strided_slice %max3A_42 {offsets = [0, 0], sizes = [1000, 64], strides = [1, 1]} : vector<1000x128xf32> to vector<1000x64xf32>
    %swap3A = arith.constant 0 : index
    %swap3A_43 = arith.constant 0 : index
    %swap3A_44 = vector.load %arg13[%swap3A, %swap3A_43] : memref<1000x64xf32, #tpu.memory_space<vmem>>, vector<1000x64xf32>
    tpu.vector_store %arg13[%swap3A, %swap3A_43], %slice3A {strides = array<i32>} : memref<1000x64xf32, #tpu.memory_space<vmem>>, vector<1000x64xf32>,
    %slice3A_45 = vector.extract_strided_slice %max3A_42 {offsets = [0, 64], sizes = [1000, 64], strides = [1, 1]} : vector<1000x128xf32> to vector<1000x64xf32>
    %swap3A_46 = arith.constant 0 : index
    %swap3A_47 = arith.constant 0 : index
    %swap3A_48 = vector.load %arg14[%swap3A_46, %swap3A_47] : memref<1000x64xf32, #tpu.memory_space<vmem>>, vector<1000x64xf32>
    tpu.vector_store %arg14[%swap3A_46, %swap3A_47], %slice3A_45 {strides = array<i32>} : memref<1000x64xf32, #tpu.memory_space<vmem>>, vector<1000x64xf32>,
    %get3A_49 = arith.constant 0 : index
    %get3A_50 = arith.constant 0 : index
    %get3A_51 = vector.load %arg11[%get3A_49, %get3A_50] : memref<128x128xf32, #tpu.memory_space<vmem>>, vector<128x128xf32>
    %dot_general3A_52 = arith.constant dense<0.000000e+00> : vector<1000x128xf32>
    %dot_general3A_53 = tpu.matmul %max3A_42, %get3A_51, %dot_general3A_52 {dimension_numbers = #tpu.dot_dimension_numbers<[1], [0], [0], [1], [0, 0, 1, 1], [], []>, transpose_lhs_hint = false} : vector<1000x128xf32>, vector<128x128xf32>, vector<1000x128xf32> -> vector<1000x128xf32>
    %get3A_54 = arith.constant 0 : index
    %get3A_55 = arith.constant 0 : index
    %get3A_56 = vector.load %arg12[%get3A_54, %get3A_55] : memref<1x128xf32, #tpu.memory_space<vmem>>, vector<1x128xf32>
    %add3A_57 = vector.broadcast %get3A_56 : vector<1x128xf32> to vector<1000x128xf32>
    %add3A_58 = arith.addf %dot_general3A_53, %add3A_57 : vector<1000x128xf32>
    %swap3A_59 = arith.constant 0 : index
    %swap3A_60 = arith.constant 0 : index
    %swap3A_61 = vector.load %arg15[%swap3A_59, %swap3A_60] : memref<1000x128xf32, #tpu.memory_space<vmem>>, vector<1000x128xf32>
    tpu.vector_store %arg15[%swap3A_59, %swap3A_60], %add3A_58 {strides = array<i32>} : memref<1000x128xf32, #tpu.memory_space<vmem>>, vector<1000x128xf32>,
    return
  }
  func.func @transform_0(%arg0: i32) -> (i32, i32) {
    %c0_i32 = arith.constant 0 : i32
    %c0_i32_0 = arith.constant 0 : i32
    return %arg0, %c0_i32 : i32, i32
  }
  func.func @transform_1(%arg0: i32) -> (i32, i32) {
    %c0_i32 = arith.constant 0 : i32
    %c0_i32_0 = arith.constant 0 : i32
    return %arg0, %c0_i32 : i32, i32
  }
  func.func @transform_2(%arg0: i32) -> (i32, i32) {
    %c0_i32 = arith.constant 0 : i32
    %c0_i32_0 = arith.constant 0 : i32
    return %arg0, %c0_i32 : i32, i32
  }
  func.func @transform_3(%arg0: i32) -> (i32, i32) {
    %c0_i32 = arith.constant 0 : i32
    %c0_i32_0 = arith.constant 0 : i32
    return %arg0, %c0_i32 : i32, i32
  }
  func.func @transform_4(%arg0: i32) -> (i32, i32) {
    %c0_i32 = arith.constant 0 : i32
    %c0_i32_0 = arith.constant 0 : i32
    return %arg0, %c0_i32 : i32, i32
  }
  func.func @transform_5(%arg0: i32) -> (i32, i32) {
    %c0_i32 = arith.constant 0 : i32
    %c0_i32_0 = arith.constant 0 : i32
    return %arg0, %c0_i32 : i32, i32
  }
  func.func @transform_6(%arg0: i32) -> (i32, i32) {
    %c0_i32 = arith.constant 0 : i32
    %c0_i32_0 = arith.constant 0 : i32
    return %arg0, %c0_i32 : i32, i32
  }
  func.func @transform_7(%arg0: i32) -> (i32, i32) {
    %c0_i32 = arith.constant 0 : i32
    %c0_i32_0 = arith.constant 0 : i32
    %c0_i32_1 = arith.constant 0 : i32
    return %c0_i32, %c0_i32_0 : i32, i32
  }
  func.func @transform_8(%arg0: i32) -> (i32, i32) {
    %c0_i32 = arith.constant 0 : i32
    %c0_i32_0 = arith.constant 0 : i32
    %c0_i32_1 = arith.constant 0 : i32
    return %c0_i32, %c0_i32_0 : i32, i32
  }
  func.func @transform_9(%arg0: i32) -> (i32, i32) {
    %c0_i32 = arith.constant 0 : i32
    %c0_i32_0 = arith.constant 0 : i32
    %c0_i32_1 = arith.constant 0 : i32
    return %c0_i32, %c0_i32_0 : i32, i32
  }
  func.func @transform_10(%arg0: i32) -> (i32, i32) {
    %c0_i32 = arith.constant 0 : i32
    %c0_i32_0 = arith.constant 0 : i32
    %c0_i32_1 = arith.constant 0 : i32
    return %c0_i32, %c0_i32_0 : i32, i32
  }
  func.func @transform_11(%arg0: i32) -> (i32, i32) {
    %c0_i32 = arith.constant 0 : i32
    %c0_i32_0 = arith.constant 0 : i32
    %c0_i32_1 = arith.constant 0 : i32
    return %c0_i32, %c0_i32_0 : i32, i32
  }
  func.func @transform_12(%arg0: i32) -> (i32, i32) {
    %c0_i32 = arith.constant 0 : i32
    %c0_i32_0 = arith.constant 0 : i32
    return %arg0, %c0_i32 : i32, i32
  }
  func.func @transform_13(%arg0: i32) -> (i32, i32) {
    %c0_i32 = arith.constant 0 : i32
    %c0_i32_0 = arith.constant 0 : i32
    return %arg0, %c0_i32 : i32, i32
  }
  func.func @transform_14(%arg0: i32) -> (i32, i32) {
    %c0_i32 = arith.constant 0 : i32
    %c0_i32_0 = arith.constant 0 : i32
    return %arg0, %c0_i32 : i32, i32
  }
}

module attributes {stable_mosaic.version = 14 : i64} {
  func.func @_final_body(%arg0: i32, %arg1: memref<1000x64xf32, #tpu.memory_space<vmem>>, %arg2: memref<1000x64xf32, #tpu.memory_space<vmem>>, %arg3: memref<1000x64xf32, #tpu.memory_space<vmem>>, %arg4: memref<1000x64xf32, #tpu.memory_space<vmem>>, %arg5: memref<1000x128xf32, #tpu.memory_space<vmem>>, %arg6: memref<1000x1xf32, #tpu.memory_space<vmem>>, %arg7: memref<1000x1xf32, #tpu.memory_space<vmem>>, %arg8: memref<128x128xf32, #tpu.memory_space<vmem>>, %arg9: memref<1000x128xf32, #tpu.memory_space<vmem>>) attributes {dimension_semantics = [#tpu.dimension_semantics<arbitrary>], iteration_bounds = array<i64: 10>, scalar_prefetch = 0 : i64, scratch_operands = 0 : i64, tpu.core_type = #tpu.core_type<tc>, window_params = [{transform_indices = @transform_0, window_bounds = array<i64: 1000, 64>}, {transform_indices = @transform_1, window_bounds = array<i64: 1000, 64>}, {transform_indices = @transform_2, window_bounds = array<i64: 1000, 64>}, {transform_indices = @transform_3, window_bounds = array<i64: 1000, 64>}, {transform_indices = @transform_4, window_bounds = array<i64: 1000, 128>}, {transform_indices = @transform_5, window_bounds = array<i64: 1000, 1>}, {transform_indices = @transform_6, window_bounds = array<i64: 1000, 1>}, {pipeline_mode = #tpu.pipeline_mode<synchronous>, transform_indices = @transform_7, window_bounds = array<i64: 128, 128>}, {transform_indices = @transform_8, window_bounds = array<i64: 1000, 128>}]} {
    %get3A = arith.constant 0 : index
    %get3A_0 = arith.constant 0 : index
    %get3A_1 = vector.load %arg6[%get3A, %get3A_0] : memref<1000x1xf32, #tpu.memory_space<vmem>>, vector<1000x1xf32>
    %get3A_2 = arith.constant 0 : index
    %get3A_3 = arith.constant 0 : index
    %get3A_4 = vector.load %arg7[%get3A_2, %get3A_3] : memref<1000x1xf32, #tpu.memory_space<vmem>>, vector<1000x1xf32>
    %add3A = arith.addf %get3A_1, %get3A_4 : vector<1000x1xf32>
    %max3A = arith.constant 1.000000e+00 : f32
    %max3A_5 = vector.broadcast %max3A : f32 to vector<1000x1xf32>
    %max3A_6 = arith.maximumf %add3A, %max3A_5 : vector<1000x1xf32>
    %get3A_7 = arith.constant 0 : index
    %get3A_8 = arith.constant 0 : index
    %get3A_9 = vector.load %arg1[%get3A_7, %get3A_8] : memref<1000x64xf32, #tpu.memory_space<vmem>>, vector<1000x64xf32>
    %get3A_10 = arith.constant 0 : index
    %get3A_11 = arith.constant 0 : index
    %get3A_12 = vector.load %arg2[%get3A_10, %get3A_11] : memref<1000x64xf32, #tpu.memory_space<vmem>>, vector<1000x64xf32>
    %add3A_13 = arith.addf %get3A_9, %get3A_12 : vector<1000x64xf32>
    %get3A_14 = arith.constant 0 : index
    %get3A_15 = arith.constant 0 : index
    %get3A_16 = vector.load %arg3[%get3A_14, %get3A_15] : memref<1000x64xf32, #tpu.memory_space<vmem>>, vector<1000x64xf32>
    %get3A_17 = arith.constant 0 : index
    %get3A_18 = arith.constant 0 : index
    %get3A_19 = vector.load %arg4[%get3A_17, %get3A_18] : memref<1000x64xf32, #tpu.memory_space<vmem>>, vector<1000x64xf32>
    %add3A_20 = arith.addf %get3A_16, %get3A_19 : vector<1000x64xf32>
    %concatenate3A = tpu.concatenate %add3A_13, %add3A_20 in 1 : vector<1000x64xf32>, vector<1000x64xf32> -> vector<1000x128xf32>
    %div3A = vector.broadcast %max3A_6 : vector<1000x1xf32> to vector<1000x128xf32>
    %div3A_21 = arith.divf %concatenate3A, %div3A : vector<1000x128xf32>
    %get3A_22 = arith.constant 0 : index
    %get3A_23 = arith.constant 0 : index
    %get3A_24 = vector.load %arg8[%get3A_22, %get3A_23] : memref<128x128xf32, #tpu.memory_space<vmem>>, vector<128x128xf32>
    %dot_general3A = arith.constant dense<0.000000e+00> : vector<1000x128xf32>
    %dot_general3A_25 = tpu.matmul %div3A_21, %get3A_24, %dot_general3A {dimension_numbers = #tpu.dot_dimension_numbers<[1], [0], [0], [1], [0, 0, 1, 1], [], []>, transpose_lhs_hint = false} : vector<1000x128xf32>, vector<128x128xf32>, vector<1000x128xf32> -> vector<1000x128xf32>
    %get3A_26 = arith.constant 0 : index
    %get3A_27 = arith.constant 0 : index
    %get3A_28 = vector.load %arg5[%get3A_26, %get3A_27] : memref<1000x128xf32, #tpu.memory_space<vmem>>, vector<1000x128xf32>
    %add3A_29 = arith.addf %dot_general3A_25, %get3A_28 : vector<1000x128xf32>
    %swap3A = arith.constant 0 : index
    %swap3A_30 = arith.constant 0 : index
    %swap3A_31 = vector.load %arg9[%swap3A, %swap3A_30] : memref<1000x128xf32, #tpu.memory_space<vmem>>, vector<1000x128xf32>
    tpu.vector_store %arg9[%swap3A, %swap3A_30], %add3A_29 {strides = array<i32>} : memref<1000x128xf32, #tpu.memory_space<vmem>>, vector<1000x128xf32>,
    return
  }
  func.func @transform_0(%arg0: i32) -> (i32, i32) {
    %c0_i32 = arith.constant 0 : i32
    %c0_i32_0 = arith.constant 0 : i32
    return %arg0, %c0_i32 : i32, i32
  }
  func.func @transform_1(%arg0: i32) -> (i32, i32) {
    %c0_i32 = arith.constant 0 : i32
    %c0_i32_0 = arith.constant 0 : i32
    return %arg0, %c0_i32 : i32, i32
  }
  func.func @transform_2(%arg0: i32) -> (i32, i32) {
    %c0_i32 = arith.constant 0 : i32
    %c0_i32_0 = arith.constant 0 : i32
    return %arg0, %c0_i32 : i32, i32
  }
  func.func @transform_3(%arg0: i32) -> (i32, i32) {
    %c0_i32 = arith.constant 0 : i32
    %c0_i32_0 = arith.constant 0 : i32
    return %arg0, %c0_i32 : i32, i32
  }
  func.func @transform_4(%arg0: i32) -> (i32, i32) {
    %c0_i32 = arith.constant 0 : i32
    %c0_i32_0 = arith.constant 0 : i32
    return %arg0, %c0_i32 : i32, i32
  }
  func.func @transform_5(%arg0: i32) -> (i32, i32) {
    %c0_i32 = arith.constant 0 : i32
    %c0_i32_0 = arith.constant 0 : i32
    return %arg0, %c0_i32 : i32, i32
  }
  func.func @transform_6(%arg0: i32) -> (i32, i32) {
    %c0_i32 = arith.constant 0 : i32
    %c0_i32_0 = arith.constant 0 : i32
    return %arg0, %c0_i32 : i32, i32
  }
  func.func @transform_7(%arg0: i32) -> (i32, i32) {
    %c0_i32 = arith.constant 0 : i32
    %c0_i32_0 = arith.constant 0 : i32
    %c0_i32_1 = arith.constant 0 : i32
    return %c0_i32, %c0_i32_0 : i32, i32
  }
  func.func @transform_8(%arg0: i32) -> (i32, i32) {
    %c0_i32 = arith.constant 0 : i32
    %c0_i32_0 = arith.constant 0 : i32
    return %arg0, %c0_i32 : i32, i32
  }
}

</mosaic_0001>

<sc_bundles>
// kernel: kernel.6.cloned.1.call-start
scs
__scs_entry_jumppad:
0x0: {  	(pc) =	sbr.rel $0x88, $3  }
0x1: {  	(tag) =	ssettag $0x0;
	lr =	simm.s32 $0x1  }
0x2: {  	[smem:$0x3F99] =	sst lr;
	_ =	strace $0xD0000000  }
0x3: {  	_ = 	snop  }
0x4: {  	_ = 	snop  }
0x5: {  	_ = 	snop  }
0x6: {  	_ = 	snop  }
0x7: {  	_ = 	snop  }
__scs_overlays_trampoline_lowered:
0x8: {  	[smem:$0x3FA8] =	sst s0  }
0x9: {  	[smem:$0x3FA9] =	sst s1  }
0xa: {  	[smem:$0x3FAA] =	sst s2  }
0xb: {  	[smem:$0x3FAB] =	sst s3  }
0xc: {  	[smem:$0x3FAC] =	sst s4  }
0xd: {  	[smem:$0x3FAD] =	sst s5  }
0xe: {  	[smem:$0x3FAE] =	sst s6  }
0xf: {  	[smem:$0x3FAF] =	sst s7  }
0x10: {  	[smem:$0x3FB0] =	sst s8  }
0x11: {  	[smem:$0x3FB1] =	sst s9;
	s0 =	simm.s32 @!p0 $0x0  }
0x12: {  	s1 =	sld [smem:$0x3F97];
	s0 =	simm.s32 @p0 $0x1  }
0x13: {  	[smem:$0x3FB2] =	sst s0;
	s0 =	simm.s32 @!p1 $0x0  }
0x14: {  	s2 =	sld [smem:$0x3F96];
	s0 =	simm.s32 @p1 $0x1  }
0x15: {  	[smem:$0x3FB3] =	sst s0;
	s0 =	simm.s32 @!p2 $0x0  }
0x16: {  	s3 =	sld [smem:$0x3FDB];
	s0 =	simm.s32 @p2 $0x1  }
0x17: {  	s4 =	simm.s32 $0x1BF5;
	[smem:$0x3FB5] =	sst s0  }
0x18: {  	s0 =	sld [smem:$0x3F98];
	_ =	swait.ge [sflag:s4], $0x0  }
0x19: {  	s7 =	sld [smem:$0x3F99]  }
0x1a: {  	s8 =	sadd.s32 $0xFFFFE003, lr  }
0x1b: {  	s9 =	sadd.s32 $0xFFFFFEF7, lr;
	s5 =	simm.s32 $0xFFFFFFFF;
	p2 =	slt.u32 s8, $0xFFFFF086  }
0x1c: {  	p1 =	slt.u32 s9, $0xF7A;
	s5 =	simm.s32 @!p2 $0x0  }
0x1d: {  	s5 =	simm.s32 @p1 $0x1;
	p0 =	seq.s32 s7, s2  }
0x1e: {  	s7 =	smul.u32 @!p0 $0xF7A, s2;
	p2 =	seq.s32 @!p0 s5, $0x0  }
0x1f: {  	s9 =	smul.u32 $0xF7A, s1;
	s8 =	simm.s32 @!p0 $0x1BF5;
	p2 =	por !p2, p0  }
0x20: {  	[sflag:s8] =	ssyncset.s32 @!p0 $0xFFFFF086;
	s6 =	sadd.s32 @!p0 s3, s7;
	s7 =	simm.s32 @!p0 $0x108  }
0x21: {  	s3 =	sadd.s32 s3, s9;
	s6 =	sadd.s32 @!p0 $0x88, s6;
	s7 =	simm.s32 @p2 $0x1082  }
0x22: {  	[simem:s7], [sflag:s8] =	dma.local @!p0 [hbm:s6], $0xF7A  }
0x23: {  	s9 =	sor.u32 $0xD0000000, s2;
	s6 =	simm.s32 $0x108;
	_ =	swait.ge @!p0 [sflag:s8], $0x0  }
0x24: {  	s3 =	sadd.s32 $0x88, s3;
	s6 =	simm.s32 @!p1 $0x1082;
	[sflag:s4] =	ssyncset.s32 $0xFFFFF086  }
0x25: {  	[simem:s6], [sflag:s4] =	dma.local [hbm:s3], $0xF7A  }
0x26: {  	[smem:$0x3F99] =	sst s1;
	(tag) =	ssettag s2;
	_ =	strace s9  }
0x27: {  	s1 =	sld [smem:$0x3FA9]  }
0x28: {  	s2 =	sld [smem:$0x3FAA]  }
0x29: {  	s4 =	sld [smem:$0x3FAC]  }
0x2a: {  	p0 =	seq.s32 s5, $0x0;
	s5 =	sld [smem:$0x3FAD]  }
0x2b: {  	s6 =	sld [smem:$0x3FAE]  }
0x2c: {  	s7 =	sld [smem:$0x3FAF]  }
0x2d: {  	s3 =	simm.s32 $0x108;
	s8 =	sld [smem:$0x3FB0]  }
0x2e: {  	s3 =	simm.s32 @!p0 $0x1082;
	s9 =	sld [smem:$0x3FB1]  }
0x2f: {  	lr =	sadd.s32 s0, s3;
	s0 =	sld [smem:$0x3FA8]  }
0x30: {  	s3 =	sld [smem:$0x3FAB]  }
0x31: {  	[smem:$0x3FB4] =	sst s10  }
0x32: {  	s10 =	sld [smem:$0x3FB2];
	_ =	sdelay $0x3  }
0x33: {  	p0 =	seq.s32 s10, $0x1;
	s10 =	sld [smem:$0x3FB4];
	_ =	sdelay $0x3  }
0x34: {  	[smem:$0x3FB4] =	sst s10  }
0x35: {  	s10 =	sld [smem:$0x3FB3];
	_ =	sdelay $0x3  }
0x36: {  	p1 =	seq.s32 s10, $0x1;
	s10 =	sld [smem:$0x3FB4];
	_ =	sdelay $0x3  }
0x37: {  	[smem:$0x3FB4] =	sst s10  }
0x38: {  	s10 =	sld [smem:$0x3FB5]  }
0x39: {  	_ = 	snop;
	(pc) =	sbr.ind lr, $3  }
0x3a: {  	_ = 	snop  }
0x3b: {  	_ = 	snop  }
0x3c: {  	p2 =	seq.s32 s10, $0x1;
	s10 =	sld [smem:$0x3FB4]  }
0x3d: {  	_ =	shalt  }
0x3e: {  	_ =	shalt  }
0x3f: {  	_ =	shalt  }
0x40: {  	_ =	shalt  }
0x41: {  	_ =	shalt  }
0x42: {  	_ =	shalt  }
0x43: {  	_ =	shalt  }
0x44: {  	_ =	shalt  }
0x45: {  	_ =	shalt  }
0x46: {  	_ =	shalt  }
0x47: {  	_ =	shalt  }
0x48: {  	_ =	shalt  }
0x49: {  	_ =	shalt  }
0x4a: {  	_ =	shalt  }
0x4b: {  	_ =	shalt  }
0x4c: {  	_ =	shalt  }
0x4d: {  	_ =	shalt  }
0x4e: {  	_ =	shalt  }
0x4f: {  	_ =	shalt  }
0x50: {  	_ =	shalt  }
0x51: {  	_ =	shalt  }
0x52: {  	_ =	shalt  }
0x53: {  	_ =	shalt  }
0x54: {  	_ =	shalt  }
0x55: {  	_ =	shalt  }
0x56: {  	_ =	shalt  }
0x57: {  	_ =	shalt  }
0x58: {  	_ =	shalt  }
0x59: {  	_ =	shalt  }
0x5a: {  	_ =	shalt  }
0x5b: {  	_ =	shalt  }
0x5c: {  	_ =	shalt  }
0x5d: {  	_ =	shalt  }
0x5e: {  	_ =	shalt  }
0x5f: {  	_ =	shalt  }
0x60: {  	_ =	shalt  }
0x61: {  	_ =	shalt  }
0x62: {  	_ =	shalt  }
0x63: {  	_ =	shalt  }
0x64: {  	_ =	shalt  }
0x65: {  	_ =	shalt  }
0x66: {  	_ =	shalt  }
0x67: {  	_ =	shalt  }
0x68: {  	_ =	shalt  }
0x69: {  	_ =	shalt  }
0x6a: {  	_ =	shalt  }
0x6b: {  	_ =	shalt  }
0x6c: {  	_ =	shalt  }
0x6d: {  	_ =	shalt  }
0x6e: {  	_ =	shalt  }
0x6f: {  	_ =	shalt  }
0x70: {  	_ =	shalt  }
0x71: {  	_ =	shalt  }
0x72: {  	_ =	shalt  }
0x73: {  	_ =	shalt  }
0x74: {  	_ =	shalt  }
0x75: {  	_ =	shalt  }
0x76: {  	_ =	shalt  }
0x77: {  	_ =	shalt  }
0x78: {  	_ =	shalt  }
0x79: {  	_ =	shalt  }
0x7a: {  	_ =	shalt  }
0x7b: {  	_ =	shalt  }
0x7c: {  	_ =	shalt  }
0x7d: {  	_ =	shalt  }
0x7e: {  	_ =	shalt  }
0x7f: {  	_ =	shalt  }
0x80: {  	_ =	shalt  }
0x81: {  	_ =	shalt  }
0x82: {  	_ =	shalt  }
0x83: {  	_ =	shalt  }
0x84: {  	_ =	shalt  }
0x85: {  	_ =	shalt  }
0x86: {  	_ =	shalt  }
0x87: {  	_ =	shalt  }
.Lfunc_end0:
.L_simem_size_0:
called_computation_lowered:
.L_overlay_start_0:
0x88: {  	s2 =	sld [smem:$0x3FD9]  }
0x89: {  	s3 =	sld [smem:$0x3FFE];
	_ =	sdelay $0x1  }
0x8a: {  	s1 =	srdreg.scid  }
0x8b: {  	s0 =	sand.u32 $0x1, s1  }
0x8c: {  	s17 =	sshll.u32 s0, $0xA;
	s2 =	sadd.s32 s3, s2  }
0x8d: {  	s2 =	sadd.s32 s2, s17  }
0x8e: {  	[smem:$0x3FC0] =	sst s2  }
0x8f: {  	_ = 	snop  }
0x90: {  	s2 =	sld [smem:$0x3FD0];
	(tm) =	ssettm $0x1  }
0x91: {  	s18 =	sld [smem:$0x3FFB];
	_ =	sdelay $0x3  }
0x92: {  	_ =	strace s18  }
0x93: {  	s3 =	sld [smem:$0x3FFC];
	_ =	sdelay $0x3  }
0x94: {  	_ =	strace s3  }
0x95: {  	s3 =	sld [smem:$0x3FFD];
	_ =	sdelay $0x3  }
0x96: {  	_ =	strace s3  }
0x97: {  	_ =	strace $0x8FFFFFFF  }
0x98: {  	s19 =	sld [smem:$0x3FDB];
	_ =	sdelay $0x1  }
0x99: {  	s4 =	simm.s32 $_scs_section_size  }
0x9a: {  	s5 =	simm.s32 $_size__tile_overlayer_lowered;
	s6 =	simm.s32 $_tile_overlayer_lowered  }
0x9b: {  	s22 =	simm.s32 $0x1BFF;
	s21 =	sshll.u32 s6, $0x1;
	s3 =	sadd.s32 s4, s19  }
0x9c: {  	s7 =	simm.s32 $0x0;
	s20 =	sshll.u32 s5, $0x1;
	s5 =	sadd.s32 s21, s3  }
0x9d: {  	[timem:s7], [sflag:s22] =	dma.local [hbm:s5], s20  }
0x9e: {  	_ =	swait.ge [sflag:s22], s20  }
0x9f: {  	s4 =	ssub.s32 $0x0, s20;
	[sflag:s22] =	ssyncset.done $0x0  }
0xa0: {  	[sflag:s22] =	ssyncadd.s32 s4;
	_ =	sdelay $0x1  }
0xa1: {  	s23 =	simm.s32 $0x1B8B  }
0xa2: {  	_ =	swait.ge [sflag:s23], $0x1  }
0xa3: {  	[sflag:s23] =	ssyncset.done $0x0  }
0xa4: {  	s25 =	simm.s32 $0x1B8E;
	s24 =	sld [smem:$0x3FFE];
	[sflag:s23] =	ssyncadd.s32 $0xFFFFFFFF  }
0xa5: {  	s26 =	simm.s32 $execute0_lowered;
	[smem:$0x3FD2] =	sst s25  }
0xa6: {  	s5 =	sshll.u32 s26, $0x1;
	_ =	strace $0x80000046;
	[dreg:$0x1] =	wrdreg $0xFFFFFFFF  }
0xa7: {  	s28 =	simm.s32 $_size_execute0_lowered;
	s3 =	sadd.s32 s3, s5;
	[dreg:$0x0] =	wrdreg $0x0  }
0xa8: {  	s5 =	sshll.u32 s28, $0x1;
	[dreg:$0x2] =	wrdreg s3  }
0xa9: {  	[dreg:$0x3] =	wrdreg s5  }
0xaa: {  	[dreg:$0x4] =	wrdreg $0xC0  }
0xab: {  	_ =	task [dreg:s7], $0x5FFFF  }
0xac: {  	[dreg:$0x1] =	wrdreg $0xFFFFFFFF  }
0xad: {  	[dreg:$0x0] =	wrdreg $0x60  }
0xae: {  	[dreg:$0x2] =	wrdreg s24  }
0xaf: {  	[dreg:$0x3] =	wrdreg s2  }
0xb0: {  	[dreg:$0x4] =	wrdreg $0x1F6800  }
0xb1: {  	[dreg:$0x5] =	wrdreg $0x152200  }
0xb2: {  	[dreg:$0x6] =	wrdreg $0x9  }
0xb3: {  	_ =	task.clear_ibuf [dreg:s7], $0x7FFFF;
	_ =	strace $0x90000046  }
0xb4: {  	s29 =	simm.s32 $0x9;
	_ =	strace $0x80000048  }
0xb5: {  	_ =	swait.ge [sflag:s29], $0x1  }
0xb6: {  	[sflag:s29] =	ssyncadd.s32 $0xFFFFFFFF  }
0xb7: {  	_ =	strace $0x90000048  }
0xb8: {  	_ =	sfence  }
0xb9: {  	s30 =	sld [smem:$0x0];
	_ =	sdelay $0x2  }
0xba: {  	s31 =	sshll.u32 s1, $0xD;
	s1 =	sshrl.u32 s1, $0x2  }
0xbb: {  	s3 =	sand.u32 $0x4000, s31;
	s1 =	sadd.s32 s1, s30  }
0xbc: {  	s0 =	sor.u32 s3, s0;
	s1 =	sshll.u32 s1, $0x11  }
0xbd: {  	s0 =	sor.u32 s1, s0  }
0xbe: {  	s0 =	sadd.s32 $0x8F2B, s0  }
0xbf: {  	[sflag:s0] =	ssyncadd.remote.s32 $0x1  }
0xc0: {  	_ =	sfence.sel $0xFFFF  }
0xc1: {  	[dreg:$0x0] =	wrdreg $0xFFFFFFFF;
	(pc) =	sbr.abs _section_cstart, $3  }
0xc2: {  	[dreg:$0x1] =	wrdreg $0xFFFFFFFF  }
0xc3: {  	_ =	task.clear_ibuf [dreg:s7], $0x2FFFF;
	_ =	strace $0x9FFFFFFF  }
0xc4: {  	(tm) =	ssettm $0x7FFFFFFF  }
0xc5: {  	_ =	shalt  }
tec
execute0_lowered:
.L_overlay_start_1:
0x0: {  	(tag) =	ssettag $0x1  }
0x1: {  	s9 =	rddreg [dreg:$0x0]  }
0x2: {  	s18 =	rddreg [dreg:$0x1]  }
0x3: {  	s0 =	rddreg [dreg:$0x2];
	s1 =	srdreg.scid  }
0x4: {  	s12 =	stileid.u32;
	s2 =	rddreg [dreg:$0x3]  }
0x5: {  	s1 =	sand.u32 $0x1, s1;
	s3 =	sshll.u32 s12, $0x1;
	s19 =	smul.u32 $0x1400, s12  }
0x6: {  	s17 =	sor.u32 $0x30, s12;
	s16 =	sor.u32 $0x40, s12;
	s14 =	sor.u32 $0x50, s12  }
0x7: {  	s15 =	sor.u32 $0x60, s12;
	s28 =	sor.u32 $0x70, s12;
	s5 =	smul.u32 $0x2710, s1  }
0x8: {  	p0 =	sne.s32 s12, $0x0;
	s4 =	sor.u32 s1, s3;
	s21 =	smul.u32 $0x9C400, s1  }
0x9: {  	s3 =	simm.s32 $0x0;
	s22 =	ssub.s32 $0x2, s1;
	s7 =	smul.u32 $0x1400, s16  }
0xa: {  	p1 =	sgt.u32 s28, $0x7C;
	s4 =	smul.u32 $0x4E2, s4;
	[smem:$0x7FF] =	sst s3  }
0xb: {  	s23 =	sshrl.u32 s22, $0x1;
	p2 =	sne.s32 @!p1 s12, $0x0;
	[smem:$0x7EA] =	sst s5  }
0xc: {  	s6 =	sadd.s32 s21, s19;
	s30 =	sadd.s32 s21, s7;
	[smem:$0x7EB] =	sst s4  }
0xd: {  	s4 =	ssub.s32 s22, s23;
	s24 =	sshrl.u32 s6, $0x3;
	s6 =	smul.u32 $0x1400, s17  }
0xe: {  	s22 =	sor.u32 $0x10, s12;
	s23 =	sor.u32 $0x20, s12;
	s12 =	smul.u32 $0x5000, s12  }
0xf: {  	s30 =	sshrl.u32 s30, $0x3;
	_ =	strace $0x80000047;
	s13 =	smul.u32 $0x1400, s22  }
0x10: {  	[smem:$0x7EC] =	sst s4;
	s5 =	smul.u32 $0x1400, s23;
	s20 =	sadd.s32 s18, s24  }
0x11: {  	s11 =	sadd.s32 s21, s6;
	[dreg:$0x6] =	wrdreg s20;
	s12 =	sshrl.u32 s12, $0x2  }
0x12: {  	s8 =	sadd.s32 s21, s13;
	s10 =	sadd.s32 s21, s5;
	s12 =	sadd.s32 s12, s2  }
0x13: {  	s25 =	sshrl.u32 s8, $0x3;
	s26 =	sshrl.u32 s10, $0x3;
	s10 =	smul.u32 $0x1400, s15  }
0x14: {  	s29 =	sshrl.u32 s11, $0x3;
	[dreg:$0x1e] =	wrdreg s12;
	s20 =	sadd.s32 s18, s25  }
0x15: {  	s1 =	sadd.s32 s21, s10;
	[dreg:$0x7] =	wrdreg s20;
	s20 =	sadd.s32 s18, s26  }
0x16: {  	s4 =	sshrl.u32 s1, $0x3;
	[dreg:$0x8] =	wrdreg s20;
	s20 =	sadd.s32 s18, s29  }
0x17: {  	s1 =	sadd.s32 $0x3D800, s9;
	[dreg:$0x9] =	wrdreg s20;
	s20 =	sadd.s32 s18, s30  }
0x18: {  	s24 =	sadd.s32 s1, s24;
	[dreg:$0xa] =	wrdreg s20  }
0x19: {  	s25 =	sadd.s32 s1, s25;
	[dreg:$0xe] =	wrdreg s24  }
0x1a: {  	s8 =	smul.u32 $0x1400, s14;
	s26 =	sadd.s32 s1, s26;
	[dreg:$0xf] =	wrdreg s25  }
0x1b: {  	s29 =	sadd.s32 s1, s29;
	[dreg:$0x10] =	wrdreg s26  }
0x1c: {  	s31 =	sadd.s32 s21, s8;
	[dreg:$0x11] =	wrdreg s29  }
0x1d: {  	s31 =	sshrl.u32 s31, $0x3;
	s26 =	sld [smem:$0x7EA]  }
0x1e: {  	s11 =	smul.u32 $0x1400, s28;
	s20 =	sadd.s32 s18, s31;
	s29 =	sld [smem:$0x7EB]  }
0x1f: {  	s24 =	sadd.s32 s1, s31;
	[dreg:$0xb] =	wrdreg s20  }
0x20: {  	s21 =	sadd.s32 s21, s11;
	s25 =	simm.s32 $0x1EE60;
	[dreg:$0x13] =	wrdreg s24  }
0x21: {  	s21 =	sshrl.u32 s21, $0x3;
	s20 =	sadd.s32 s18, s4;
	[dreg:$0x5] =	wrdreg s25  }
0x22: {  	s18 =	sadd.s32 s18, s21;
	[dreg:$0xc] =	wrdreg s20  }
0x23: {  	s4 =	sadd.s32 s1, s4;
	[dreg:$0xd] =	wrdreg s18  }
0x24: {  	s20 =	sadd.s32 s1, s30;
	[dreg:$0x14] =	wrdreg s4;
	s1 =	sadd.s32 s1, s21  }
0x25: {  	s21 =	sadd.s32 $0x16400, s9;
	[dreg:$0x12] =	wrdreg s20;
	s4 =	sadd.s32 s29, s9  }
0x26: {  	[dreg:$0x15] =	wrdreg s1;
	s1 =	sshrl.u32 s26, $0x3;
	s30 =	sadd.s32 $0xC600, s4  }
0x27: {  	s20 =	sadd.s32 $0x29E00, s9;
	s4 =	sadd.s32 $0x2800, s4;
	[dreg:$0x16] =	wrdreg s30  }
0x28: {  	s1 =	sadd.s32 s1, s9;
	s9 =	smul.u32 $0x5000, s22;
	[dreg:$0x17] =	wrdreg s4  }
0x29: {  	s22 =	smul.u32 $0x5000, s23;
	s23 =	sadd.s32 $0x64A00, s1;
	s30 =	sld [smem:$0x7EC]  }
0x2a: {  	s16 =	smul.u32 $0x5000, s16;
	s24 =	sadd.s32 $0x64AFA, s1;
	[dreg:$0x18] =	wrdreg s23  }
0x2b: {  	p2 =	por p2, p1;
	s25 =	sadd.s32 $0x64BF4, s1;
	[dreg:$0x19] =	wrdreg s24  }
0x2c: {  	s31 =	simm.s32 $0xD;
	s26 =	sadd.s32 $0x64CEE, s1;
	[dreg:$0x1a] =	wrdreg s25  }
0x2d: {  	s18 =	smul.u32 $0x5000, s14;
	s1 =	sadd.s32 $0x64DE8, s1;
	[dreg:$0x1b] =	wrdreg s26  }
0x2e: {  	s29 =	smul.u32 $0x5000, s17;
	[dreg:$0x1c] =	wrdreg s1;
	s9 =	sshrl.u32 s9, $0x2  }
0x2f: {  	s4 =	sshrl.u32 s22, $0x2;
	s22 =	smul.u32 $0x5000, s15;
	s15 =	sadd.s32 s19, s2  }
0x30: {  	s23 =	sshrl.u32 s16, $0x2;
	s16 =	sadd.s32 s13, s2;
	[smem:$0x7F2] =	sst s15  }
0x31: {  	s26 =	sshrl.u32 s18, $0x2;
	s18 =	sadd.s32 s6, s2;
	[smem:$0x7F3] =	sst s16  }
0x32: {  	s1 =	sshrl.u32 s29, $0x2;
	s19 =	sadd.s32 s7, s2;
	[smem:$0x7F5] =	sst s18  }
0x33: {  	s24 =	smul.u32 $0x5000, s28;
	s9 =	sadd.s32 s9, s2;
	[smem:$0x7F6] =	sst s19  }
0x34: {  	s6 =	simm.s32 $0x11;
	s1 =	sadd.s32 s1, s2;
	[dreg:$0x1f] =	wrdreg s9  }
0x35: {  	s7 =	simm.s32 $0x1A;
	s25 =	sadd.s32 s23, s2;
	[smem:$0x7ED] =	sst s1  }
0x36: {  	s28 =	sadd.s32 s4, s2;
	s23 =	sadd.s32 s10, s2;
	[smem:$0x7EE] =	sst s25  }
0x37: {  	s18 =	simm.s32 $0x4E20;
	s17 =	smax.u32 s30, $0x1;
	[smem:$0x7F8] =	sst s23  }
0x38: {  	s19 =	simm.s32 $0x16;
	s1 =	sadd.s32 s26, s2;
	[dreg:$0x1d] =	wrdreg s17  }
0x39: {  	s29 =	sshrl.u32 s22, $0x2;
	s22 =	sadd.s32 s8, s2;
	[smem:$0x7EF] =	sst s1  }
0x3a: {  	s30 =	sshrl.u32 s24, $0x2;
	s24 =	sadd.s32 s11, s2;
	[smem:$0x7F7] =	sst s22  }
0x3b: {  	s4 =	simm.s32 $0xF;
	s25 =	sadd.s32 $0x7D0, s0;
	[smem:$0x7F9] =	sst s24  }
0x3c: {  	s26 =	sadd.s32 $0xFA0, s0;
	s23 =	simm.s32 $0x18;
	[smem:$0x7FA] =	sst s25  }
0x3d: {  	s8 =	simm.s32 $0x0;
	s12 =	sadd.s32 s29, s2;
	[smem:$0x7FB] =	sst s26  }
0x3e: {  	s14 =	sadd.s32 s30, s2;
	s17 =	sadd.s32 s5, s2;
	[smem:$0x7F0] =	sst s12  }
0x3f: {  	s29 =	sadd.s32 $0x1770, s0;
	s30 =	sadd.s32 $0x1F40, s0;
	[smem:$0x7F1] =	sst s14  }
0x40: {  	s24 =	simm.s32 $0x19;
	s25 =	simm.s32 $0x13E20;
	[smem:$0x7F4] =	sst s17  }
0x41: {  	s26 =	simm.s32 $0x50;
	s22 =	simm.s32 $0x17;
	[smem:$0x7FC] =	sst s29  }
0x42: {  	v0 =	vimm.f32 $0.0e+00;
	v1 =	vimm.f32 $1.000000000e+00;
	s1 =	simm.s32 $0xE;
	s5 =	simm.s32 $0x10;
	[smem:$0x7FD] =	sst s30  }
.LBB2_1:
0x43: {  	s9 =	rddreg [dreg:$0x16]  }
0x44: {  	[tilespmem:s3], [sflag:$0x19] =	stream.linear.gather [hbm4b:s9+s3], $0x2710, $0x38;
	[tilespmem:$0x1F8F8] =	vst v63  }
0x45: {  	_ =	swait.ge [sflag:s24], $0x2710  }
0x46: {  	[sflag:s24] =	ssyncset.done $0x0  }
0x47: {  	s10 =	simm.s32 $0x2710;
	s17 =	rddreg [dreg:$0x17];
	[sflag:s24] =	ssyncadd.s32 $0xFFFFD8F0  }
0x48: {  	[tilespmem:s10], [sflag:$0x19] =	stream.linear.gather [hbm4b:s17+s3], $0x2710, $0x38;
	[tilespmem:$0x1F8F8] =	vst v63  }
0x49: {  	s29 =	sand.u32 $0x7F00, s3;
	s30 =	sand.u32 $0x30, s3;
	_ =	swait.ge [sflag:s24], $0x2710  }
0x4a: {  	s11 =	sshrl.u32 s29, $0x2;
	s9 =	simm.s32 $0x40;
	[sflag:s24] =	ssyncset.done $0x0  }
0x4b: {  	s11 =	sor.u32 s30, s11;
	s10 =	simm.s32 $0x0;
	[sflag:s24] =	ssyncadd.s32 $0xFFFFD8F0  }
.LBB2_2:
0x4c: {  	p3 =	sne.s32 s9, $0x4FC0  }
0x4d: {  	[tilespmem:s11+$0x13E20] =	vst v0;
	s10 =	sadd.s32 $0x10, s10;
	s11 =	smov.u32 s9;
	s9 =	sadd.s32 $0x40, s9  }
.Ltmp0:
0x4e: {  	(pc) =	sbr.rel @p3 .LBB2_2-.Ltmp0, $4  }
0x4f: {  	_ = 	snop  }
0x50: {  	s11 =	sand.u32 $0x7F00, s11  }
0x51: {  	s12 =	sand.u32 $0x30, s10;
	s11 =	sshrl.u32 s11, $0x2  }
0x52: {  	s11 =	sor.u32 s12, s11  }
0x53: {  	[tilespmem:s11+$0x13E20] =	vst v0  }
.Ltmp1:
0x54: {  	[tilespmem:$0x1EE60] =	vst v1;
	(pc) =	sbr.rel @p0 .LBB2_7-.Ltmp1, $4  }
0x55: {  	[tilespmem:$0x1EE70] =	vst v1  }
0x56: {  	[tilespmem:$0x1EE80] =	vst v1  }
0x57: {  	[tilespmem:$0x1EE90] =	vst v1  }
0x58: {  	[tilespmem:$0x1EEA0] =	vst v1  }
0x59: {  	s9 =	simm.s32 $0x40;
	s10 =	simm.s32 $0x0  }
.LBB2_5:
0x5a: {  	p3 =	sne.s32 s9, $0x1F00;
	[tilespmem:s10+$0x1EEB0] =	vst v0;
	s10 =	smov.u32 s9;
	s9 =	sadd.s32 $0x40, s9  }
.Ltmp2:
0x5b: {  	(pc) =	sbr.rel @p3 .LBB2_5-.Ltmp2, $2  }
0x5c: {  	_ =	sdelay $0x2  }
0x5d: {  	s10 =	sshra.s32 s10, $0x2  }
0x5e: {  	[tilespmem:s10+$0x1EEB0] =	vst v0;
	s16 =	simm.s32 $0x1EEB0  }
0x5f: {  	[spmem:s0] =	stream.linear.scatter [tilespmem:s16], [sflag:$0x19], $0x7D0, $0x38;
	[tilespmem:$0x1F8F8] =	vst v63  }
0x60: {  	_ =	swait.ge [sflag:s24], $0x7D0  }
0x61: {  	s9 =	sld [smem:$0x7FA]  }
0x62: {  	[sflag:s24] =	ssyncset.done $0x0  }
0x63: {  	[sflag:s24] =	ssyncadd.s32 $0xFFFFF830  }
0x64: {  	[spmem:s9] =	stream.linear.scatter [tilespmem:s16], [sflag:$0x19], $0x7D0, $0x38;
	[tilespmem:$0x1F8F8] =	vst v63  }
0x65: {  	_ =	swait.ge [sflag:s24], $0x7D0  }
0x66: {  	s17 =	sld [smem:$0x7FB]  }
0x67: {  	[sflag:s24] =	ssyncset.done $0x0  }
0x68: {  	[sflag:s24] =	ssyncadd.s32 $0xFFFFF830  }
0x69: {  	[spmem:s17] =	stream.linear.scatter [tilespmem:s16], [sflag:$0x19], $0x7D0, $0x38;
	[tilespmem:$0x1F8F8] =	vst v63  }
0x6a: {  	_ =	swait.ge [sflag:s24], $0x7D0  }
0x6b: {  	s29 =	sld [smem:$0x7FC]  }
0x6c: {  	[sflag:s24] =	ssyncset.done $0x0  }
0x6d: {  	[sflag:s24] =	ssyncadd.s32 $0xFFFFF830  }
0x6e: {  	[spmem:s29] =	stream.linear.scatter [tilespmem:s16], [sflag:$0x19], $0x7D0, $0x38;
	[tilespmem:$0x1F8F8] =	vst v63  }
0x6f: {  	_ =	swait.ge [sflag:s24], $0x7D0  }
0x70: {  	s30 =	sld [smem:$0x7FD]  }
0x71: {  	[sflag:s24] =	ssyncset.done $0x0  }
0x72: {  	[sflag:s24] =	ssyncadd.s32 $0xFFFFF830  }
0x73: {  	[spmem:s30] =	stream.linear.scatter [tilespmem:s16], [sflag:$0x19], $0x7D0, $0x38;
	[tilespmem:$0x1F8F8] =	vst v63  }
0x74: {  	_ =	swait.ge [sflag:s24], $0x7D0  }
0x75: {  	[sflag:s24] =	ssyncset.done $0x0  }
0x76: {  	[sflag:s24] =	ssyncadd.s32 $0xFFFFF830  }
.LBB2_7:
0x77: {  	s9 =	rddreg [dreg:$0x1e]  }
0x78: {  	[spmem:s9] =	stream.linear.scatter [tilespmem:s25], [sflag:$0x19], $0x1400, $0x38;
	[tilespmem:$0x1F8F8] =	vst v63  }
0x79: {  	_ =	swait.ge [sflag:s24], $0x1400  }
0x7a: {  	[sflag:s24] =	ssyncset.done $0x0  }
0x7b: {  	s11 =	rddreg [dreg:$0x1f];
	[sflag:s24] =	ssyncadd.s32 $0xFFFFEC00  }
0x7c: {  	[spmem:s11] =	stream.linear.scatter [tilespmem:s25], [sflag:$0x19], $0x1400, $0x38;
	[tilespmem:$0x1F8F8] =	vst v63  }
0x7d: {  	_ =	swait.ge [sflag:s24], $0x1400  }
0x7e: {  	[sflag:s24] =	ssyncset.done $0x0  }
0x7f: {  	[sflag:s24] =	ssyncadd.s32 $0xFFFFEC00  }
0x80: {  	[spmem:s28] =	stream.linear.scatter [tilespmem:s25], [sflag:$0x19], $0x1400, $0x38;
	[tilespmem:$0x1F8F8] =	vst v63  }
0x81: {  	_ =	swait.ge [sflag:s24], $0x1400  }
0x82: {  	s12 =	sld [smem:$0x7ED]  }
0x83: {  	[sflag:s24] =	ssyncset.done $0x0  }
0x84: {  	[sflag:s24] =	ssyncadd.s32 $0xFFFFEC00  }
0x85: {  	[spmem:s12] =	stream.linear.scatter [tilespmem:s25], [sflag:$0x19], $0x1400, $0x38;
	[tilespmem:$0x1F8F8] =	vst v63  }
0x86: {  	_ =	swait.ge [sflag:s24], $0x1400  }
0x87: {  	s13 =	sld [smem:$0x7EE]  }
0x88: {  	[sflag:s24] =	ssyncset.done $0x0  }
0x89: {  	[sflag:s24] =	ssyncadd.s32 $0xFFFFEC00  }
0x8a: {  	[spmem:s13] =	stream.linear.scatter [tilespmem:s25], [sflag:$0x19], $0x1400, $0x38;
	[tilespmem:$0x1F8F8] =	vst v63  }
0x8b: {  	_ =	swait.ge [sflag:s24], $0x1400  }
0x8c: {  	s14 =	sld [smem:$0x7EF]  }
0x8d: {  	[sflag:s24] =	ssyncset.done $0x0  }
0x8e: {  	[sflag:s24] =	ssyncadd.s32 $0xFFFFEC00  }
0x8f: {  	[spmem:s14] =	stream.linear.scatter [tilespmem:s25], [sflag:$0x19], $0x1400, $0x38;
	[tilespmem:$0x1F8F8] =	vst v63  }
0x90: {  	_ =	swait.ge [sflag:s24], $0x1400  }
0x91: {  	s15 =	sld [smem:$0x7F0]  }
0x92: {  	[sflag:s24] =	ssyncset.done $0x0  }
0x93: {  	[sflag:s24] =	ssyncadd.s32 $0xFFFFEC00  }
0x94: {  	[spmem:s15] =	stream.linear.scatter [tilespmem:s25], [sflag:$0x19], $0x1400, $0x38;
	[tilespmem:$0x1F8F8] =	vst v63  }
0x95: {  	_ =	swait.ge [sflag:s24], $0x1400  }
0x96: {  	s10 =	sld [smem:$0x7F1]  }
0x97: {  	[sflag:s24] =	ssyncset.done $0x0  }
0x98: {  	s9 =	simm.s32 @!p1 $0x13E20;
	[sflag:s24] =	ssyncadd.s32 $0xFFFFEC00  }
0x99: {  	[spmem:s10] =	stream.linear.scatter @!p1 [tilespmem:s9], [sflag:$0x19], $0x1400, $0x38;
	[tilespmem:$0x1F8F8] =	vst v63  }
0x9a: {  	s9 =	simm.s32 @!p1 $0x19  }
0x9b: {  	_ =	swait.ge @!p1 [sflag:s9], $0x1400  }
0x9c: {  	[sflag:s9] =	ssyncset.done @!p1 $0x0  }
0x9d: {  	s16 =	simm.s32 $0x0;
	[sflag:s9] =	ssyncadd.s32 @!p1 $0xFFFFEC00  }
0x9e: {  	s17 =	simm.s32 $0x6220;
	s9 =	smul.u32 $0xAB, s16;
	[bflag:$0x0] =	sbarrier.arrive $0xFFFF  }
0x9f: {  	[tilespmem:s18], [sflag:$0x1] =	stream.indirect.gather [hbm4b:s20+s26], $0x40, s16, s26, $0xb8;
	[tilespmem:$0x1F8F8] =	vst v63  }
0xa0: {  	s30 =	simm.s32 $0xA0;
	p3 =	por $0x0, $0x0;
	s9 =	sshrl.u32 s9, $0xB  }
0xa1: {  	p4 =	por @!p3 $0x1, $0x1;
	s11 =	simm.s32 $0x7620;
	s9 =	sand.u32 $0x1F, s9  }
0xa2: {  	[tilespmem:s17], [sflag:$0x2] =	stream.indirect.gather [hbm4b:s20+s26], $0x40, s26, s26, $0xb8;
	[tilespmem:$0x1F8F8] =	vst v63  }
0xa3: {  	s12 =	simm.s32 $0x8A20;
	s13 =	simm.s32 $0x140;
	s9 =	smul.u32 $0xC, s9  }
0xa4: {  	[tilespmem:s11], [sflag:$0x3] =	stream.indirect.gather [hbm4b:s20+s26], $0x40, s30, s26, $0xb8;
	[tilespmem:$0x1F8F8] =	vst v63  }
0xa5: {  	s14 =	simm.s32 $0x9E20;
	s11 =	simm.s32 $0xF0;
	s9 =	ssub.s32 $0x0, s9  }
0xa6: {  	[tilespmem:s12], [sflag:$0x4] =	stream.indirect.gather [hbm4b:s20+s26], $0x40, s11, s26, $0xb8;
	[tilespmem:$0x1F8F8] =	vst v63  }
0xa7: {  	s15 =	simm.s32 $0x190;
	s16 =	simm.s32 $0xB220;
	s9 =	sand.u32 $0xFF, s9  }
0xa8: {  	[tilespmem:s14], [sflag:$0x5] =	stream.indirect.gather [hbm4b:s20+s26], $0x40, s13, s26, $0xb8;
	[tilespmem:$0x1F8F8] =	vst v63  }
0xa9: {  	s30 =	smul.u32 $0x5000, s9;
	s12 =	sadd.s32 $0x1, s9;
	s13 =	simm.s32 @!p3 $0x6  }
0xaa: {  	[tilespmem:s16], [sflag:$0x6] =	stream.indirect.gather [hbm4b:s20+s26], $0x40, s15, s26, $0xb8;
	[tilespmem:$0x1F8F8] =	vst v63  }
0xab: {  	s17 =	simm.s32 $0x2710;
	s13 =	smul.u32 @!p3 $0xAB, s13;
	_ =	swait.ge [sflag:s12], $0x1400  }
0xac: {  	s9 =	sadd.s32 $0xD, s9;
	s10 =	sshrl.u32 s30, $0x2;
	[sflag:s12] =	ssyncset.done $0x0  }
0xad: {  	s10 =	sadd.s32 $0x4E20, s10;
	[sflag:s12] =	ssyncadd.s32 $0xFFFFEC00;
	s12 =	sshrl.u32 @!p3 s13, $0xB  }
0xae: {  	[spmem:s2] =	stream.indirect.scatter.add.f32 [tilespmem:s10], [sflag:s9], $0x40, s17, s26, $0xb8;
	[tilespmem:$0x1F8F8] =	vst v63  }
0xaf: {  	p5 =	por p4, p3;
	s11 =	simm.s32 $0x2760;
	s9 =	sand.u32 @!p3 $0x1F, s12  }
0xb0: {  	s14 =	rddreg [dreg:$0x5];
	s10 =	simm.s32 $0x1;
	s9 =	smul.u32 @!p3 $0xC, s9  }
0xb1: {  	s13 =	simm.s32 $0x1E0;
	s12 =	simm.s32 $0x2;
	s16 =	smul.u32 $0xAB, s10  }
0xb2: {  	[spmem:s0] =	stream.indirect.scatter.add.f32 [tilespmem:s14], [sflag:$0x19], $0x1, s17, s26, $0xb8;
	[tilespmem:$0x1F8F8] =	vst v63  }
0xb3: {  	_ =	swait.ge [sflag:s24], $0x50;
	s14 =	ssub.s32 @!p3 $0x6, s9;
	s9 =	simm.s32 $0x230  }
0xb4: {  	s29 =	sshrl.u32 s16, $0xB;
	[sflag:s24] =	ssyncset.done $0x0;
	s14 =	sand.u32 @!p3 $0xFF, s14  }
0xb5: {  	s16 =	simm.s32 @!p3 $0x50;
	[sflag:s24] =	ssyncadd.s32 $0xFFFFFFB0;
	s15 =	sadd.s32 @!p5 $0xD, s14  }
0xb6: {  	s17 =	smul.u32 @!p3 $0x5000, s14;
	s14 =	sadd.s32 @!p3 $0x1, s14;
	_ =	swait.ge @!p5 [sflag:s15], $0x1400  }
.LBB2_8:
0xb7: {  	_ = 	snop  }
0xb8: {  	s29 =	sand.u32 $0x1F, s29;
	[sflag:s15] =	ssyncset.done @!p5 $0x0;
	s17 =	sshrl.u32 @!p3 s17, $0x2  }
0xb9: {  	s29 =	smul.u32 $0xC, s29;
	[sflag:s15] =	ssyncadd.s32 @!p5 $0xFFFFEC00;
	s15 =	sadd.s32 @!p3 $0x4E20, s17  }
0xba: {  	[tilespmem:s15], [sflag:s14] =	stream.indirect.gather @!p3 [hbm4b:s20+s16], $0x40, s13, s16, $0xb8;
	[tilespmem:$0x1F8F8] =	vst v63  }
0xbb: {  	s17 =	ssub.s32 s10, s29;
	s14 =	smov.u32 s12;
	s12 =	sadd.s32 $0x1, s12  }
0xbc: {  	p3 =	sgt.u32 s10, $0x76;
	p4 =	sne.s32 s12, $0x7D;
	s13 =	sand.u32 $0xFF, s17  }
0xbd: {  	s17 =	sadd.s32 @!p3 $0x6, s10;
	s30 =	smul.u32 $0x5000, s13;
	s16 =	sadd.s32 $0x1, s13  }
0xbe: {  	p5 =	slt.u32 @!p3 s10, $0x6;
	s29 =	smul.u32 @!p3 $0xAB, s17;
	_ =	swait.ge [sflag:s16], $0x1400  }
0xbf: {  	s13 =	sadd.s32 $0xD, s13;
	s15 =	sshrl.u32 s30, $0x2;
	[sflag:s16] =	ssyncset.done $0x0  }
0xc0: {  	s15 =	sadd.s32 $0x4E20, s15;
	[sflag:s16] =	ssyncadd.s32 $0xFFFFEC00;
	s16 =	sshrl.u32 @!p3 s29, $0xB  }
0xc1: {  	[spmem:s2] =	stream.indirect.scatter.add.f32 [tilespmem:s15], [sflag:s13], $0x40, s11, s26, $0xb8;
	[tilespmem:$0x1F8F8] =	vst v63  }
0xc2: {  	s10 =	smov.u32 s14;
	p5 =	por p5, p3;
	s13 =	sand.u32 @!p3 $0x1F, s16  }
0xc3: {  	s30 =	rddreg [dreg:$0x5];
	s16 =	simm.s32 @!p3 $0x50;
	s14 =	smul.u32 @!p3 $0xC, s13  }
0xc4: {  	[spmem:s0] =	stream.indirect.scatter.add.f32 [tilespmem:s30], [sflag:$0x19], $0x1, s11, s26, $0xb8;
	[tilespmem:$0x1F8F8] =	vst v63  }
.Ltmp3:
0xc5: {  	s13 =	smov.u32 s9;
	s9 =	sadd.s32 $0x50, s9;
	(pc) =	sbr.rel @p4 .LBB2_8-.Ltmp3, $4  }
0xc6: {  	s30 =	smul.u32 $0xAB, s10;
	_ =	swait.ge [sflag:s24], $0x50;
	s14 =	ssub.s32 @!p3 s17, s14  }
0xc7: {  	s11 =	sadd.s32 $0x50, s11;
	[sflag:s24] =	ssyncset.done $0x0;
	s14 =	sand.u32 @!p3 $0xFF, s14  }
0xc8: {  	s29 =	sshrl.u32 s30, $0xB;
	[sflag:s24] =	ssyncadd.s32 $0xFFFFFFB0;
	s15 =	sadd.s32 @!p5 $0xD, s14  }
0xc9: {  	s17 =	smul.u32 @!p3 $0x5000, s14;
	s14 =	sadd.s32 @!p3 $0x1, s14;
	_ =	swait.ge @!p5 [sflag:s15], $0x1400  }
0xca: {  	_ = 	snop  }
0xcb: {  	s12 =	sand.u32 $0x1F, s29;
	[sflag:s15] =	ssyncset.done @!p5 $0x0;
	s17 =	sshrl.u32 @!p3 s17, $0x2  }
0xcc: {  	[sflag:s15] =	ssyncadd.s32 @!p5 $0xFFFFEC00;
	s12 =	smul.u32 $0xC, s12;
	s15 =	sadd.s32 @!p3 $0x4E20, s17  }
0xcd: {  	[tilespmem:s15], [sflag:s14] =	stream.indirect.gather @!p3 [hbm4b:s20+s16], $0x40, s13, s16, $0xb8;
	[tilespmem:$0x1F8F8] =	vst v63  }
0xce: {  	s12 =	ssub.s32 s10, s12  }
0xcf: {  	s12 =	sand.u32 $0xFF, s12  }
0xd0: {  	p3 =	sgt.u32 s10, $0x76;
	s17 =	smul.u32 $0x5000, s12;
	s29 =	sadd.s32 $0x1, s12  }
0xd1: {  	s15 =	sadd.s32 @!p3 $0x6, s10;
	_ =	swait.ge [sflag:s29], $0x1400  }
0xd2: {  	s12 =	sadd.s32 $0xD, s12;
	s13 =	sshrl.u32 s17, $0x2;
	[sflag:s29] =	ssyncset.done $0x0  }
0xd3: {  	s14 =	smul.u32 @!p3 $0xAB, s15;
	[sflag:s29] =	ssyncadd.s32 $0xFFFFEC00;
	s13 =	sadd.s32 $0x4E20, s13  }
0xd4: {  	[spmem:s2] =	stream.indirect.scatter.add.f32 [tilespmem:s13], [sflag:s12], $0x40, s11, s26, $0xb8;
	[tilespmem:$0x1F8F8] =	vst v63  }
0xd5: {  	s13 =	sshrl.u32 @!p3 s14, $0xB  }
0xd6: {  	s13 =	sand.u32 @!p3 $0x1F, s13  }
0xd7: {  	s30 =	rddreg [dreg:$0x5];
	s13 =	smul.u32 @!p3 $0xC, s13  }
0xd8: {  	[spmem:s0] =	stream.indirect.scatter.add.f32 [tilespmem:s30], [sflag:$0x19], $0x1, s11, s26, $0xb8;
	[tilespmem:$0x1F8F8] =	vst v63  }
0xd9: {  	p4 =	slt.u32 @!p3 s10, $0x6;
	_ =	swait.ge [sflag:s24], $0x50;
	s10 =	ssub.s32 @!p3 s15, s13  }
0xda: {  	p4 =	por p4, p3;
	[sflag:s24] =	ssyncset.done $0x0;
	s10 =	sand.u32 @!p3 $0xFF, s10  }
0xdb: {  	[sflag:s24] =	ssyncadd.s32 $0xFFFFFFB0;
	s11 =	sadd.s32 @!p4 $0xD, s10;
	s12 =	smul.u32 @!p3 $0x5000, s10  }
0xdc: {  	s14 =	simm.s32 $0x12;
	_ =	swait.ge @!p4 [sflag:s11], $0x1400  }
0xdd: {  	s10 =	sadd.s32 @!p3 $0x1, s10;
	[sflag:s11] =	ssyncset.done @!p4 $0x0;
	s12 =	sshrl.u32 @!p3 s12, $0x2  }
0xde: {  	[sflag:s11] =	ssyncadd.s32 @!p4 $0xFFFFEC00;
	s11 =	simm.s32 @!p3 $0x50;
	s12 =	sadd.s32 @!p3 $0x4E20, s12  }
0xdf: {  	[tilespmem:s12], [sflag:s10] =	stream.indirect.gather @!p3 [hbm4b:s20+s11], $0x40, s9, s11, $0xb8;
	[tilespmem:$0x1F8F8] =	vst v63  }
0xe0: {  	_ =	swait.ge [sflag:s14], $0x1400  }
0xe1: {  	[sflag:s14] =	ssyncset.done $0x0  }
0xe2: {  	s15 =	simm.s32 $0x13;
	[sflag:s14] =	ssyncadd.s32 $0xFFFFEC00  }
0xe3: {  	_ =	swait.ge [sflag:s15], $0x1400  }
0xe4: {  	[sflag:s15] =	ssyncset.done $0x0  }
0xe5: {  	s16 =	simm.s32 $0x14;
	[sflag:s15] =	ssyncadd.s32 $0xFFFFEC00  }
0xe6: {  	_ =	swait.ge [sflag:s16], $0x1400  }
0xe7: {  	[sflag:s16] =	ssyncset.done $0x0  }
0xe8: {  	s17 =	simm.s32 $0x15;
	[sflag:s16] =	ssyncadd.s32 $0xFFFFEC00  }
0xe9: {  	_ =	swait.ge [sflag:s17], $0x1400  }
0xea: {  	[sflag:s17] =	ssyncset.done $0x0  }
0xeb: {  	[sflag:s17] =	ssyncadd.s32 $0xFFFFEC00  }
0xec: {  	_ =	swait.ge [sflag:s19], $0x1400  }
0xed: {  	[sflag:s19] =	ssyncset.done $0x0  }
0xee: {  	[sflag:s19] =	ssyncadd.s32 $0xFFFFEC00  }
0xef: {  	_ =	swait.ge [sflag:s22], $0x1400  }
0xf0: {  	[sflag:s22] =	ssyncset.done $0x0  }
0xf1: {  	[sflag:s22] =	ssyncadd.s32 $0xFFFFEC00  }
0xf2: {  	_ =	swait.ge [sflag:s23], $0x1400  }
0xf3: {  	[sflag:s23] =	ssyncset.done $0x0  }
0xf4: {  	[sflag:s23] =	ssyncadd.s32 $0xFFFFEC00  }
0xf5: {  	_ =	swait.ge [sflag:s31], $0x1400  }
0xf6: {  	[sflag:s31] =	ssyncset.done $0x0  }
0xf7: {  	[sflag:s31] =	ssyncadd.s32 $0xFFFFEC00  }
0xf8: {  	_ =	swait.ge [sflag:s1], $0x1400  }
0xf9: {  	[sflag:s1] =	ssyncset.done $0x0  }
0xfa: {  	[sflag:s1] =	ssyncadd.s32 $0xFFFFEC00  }
0xfb: {  	_ =	swait.ge [sflag:s4], $0x1400  }
0xfc: {  	[sflag:s4] =	ssyncset.done $0x0  }
0xfd: {  	[sflag:s4] =	ssyncadd.s32 $0xFFFFEC00  }
0xfe: {  	_ =	swait.ge [sflag:s5], $0x1400  }
0xff: {  	[sflag:s5] =	ssyncset.done $0x0  }
0x100: {  	[sflag:s5] =	ssyncadd.s32 $0xFFFFEC00  }
0x101: {  	_ =	swait.ge [sflag:s6], $0x1400  }
0x102: {  	[sflag:s6] =	ssyncset.done $0x0  }
0x103: {  	[sflag:s6] =	ssyncadd.s32 $0xFFFFEC00  }
0x104: {  	[tilespmem:s18], [sflag:$0x1] =	stream.indirect.gather [hbm4b:s21+s26], $0x40, s3, s26, $0xb8;
	[tilespmem:$0x1F8F8] =	vst v63  }
0x105: {  	s18 =	simm.s32 $0x6220  }
0x106: {  	[tilespmem:s18], [sflag:$0x2] =	stream.indirect.gather [hbm4b:s21+s26], $0x40, s26, s26, $0xb8;
	[tilespmem:$0x1F8F8] =	vst v63  }
0x107: {  	s29 =	simm.s32 $0xA0;
	s30 =	simm.s32 $0x7620  }
0x108: {  	[tilespmem:s30], [sflag:$0x3] =	stream.indirect.gather [hbm4b:s21+s26], $0x40, s29, s26, $0xb8;
	[tilespmem:$0x1F8F8] =	vst v63  }
0x109: {  	s10 =	simm.s32 $0xF0;
	s11 =	simm.s32 $0x8A20  }
0x10a: {  	[tilespmem:s11], [sflag:$0x4] =	stream.indirect.gather [hbm4b:s21+s26], $0x40, s10, s26, $0xb8;
	[tilespmem:$0x1F8F8] =	vst v63  }
0x10b: {  	s13 =	simm.s32 $0x9E20;
	s12 =	simm.s32 $0x140  }
0x10c: {  	[tilespmem:s13], [sflag:$0x5] =	stream.indirect.gather [hbm4b:s21+s26], $0x40, s12, s26, $0xb8;
	[tilespmem:$0x1F8F8] =	vst v63  }
0x10d: {  	s14 =	simm.s32 $0x190;
	s15 =	simm.s32 $0xB220  }
0x10e: {  	[tilespmem:s15], [sflag:$0x6] =	stream.indirect.gather [hbm4b:s21+s26], $0x40, s14, s26, $0xb8;
	[tilespmem:$0x1F8F8] =	vst v63  }
0x10f: {  	[bflag:$0x0] =	sbarrier.arrive $0xFFFF  }
0x110: {  	s16 =	sld [smem:$0x7F2];
	_ =	sdelay $0x2  }
0x111: {  	[tilespmem:s25], [sflag:$0x1A] =	stream.linear.gather [spmem:s16], $0x1400, $0x38;
	[tilespmem:$0x1F8F8] =	vst v63  }
0x112: {  	_ =	swait.ge [sflag:s7], $0x1400  }
0x113: {  	[sflag:s7] =	ssyncset.done $0x0  }
0x114: {  	s17 =	rddreg [dreg:$0x6];
	[sflag:s7] =	ssyncadd.s32 $0xFFFFEC00  }
0x115: {  	[hbm4b:s17+s3] =	stream.linear.scatter [tilespmem:s25], [sflag:$0x19], $0x1400, $0x38;
	[tilespmem:$0x1F8F8] =	vst v63  }
0x116: {  	_ =	swait.ge [sflag:s24], $0x1400  }
0x117: {  	s18 =	sld [smem:$0x7F3]  }
0x118: {  	[sflag:s24] =	ssyncset.done $0x0  }
0x119: {  	[sflag:s24] =	ssyncadd.s32 $0xFFFFEC00  }
0x11a: {  	[tilespmem:s25], [sflag:$0x1A] =	stream.linear.gather [spmem:s18], $0x1400, $0x38;
	[tilespmem:$0x1F8F8] =	vst v63  }
0x11b: {  	_ =	swait.ge [sflag:s7], $0x1400  }
0x11c: {  	[sflag:s7] =	ssyncset.done $0x0  }
0x11d: {  	s29 =	rddreg [dreg:$0x7];
	[sflag:s7] =	ssyncadd.s32 $0xFFFFEC00  }
0x11e: {  	[hbm4b:s29+s3] =	stream.linear.scatter [tilespmem:s25], [sflag:$0x19], $0x1400, $0x38;
	[tilespmem:$0x1F8F8] =	vst v63  }
0x11f: {  	_ =	swait.ge [sflag:s24], $0x1400  }
0x120: {  	s30 =	sld [smem:$0x7F4]  }
0x121: {  	[sflag:s24] =	ssyncset.done $0x0  }
0x122: {  	[sflag:s24] =	ssyncadd.s32 $0xFFFFEC00  }
0x123: {  	[tilespmem:s25], [sflag:$0x1A] =	stream.linear.gather [spmem:s30], $0x1400, $0x38;
	[tilespmem:$0x1F8F8] =	vst v63  }
0x124: {  	_ =	swait.ge [sflag:s7], $0x1400  }
0x125: {  	[sflag:s7] =	ssyncset.done $0x0  }
0x126: {  	s10 =	rddreg [dreg:$0x8];
	[sflag:s7] =	ssyncadd.s32 $0xFFFFEC00  }
0x127: {  	[hbm4b:s10+s3] =	stream.linear.scatter [tilespmem:s25], [sflag:$0x19], $0x1400, $0x38;
	[tilespmem:$0x1F8F8] =	vst v63  }
0x128: {  	_ =	swait.ge [sflag:s24], $0x1400  }
0x129: {  	s11 =	sld [smem:$0x7F5]  }
0x12a: {  	[sflag:s24] =	ssyncset.done $0x0  }
0x12b: {  	[sflag:s24] =	ssyncadd.s32 $0xFFFFEC00  }
0x12c: {  	[tilespmem:s25], [sflag:$0x1A] =	stream.linear.gather [spmem:s11], $0x1400, $0x38;
	[tilespmem:$0x1F8F8] =	vst v63  }
0x12d: {  	_ =	swait.ge [sflag:s7], $0x1400  }
0x12e: {  	[sflag:s7] =	ssyncset.done $0x0  }
0x12f: {  	s12 =	rddreg [dreg:$0x9];
	[sflag:s7] =	ssyncadd.s32 $0xFFFFEC00  }
0x130: {  	[hbm4b:s12+s3] =	stream.linear.scatter [tilespmem:s25], [sflag:$0x19], $0x1400, $0x38;
	[tilespmem:$0x1F8F8] =	vst v63  }
0x131: {  	_ =	swait.ge [sflag:s24], $0x1400  }
0x132: {  	s13 =	sld [smem:$0x7F6]  }
0x133: {  	[sflag:s24] =	ssyncset.done $0x0  }
0x134: {  	[sflag:s24] =	ssyncadd.s32 $0xFFFFEC00  }
0x135: {  	[tilespmem:s25], [sflag:$0x1A] =	stream.linear.gather [spmem:s13], $0x1400, $0x38;
	[tilespmem:$0x1F8F8] =	vst v63  }
0x136: {  	_ =	swait.ge [sflag:s7], $0x1400  }
0x137: {  	[sflag:s7] =	ssyncset.done $0x0  }
0x138: {  	s14 =	rddreg [dreg:$0xa];
	[sflag:s7] =	ssyncadd.s32 $0xFFFFEC00  }
0x139: {  	[hbm4b:s14+s3] =	stream.linear.scatter [tilespmem:s25], [sflag:$0x19], $0x1400, $0x38;
	[tilespmem:$0x1F8F8] =	vst v63  }
0x13a: {  	_ =	swait.ge [sflag:s24], $0x1400  }
0x13b: {  	s15 =	sld [smem:$0x7F7]  }
0x13c: {  	[sflag:s24] =	ssyncset.done $0x0  }
0x13d: {  	[sflag:s24] =	ssyncadd.s32 $0xFFFFEC00  }
0x13e: {  	[tilespmem:s25], [sflag:$0x1A] =	stream.linear.gather [spmem:s15], $0x1400, $0x38;
	[tilespmem:$0x1F8F8] =	vst v63  }
0x13f: {  	_ =	swait.ge [sflag:s7], $0x1400  }
0x140: {  	[sflag:s7] =	ssyncset.done $0x0  }
0x141: {  	s16 =	rddreg [dreg:$0xb];
	[sflag:s7] =	ssyncadd.s32 $0xFFFFEC00  }
0x142: {  	[hbm4b:s16+s3] =	stream.linear.scatter [tilespmem:s25], [sflag:$0x19], $0x1400, $0x38;
	[tilespmem:$0x1F8F8] =	vst v63  }
0x143: {  	_ =	swait.ge [sflag:s24], $0x1400  }
0x144: {  	s17 =	sld [smem:$0x7F8]  }
0x145: {  	[sflag:s24] =	ssyncset.done $0x0  }
0x146: {  	[sflag:s24] =	ssyncadd.s32 $0xFFFFEC00  }
0x147: {  	[tilespmem:s25], [sflag:$0x1A] =	stream.linear.gather [spmem:s17], $0x1400, $0x38;
	[tilespmem:$0x1F8F8] =	vst v63  }
0x148: {  	_ =	swait.ge [sflag:s7], $0x1400  }
0x149: {  	[sflag:s7] =	ssyncset.done $0x0  }
0x14a: {  	s18 =	rddreg [dreg:$0xc];
	[sflag:s7] =	ssyncadd.s32 $0xFFFFEC00  }
0x14b: {  	[hbm4b:s18+s3] =	stream.linear.scatter [tilespmem:s25], [sflag:$0x19], $0x1400, $0x38;
	[tilespmem:$0x1F8F8] =	vst v63  }
0x14c: {  	_ =	swait.ge [sflag:s24], $0x1400  }
0x14d: {  	s10 =	sld [smem:$0x7F9]  }
0x14e: {  	[sflag:s24] =	ssyncset.done $0x0  }
0x14f: {  	s9 =	simm.s32 @!p1 $0x13E20;
	[sflag:s24] =	ssyncadd.s32 $0xFFFFEC00  }
0x150: {  	[tilespmem:s9], [sflag:$0x1A] =	stream.linear.gather @!p1 [spmem:s10], $0x1400, $0x38;
	[tilespmem:$0x1F8F8] =	vst v63  }
0x151: {  	s10 =	simm.s32 @!p1 $0x1A  }
0x152: {  	_ =	swait.ge @!p1 [sflag:s10], $0x1400  }
0x153: {  	[sflag:s10] =	ssyncset.done @!p1 $0x0  }
0x154: {  	s11 =	rddreg [dreg:$0xd];
	[sflag:s10] =	ssyncadd.s32 @!p1 $0xFFFFEC00;
	s10 =	simm.s32 @!p1 $0x0  }
0x155: {  	[hbm4b:s11+s10] =	stream.linear.scatter @!p1 [tilespmem:s9], [sflag:$0x19], $0x1400, $0x38;
	[tilespmem:$0x1F8F8] =	vst v63  }
0x156: {  	s10 =	simm.s32 @!p1 $0x19;
	s9 =	simm.s32 $0x0  }
0x157: {  	_ =	swait.ge @!p1 [sflag:s10], $0x1400;
	s29 =	sand.u32 $0x7F00, s9  }
0x158: {  	s30 =	sand.u32 $0x30, s9;
	[sflag:s10] =	ssyncset.done @!p1 $0x0;
	s11 =	sshrl.u32 s29, $0x2  }
0x159: {  	[sflag:s10] =	ssyncadd.s32 @!p1 $0xFFFFEC00;
	s11 =	sor.u32 s30, s11;
	s10 =	simm.s32 $0x40  }
.LBB2_10:
0x15a: {  	p3 =	sne.s32 s10, $0x4FC0  }
0x15b: {  	[tilespmem:s11+$0x13E20] =	vst v0;
	s9 =	sadd.s32 $0x10, s9;
	s11 =	smov.u32 s10;
	s10 =	sadd.s32 $0x40, s10  }
.Ltmp4:
0x15c: {  	(pc) =	sbr.rel @p3 .LBB2_10-.Ltmp4, $4  }
0x15d: {  	_ = 	snop  }
0x15e: {  	s11 =	sand.u32 $0x7F00, s11  }
0x15f: {  	s12 =	sand.u32 $0x30, s9;
	s11 =	sshrl.u32 s11, $0x2  }
0x160: {  	s11 =	sor.u32 s12, s11  }
0x161: {  	[tilespmem:s11+$0x13E20] =	vst v0;
	s9 =	rddreg [dreg:$0x1e]  }
0x162: {  	[spmem:s9] =	stream.linear.scatter [tilespmem:s25], [sflag:$0x19], $0x1400, $0x38;
	[tilespmem:$0x1F8F8] =	vst v63  }
0x163: {  	_ =	swait.ge [sflag:s24], $0x1400  }
0x164: {  	[sflag:s24] =	ssyncset.done $0x0  }
0x165: {  	s14 =	rddreg [dreg:$0x1f];
	[sflag:s24] =	ssyncadd.s32 $0xFFFFEC00  }
0x166: {  	[spmem:s14] =	stream.linear.scatter [tilespmem:s25], [sflag:$0x19], $0x1400, $0x38;
	[tilespmem:$0x1F8F8] =	vst v63  }
0x167: {  	_ =	swait.ge [sflag:s24], $0x1400  }
0x168: {  	[sflag:s24] =	ssyncset.done $0x0  }
0x169: {  	[sflag:s24] =	ssyncadd.s32 $0xFFFFEC00  }
0x16a: {  	[spmem:s28] =	stream.linear.scatter [tilespmem:s25], [sflag:$0x19], $0x1400, $0x38;
	[tilespmem:$0x1F8F8] =	vst v63  }
0x16b: {  	_ =	swait.ge [sflag:s24], $0x1400  }
0x16c: {  	s15 =	sld [smem:$0x7ED]  }
0x16d: {  	[sflag:s24] =	ssyncset.done $0x0  }
0x16e: {  	[sflag:s24] =	ssyncadd.s32 $0xFFFFEC00  }
0x16f: {  	[spmem:s15] =	stream.linear.scatter [tilespmem:s25], [sflag:$0x19], $0x1400, $0x38;
	[tilespmem:$0x1F8F8] =	vst v63  }
0x170: {  	_ =	swait.ge [sflag:s24], $0x1400  }
0x171: {  	s16 =	sld [smem:$0x7EE]  }
0x172: {  	[sflag:s24] =	ssyncset.done $0x0  }
0x173: {  	[sflag:s24] =	ssyncadd.s32 $0xFFFFEC00  }
0x174: {  	[spmem:s16] =	stream.linear.scatter [tilespmem:s25], [sflag:$0x19], $0x1400, $0x38;
	[tilespmem:$0x1F8F8] =	vst v63  }
0x175: {  	_ =	swait.ge [sflag:s24], $0x1400  }
0x176: {  	s17 =	sld [smem:$0x7EF]  }
0x177: {  	[sflag:s24] =	ssyncset.done $0x0  }
0x178: {  	[sflag:s24] =	ssyncadd.s32 $0xFFFFEC00  }
0x179: {  	[spmem:s17] =	stream.linear.scatter [tilespmem:s25], [sflag:$0x19], $0x1400, $0x38;
	[tilespmem:$0x1F8F8] =	vst v63  }
0x17a: {  	_ =	swait.ge [sflag:s24], $0x1400  }
0x17b: {  	s18 =	smov.u32 s28;
	s28 =	sld [smem:$0x7F0]  }
0x17c: {  	[sflag:s24] =	ssyncset.done $0x0  }
0x17d: {  	[sflag:s24] =	ssyncadd.s32 $0xFFFFEC00  }
0x17e: {  	[spmem:s28] =	stream.linear.scatter [tilespmem:s25], [sflag:$0x19], $0x1400, $0x38;
	[tilespmem:$0x1F8F8] =	vst v63  }
0x17f: {  	_ =	swait.ge [sflag:s24], $0x1400  }
0x180: {  	s10 =	sld [smem:$0x7F1]  }
0x181: {  	[sflag:s24] =	ssyncset.done $0x0  }
0x182: {  	s30 =	simm.s32 $0x0;
	s9 =	simm.s32 @!p1 $0x13E20;
	[sflag:s24] =	ssyncadd.s32 $0xFFFFEC00  }
0x183: {  	[spmem:s10] =	stream.linear.scatter @!p1 [tilespmem:s9], [sflag:$0x19], $0x1400, $0x38;
	[tilespmem:$0x1F8F8] =	vst v63  }
0x184: {  	p3 =	por $0x0, $0x0;
	s10 =	smul.u32 $0xAB, s30  }
0x185: {  	s12 =	simm.s32 $0x1E0;
	s11 =	simm.s32 @!p3 $0x6  }
0x186: {  	s11 =	smul.u32 @!p3 $0xAB, s11;
	p3 =	por p3, p3;
	s10 =	sshrl.u32 s10, $0xB  }
0x187: {  	p5 =	por $0x0, $0x0;
	p4 =	por @!p3 $0x1, $0x1;
	s10 =	sand.u32 $0x1F, s10  }
0x188: {  	s11 =	sshrl.u32 @!p3 s11, $0xB;
	s9 =	simm.s32 @!p1 $0x19;
	s10 =	smul.u32 $0xC, s10  }
0x189: {  	p4 =	por p4, p3;
	s14 =	simm.s32 $0x2;
	_ =	swait.ge @!p1 [sflag:s9], $0x1400  }
0x18a: {  	s11 =	sand.u32 @!p3 $0x1F, s11;
	[sflag:s9] =	ssyncset.done @!p1 $0x0;
	s10 =	ssub.s32 $0x0, s10  }
0x18b: {  	s11 =	smul.u32 @!p3 $0xC, s11;
	[sflag:s9] =	ssyncadd.s32 @!p1 $0xFFFFEC00;
	s10 =	sand.u32 $0xFF, s10  }
0x18c: {  	[bflag:$0x0] =	sbarrier.arrive $0xFFFF;
	s16 =	smul.u32 $0x5000, s10;
	s17 =	sadd.s32 $0x1, s10  }
0x18d: {  	s11 =	ssub.s32 @!p3 $0x6, s11;
	s15 =	simm.s32 $0x2710;
	_ =	swait.ge [sflag:s17], $0x1400  }
0x18e: {  	s9 =	simm.s32 $0x1;
	s16 =	sshrl.u32 s16, $0x2;
	[sflag:s17] =	ssyncset.done $0x0  }
0x18f: {  	s10 =	sadd.s32 $0xD, s10;
	s16 =	sadd.s32 $0x4E20, s16;
	[sflag:s17] =	ssyncadd.s32 $0xFFFFEC00  }
0x190: {  	[spmem:s2] =	stream.indirect.scatter.add.f32 [tilespmem:s16], [sflag:s10], $0x40, s15, s26, $0xb8;
	[tilespmem:$0x1F8F8] =	vst v63  }
0x191: {  	s13 =	smul.u32 $0xAB, s9;
	s17 =	simm.s32 @!p3 $0x50;
	s15 =	sand.u32 @!p3 $0xFF, s11  }
0x192: {  	s10 =	simm.s32 $0x230;
	s11 =	simm.s32 $0x2760;
	s16 =	sadd.s32 @!p4 $0xD, s15  }
0x193: {  	s29 =	smul.u32 @!p3 $0x5000, s15;
	s15 =	sadd.s32 @!p3 $0x1, s15;
	_ =	swait.ge @!p4 [sflag:s16], $0x1400  }
.LBB2_12:
0x194: {  	s30 =	sshrl.u32 s13, $0xB;
	[sflag:s16] =	ssyncset.done @!p4 $0x0  }
0x195: {  	s29 =	sshrl.u32 @!p3 s29, $0x2;
	s28 =	smov.u32 s9;
	s9 =	smov.u32 s14  }
0x196: {  	s13 =	smul.u32 $0xAB, s14;
	[sflag:s16] =	ssyncadd.s32 @!p4 $0xFFFFEC00;
	s16 =	sadd.s32 @!p3 $0x4E20, s29  }
0x197: {  	[tilespmem:s16], [sflag:s15] =	stream.indirect.gather @!p3 [hbm4b:s21+s17], $0x40, s12, s17, $0xb8;
	[tilespmem:$0x1F8F8] =	vst v63  }
0x198: {  	s12 =	sand.u32 $0x1F, s30  }
0x199: {  	s14 =	sadd.s32 $0x1, s14;
	s15 =	sadd.s32 @!p5 $0x6, s28;
	s16 =	smul.u32 $0xC, s12  }
0x19a: {  	p6 =	sne.s32 s14, $0x7D;
	s12 =	smov.u32 s10;
	s17 =	smul.u32 @!p5 $0xAB, s15  }
0x19b: {  	p3 =	por p5, p5;
	s16 =	ssub.s32 s28, s16  }
0x19c: {  	s17 =	sshrl.u32 @!p3 s17, $0xB;
	s16 =	sand.u32 $0xFF, s16  }
0x19d: {  	p4 =	slt.u32 @!p3 s28, $0x6;
	s17 =	sand.u32 @!p3 $0x1F, s17;
	s28 =	smul.u32 $0x5000, s16  }
0x19e: {  	s29 =	sadd.s32 $0x1, s16;
	s17 =	smul.u32 @!p3 $0xC, s17  }
0x19f: {  	p4 =	por p4, p3;
	s16 =	sadd.s32 $0xD, s16;
	_ =	swait.ge [sflag:s29], $0x1400  }
0x1a0: {  	s28 =	sshrl.u32 s28, $0x2;
	s15 =	ssub.s32 @!p3 s15, s17;
	[sflag:s29] =	ssyncset.done $0x0  }
.Ltmp5:
0x1a1: {  	s28 =	sadd.s32 $0x4E20, s28;
	[sflag:s29] =	ssyncadd.s32 $0xFFFFEC00;
	(pc) =	sbr.rel @p6 .LBB2_12-.Ltmp5, $4  }
0x1a2: {  	[spmem:s2] =	stream.indirect.scatter.add.f32 [tilespmem:s28], [sflag:s16], $0x40, s11, s26, $0xb8;
	[tilespmem:$0x1F8F8] =	vst v63  }
0x1a3: {  	s10 =	sadd.s32 $0x50, s10;
	s15 =	sand.u32 @!p3 $0xFF, s15;
	s11 =	sadd.s32 $0x50, s11  }
0x1a4: {  	s29 =	smul.u32 @!p3 $0x5000, s15;
	s16 =	sadd.s32 @!p4 $0xD, s15;
	s15 =	sadd.s32 @!p3 $0x1, s15  }
0x1a5: {  	p5 =	sgt.u32 s9, $0x76;
	s17 =	simm.s32 @!p3 $0x50;
	_ =	swait.ge @!p4 [sflag:s16], $0x1400  }
0x1a6: {  	s13 =	sshrl.u32 s13, $0xB  }
0x1a7: {  	[sflag:s16] =	ssyncset.done @!p4 $0x0;
	s14 =	sshrl.u32 @!p3 s29, $0x2;
	s13 =	sand.u32 $0x1F, s13  }
0x1a8: {  	[sflag:s16] =	ssyncadd.s32 @!p4 $0xFFFFEC00;
	s14 =	sadd.s32 @!p3 $0x4E20, s14;
	s13 =	smul.u32 $0xC, s13  }
0x1a9: {  	[tilespmem:s14], [sflag:s15] =	stream.indirect.gather @!p3 [hbm4b:s21+s17], $0x40, s12, s17, $0xb8;
	[tilespmem:$0x1F8F8] =	vst v63  }
0x1aa: {  	s16 =	ssub.s32 s9, s13;
	s13 =	sadd.s32 @!p5 $0x6, s9  }
0x1ab: {  	s12 =	sand.u32 $0xFF, s16;
	s14 =	smul.u32 @!p5 $0xAB, s13  }
0x1ac: {  	p3 =	por p5, p5;
	s17 =	sadd.s32 $0x1, s12;
	s29 =	smul.u32 $0x5000, s12  }
0x1ad: {  	s12 =	sadd.s32 $0xD, s12;
	_ =	swait.ge [sflag:s17], $0x1400;
	s14 =	sshrl.u32 @!p3 s14, $0xB  }
0x1ae: {  	[sflag:s17] =	ssyncset.done $0x0;
	s14 =	sand.u32 @!p3 $0x1F, s14;
	s30 =	sshrl.u32 s29, $0x2  }
0x1af: {  	[sflag:s17] =	ssyncadd.s32 $0xFFFFEC00;
	s14 =	smul.u32 @!p3 $0xC, s14;
	s15 =	sadd.s32 $0x4E20, s30  }
0x1b0: {  	[spmem:s2] =	stream.indirect.scatter.add.f32 [tilespmem:s15], [sflag:s12], $0x40, s11, s26, $0xb8;
	[tilespmem:$0x1F8F8] =	vst v63  }
0x1b1: {  	p4 =	slt.u32 @!p3 s9, $0x6;
	s9 =	ssub.s32 @!p3 s13, s14  }
0x1b2: {  	p4 =	por p4, p3;
	s9 =	sand.u32 @!p3 $0xFF, s9  }
0x1b3: {  	s11 =	sadd.s32 @!p4 $0xD, s9;
	s12 =	smul.u32 @!p3 $0x5000, s9  }
0x1b4: {  	_ =	swait.ge @!p4 [sflag:s11], $0x1400  }
0x1b5: {  	s9 =	sadd.s32 @!p3 $0x1, s9;
	[sflag:s11] =	ssyncset.done @!p4 $0x0;
	s12 =	sshrl.u32 @!p3 s12, $0x2  }
0x1b6: {  	[sflag:s11] =	ssyncadd.s32 @!p4 $0xFFFFEC00;
	s11 =	simm.s32 @!p3 $0x50;
	s12 =	sadd.s32 @!p3 $0x4E20, s12  }
0x1b7: {  	[tilespmem:s12], [sflag:s9] =	stream.indirect.gather @!p3 [hbm4b:s21+s11], $0x40, s10, s11, $0xb8;
	[tilespmem:$0x1F8F8] =	vst v63  }
0x1b8: {  	s11 =	simm.s32 $0x12  }
0x1b9: {  	_ =	swait.ge [sflag:s11], $0x1400  }
0x1ba: {  	[sflag:s11] =	ssyncset.done $0x0  }
0x1bb: {  	s12 =	simm.s32 $0x13;
	[sflag:s11] =	ssyncadd.s32 $0xFFFFEC00  }
0x1bc: {  	_ =	swait.ge [sflag:s12], $0x1400  }
0x1bd: {  	[sflag:s12] =	ssyncset.done $0x0  }
0x1be: {  	s13 =	simm.s32 $0x14;
	[sflag:s12] =	ssyncadd.s32 $0xFFFFEC00  }
0x1bf: {  	_ =	swait.ge [sflag:s13], $0x1400  }
0x1c0: {  	[sflag:s13] =	ssyncset.done $0x0  }
0x1c1: {  	s14 =	simm.s32 $0x15;
	[sflag:s13] =	ssyncadd.s32 $0xFFFFEC00  }
0x1c2: {  	_ =	swait.ge [sflag:s14], $0x1400  }
0x1c3: {  	[sflag:s14] =	ssyncset.done $0x0  }
0x1c4: {  	[sflag:s14] =	ssyncadd.s32 $0xFFFFEC00  }
0x1c5: {  	_ =	swait.ge [sflag:s19], $0x1400  }
0x1c6: {  	[sflag:s19] =	ssyncset.done $0x0  }
0x1c7: {  	[sflag:s19] =	ssyncadd.s32 $0xFFFFEC00  }
0x1c8: {  	_ =	swait.ge [sflag:s22], $0x1400  }
0x1c9: {  	[sflag:s22] =	ssyncset.done $0x0  }
0x1ca: {  	[sflag:s22] =	ssyncadd.s32 $0xFFFFEC00  }
0x1cb: {  	_ =	swait.ge [sflag:s23], $0x1400  }
0x1cc: {  	[sflag:s23] =	ssyncset.done $0x0  }
0x1cd: {  	[sflag:s23] =	ssyncadd.s32 $0xFFFFEC00  }
0x1ce: {  	_ =	swait.ge [sflag:s31], $0x1400  }
0x1cf: {  	[sflag:s31] =	ssyncset.done $0x0  }
0x1d0: {  	[sflag:s31] =	ssyncadd.s32 $0xFFFFEC00  }
0x1d1: {  	_ =	swait.ge [sflag:s1], $0x1400  }
0x1d2: {  	[sflag:s1] =	ssyncset.done $0x0  }
0x1d3: {  	[sflag:s1] =	ssyncadd.s32 $0xFFFFEC00  }
0x1d4: {  	_ =	swait.ge [sflag:s4], $0x1400  }
0x1d5: {  	[sflag:s4] =	ssyncset.done $0x0  }
0x1d6: {  	[sflag:s4] =	ssyncadd.s32 $0xFFFFEC00  }
0x1d7: {  	_ =	swait.ge [sflag:s5], $0x1400  }
0x1d8: {  	[sflag:s5] =	ssyncset.done $0x0  }
0x1d9: {  	[sflag:s5] =	ssyncadd.s32 $0xFFFFEC00  }
0x1da: {  	_ =	swait.ge [sflag:s6], $0x1400  }
0x1db: {  	[sflag:s6] =	ssyncset.done $0x0  }
0x1dc: {  	[sflag:s6] =	ssyncadd.s32 $0xFFFFEC00  }
0x1dd: {  	[bflag:$0x0] =	sbarrier.arrive $0xFFFF  }
0x1de: {  	s15 =	sld [smem:$0x7F2];
	_ =	sdelay $0x2  }
0x1df: {  	[tilespmem:s25], [sflag:$0x1A] =	stream.linear.gather [spmem:s15], $0x1400, $0x38;
	[tilespmem:$0x1F8F8] =	vst v63  }
0x1e0: {  	_ =	swait.ge [sflag:s7], $0x1400  }
0x1e1: {  	[sflag:s7] =	ssyncset.done $0x0  }
0x1e2: {  	s16 =	rddreg [dreg:$0xe];
	[sflag:s7] =	ssyncadd.s32 $0xFFFFEC00  }
0x1e3: {  	[hbm4b:s16+s3] =	stream.linear.scatter [tilespmem:s25], [sflag:$0x19], $0x1400, $0x38;
	[tilespmem:$0x1F8F8] =	vst v63  }
0x1e4: {  	_ =	swait.ge [sflag:s24], $0x1400  }
0x1e5: {  	s17 =	sld [smem:$0x7F3]  }
0x1e6: {  	[sflag:s24] =	ssyncset.done $0x0  }
0x1e7: {  	[sflag:s24] =	ssyncadd.s32 $0xFFFFEC00  }
0x1e8: {  	[tilespmem:s25], [sflag:$0x1A] =	stream.linear.gather [spmem:s17], $0x1400, $0x38;
	[tilespmem:$0x1F8F8] =	vst v63  }
0x1e9: {  	_ =	swait.ge [sflag:s7], $0x1400  }
0x1ea: {  	[sflag:s7] =	ssyncset.done $0x0  }
0x1eb: {  	s29 =	rddreg [dreg:$0xf];
	[sflag:s7] =	ssyncadd.s32 $0xFFFFEC00  }
0x1ec: {  	[hbm4b:s29+s3] =	stream.linear.scatter [tilespmem:s25], [sflag:$0x19], $0x1400, $0x38;
	[tilespmem:$0x1F8F8] =	vst v63  }
0x1ed: {  	_ =	swait.ge [sflag:s24], $0x1400  }
0x1ee: {  	s30 =	sld [smem:$0x7F4]  }
0x1ef: {  	[sflag:s24] =	ssyncset.done $0x0  }
0x1f0: {  	[sflag:s24] =	ssyncadd.s32 $0xFFFFEC00  }
0x1f1: {  	[tilespmem:s25], [sflag:$0x1A] =	stream.linear.gather [spmem:s30], $0x1400, $0x38;
	[tilespmem:$0x1F8F8] =	vst v63  }
0x1f2: {  	_ =	swait.ge [sflag:s7], $0x1400  }
0x1f3: {  	[sflag:s7] =	ssyncset.done $0x0  }
0x1f4: {  	s10 =	rddreg [dreg:$0x10];
	[sflag:s7] =	ssyncadd.s32 $0xFFFFEC00  }
0x1f5: {  	[hbm4b:s10+s3] =	stream.linear.scatter [tilespmem:s25], [sflag:$0x19], $0x1400, $0x38;
	[tilespmem:$0x1F8F8] =	vst v63  }
0x1f6: {  	_ =	swait.ge [sflag:s24], $0x1400  }
0x1f7: {  	s11 =	sld [smem:$0x7F5]  }
0x1f8: {  	[sflag:s24] =	ssyncset.done $0x0  }
0x1f9: {  	[sflag:s24] =	ssyncadd.s32 $0xFFFFEC00  }
0x1fa: {  	[tilespmem:s25], [sflag:$0x1A] =	stream.linear.gather [spmem:s11], $0x1400, $0x38;
	[tilespmem:$0x1F8F8] =	vst v63  }
0x1fb: {  	_ =	swait.ge [sflag:s7], $0x1400  }
0x1fc: {  	[sflag:s7] =	ssyncset.done $0x0  }
0x1fd: {  	s12 =	rddreg [dreg:$0x11];
	[sflag:s7] =	ssyncadd.s32 $0xFFFFEC00  }
0x1fe: {  	[hbm4b:s12+s3] =	stream.linear.scatter [tilespmem:s25], [sflag:$0x19], $0x1400, $0x38;
	[tilespmem:$0x1F8F8] =	vst v63  }
0x1ff: {  	_ =	swait.ge [sflag:s24], $0x1400  }
0x200: {  	s13 =	sld [smem:$0x7F6]  }
0x201: {  	[sflag:s24] =	ssyncset.done $0x0  }
0x202: {  	[sflag:s24] =	ssyncadd.s32 $0xFFFFEC00  }
0x203: {  	[tilespmem:s25], [sflag:$0x1A] =	stream.linear.gather [spmem:s13], $0x1400, $0x38;
	[tilespmem:$0x1F8F8] =	vst v63  }
0x204: {  	_ =	swait.ge [sflag:s7], $0x1400  }
0x205: {  	[sflag:s7] =	ssyncset.done $0x0  }
0x206: {  	s14 =	rddreg [dreg:$0x12];
	[sflag:s7] =	ssyncadd.s32 $0xFFFFEC00  }
0x207: {  	[hbm4b:s14+s3] =	stream.linear.scatter [tilespmem:s25], [sflag:$0x19], $0x1400, $0x38;
	[tilespmem:$0x1F8F8] =	vst v63  }
0x208: {  	_ =	swait.ge [sflag:s24], $0x1400  }
0x209: {  	s15 =	sld [smem:$0x7F7]  }
0x20a: {  	[sflag:s24] =	ssyncset.done $0x0  }
0x20b: {  	[sflag:s24] =	ssyncadd.s32 $0xFFFFEC00  }
0x20c: {  	[tilespmem:s25], [sflag:$0x1A] =	stream.linear.gather [spmem:s15], $0x1400, $0x38;
	[tilespmem:$0x1F8F8] =	vst v63  }
0x20d: {  	_ =	swait.ge [sflag:s7], $0x1400  }
0x20e: {  	[sflag:s7] =	ssyncset.done $0x0  }
0x20f: {  	s16 =	rddreg [dreg:$0x13];
	[sflag:s7] =	ssyncadd.s32 $0xFFFFEC00  }
0x210: {  	[hbm4b:s16+s3] =	stream.linear.scatter [tilespmem:s25], [sflag:$0x19], $0x1400, $0x38;
	[tilespmem:$0x1F8F8] =	vst v63  }
0x211: {  	_ =	swait.ge [sflag:s24], $0x1400  }
0x212: {  	s17 =	sld [smem:$0x7F8]  }
0x213: {  	[sflag:s24] =	ssyncset.done $0x0  }
0x214: {  	[sflag:s24] =	ssyncadd.s32 $0xFFFFEC00  }
0x215: {  	[tilespmem:s25], [sflag:$0x1A] =	stream.linear.gather [spmem:s17], $0x1400, $0x38;
	[tilespmem:$0x1F8F8] =	vst v63  }
0x216: {  	_ =	swait.ge [sflag:s7], $0x1400  }
0x217: {  	[sflag:s7] =	ssyncset.done $0x0  }
0x218: {  	s29 =	rddreg [dreg:$0x14];
	[sflag:s7] =	ssyncadd.s32 $0xFFFFEC00  }
0x219: {  	[hbm4b:s29+s3] =	stream.linear.scatter [tilespmem:s25], [sflag:$0x19], $0x1400, $0x38;
	[tilespmem:$0x1F8F8] =	vst v63  }
0x21a: {  	_ =	swait.ge [sflag:s24], $0x1400  }
0x21b: {  	s10 =	sld [smem:$0x7F9]  }
0x21c: {  	[sflag:s24] =	ssyncset.done $0x0  }
0x21d: {  	s9 =	simm.s32 @!p1 $0x13E20;
	[sflag:s24] =	ssyncadd.s32 $0xFFFFEC00  }
0x21e: {  	[tilespmem:s9], [sflag:$0x1A] =	stream.linear.gather @!p1 [spmem:s10], $0x1400, $0x38;
	[tilespmem:$0x1F8F8] =	vst v63  }
0x21f: {  	s10 =	simm.s32 @!p1 $0x1A  }
0x220: {  	_ =	swait.ge @!p1 [sflag:s10], $0x1400  }
0x221: {  	[sflag:s10] =	ssyncset.done @!p1 $0x0  }
0x222: {  	s11 =	rddreg [dreg:$0x15];
	[sflag:s10] =	ssyncadd.s32 @!p1 $0xFFFFEC00;
	s10 =	simm.s32 @!p1 $0x0  }
0x223: {  	[hbm4b:s11+s10] =	stream.linear.scatter @!p1 [tilespmem:s9], [sflag:$0x19], $0x1400, $0x38;
	[tilespmem:$0x1F8F8] =	vst v63  }
0x224: {  	s9 =	simm.s32 @!p1 $0x19  }
0x225: {  	_ =	swait.ge @!p1 [sflag:s9], $0x1400  }
0x226: {  	[sflag:s9] =	ssyncset.done @!p1 $0x0  }
0x227: {  	s10 =	simm.s32 @!p2 $0x19;
	[sflag:s9] =	ssyncadd.s32 @!p1 $0xFFFFEC00;
	s9 =	simm.s32 @!p2 $0x1EEB0  }
0x228: {  	[tilespmem:s9], [sflag:$0x19] =	stream.linear.gather @!p2 [spmem:s0], $0x7D0, $0x38;
	[tilespmem:$0x1F8F8] =	vst v63  }
0x229: {  	_ =	swait.ge @!p2 [sflag:s10], $0x7D0  }
0x22a: {  	[sflag:s10] =	ssyncset.done @!p2 $0x0  }
0x22b: {  	s11 =	simm.s32 @!p2 $0x0;
	s12 =	rddreg [dreg:$0x18];
	[sflag:s10] =	ssyncadd.s32 @!p2 $0xFFFFF830  }
0x22c: {  	[hbm4b:s12+s11] =	stream.linear.scatter @!p2 [tilespmem:s9], [sflag:$0x19], $0x7D0, $0x38;
	[tilespmem:$0x1F8F8] =	vst v63  }
0x22d: {  	_ =	swait.ge @!p2 [sflag:s10], $0x7D0  }
0x22e: {  	s12 =	sld [smem:$0x7FA]  }
0x22f: {  	[sflag:s10] =	ssyncset.done @!p2 $0x0  }
0x230: {  	[sflag:s10] =	ssyncadd.s32 @!p2 $0xFFFFF830  }
0x231: {  	[tilespmem:s9], [sflag:$0x19] =	stream.linear.gather @!p2 [spmem:s12], $0x7D0, $0x38;
	[tilespmem:$0x1F8F8] =	vst v63  }
0x232: {  	_ =	swait.ge @!p2 [sflag:s10], $0x7D0  }
0x233: {  	[sflag:s10] =	ssyncset.done @!p2 $0x0  }
0x234: {  	s12 =	rddreg [dreg:$0x19];
	[sflag:s10] =	ssyncadd.s32 @!p2 $0xFFFFF830  }
0x235: {  	[hbm4b:s12+s11] =	stream.linear.scatter @!p2 [tilespmem:s9], [sflag:$0x19], $0x7D0, $0x38;
	[tilespmem:$0x1F8F8] =	vst v63  }
0x236: {  	_ =	swait.ge @!p2 [sflag:s10], $0x7D0  }
0x237: {  	s12 =	sld [smem:$0x7FB]  }
0x238: {  	[sflag:s10] =	ssyncset.done @!p2 $0x0  }
0x239: {  	[sflag:s10] =	ssyncadd.s32 @!p2 $0xFFFFF830  }
0x23a: {  	[tilespmem:s9], [sflag:$0x19] =	stream.linear.gather @!p2 [spmem:s12], $0x7D0, $0x38;
	[tilespmem:$0x1F8F8] =	vst v63  }
0x23b: {  	_ =	swait.ge @!p2 [sflag:s10], $0x7D0  }
0x23c: {  	[sflag:s10] =	ssyncset.done @!p2 $0x0  }
0x23d: {  	s12 =	rddreg [dreg:$0x1a];
	[sflag:s10] =	ssyncadd.s32 @!p2 $0xFFFFF830  }
0x23e: {  	[hbm4b:s12+s11] =	stream.linear.scatter @!p2 [tilespmem:s9], [sflag:$0x19], $0x7D0, $0x38;
	[tilespmem:$0x1F8F8] =	vst v63  }
0x23f: {  	_ =	swait.ge @!p2 [sflag:s10], $0x7D0  }
0x240: {  	s12 =	sld [smem:$0x7FC]  }
0x241: {  	[sflag:s10] =	ssyncset.done @!p2 $0x0  }
0x242: {  	[sflag:s10] =	ssyncadd.s32 @!p2 $0xFFFFF830  }
0x243: {  	[tilespmem:s9], [sflag:$0x19] =	stream.linear.gather @!p2 [spmem:s12], $0x7D0, $0x38;
	[tilespmem:$0x1F8F8] =	vst v63  }
0x244: {  	_ =	swait.ge @!p2 [sflag:s10], $0x7D0  }
0x245: {  	[sflag:s10] =	ssyncset.done @!p2 $0x0  }
0x246: {  	s12 =	rddreg [dreg:$0x1b];
	[sflag:s10] =	ssyncadd.s32 @!p2 $0xFFFFF830  }
0x247: {  	[hbm4b:s12+s11] =	stream.linear.scatter @!p2 [tilespmem:s9], [sflag:$0x19], $0x7D0, $0x38;
	[tilespmem:$0x1F8F8] =	vst v63  }
0x248: {  	_ =	swait.ge @!p2 [sflag:s10], $0x7D0  }
0x249: {  	s12 =	sld [smem:$0x7FD]  }
0x24a: {  	[sflag:s10] =	ssyncset.done @!p2 $0x0  }
0x24b: {  	[sflag:s10] =	ssyncadd.s32 @!p2 $0xFFFFF830  }
0x24c: {  	[tilespmem:s9], [sflag:$0x19] =	stream.linear.gather @!p2 [spmem:s12], $0x7D0, $0x38;
	[tilespmem:$0x1F8F8] =	vst v63  }
0x24d: {  	_ =	swait.ge @!p2 [sflag:s10], $0x7D0  }
0x24e: {  	[sflag:s10] =	ssyncset.done @!p2 $0x0  }
0x24f: {  	s12 =	rddreg [dreg:$0x1c];
	[sflag:s10] =	ssyncadd.s32 @!p2 $0xFFFFF830  }
0x250: {  	[hbm4b:s12+s11] =	stream.linear.scatter @!p2 [tilespmem:s9], [sflag:$0x19], $0x7D0, $0x38;
	[tilespmem:$0x1F8F8] =	vst v63  }
0x251: {  	_ =	swait.ge @!p2 [sflag:s10], $0x7D0  }
0x252: {  	s8 =	sadd.s32 $0x1, s8;
	s30 =	rddreg [dreg:$0x1d]  }
0x253: {  	p3 =	sne.s32 s8, s30  }
.Ltmp6:
0x254: {  	_ = 	snop;
	(pc) =	sbr.rel @p3 .LBB2_1-.Ltmp6, $3  }
0x255: {  	_ =	sdelay $0x1  }
0x256: {  	[sflag:s10] =	ssyncset.done @!p2 $0x0  }
0x257: {  	s28 =	smov.u32 s18;
	s18 =	simm.s32 $0x4E20;
	[sflag:s10] =	ssyncadd.s32 @!p2 $0xFFFFF830  }
0x258: {  	_ =	sfence.sel $0x180000  }
0x259: {  	[bflag:$0x0] =	sbarrier.arrive $0xFFFF  }
0x25a: {  	_ =	strace $0x90000047  }
0x25b: {  	[bflag:$0x2] =	sbarrier.arrive $0xFFFF  }
0x25c: {  	s0 =	rddreg [dreg:$0x4]  }
0x25d: {  	s0 =	sadd.s32 @!p0 $0x100000, s0  }
0x25e: {  	[sflag:s0] =	ssyncadd.tile.s32 @!p0 $0x1;
	_ =	shalt  }
.Lfunc_end2:
_tile_overlayer_lowered:
.L_overlay_start_2:
0x25f: {  	(tag) =	ssettag $0x2  }
0x260: {  	s0 =	rddreg [dreg:$0x0];
	s2 =	stileid.u32  }
0x261: {  	s1 =	rddreg [dreg:$0x1];
	p0 =	sne.s32 s2, $0x0  }
0x262: {  	s3 =	rddreg [dreg:$0x2];
	[bflag:$0x3] =	sbarrier.arrive $0xFFFF;
	s2 =	simm.s32 @!p0 $0x1C19  }
0x263: {  	[timem:s3], [sflag:s2] =	dma.local @!p0 [hbm:s0], s1  }
0x264: {  	s0 =	simm.s32 @!p0 $0x19  }
0x265: {  	_ =	swait.ge @!p0 [sflag:s0], s1  }
0x266: {  	s1 =	ssub.s32 @!p0 $0x0, s1;
	[sflag:s0] =	ssyncset.done @!p0 $0x0  }
0x267: {  	[sflag:s0] =	ssyncadd.s32 @!p0 s1  }
0x268: {  	[bflag:$0x3] =	sbarrier.arrive $0xFFFF  }
0x269: {  	_ =	shalt  }

// kernel: kernel.9.cloned.1.call-start
scs
__scs_entry_jumppad:
0x0: {  	(pc) =	sbr.rel $0x88, $3  }
0x1: {  	(tag) =	ssettag $0x0;
	lr =	simm.s32 $0x1  }
0x2: {  	[smem:$0x3F99] =	sst lr;
	_ =	strace $0xD0000000  }
0x3: {  	_ = 	snop  }
0x4: {  	_ = 	snop  }
0x5: {  	_ = 	snop  }
0x6: {  	_ = 	snop  }
0x7: {  	_ = 	snop  }
__scs_overlays_trampoline_lowered:
0x8: {  	[smem:$0x3FA8] =	sst s0  }
0x9: {  	[smem:$0x3FA9] =	sst s1  }
0xa: {  	[smem:$0x3FAA] =	sst s2  }
0xb: {  	[smem:$0x3FAB] =	sst s3  }
0xc: {  	[smem:$0x3FAC] =	sst s4  }
0xd: {  	[smem:$0x3FAD] =	sst s5  }
0xe: {  	[smem:$0x3FAE] =	sst s6  }
0xf: {  	[smem:$0x3FAF] =	sst s7  }
0x10: {  	[smem:$0x3FB0] =	sst s8  }
0x11: {  	[smem:$0x3FB1] =	sst s9;
	s0 =	simm.s32 @!p0 $0x0  }
0x12: {  	s1 =	sld [smem:$0x3F97];
	s0 =	simm.s32 @p0 $0x1  }
0x13: {  	[smem:$0x3FB2] =	sst s0;
	s0 =	simm.s32 @!p1 $0x0  }
0x14: {  	s2 =	sld [smem:$0x3F96];
	s0 =	simm.s32 @p1 $0x1  }
0x15: {  	[smem:$0x3FB3] =	sst s0;
	s0 =	simm.s32 @!p2 $0x0  }
0x16: {  	s3 =	sld [smem:$0x3FDB];
	s0 =	simm.s32 @p2 $0x1  }
0x17: {  	s4 =	simm.s32 $0x1BF5;
	[smem:$0x3FB5] =	sst s0  }
0x18: {  	s0 =	sld [smem:$0x3F98];
	_ =	swait.ge [sflag:s4], $0x0  }
0x19: {  	s7 =	sld [smem:$0x3F99]  }
0x1a: {  	s8 =	sadd.s32 $0xFFFFE003, lr  }
0x1b: {  	s9 =	sadd.s32 $0xFFFFFEF7, lr;
	s5 =	simm.s32 $0xFFFFFFFF;
	p2 =	slt.u32 s8, $0xFFFFF086  }
0x1c: {  	p1 =	slt.u32 s9, $0xF7A;
	s5 =	simm.s32 @!p2 $0x0  }
0x1d: {  	s5 =	simm.s32 @p1 $0x1;
	p0 =	seq.s32 s7, s2  }
0x1e: {  	s7 =	smul.u32 @!p0 $0xF7A, s2;
	p2 =	seq.s32 @!p0 s5, $0x0  }
0x1f: {  	s9 =	smul.u32 $0xF7A, s1;
	s8 =	simm.s32 @!p0 $0x1BF5;
	p2 =	por !p2, p0  }
0x20: {  	[sflag:s8] =	ssyncset.s32 @!p0 $0xFFFFF086;
	s6 =	sadd.s32 @!p0 s3, s7;
	s7 =	simm.s32 @!p0 $0x108  }
0x21: {  	s3 =	sadd.s32 s3, s9;
	s6 =	sadd.s32 @!p0 $0x88, s6;
	s7 =	simm.s32 @p2 $0x1082  }
0x22: {  	[simem:s7], [sflag:s8] =	dma.local @!p0 [hbm:s6], $0xF7A  }
0x23: {  	s9 =	sor.u32 $0xD0000000, s2;
	s6 =	simm.s32 $0x108;
	_ =	swait.ge @!p0 [sflag:s8], $0x0  }
0x24: {  	s3 =	sadd.s32 $0x88, s3;
	s6 =	simm.s32 @!p1 $0x1082;
	[sflag:s4] =	ssyncset.s32 $0xFFFFF086  }
0x25: {  	[simem:s6], [sflag:s4] =	dma.local [hbm:s3], $0xF7A  }
0x26: {  	[smem:$0x3F99] =	sst s1;
	(tag) =	ssettag s2;
	_ =	strace s9  }
0x27: {  	s1 =	sld [smem:$0x3FA9]  }
0x28: {  	s2 =	sld [smem:$0x3FAA]  }
0x29: {  	s4 =	sld [smem:$0x3FAC]  }
0x2a: {  	p0 =	seq.s32 s5, $0x0;
	s5 =	sld [smem:$0x3FAD]  }
0x2b: {  	s6 =	sld [smem:$0x3FAE]  }
0x2c: {  	s7 =	sld [smem:$0x3FAF]  }
0x2d: {  	s3 =	simm.s32 $0x108;
	s8 =	sld [smem:$0x3FB0]  }
0x2e: {  	s3 =	simm.s32 @!p0 $0x1082;
	s9 =	sld [smem:$0x3FB1]  }
0x2f: {  	lr =	sadd.s32 s0, s3;
	s0 =	sld [smem:$0x3FA8]  }
0x30: {  	s3 =	sld [smem:$0x3FAB]  }
0x31: {  	[smem:$0x3FB4] =	sst s10  }
0x32: {  	s10 =	sld [smem:$0x3FB2];
	_ =	sdelay $0x3  }
0x33: {  	p0 =	seq.s32 s10, $0x1;
	s10 =	sld [smem:$0x3FB4];
	_ =	sdelay $0x3  }
0x34: {  	[smem:$0x3FB4] =	sst s10  }
0x35: {  	s10 =	sld [smem:$0x3FB3];
	_ =	sdelay $0x3  }
0x36: {  	p1 =	seq.s32 s10, $0x1;
	s10 =	sld [smem:$0x3FB4];
	_ =	sdelay $0x3  }
0x37: {  	[smem:$0x3FB4] =	sst s10  }
0x38: {  	s10 =	sld [smem:$0x3FB5]  }
0x39: {  	_ = 	snop;
	(pc) =	sbr.ind lr, $3  }
0x3a: {  	_ = 	snop  }
0x3b: {  	_ = 	snop  }
0x3c: {  	p2 =	seq.s32 s10, $0x1;
	s10 =	sld [smem:$0x3FB4]  }
0x3d: {  	_ =	shalt  }
0x3e: {  	_ =	shalt  }
0x3f: {  	_ =	shalt  }
0x40: {  	_ =	shalt  }
0x41: {  	_ =	shalt  }
0x42: {  	_ =	shalt  }
0x43: {  	_ =	shalt  }
0x44: {  	_ =	shalt  }
0x45: {  	_ =	shalt  }
0x46: {  	_ =	shalt  }
0x47: {  	_ =	shalt  }
0x48: {  	_ =	shalt  }
0x49: {  	_ =	shalt  }
0x4a: {  	_ =	shalt  }
0x4b: {  	_ =	shalt  }
0x4c: {  	_ =	shalt  }
0x4d: {  	_ =	shalt  }
0x4e: {  	_ =	shalt  }
0x4f: {  	_ =	shalt  }
0x50: {  	_ =	shalt  }
0x51: {  	_ =	shalt  }
0x52: {  	_ =	shalt  }
0x53: {  	_ =	shalt  }
0x54: {  	_ =	shalt  }
0x55: {  	_ =	shalt  }
0x56: {  	_ =	shalt  }
0x57: {  	_ =	shalt  }
0x58: {  	_ =	shalt  }
0x59: {  	_ =	shalt  }
0x5a: {  	_ =	shalt  }
0x5b: {  	_ =	shalt  }
0x5c: {  	_ =	shalt  }
0x5d: {  	_ =	shalt  }
0x5e: {  	_ =	shalt  }
0x5f: {  	_ =	shalt  }
0x60: {  	_ =	shalt  }
0x61: {  	_ =	shalt  }
0x62: {  	_ =	shalt  }
0x63: {  	_ =	shalt  }
0x64: {  	_ =	shalt  }
0x65: {  	_ =	shalt  }
0x66: {  	_ =	shalt  }
0x67: {  	_ =	shalt  }
0x68: {  	_ =	shalt  }
0x69: {  	_ =	shalt  }
0x6a: {  	_ =	shalt  }
0x6b: {  	_ =	shalt  }
0x6c: {  	_ =	shalt  }
0x6d: {  	_ =	shalt  }
0x6e: {  	_ =	shalt  }
0x6f: {  	_ =	shalt  }
0x70: {  	_ =	shalt  }
0x71: {  	_ =	shalt  }
0x72: {  	_ =	shalt  }
0x73: {  	_ =	shalt  }
0x74: {  	_ =	shalt  }
0x75: {  	_ =	shalt  }
0x76: {  	_ =	shalt  }
0x77: {  	_ =	shalt  }
0x78: {  	_ =	shalt  }
0x79: {  	_ =	shalt  }
0x7a: {  	_ =	shalt  }
0x7b: {  	_ =	shalt  }
0x7c: {  	_ =	shalt  }
0x7d: {  	_ =	shalt  }
0x7e: {  	_ =	shalt  }
0x7f: {  	_ =	shalt  }
0x80: {  	_ =	shalt  }
0x81: {  	_ =	shalt  }
0x82: {  	_ =	shalt  }
0x83: {  	_ =	shalt  }
0x84: {  	_ =	shalt  }
0x85: {  	_ =	shalt  }
0x86: {  	_ =	shalt  }
0x87: {  	_ =	shalt  }
.Lfunc_end0:
.L_simem_size_0:
called_computation.1_lowered:
.L_overlay_start_0:
0x88: {  	s2 =	sld [smem:$0x3FD9]  }
0x89: {  	s3 =	sld [smem:$0x3FFE];
	_ =	sdelay $0x1  }
0x8a: {  	s1 =	srdreg.scid  }
0x8b: {  	s0 =	sand.u32 $0x1, s1  }
0x8c: {  	s17 =	sshll.u32 s0, $0xA;
	s2 =	sadd.s32 s3, s2  }
0x8d: {  	s2 =	sadd.s32 s2, s17  }
0x8e: {  	[smem:$0x3FC0] =	sst s2  }
0x8f: {  	_ = 	snop  }
0x90: {  	s2 =	sld [smem:$0x3FD0];
	(tm) =	ssettm $0x1  }
0x91: {  	s18 =	sld [smem:$0x3FFB];
	_ =	sdelay $0x3  }
0x92: {  	_ =	strace s18  }
0x93: {  	s3 =	sld [smem:$0x3FFC];
	_ =	sdelay $0x3  }
0x94: {  	_ =	strace s3  }
0x95: {  	s3 =	sld [smem:$0x3FFD];
	_ =	sdelay $0x3  }
0x96: {  	_ =	strace s3  }
0x97: {  	_ =	strace $0x8FFFFFFF  }
0x98: {  	s19 =	sld [smem:$0x3FDB];
	_ =	sdelay $0x1  }
0x99: {  	s4 =	simm.s32 $_scs_section_size  }
0x9a: {  	s5 =	simm.s32 $_size__tile_overlayer_lowered;
	s6 =	simm.s32 $_tile_overlayer_lowered  }
0x9b: {  	s22 =	simm.s32 $0x1BFF;
	s21 =	sshll.u32 s6, $0x1;
	s3 =	sadd.s32 s4, s19  }
0x9c: {  	s7 =	simm.s32 $0x0;
	s20 =	sshll.u32 s5, $0x1;
	s5 =	sadd.s32 s21, s3  }
0x9d: {  	[timem:s7], [sflag:s22] =	dma.local [hbm:s5], s20  }
0x9e: {  	_ =	swait.ge [sflag:s22], s20  }
0x9f: {  	s4 =	ssub.s32 $0x0, s20;
	[sflag:s22] =	ssyncset.done $0x0  }
0xa0: {  	[sflag:s22] =	ssyncadd.s32 s4;
	_ =	sdelay $0x1  }
0xa1: {  	s23 =	simm.s32 $0x1B8B  }
0xa2: {  	_ =	swait.ge [sflag:s23], $0x1  }
0xa3: {  	[sflag:s23] =	ssyncset.done $0x0  }
0xa4: {  	s25 =	simm.s32 $0x1B8E;
	s24 =	sld [smem:$0x3FFE];
	[sflag:s23] =	ssyncadd.s32 $0xFFFFFFFF  }
0xa5: {  	s26 =	simm.s32 $execute0_lowered;
	[smem:$0x3FD2] =	sst s25  }
0xa6: {  	s5 =	sshll.u32 s26, $0x1;
	_ =	strace $0x80000049;
	[dreg:$0x1] =	wrdreg $0xFFFFFFFF  }
0xa7: {  	s28 =	simm.s32 $_size_execute0_lowered;
	s3 =	sadd.s32 s3, s5;
	[dreg:$0x0] =	wrdreg $0x0  }
0xa8: {  	s5 =	sshll.u32 s28, $0x1;
	[dreg:$0x2] =	wrdreg s3  }
0xa9: {  	[dreg:$0x3] =	wrdreg s5  }
0xaa: {  	[dreg:$0x4] =	wrdreg $0xC0  }
0xab: {  	_ =	task [dreg:s7], $0x5FFFF  }
0xac: {  	[dreg:$0x1] =	wrdreg $0xFFFFFFFF  }
0xad: {  	[dreg:$0x0] =	wrdreg $0x60  }
0xae: {  	[dreg:$0x2] =	wrdreg s24  }
0xaf: {  	[dreg:$0x3] =	wrdreg s2  }
0xb0: {  	[dreg:$0x4] =	wrdreg $0x152200  }
0xb1: {  	[dreg:$0x5] =	wrdreg $0x9  }
0xb2: {  	_ =	task.clear_ibuf [dreg:s7], $0x6FFFF;
	_ =	strace $0x90000049  }
0xb3: {  	s29 =	simm.s32 $0x9;
	_ =	strace $0x8000004B  }
0xb4: {  	_ =	swait.ge [sflag:s29], $0x1  }
0xb5: {  	[sflag:s29] =	ssyncadd.s32 $0xFFFFFFFF  }
0xb6: {  	_ =	strace $0x9000004B  }
0xb7: {  	_ =	sfence  }
0xb8: {  	s30 =	sld [smem:$0x0];
	_ =	sdelay $0x2  }
0xb9: {  	s31 =	sshll.u32 s1, $0xD;
	s1 =	sshrl.u32 s1, $0x2  }
0xba: {  	s3 =	sand.u32 $0x4000, s31;
	s1 =	sadd.s32 s1, s30  }
0xbb: {  	s0 =	sor.u32 s3, s0;
	s1 =	sshll.u32 s1, $0x11  }
0xbc: {  	s0 =	sor.u32 s1, s0  }
0xbd: {  	s0 =	sadd.s32 $0x8F2B, s0  }
0xbe: {  	[sflag:s0] =	ssyncadd.remote.s32 $0x1  }
0xbf: {  	_ =	sfence.sel $0xFFFF  }
0xc0: {  	[dreg:$0x0] =	wrdreg $0xFFFFFFFF;
	(pc) =	sbr.abs _section_cstart, $3  }
0xc1: {  	[dreg:$0x1] =	wrdreg $0xFFFFFFFF  }
0xc2: {  	_ =	task.clear_ibuf [dreg:s7], $0x2FFFF;
	_ =	strace $0x9FFFFFFF  }
0xc3: {  	(tm) =	ssettm $0x7FFFFFFF  }
tec
execute0_lowered:
.L_overlay_start_1:
0x0: {  	(tag) =	ssettag $0x1  }
0x1: {  	s0 =	srdreg.scid  }
0x2: {  	s29 =	stileid.u32;
	s26 =	rddreg [dreg:$0x0]  }
0x3: {  	s28 =	rddreg [dreg:$0x1];
	s0 =	sand.u32 $0x1, s0;
	s1 =	sshll.u32 s29, $0x1  }
0x4: {  	s14 =	sor.u32 $0x10, s29;
	s17 =	sor.u32 $0x30, s29;
	s13 =	smul.u32 $0x9C400, s0  }
0x5: {  	s2 =	sor.u32 s0, s1;
	s3 =	ssub.s32 $0x2, s0;
	s0 =	smul.u32 $0x1400, s29  }
0x6: {  	s15 =	sor.u32 $0x20, s29;
	s6 =	sor.u32 $0x70, s29;
	s4 =	smul.u32 $0x1400, s17  }
0x7: {  	s18 =	sor.u32 $0x40, s29;
	s10 =	sor.u32 $0x60, s29;
	s9 =	smul.u32 $0x1400, s6  }
0x8: {  	s1 =	simm.s32 $0x0;
	p0 =	sgt.u32 s6, $0x7C;
	s12 =	smul.u32 $0x4E2, s2  }
0x9: {  	s19 =	sshrl.u32 s3, $0x1;
	[smem:$0x7FF] =	sst s1;
	s2 =	smul.u32 $0x1400, s14  }
0xa: {  	s11 =	ssub.s32 s3, s19;
	s19 =	sor.u32 $0x50, s29;
	s5 =	sadd.s32 s13, s0  }
0xb: {  	s3 =	smul.u32 $0x1400, s15;
	s22 =	sadd.s32 s13, s4;
	s16 =	sshrl.u32 s5, $0x3  }
0xc: {  	s7 =	sadd.s32 s13, s2;
	s5 =	smul.u32 $0x1400, s18;
	s22 =	sshrl.u32 s22, $0x3  }
0xd: {  	s20 =	sshrl.u32 s7, $0x3;
	s8 =	sadd.s32 s13, s3;
	s7 =	smul.u32 $0x1400, s19  }
0xe: {  	s30 =	sadd.s32 s28, s16;
	s21 =	sshrl.u32 s8, $0x3;
	s8 =	smul.u32 $0x1400, s10  }
0xf: {  	s23 =	sadd.s32 s13, s5;
	[dreg:$0x4] =	wrdreg s30;
	s30 =	sadd.s32 s28, s20  }
0x10: {  	s24 =	sadd.s32 s13, s7;
	s23 =	sshrl.u32 s23, $0x3;
	[dreg:$0x5] =	wrdreg s30  }
0x11: {  	s30 =	sadd.s32 s28, s21;
	s24 =	sshrl.u32 s24, $0x3;
	s25 =	sadd.s32 s13, s8  }
0x12: {  	s13 =	sadd.s32 s13, s9;
	[dreg:$0x6] =	wrdreg s30;
	s30 =	sadd.s32 s28, s22  }
0x13: {  	s25 =	sshrl.u32 s25, $0x3;
	[dreg:$0x7] =	wrdreg s30;
	s30 =	sadd.s32 s28, s23  }
0x14: {  	s13 =	sshrl.u32 s13, $0x3;
	[dreg:$0x8] =	wrdreg s30;
	s30 =	sadd.s32 s28, s24  }
0x15: {  	[dreg:$0x9] =	wrdreg s30;
	s30 =	sadd.s32 s28, s25;
	s28 =	sadd.s32 s28, s13  }
0x16: {  	s6 =	smul.u32 $0x5000, s6;
	[dreg:$0xb] =	wrdreg s28;
	s28 =	sadd.s32 $0xB2E00, s26  }
0x17: {  	s31 =	simm.s32 $0x0;
	[dreg:$0xa] =	wrdreg s30;
	s16 =	sadd.s32 s28, s16  }
0x18: {  	s6 =	sshrl.u32 s6, $0x2;
	s20 =	sadd.s32 s28, s20;
	[dreg:$0xc] =	wrdreg s16  }
0x19: {  	s10 =	smul.u32 $0x5000, s10;
	s21 =	sadd.s32 s28, s21;
	[dreg:$0xd] =	wrdreg s20  }
0x1a: {  	s12 =	sadd.s32 s12, s26;
	s22 =	sadd.s32 s28, s22;
	[dreg:$0xe] =	wrdreg s21  }
0x1b: {  	s11 =	smax.u32 s11, $0x1;
	s10 =	sshrl.u32 s10, $0x2;
	[dreg:$0xf] =	wrdreg s22  }
0x1c: {  	s30 =	simm.s32 $0x1A;
	s13 =	sadd.s32 s28, s13;
	s16 =	rddreg [dreg:$0x2]  }
0x1d: {  	s20 =	sadd.s32 s28, s23;
	s21 =	sadd.s32 s28, s24;
	[dreg:$0x13] =	wrdreg s13  }
0x1e: {  	s22 =	sadd.s32 s28, s25;
	s23 =	smul.u32 $0x5000, s14;
	[dreg:$0x10] =	wrdreg s20  }
0x1f: {  	s14 =	smul.u32 $0x5000, s15;
	s24 =	sadd.s32 $0xC600, s12;
	[dreg:$0x11] =	wrdreg s21  }
0x20: {  	s25 =	smul.u32 $0x5000, s29;
	s12 =	sadd.s32 $0x2800, s12;
	[dreg:$0x12] =	wrdreg s22  }
0x21: {  	s28 =	simm.s32 $0x10;
	_ =	strace $0x8000004A;
	[dreg:$0x14] =	wrdreg s24  }
0x22: {  	s29 =	simm.s32 $0x11;
	s20 =	sadd.s32 $0x9F400, s26;
	[dreg:$0x15] =	wrdreg s12  }
0x23: {  	s21 =	sadd.s32 $0x8BA00, s26;
	s10 =	sadd.s32 s10, s16;
	[dreg:$0x16] =	wrdreg s11  }
0x24: {  	s26 =	smul.u32 $0x5000, s17;
	s6 =	sadd.s32 s6, s16;
	[dreg:$0x1d] =	wrdreg s10  }
0x25: {  	s22 =	smul.u32 $0x5000, s18;
	s0 =	sadd.s32 s0, s16;
	[dreg:$0x1e] =	wrdreg s6  }
0x26: {  	s18 =	sadd.s32 s2, s16;
	s17 =	sshrl.u32 s25, $0x2;
	[dreg:$0x1f] =	wrdreg s0  }
0x27: {  	s24 =	smul.u32 $0x5000, s19;
	[smem:$0x7F7] =	sst s18;
	s19 =	sadd.s32 s3, s16  }
0x28: {  	s13 =	sshrl.u32 s23, $0x2;
	s12 =	sadd.s32 s17, s16;
	[smem:$0x7F8] =	sst s19  }
0x29: {  	s25 =	sshrl.u32 s14, $0x2;
	s23 =	sadd.s32 s13, s16;
	[dreg:$0x17] =	wrdreg s12  }
0x2a: {  	s11 =	sshrl.u32 s26, $0x2;
	s13 =	sadd.s32 s25, s16;
	[dreg:$0x18] =	wrdreg s23  }
0x2b: {  	s26 =	sshrl.u32 s22, $0x2;
	s22 =	sadd.s32 s4, s16;
	[dreg:$0x19] =	wrdreg s13  }
0x2c: {  	s10 =	simm.s32 $0x19;
	s25 =	sadd.s32 s8, s16;
	[smem:$0x7F9] =	sst s22  }
0x2d: {  	s14 =	simm.s32 $0x18;
	s11 =	sadd.s32 s11, s16;
	[smem:$0x7FC] =	sst s25  }
0x2e: {  	s19 =	simm.s32 $0x14;
	s15 =	sadd.s32 s26, s16;
	[dreg:$0x1a] =	wrdreg s11  }
0x2f: {  	s17 =	sshrl.u32 s24, $0x2;
	s23 =	sadd.s32 s5, s16;
	[dreg:$0x1b] =	wrdreg s15  }
0x30: {  	s24 =	sadd.s32 s7, s16;
	s26 =	sadd.s32 s9, s16;
	[smem:$0x7FA] =	sst s23  }
0x31: {  	s13 =	simm.s32 $0x50;
	s22 =	simm.s32 $0x15;
	[smem:$0x7FB] =	sst s24  }
0x32: {  	s25 =	simm.s32 $0xE;
	s11 =	sadd.s32 s17, s16;
	[smem:$0x7FD] =	sst s26  }
0x33: {  	s23 =	simm.s32 $0x16;
	s24 =	simm.s32 $0x17;
	s15 =	simm.s32 $0xD  }
0x34: {  	v0 =	vimm.f32 $0.0e+00;
	s26 =	simm.s32 $0xF;
	[dreg:$0x1c] =	wrdreg s11;
	s11 =	simm.s32 $0x13E20  }
.LBB2_1:
0x35: {  	s0 =	rddreg [dreg:$0x14]  }
0x36: {  	[tilespmem:s1], [sflag:$0x19] =	stream.linear.gather [hbm4b:s0+s1], $0x2710, $0x38;
	[tilespmem:$0x1EE60] =	vst v63  }
0x37: {  	_ =	swait.ge [sflag:s10], $0x2710  }
0x38: {  	[sflag:s10] =	ssyncset.done $0x0  }
0x39: {  	s2 =	simm.s32 $0x2710;
	s12 =	rddreg [dreg:$0x15];
	[sflag:s10] =	ssyncadd.s32 $0xFFFFD8F0  }
0x3a: {  	[tilespmem:s2], [sflag:$0x19] =	stream.linear.gather [hbm4b:s12+s1], $0x2710, $0x38;
	[tilespmem:$0x1EE60] =	vst v63  }
0x3b: {  	s17 =	sand.u32 $0x7F00, s1;
	s18 =	sand.u32 $0x30, s1;
	_ =	swait.ge [sflag:s10], $0x2710  }
0x3c: {  	s3 =	sshrl.u32 s17, $0x2;
	s0 =	simm.s32 $0x40;
	[sflag:s10] =	ssyncset.done $0x0  }
0x3d: {  	s3 =	sor.u32 s18, s3;
	s2 =	simm.s32 $0x0;
	[sflag:s10] =	ssyncadd.s32 $0xFFFFD8F0  }
.LBB2_2:
0x3e: {  	p1 =	sne.s32 s0, $0x4FC0  }
0x3f: {  	[tilespmem:s3+$0x13E20] =	vst v0;
	s2 =	sadd.s32 $0x10, s2;
	s3 =	smov.u32 s0;
	s0 =	sadd.s32 $0x40, s0  }
.Ltmp0:
0x40: {  	(pc) =	sbr.rel @p1 .LBB2_2-.Ltmp0, $4  }
0x41: {  	_ = 	snop  }
0x42: {  	s3 =	sand.u32 $0x7F00, s3  }
0x43: {  	s4 =	sand.u32 $0x30, s2;
	s3 =	sshrl.u32 s3, $0x2  }
0x44: {  	s3 =	sor.u32 s4, s3  }
0x45: {  	[tilespmem:s3+$0x13E20] =	vst v0;
	s0 =	rddreg [dreg:$0x17]  }
0x46: {  	[spmem:s0] =	stream.linear.scatter [tilespmem:s11], [sflag:$0x19], $0x1400, $0x38;
	[tilespmem:$0x1EE60] =	vst v63  }
0x47: {  	_ =	swait.ge [sflag:s10], $0x1400  }
0x48: {  	[sflag:s10] =	ssyncset.done $0x0  }
0x49: {  	s6 =	rddreg [dreg:$0x18];
	[sflag:s10] =	ssyncadd.s32 $0xFFFFEC00  }
0x4a: {  	[spmem:s6] =	stream.linear.scatter [tilespmem:s11], [sflag:$0x19], $0x1400, $0x38;
	[tilespmem:$0x1EE60] =	vst v63  }
0x4b: {  	_ =	swait.ge [sflag:s10], $0x1400  }
0x4c: {  	[sflag:s10] =	ssyncset.done $0x0  }
0x4d: {  	s7 =	rddreg [dreg:$0x19];
	[sflag:s10] =	ssyncadd.s32 $0xFFFFEC00  }
0x4e: {  	[spmem:s7] =	stream.linear.scatter [tilespmem:s11], [sflag:$0x19], $0x1400, $0x38;
	[tilespmem:$0x1EE60] =	vst v63  }
0x4f: {  	_ =	swait.ge [sflag:s10], $0x1400  }
0x50: {  	[sflag:s10] =	ssyncset.done $0x0  }
0x51: {  	s8 =	rddreg [dreg:$0x1a];
	[sflag:s10] =	ssyncadd.s32 $0xFFFFEC00  }
0x52: {  	[spmem:s8] =	stream.linear.scatter [tilespmem:s11], [sflag:$0x19], $0x1400, $0x38;
	[tilespmem:$0x1EE60] =	vst v63  }
0x53: {  	_ =	swait.ge [sflag:s10], $0x1400  }
0x54: {  	[sflag:s10] =	ssyncset.done $0x0  }
0x55: {  	s9 =	rddreg [dreg:$0x1b];
	[sflag:s10] =	ssyncadd.s32 $0xFFFFEC00  }
0x56: {  	[spmem:s9] =	stream.linear.scatter [tilespmem:s11], [sflag:$0x19], $0x1400, $0x38;
	[tilespmem:$0x1EE60] =	vst v63  }
0x57: {  	_ =	swait.ge [sflag:s10], $0x1400  }
0x58: {  	[sflag:s10] =	ssyncset.done $0x0  }
0x59: {  	s12 =	rddreg [dreg:$0x1c];
	[sflag:s10] =	ssyncadd.s32 $0xFFFFEC00  }
0x5a: {  	[spmem:s12] =	stream.linear.scatter [tilespmem:s11], [sflag:$0x19], $0x1400, $0x38;
	[tilespmem:$0x1EE60] =	vst v63  }
0x5b: {  	_ =	swait.ge [sflag:s10], $0x1400  }
0x5c: {  	[sflag:s10] =	ssyncset.done $0x0  }
0x5d: {  	s17 =	rddreg [dreg:$0x1d];
	[sflag:s10] =	ssyncadd.s32 $0xFFFFEC00  }
0x5e: {  	[spmem:s17] =	stream.linear.scatter [tilespmem:s11], [sflag:$0x19], $0x1400, $0x38;
	[tilespmem:$0x1EE60] =	vst v63  }
0x5f: {  	s18 =	simm.s32 $0x0;
	_ =	swait.ge [sflag:s10], $0x1400  }
0x60: {  	s3 =	simm.s32 $0x4E20;
	s4 =	simm.s32 $0x6220;
	[sflag:s10] =	ssyncset.done $0x0  }
0x61: {  	s0 =	simm.s32 @!p0 $0x13E20;
	s2 =	rddreg [dreg:$0x1e];
	[sflag:s10] =	ssyncadd.s32 $0xFFFFEC00  }
0x62: {  	[spmem:s2] =	stream.linear.scatter @!p0 [tilespmem:s0], [sflag:$0x19], $0x1400, $0x38;
	[tilespmem:$0x1EE60] =	vst v63  }
0x63: {  	s5 =	simm.s32 $0xA0;
	p1 =	por $0x0, $0x0;
	s0 =	simm.s32 @!p0 $0x19  }
0x64: {  	p3 =	por $0x0, $0x0;
	s6 =	simm.s32 $0x7620;
	_ =	swait.ge @!p0 [sflag:s0], $0x1400  }
0x65: {  	s7 =	simm.s32 $0xF0;
	s8 =	simm.s32 $0x8A20;
	[sflag:s0] =	ssyncset.done @!p0 $0x0  }
0x66: {  	s9 =	simm.s32 $0x140;
	s12 =	simm.s32 $0x9E20;
	[sflag:s0] =	ssyncadd.s32 @!p0 $0xFFFFEC00  }
0x67: {  	s2 =	simm.s32 @!p1 $0x6;
	s0 =	smul.u32 $0xAB, s18;
	[bflag:$0x0] =	sbarrier.arrive $0xFFFF  }
0x68: {  	[tilespmem:s3], [sflag:$0x1] =	stream.indirect.gather [hbm4b:s20+s13], $0x40, s18, s13, $0xb8;
	[tilespmem:$0x1EE60] =	vst v63  }
0x69: {  	s2 =	smul.u32 @!p1 $0xAB, s2;
	p1 =	por p1, p1;
	s0 =	sshrl.u32 s0, $0xB  }
0x6a: {  	s17 =	simm.s32 $0x190;
	p2 =	por @!p1 $0x1, $0x1;
	s0 =	sand.u32 $0x1F, s0  }
0x6b: {  	[tilespmem:s4], [sflag:$0x2] =	stream.indirect.gather [hbm4b:s20+s13], $0x40, s13, s13, $0xb8;
	[tilespmem:$0x1EE60] =	vst v63  }
0x6c: {  	s2 =	sshrl.u32 @!p1 s2, $0xB;
	p2 =	por p2, p1;
	s0 =	smul.u32 $0xC, s0  }
0x6d: {  	[tilespmem:s6], [sflag:$0x3] =	stream.indirect.gather [hbm4b:s20+s13], $0x40, s5, s13, $0xb8;
	[tilespmem:$0x1EE60] =	vst v63  }
0x6e: {  	s2 =	sand.u32 @!p1 $0x1F, s2;
	s18 =	simm.s32 $0xB220;
	s0 =	ssub.s32 $0x0, s0  }
0x6f: {  	[tilespmem:s8], [sflag:$0x4] =	stream.indirect.gather [hbm4b:s20+s13], $0x40, s7, s13, $0xb8;
	[tilespmem:$0x1EE60] =	vst v63  }
0x70: {  	s3 =	simm.s32 $0x1E0;
	s2 =	smul.u32 @!p1 $0xC, s2;
	s0 =	sand.u32 $0xFF, s0  }
0x71: {  	[tilespmem:s12], [sflag:$0x5] =	stream.indirect.gather [hbm4b:s20+s13], $0x40, s9, s13, $0xb8;
	[tilespmem:$0x1EE60] =	vst v63  }
0x72: {  	s2 =	ssub.s32 @!p1 $0x6, s2;
	s7 =	smul.u32 $0x5000, s0;
	s8 =	sadd.s32 $0x1, s0  }
0x73: {  	[tilespmem:s18], [sflag:$0x6] =	stream.indirect.gather [hbm4b:s20+s13], $0x40, s17, s13, $0xb8;
	[tilespmem:$0x1EE60] =	vst v63  }
0x74: {  	s6 =	simm.s32 $0x2710;
	s5 =	simm.s32 $0x2;
	_ =	swait.ge [sflag:s8], $0x1400  }
0x75: {  	s0 =	sadd.s32 $0xD, s0;
	s7 =	sshrl.u32 s7, $0x2;
	[sflag:s8] =	ssyncset.done $0x0  }
0x76: {  	s12 =	simm.s32 $0x1;
	s7 =	sadd.s32 $0x4E20, s7;
	[sflag:s8] =	ssyncadd.s32 $0xFFFFEC00  }
0x77: {  	[spmem:s16] =	stream.indirect.scatter.add.f32 [tilespmem:s7], [sflag:s0], $0x40, s6, s13, $0xb8;
	[tilespmem:$0x1EE60] =	vst v63  }
0x78: {  	s4 =	smul.u32 $0xAB, s12;
	s8 =	simm.s32 @!p1 $0x50;
	s6 =	sand.u32 @!p1 $0xFF, s2  }
0x79: {  	s0 =	simm.s32 $0x230;
	s2 =	simm.s32 $0x2760;
	s7 =	sadd.s32 @!p2 $0xD, s6  }
0x7a: {  	s9 =	smul.u32 @!p1 $0x5000, s6;
	s6 =	sadd.s32 @!p1 $0x1, s6;
	_ =	swait.ge @!p2 [sflag:s7], $0x1400  }
.LBB2_4:
0x7b: {  	s17 =	sshrl.u32 s4, $0xB;
	[sflag:s7] =	ssyncset.done @!p2 $0x0  }
0x7c: {  	s9 =	sshrl.u32 @!p1 s9, $0x2;
	s18 =	smov.u32 s12;
	s12 =	smov.u32 s5  }
0x7d: {  	s4 =	smul.u32 $0xAB, s5;
	[sflag:s7] =	ssyncadd.s32 @!p2 $0xFFFFEC00;
	s7 =	sadd.s32 @!p1 $0x4E20, s9  }
0x7e: {  	[tilespmem:s7], [sflag:s6] =	stream.indirect.gather @!p1 [hbm4b:s20+s8], $0x40, s3, s8, $0xb8;
	[tilespmem:$0x1EE60] =	vst v63  }
0x7f: {  	s3 =	sand.u32 $0x1F, s17  }
0x80: {  	s5 =	sadd.s32 $0x1, s5;
	s6 =	sadd.s32 @!p3 $0x6, s18;
	s7 =	smul.u32 $0xC, s3  }
0x81: {  	p4 =	sne.s32 s5, $0x7D;
	s3 =	smov.u32 s0;
	s8 =	smul.u32 @!p3 $0xAB, s6  }
0x82: {  	p1 =	por p3, p3;
	s7 =	ssub.s32 s18, s7  }
0x83: {  	s8 =	sshrl.u32 @!p1 s8, $0xB;
	s7 =	sand.u32 $0xFF, s7  }
0x84: {  	p2 =	slt.u32 @!p1 s18, $0x6;
	s8 =	sand.u32 @!p1 $0x1F, s8;
	s9 =	smul.u32 $0x5000, s7  }
0x85: {  	s17 =	sadd.s32 $0x1, s7;
	s8 =	smul.u32 @!p1 $0xC, s8  }
0x86: {  	p2 =	por p2, p1;
	s7 =	sadd.s32 $0xD, s7;
	_ =	swait.ge [sflag:s17], $0x1400  }
0x87: {  	s9 =	sshrl.u32 s9, $0x2;
	s6 =	ssub.s32 @!p1 s6, s8;
	[sflag:s17] =	ssyncset.done $0x0  }
.Ltmp1:
0x88: {  	s9 =	sadd.s32 $0x4E20, s9;
	[sflag:s17] =	ssyncadd.s32 $0xFFFFEC00;
	(pc) =	sbr.rel @p4 .LBB2_4-.Ltmp1, $4  }
0x89: {  	[spmem:s16] =	stream.indirect.scatter.add.f32 [tilespmem:s9], [sflag:s7], $0x40, s2, s13, $0xb8;
	[tilespmem:$0x1EE60] =	vst v63  }
0x8a: {  	s0 =	sadd.s32 $0x50, s0;
	s6 =	sand.u32 @!p1 $0xFF, s6;
	s2 =	sadd.s32 $0x50, s2  }
0x8b: {  	s7 =	sadd.s32 @!p2 $0xD, s6;
	s9 =	smul.u32 @!p1 $0x5000, s6;
	s6 =	sadd.s32 @!p1 $0x1, s6  }
0x8c: {  	p3 =	sgt.u32 s12, $0x76;
	s8 =	simm.s32 @!p1 $0x50;
	_ =	swait.ge @!p2 [sflag:s7], $0x1400  }
0x8d: {  	s4 =	sshrl.u32 s4, $0xB  }
0x8e: {  	[sflag:s7] =	ssyncset.done @!p2 $0x0;
	s5 =	sshrl.u32 @!p1 s9, $0x2;
	s4 =	sand.u32 $0x1F, s4  }
0x8f: {  	[sflag:s7] =	ssyncadd.s32 @!p2 $0xFFFFEC00;
	s5 =	sadd.s32 @!p1 $0x4E20, s5;
	s4 =	smul.u32 $0xC, s4  }
0x90: {  	[tilespmem:s5], [sflag:s6] =	stream.indirect.gather @!p1 [hbm4b:s20+s8], $0x40, s3, s8, $0xb8;
	[tilespmem:$0x1EE60] =	vst v63  }
0x91: {  	s8 =	ssub.s32 s12, s4;
	s4 =	sadd.s32 @!p3 $0x6, s12  }
0x92: {  	s3 =	sand.u32 $0xFF, s8;
	s5 =	smul.u32 @!p3 $0xAB, s4  }
0x93: {  	p1 =	por p3, p3;
	s9 =	sadd.s32 $0x1, s3;
	s17 =	smul.u32 $0x5000, s3  }
0x94: {  	s3 =	sadd.s32 $0xD, s3;
	_ =	swait.ge [sflag:s9], $0x1400;
	s5 =	sshrl.u32 @!p1 s5, $0xB  }
0x95: {  	[sflag:s9] =	ssyncset.done $0x0;
	s5 =	sand.u32 @!p1 $0x1F, s5;
	s18 =	sshrl.u32 s17, $0x2  }
0x96: {  	[sflag:s9] =	ssyncadd.s32 $0xFFFFEC00;
	s5 =	smul.u32 @!p1 $0xC, s5;
	s6 =	sadd.s32 $0x4E20, s18  }
0x97: {  	[spmem:s16] =	stream.indirect.scatter.add.f32 [tilespmem:s6], [sflag:s3], $0x40, s2, s13, $0xb8;
	[tilespmem:$0x1EE60] =	vst v63  }
0x98: {  	p2 =	slt.u32 @!p1 s12, $0x6;
	s2 =	ssub.s32 @!p1 s4, s5  }
0x99: {  	p2 =	por p2, p1;
	s2 =	sand.u32 @!p1 $0xFF, s2  }
0x9a: {  	s3 =	sadd.s32 @!p2 $0xD, s2;
	s4 =	smul.u32 @!p1 $0x5000, s2  }
0x9b: {  	s7 =	simm.s32 $0x12;
	_ =	swait.ge @!p2 [sflag:s3], $0x1400  }
0x9c: {  	s2 =	sadd.s32 @!p1 $0x1, s2;
	[sflag:s3] =	ssyncset.done @!p2 $0x0;
	s4 =	sshrl.u32 @!p1 s4, $0x2  }
0x9d: {  	[sflag:s3] =	ssyncadd.s32 @!p2 $0xFFFFEC00;
	s3 =	simm.s32 @!p1 $0x50;
	s4 =	sadd.s32 @!p1 $0x4E20, s4  }
0x9e: {  	[tilespmem:s4], [sflag:s2] =	stream.indirect.gather @!p1 [hbm4b:s20+s3], $0x40, s0, s3, $0xb8;
	[tilespmem:$0x1EE60] =	vst v63  }
0x9f: {  	_ =	swait.ge [sflag:s7], $0x1400  }
0xa0: {  	[sflag:s7] =	ssyncset.done $0x0  }
0xa1: {  	s8 =	simm.s32 $0x13;
	[sflag:s7] =	ssyncadd.s32 $0xFFFFEC00  }
0xa2: {  	_ =	swait.ge [sflag:s8], $0x1400  }
0xa3: {  	[sflag:s8] =	ssyncset.done $0x0  }
0xa4: {  	[sflag:s8] =	ssyncadd.s32 $0xFFFFEC00  }
0xa5: {  	_ =	swait.ge [sflag:s19], $0x1400  }
0xa6: {  	[sflag:s19] =	ssyncset.done $0x0  }
0xa7: {  	[sflag:s19] =	ssyncadd.s32 $0xFFFFEC00  }
0xa8: {  	_ =	swait.ge [sflag:s22], $0x1400  }
0xa9: {  	[sflag:s22] =	ssyncset.done $0x0  }
0xaa: {  	[sflag:s22] =	ssyncadd.s32 $0xFFFFEC00  }
0xab: {  	_ =	swait.ge [sflag:s23], $0x1400  }
0xac: {  	[sflag:s23] =	ssyncset.done $0x0  }
0xad: {  	[sflag:s23] =	ssyncadd.s32 $0xFFFFEC00  }
0xae: {  	_ =	swait.ge [sflag:s24], $0x1400  }
0xaf: {  	[sflag:s24] =	ssyncset.done $0x0  }
0xb0: {  	[sflag:s24] =	ssyncadd.s32 $0xFFFFEC00  }
0xb1: {  	_ =	swait.ge [sflag:s14], $0x1400  }
0xb2: {  	[sflag:s14] =	ssyncset.done $0x0  }
0xb3: {  	[sflag:s14] =	ssyncadd.s32 $0xFFFFEC00  }
0xb4: {  	_ =	swait.ge [sflag:s15], $0x1400  }
0xb5: {  	[sflag:s15] =	ssyncset.done $0x0  }
0xb6: {  	[sflag:s15] =	ssyncadd.s32 $0xFFFFEC00  }
0xb7: {  	_ =	swait.ge [sflag:s25], $0x1400  }
0xb8: {  	[sflag:s25] =	ssyncset.done $0x0  }
0xb9: {  	[sflag:s25] =	ssyncadd.s32 $0xFFFFEC00  }
0xba: {  	_ =	swait.ge [sflag:s26], $0x1400  }
0xbb: {  	[sflag:s26] =	ssyncset.done $0x0  }
0xbc: {  	[sflag:s26] =	ssyncadd.s32 $0xFFFFEC00  }
0xbd: {  	_ =	swait.ge [sflag:s28], $0x1400  }
0xbe: {  	[sflag:s28] =	ssyncset.done $0x0  }
0xbf: {  	[sflag:s28] =	ssyncadd.s32 $0xFFFFEC00  }
0xc0: {  	_ =	swait.ge [sflag:s29], $0x1400  }
0xc1: {  	[sflag:s29] =	ssyncset.done $0x0  }
0xc2: {  	s9 =	simm.s32 $0x4E20;
	[sflag:s29] =	ssyncadd.s32 $0xFFFFEC00  }
0xc3: {  	[tilespmem:s9], [sflag:$0x1] =	stream.indirect.gather [hbm4b:s21+s13], $0x40, s1, s13, $0xb8;
	[tilespmem:$0x1EE60] =	vst v63  }
0xc4: {  	s12 =	simm.s32 $0x6220  }
0xc5: {  	[tilespmem:s12], [sflag:$0x2] =	stream.indirect.gather [hbm4b:s21+s13], $0x40, s13, s13, $0xb8;
	[tilespmem:$0x1EE60] =	vst v63  }
0xc6: {  	s17 =	simm.s32 $0xA0;
	s18 =	simm.s32 $0x7620  }
0xc7: {  	[tilespmem:s18], [sflag:$0x3] =	stream.indirect.gather [hbm4b:s21+s13], $0x40, s17, s13, $0xb8;
	[tilespmem:$0x1EE60] =	vst v63  }
0xc8: {  	s2 =	simm.s32 $0xF0;
	s3 =	simm.s32 $0x8A20  }
0xc9: {  	[tilespmem:s3], [sflag:$0x4] =	stream.indirect.gather [hbm4b:s21+s13], $0x40, s2, s13, $0xb8;
	[tilespmem:$0x1EE60] =	vst v63  }
0xca: {  	s5 =	simm.s32 $0x9E20;
	s4 =	simm.s32 $0x140  }
0xcb: {  	[tilespmem:s5], [sflag:$0x5] =	stream.indirect.gather [hbm4b:s21+s13], $0x40, s4, s13, $0xb8;
	[tilespmem:$0x1EE60] =	vst v63  }
0xcc: {  	s6 =	simm.s32 $0x190;
	s7 =	simm.s32 $0xB220  }
0xcd: {  	[tilespmem:s7], [sflag:$0x6] =	stream.indirect.gather [hbm4b:s21+s13], $0x40, s6, s13, $0xb8;
	[tilespmem:$0x1EE60] =	vst v63  }
0xce: {  	[bflag:$0x0] =	sbarrier.arrive $0xFFFF  }
0xcf: {  	s8 =	rddreg [dreg:$0x1f]  }
0xd0: {  	[tilespmem:s11], [sflag:$0x1A] =	stream.linear.gather [spmem:s8], $0x1400, $0x38;
	[tilespmem:$0x1EE60] =	vst v63  }
0xd1: {  	_ =	swait.ge [sflag:s30], $0x1400  }
0xd2: {  	[sflag:s30] =	ssyncset.done $0x0  }
0xd3: {  	s9 =	rddreg [dreg:$0x4];
	[sflag:s30] =	ssyncadd.s32 $0xFFFFEC00  }
0xd4: {  	[hbm4b:s9+s1] =	stream.linear.scatter [tilespmem:s11], [sflag:$0x19], $0x1400, $0x38;
	[tilespmem:$0x1EE60] =	vst v63  }
0xd5: {  	_ =	swait.ge [sflag:s10], $0x1400  }
0xd6: {  	s12 =	sld [smem:$0x7F7]  }
0xd7: {  	[sflag:s10] =	ssyncset.done $0x0  }
0xd8: {  	[sflag:s10] =	ssyncadd.s32 $0xFFFFEC00  }
0xd9: {  	[tilespmem:s11], [sflag:$0x1A] =	stream.linear.gather [spmem:s12], $0x1400, $0x38;
	[tilespmem:$0x1EE60] =	vst v63  }
0xda: {  	_ =	swait.ge [sflag:s30], $0x1400  }
0xdb: {  	[sflag:s30] =	ssyncset.done $0x0  }
0xdc: {  	s17 =	rddreg [dreg:$0x5];
	[sflag:s30] =	ssyncadd.s32 $0xFFFFEC00  }
0xdd: {  	[hbm4b:s17+s1] =	stream.linear.scatter [tilespmem:s11], [sflag:$0x19], $0x1400, $0x38;
	[tilespmem:$0x1EE60] =	vst v63  }
0xde: {  	_ =	swait.ge [sflag:s10], $0x1400  }
0xdf: {  	s18 =	sld [smem:$0x7F8]  }
0xe0: {  	[sflag:s10] =	ssyncset.done $0x0  }
0xe1: {  	[sflag:s10] =	ssyncadd.s32 $0xFFFFEC00  }
0xe2: {  	[tilespmem:s11], [sflag:$0x1A] =	stream.linear.gather [spmem:s18], $0x1400, $0x38;
	[tilespmem:$0x1EE60] =	vst v63  }
0xe3: {  	_ =	swait.ge [sflag:s30], $0x1400  }
0xe4: {  	[sflag:s30] =	ssyncset.done $0x0  }
0xe5: {  	s2 =	rddreg [dreg:$0x6];
	[sflag:s30] =	ssyncadd.s32 $0xFFFFEC00  }
0xe6: {  	[hbm4b:s2+s1] =	stream.linear.scatter [tilespmem:s11], [sflag:$0x19], $0x1400, $0x38;
	[tilespmem:$0x1EE60] =	vst v63  }
0xe7: {  	_ =	swait.ge [sflag:s10], $0x1400  }
0xe8: {  	s3 =	sld [smem:$0x7F9]  }
0xe9: {  	[sflag:s10] =	ssyncset.done $0x0  }
0xea: {  	[sflag:s10] =	ssyncadd.s32 $0xFFFFEC00  }
0xeb: {  	[tilespmem:s11], [sflag:$0x1A] =	stream.linear.gather [spmem:s3], $0x1400, $0x38;
	[tilespmem:$0x1EE60] =	vst v63  }
0xec: {  	_ =	swait.ge [sflag:s30], $0x1400  }
0xed: {  	[sflag:s30] =	ssyncset.done $0x0  }
0xee: {  	s4 =	rddreg [dreg:$0x7];
	[sflag:s30] =	ssyncadd.s32 $0xFFFFEC00  }
0xef: {  	[hbm4b:s4+s1] =	stream.linear.scatter [tilespmem:s11], [sflag:$0x19], $0x1400, $0x38;
	[tilespmem:$0x1EE60] =	vst v63  }
0xf0: {  	_ =	swait.ge [sflag:s10], $0x1400  }
0xf1: {  	s5 =	sld [smem:$0x7FA]  }
0xf2: {  	[sflag:s10] =	ssyncset.done $0x0  }
0xf3: {  	[sflag:s10] =	ssyncadd.s32 $0xFFFFEC00  }
0xf4: {  	[tilespmem:s11], [sflag:$0x1A] =	stream.linear.gather [spmem:s5], $0x1400, $0x38;
	[tilespmem:$0x1EE60] =	vst v63  }
0xf5: {  	_ =	swait.ge [sflag:s30], $0x1400  }
0xf6: {  	[sflag:s30] =	ssyncset.done $0x0  }
0xf7: {  	s6 =	rddreg [dreg:$0x8];
	[sflag:s30] =	ssyncadd.s32 $0xFFFFEC00  }
0xf8: {  	[hbm4b:s6+s1] =	stream.linear.scatter [tilespmem:s11], [sflag:$0x19], $0x1400, $0x38;
	[tilespmem:$0x1EE60] =	vst v63  }
0xf9: {  	_ =	swait.ge [sflag:s10], $0x1400  }
0xfa: {  	s7 =	sld [smem:$0x7FB]  }
0xfb: {  	[sflag:s10] =	ssyncset.done $0x0  }
0xfc: {  	[sflag:s10] =	ssyncadd.s32 $0xFFFFEC00  }
0xfd: {  	[tilespmem:s11], [sflag:$0x1A] =	stream.linear.gather [spmem:s7], $0x1400, $0x38;
	[tilespmem:$0x1EE60] =	vst v63  }
0xfe: {  	_ =	swait.ge [sflag:s30], $0x1400  }
0xff: {  	[sflag:s30] =	ssyncset.done $0x0  }
0x100: {  	s8 =	rddreg [dreg:$0x9];
	[sflag:s30] =	ssyncadd.s32 $0xFFFFEC00  }
0x101: {  	[hbm4b:s8+s1] =	stream.linear.scatter [tilespmem:s11], [sflag:$0x19], $0x1400, $0x38;
	[tilespmem:$0x1EE60] =	vst v63  }
0x102: {  	_ =	swait.ge [sflag:s10], $0x1400  }
0x103: {  	s9 =	sld [smem:$0x7FC]  }
0x104: {  	[sflag:s10] =	ssyncset.done $0x0  }
0x105: {  	[sflag:s10] =	ssyncadd.s32 $0xFFFFEC00  }
0x106: {  	[tilespmem:s11], [sflag:$0x1A] =	stream.linear.gather [spmem:s9], $0x1400, $0x38;
	[tilespmem:$0x1EE60] =	vst v63  }
0x107: {  	_ =	swait.ge [sflag:s30], $0x1400  }
0x108: {  	[sflag:s30] =	ssyncset.done $0x0  }
0x109: {  	s12 =	rddreg [dreg:$0xa];
	[sflag:s30] =	ssyncadd.s32 $0xFFFFEC00  }
0x10a: {  	[hbm4b:s12+s1] =	stream.linear.scatter [tilespmem:s11], [sflag:$0x19], $0x1400, $0x38;
	[tilespmem:$0x1EE60] =	vst v63  }
0x10b: {  	_ =	swait.ge [sflag:s10], $0x1400  }
0x10c: {  	s2 =	sld [smem:$0x7FD]  }
0x10d: {  	[sflag:s10] =	ssyncset.done $0x0  }
0x10e: {  	s0 =	simm.s32 @!p0 $0x13E20;
	[sflag:s10] =	ssyncadd.s32 $0xFFFFEC00  }
0x10f: {  	[tilespmem:s0], [sflag:$0x1A] =	stream.linear.gather @!p0 [spmem:s2], $0x1400, $0x38;
	[tilespmem:$0x1EE60] =	vst v63  }
0x110: {  	s2 =	simm.s32 @!p0 $0x1A  }
0x111: {  	_ =	swait.ge @!p0 [sflag:s2], $0x1400  }
0x112: {  	[sflag:s2] =	ssyncset.done @!p0 $0x0  }
0x113: {  	s3 =	rddreg [dreg:$0xb];
	[sflag:s2] =	ssyncadd.s32 @!p0 $0xFFFFEC00;
	s2 =	simm.s32 @!p0 $0x0  }
0x114: {  	[hbm4b:s3+s2] =	stream.linear.scatter @!p0 [tilespmem:s0], [sflag:$0x19], $0x1400, $0x38;
	[tilespmem:$0x1EE60] =	vst v63  }
0x115: {  	s2 =	simm.s32 @!p0 $0x19;
	s0 =	simm.s32 $0x0  }
0x116: {  	_ =	swait.ge @!p0 [sflag:s2], $0x1400;
	s17 =	sand.u32 $0x7F00, s0  }
0x117: {  	s18 =	sand.u32 $0x30, s0;
	[sflag:s2] =	ssyncset.done @!p0 $0x0;
	s3 =	sshrl.u32 s17, $0x2  }
0x118: {  	[sflag:s2] =	ssyncadd.s32 @!p0 $0xFFFFEC00;
	s3 =	sor.u32 s18, s3;
	s2 =	simm.s32 $0x40  }
.LBB2_6:
0x119: {  	p1 =	sne.s32 s2, $0x4FC0  }
0x11a: {  	[tilespmem:s3+$0x13E20] =	vst v0;
	s0 =	sadd.s32 $0x10, s0;
	s3 =	smov.u32 s2;
	s2 =	sadd.s32 $0x40, s2  }
.Ltmp2:
0x11b: {  	(pc) =	sbr.rel @p1 .LBB2_6-.Ltmp2, $4  }
0x11c: {  	_ = 	snop  }
0x11d: {  	s3 =	sand.u32 $0x7F00, s3  }
0x11e: {  	s4 =	sand.u32 $0x30, s0;
	s3 =	sshrl.u32 s3, $0x2  }
0x11f: {  	s3 =	sor.u32 s4, s3  }
0x120: {  	[tilespmem:s3+$0x13E20] =	vst v0;
	s0 =	rddreg [dreg:$0x17]  }
0x121: {  	[spmem:s0] =	stream.linear.scatter [tilespmem:s11], [sflag:$0x19], $0x1400, $0x38;
	[tilespmem:$0x1EE60] =	vst v63  }
0x122: {  	_ =	swait.ge [sflag:s10], $0x1400  }
0x123: {  	[sflag:s10] =	ssyncset.done $0x0  }
0x124: {  	s5 =	rddreg [dreg:$0x18];
	[sflag:s10] =	ssyncadd.s32 $0xFFFFEC00  }
0x125: {  	[spmem:s5] =	stream.linear.scatter [tilespmem:s11], [sflag:$0x19], $0x1400, $0x38;
	[tilespmem:$0x1EE60] =	vst v63  }
0x126: {  	_ =	swait.ge [sflag:s10], $0x1400  }
0x127: {  	[sflag:s10] =	ssyncset.done $0x0  }
0x128: {  	s6 =	rddreg [dreg:$0x19];
	[sflag:s10] =	ssyncadd.s32 $0xFFFFEC00  }
0x129: {  	[spmem:s6] =	stream.linear.scatter [tilespmem:s11], [sflag:$0x19], $0x1400, $0x38;
	[tilespmem:$0x1EE60] =	vst v63  }
0x12a: {  	_ =	swait.ge [sflag:s10], $0x1400  }
0x12b: {  	[sflag:s10] =	ssyncset.done $0x0  }
0x12c: {  	s7 =	rddreg [dreg:$0x1a];
	[sflag:s10] =	ssyncadd.s32 $0xFFFFEC00  }
0x12d: {  	[spmem:s7] =	stream.linear.scatter [tilespmem:s11], [sflag:$0x19], $0x1400, $0x38;
	[tilespmem:$0x1EE60] =	vst v63  }
0x12e: {  	_ =	swait.ge [sflag:s10], $0x1400  }
0x12f: {  	[sflag:s10] =	ssyncset.done $0x0  }
0x130: {  	s8 =	rddreg [dreg:$0x1b];
	[sflag:s10] =	ssyncadd.s32 $0xFFFFEC00  }
0x131: {  	[spmem:s8] =	stream.linear.scatter [tilespmem:s11], [sflag:$0x19], $0x1400, $0x38;
	[tilespmem:$0x1EE60] =	vst v63  }
0x132: {  	_ =	swait.ge [sflag:s10], $0x1400  }
0x133: {  	[sflag:s10] =	ssyncset.done $0x0  }
0x134: {  	s9 =	rddreg [dreg:$0x1c];
	[sflag:s10] =	ssyncadd.s32 $0xFFFFEC00  }
0x135: {  	[spmem:s9] =	stream.linear.scatter [tilespmem:s11], [sflag:$0x19], $0x1400, $0x38;
	[tilespmem:$0x1EE60] =	vst v63  }
0x136: {  	_ =	swait.ge [sflag:s10], $0x1400  }
0x137: {  	[sflag:s10] =	ssyncset.done $0x0  }
0x138: {  	s12 =	rddreg [dreg:$0x1d];
	[sflag:s10] =	ssyncadd.s32 $0xFFFFEC00  }
0x139: {  	[spmem:s12] =	stream.linear.scatter [tilespmem:s11], [sflag:$0x19], $0x1400, $0x38;
	[tilespmem:$0x1EE60] =	vst v63  }
0x13a: {  	_ =	swait.ge [sflag:s10], $0x1400  }
0x13b: {  	s17 =	simm.s32 $0x0;
	[sflag:s10] =	ssyncset.done $0x0  }
0x13c: {  	s0 =	simm.s32 @!p0 $0x13E20;
	s2 =	rddreg [dreg:$0x1e];
	[sflag:s10] =	ssyncadd.s32 $0xFFFFEC00  }
0x13d: {  	[spmem:s2] =	stream.linear.scatter @!p0 [tilespmem:s0], [sflag:$0x19], $0x1400, $0x38;
	[tilespmem:$0x1EE60] =	vst v63  }
0x13e: {  	s0 =	simm.s32 @!p0 $0x19;
	s2 =	smul.u32 $0xAB, s17  }
0x13f: {  	p1 =	por $0x0, $0x0;
	_ =	swait.ge @!p0 [sflag:s0], $0x1400  }
0x140: {  	s3 =	simm.s32 $0x1E0;
	[sflag:s0] =	ssyncset.done @!p0 $0x0;
	s18 =	sshrl.u32 s2, $0xB  }
0x141: {  	p3 =	por $0x0, $0x0;
	[sflag:s0] =	ssyncadd.s32 @!p0 $0xFFFFEC00;
	s0 =	sand.u32 $0x1F, s18  }
0x142: {  	s5 =	simm.s32 $0x2;
	s2 =	simm.s32 @!p1 $0x6;
	s0 =	smul.u32 $0xC, s0  }
0x143: {  	s6 =	simm.s32 $0x2710;
	s12 =	simm.s32 $0x1;
	s2 =	smul.u32 @!p1 $0xAB, s2  }
0x144: {  	s4 =	smul.u32 $0xAB, s12;
	p1 =	por p1, p1;
	s0 =	ssub.s32 $0x0, s0  }
0x145: {  	[bflag:$0x0] =	sbarrier.arrive $0xFFFF;
	s2 =	sshrl.u32 @!p1 s2, $0xB;
	s0 =	sand.u32 $0xFF, s0  }
0x146: {  	s2 =	sand.u32 @!p1 $0x1F, s2;
	s7 =	smul.u32 $0x5000, s0;
	s8 =	sadd.s32 $0x1, s0  }
0x147: {  	p2 =	por @!p1 $0x1, $0x1;
	s2 =	smul.u32 @!p1 $0xC, s2;
	_ =	swait.ge [sflag:s8], $0x1400  }
0x148: {  	s0 =	sadd.s32 $0xD, s0;
	s7 =	sshrl.u32 s7, $0x2;
	[sflag:s8] =	ssyncset.done $0x0  }
0x149: {  	s2 =	ssub.s32 @!p1 $0x6, s2;
	s7 =	sadd.s32 $0x4E20, s7;
	[sflag:s8] =	ssyncadd.s32 $0xFFFFEC00  }
0x14a: {  	[spmem:s16] =	stream.indirect.scatter.add.f32 [tilespmem:s7], [sflag:s0], $0x40, s6, s13, $0xb8;
	[tilespmem:$0x1EE60] =	vst v63  }
0x14b: {  	p2 =	por p2, p1;
	s8 =	simm.s32 @!p1 $0x50;
	s6 =	sand.u32 @!p1 $0xFF, s2  }
0x14c: {  	s0 =	simm.s32 $0x230;
	s2 =	simm.s32 $0x2760;
	s7 =	sadd.s32 @!p2 $0xD, s6  }
0x14d: {  	s9 =	smul.u32 @!p1 $0x5000, s6;
	s6 =	sadd.s32 @!p1 $0x1, s6;
	_ =	swait.ge @!p2 [sflag:s7], $0x1400  }
.LBB2_8:
0x14e: {  	s17 =	sshrl.u32 s4, $0xB;
	[sflag:s7] =	ssyncset.done @!p2 $0x0  }
0x14f: {  	s9 =	sshrl.u32 @!p1 s9, $0x2;
	s18 =	smov.u32 s12;
	s12 =	smov.u32 s5  }
0x150: {  	s4 =	smul.u32 $0xAB, s5;
	[sflag:s7] =	ssyncadd.s32 @!p2 $0xFFFFEC00;
	s7 =	sadd.s32 @!p1 $0x4E20, s9  }
0x151: {  	[tilespmem:s7], [sflag:s6] =	stream.indirect.gather @!p1 [hbm4b:s21+s8], $0x40, s3, s8, $0xb8;
	[tilespmem:$0x1EE60] =	vst v63  }
0x152: {  	s3 =	sand.u32 $0x1F, s17  }
0x153: {  	s5 =	sadd.s32 $0x1, s5;
	s6 =	sadd.s32 @!p3 $0x6, s18;
	s7 =	smul.u32 $0xC, s3  }
0x154: {  	p4 =	sne.s32 s5, $0x7D;
	s3 =	smov.u32 s0;
	s8 =	smul.u32 @!p3 $0xAB, s6  }
0x155: {  	p1 =	por p3, p3;
	s7 =	ssub.s32 s18, s7  }
0x156: {  	s8 =	sshrl.u32 @!p1 s8, $0xB;
	s7 =	sand.u32 $0xFF, s7  }
0x157: {  	p2 =	slt.u32 @!p1 s18, $0x6;
	s8 =	sand.u32 @!p1 $0x1F, s8;
	s9 =	smul.u32 $0x5000, s7  }
0x158: {  	s17 =	sadd.s32 $0x1, s7;
	s8 =	smul.u32 @!p1 $0xC, s8  }
0x159: {  	p2 =	por p2, p1;
	s7 =	sadd.s32 $0xD, s7;
	_ =	swait.ge [sflag:s17], $0x1400  }
0x15a: {  	s9 =	sshrl.u32 s9, $0x2;
	s6 =	ssub.s32 @!p1 s6, s8;
	[sflag:s17] =	ssyncset.done $0x0  }
.Ltmp3:
0x15b: {  	s9 =	sadd.s32 $0x4E20, s9;
	[sflag:s17] =	ssyncadd.s32 $0xFFFFEC00;
	(pc) =	sbr.rel @p4 .LBB2_8-.Ltmp3, $4  }
0x15c: {  	[spmem:s16] =	stream.indirect.scatter.add.f32 [tilespmem:s9], [sflag:s7], $0x40, s2, s13, $0xb8;
	[tilespmem:$0x1EE60] =	vst v63  }
0x15d: {  	s0 =	sadd.s32 $0x50, s0;
	s6 =	sand.u32 @!p1 $0xFF, s6;
	s2 =	sadd.s32 $0x50, s2  }
0x15e: {  	s7 =	sadd.s32 @!p2 $0xD, s6;
	s9 =	smul.u32 @!p1 $0x5000, s6;
	s6 =	sadd.s32 @!p1 $0x1, s6  }
0x15f: {  	p3 =	sgt.u32 s12, $0x76;
	s8 =	simm.s32 @!p1 $0x50;
	_ =	swait.ge @!p2 [sflag:s7], $0x1400  }
0x160: {  	s4 =	sshrl.u32 s4, $0xB  }
0x161: {  	[sflag:s7] =	ssyncset.done @!p2 $0x0;
	s5 =	sshrl.u32 @!p1 s9, $0x2;
	s4 =	sand.u32 $0x1F, s4  }
0x162: {  	[sflag:s7] =	ssyncadd.s32 @!p2 $0xFFFFEC00;
	s5 =	sadd.s32 @!p1 $0x4E20, s5;
	s4 =	smul.u32 $0xC, s4  }
0x163: {  	[tilespmem:s5], [sflag:s6] =	stream.indirect.gather @!p1 [hbm4b:s21+s8], $0x40, s3, s8, $0xb8;
	[tilespmem:$0x1EE60] =	vst v63  }
0x164: {  	s8 =	ssub.s32 s12, s4;
	s4 =	sadd.s32 @!p3 $0x6, s12  }
0x165: {  	s3 =	sand.u32 $0xFF, s8;
	s5 =	smul.u32 @!p3 $0xAB, s4  }
0x166: {  	p1 =	por p3, p3;
	s9 =	sadd.s32 $0x1, s3;
	s17 =	smul.u32 $0x5000, s3  }
0x167: {  	s3 =	sadd.s32 $0xD, s3;
	_ =	swait.ge [sflag:s9], $0x1400;
	s5 =	sshrl.u32 @!p1 s5, $0xB  }
0x168: {  	[sflag:s9] =	ssyncset.done $0x0;
	s5 =	sand.u32 @!p1 $0x1F, s5;
	s18 =	sshrl.u32 s17, $0x2  }
0x169: {  	[sflag:s9] =	ssyncadd.s32 $0xFFFFEC00;
	s5 =	smul.u32 @!p1 $0xC, s5;
	s6 =	sadd.s32 $0x4E20, s18  }
0x16a: {  	[spmem:s16] =	stream.indirect.scatter.add.f32 [tilespmem:s6], [sflag:s3], $0x40, s2, s13, $0xb8;
	[tilespmem:$0x1EE60] =	vst v63  }
0x16b: {  	p2 =	slt.u32 @!p1 s12, $0x6;
	s2 =	ssub.s32 @!p1 s4, s5  }
0x16c: {  	p2 =	por p2, p1;
	s2 =	sand.u32 @!p1 $0xFF, s2  }
0x16d: {  	s3 =	sadd.s32 @!p2 $0xD, s2;
	s4 =	smul.u32 @!p1 $0x5000, s2  }
0x16e: {  	s7 =	simm.s32 $0x12;
	_ =	swait.ge @!p2 [sflag:s3], $0x1400  }
0x16f: {  	s2 =	sadd.s32 @!p1 $0x1, s2;
	[sflag:s3] =	ssyncset.done @!p2 $0x0;
	s4 =	sshrl.u32 @!p1 s4, $0x2  }
0x170: {  	[sflag:s3] =	ssyncadd.s32 @!p2 $0xFFFFEC00;
	s3 =	simm.s32 @!p1 $0x50;
	s4 =	sadd.s32 @!p1 $0x4E20, s4  }
0x171: {  	[tilespmem:s4], [sflag:s2] =	stream.indirect.gather @!p1 [hbm4b:s21+s3], $0x40, s0, s3, $0xb8;
	[tilespmem:$0x1EE60] =	vst v63  }
0x172: {  	_ =	swait.ge [sflag:s7], $0x1400  }
0x173: {  	[sflag:s7] =	ssyncset.done $0x0  }
0x174: {  	s8 =	simm.s32 $0x13;
	[sflag:s7] =	ssyncadd.s32 $0xFFFFEC00  }
0x175: {  	_ =	swait.ge [sflag:s8], $0x1400  }
0x176: {  	[sflag:s8] =	ssyncset.done $0x0  }
0x177: {  	[sflag:s8] =	ssyncadd.s32 $0xFFFFEC00  }
0x178: {  	_ =	swait.ge [sflag:s19], $0x1400  }
0x179: {  	[sflag:s19] =	ssyncset.done $0x0  }
0x17a: {  	[sflag:s19] =	ssyncadd.s32 $0xFFFFEC00  }
0x17b: {  	_ =	swait.ge [sflag:s22], $0x1400  }
0x17c: {  	[sflag:s22] =	ssyncset.done $0x0  }
0x17d: {  	[sflag:s22] =	ssyncadd.s32 $0xFFFFEC00  }
0x17e: {  	_ =	swait.ge [sflag:s23], $0x1400  }
0x17f: {  	[sflag:s23] =	ssyncset.done $0x0  }
0x180: {  	[sflag:s23] =	ssyncadd.s32 $0xFFFFEC00  }
0x181: {  	_ =	swait.ge [sflag:s24], $0x1400  }
0x182: {  	[sflag:s24] =	ssyncset.done $0x0  }
0x183: {  	[sflag:s24] =	ssyncadd.s32 $0xFFFFEC00  }
0x184: {  	_ =	swait.ge [sflag:s14], $0x1400  }
0x185: {  	[sflag:s14] =	ssyncset.done $0x0  }
0x186: {  	[sflag:s14] =	ssyncadd.s32 $0xFFFFEC00  }
0x187: {  	_ =	swait.ge [sflag:s15], $0x1400  }
0x188: {  	[sflag:s15] =	ssyncset.done $0x0  }
0x189: {  	[sflag:s15] =	ssyncadd.s32 $0xFFFFEC00  }
0x18a: {  	_ =	swait.ge [sflag:s25], $0x1400  }
0x18b: {  	[sflag:s25] =	ssyncset.done $0x0  }
0x18c: {  	[sflag:s25] =	ssyncadd.s32 $0xFFFFEC00  }
0x18d: {  	_ =	swait.ge [sflag:s26], $0x1400  }
0x18e: {  	[sflag:s26] =	ssyncset.done $0x0  }
0x18f: {  	[sflag:s26] =	ssyncadd.s32 $0xFFFFEC00  }
0x190: {  	_ =	swait.ge [sflag:s28], $0x1400  }
0x191: {  	[sflag:s28] =	ssyncset.done $0x0  }
0x192: {  	[sflag:s28] =	ssyncadd.s32 $0xFFFFEC00  }
0x193: {  	_ =	swait.ge [sflag:s29], $0x1400  }
0x194: {  	[sflag:s29] =	ssyncset.done $0x0  }
0x195: {  	[sflag:s29] =	ssyncadd.s32 $0xFFFFEC00  }
0x196: {  	[bflag:$0x0] =	sbarrier.arrive $0xFFFF  }
0x197: {  	s9 =	rddreg [dreg:$0x1f]  }
0x198: {  	[tilespmem:s11], [sflag:$0x1A] =	stream.linear.gather [spmem:s9], $0x1400, $0x38;
	[tilespmem:$0x1EE60] =	vst v63  }
0x199: {  	_ =	swait.ge [sflag:s30], $0x1400  }
0x19a: {  	[sflag:s30] =	ssyncset.done $0x0  }
0x19b: {  	s12 =	rddreg [dreg:$0xc];
	[sflag:s30] =	ssyncadd.s32 $0xFFFFEC00  }
0x19c: {  	[hbm4b:s12+s1] =	stream.linear.scatter [tilespmem:s11], [sflag:$0x19], $0x1400, $0x38;
	[tilespmem:$0x1EE60] =	vst v63  }
0x19d: {  	_ =	swait.ge [sflag:s10], $0x1400  }
0x19e: {  	s17 =	sld [smem:$0x7F7]  }
0x19f: {  	[sflag:s10] =	ssyncset.done $0x0  }
0x1a0: {  	[sflag:s10] =	ssyncadd.s32 $0xFFFFEC00  }
0x1a1: {  	[tilespmem:s11], [sflag:$0x1A] =	stream.linear.gather [spmem:s17], $0x1400, $0x38;
	[tilespmem:$0x1EE60] =	vst v63  }
0x1a2: {  	_ =	swait.ge [sflag:s30], $0x1400  }
0x1a3: {  	[sflag:s30] =	ssyncset.done $0x0  }
0x1a4: {  	s18 =	rddreg [dreg:$0xd];
	[sflag:s30] =	ssyncadd.s32 $0xFFFFEC00  }
0x1a5: {  	[hbm4b:s18+s1] =	stream.linear.scatter [tilespmem:s11], [sflag:$0x19], $0x1400, $0x38;
	[tilespmem:$0x1EE60] =	vst v63  }
0x1a6: {  	_ =	swait.ge [sflag:s10], $0x1400  }
0x1a7: {  	s2 =	sld [smem:$0x7F8]  }
0x1a8: {  	[sflag:s10] =	ssyncset.done $0x0  }
0x1a9: {  	[sflag:s10] =	ssyncadd.s32 $0xFFFFEC00  }
0x1aa: {  	[tilespmem:s11], [sflag:$0x1A] =	stream.linear.gather [spmem:s2], $0x1400, $0x38;
	[tilespmem:$0x1EE60] =	vst v63  }
0x1ab: {  	_ =	swait.ge [sflag:s30], $0x1400  }
0x1ac: {  	[sflag:s30] =	ssyncset.done $0x0  }
0x1ad: {  	s3 =	rddreg [dreg:$0xe];
	[sflag:s30] =	ssyncadd.s32 $0xFFFFEC00  }
0x1ae: {  	[hbm4b:s3+s1] =	stream.linear.scatter [tilespmem:s11], [sflag:$0x19], $0x1400, $0x38;
	[tilespmem:$0x1EE60] =	vst v63  }
0x1af: {  	_ =	swait.ge [sflag:s10], $0x1400  }
0x1b0: {  	s4 =	sld [smem:$0x7F9]  }
0x1b1: {  	[sflag:s10] =	ssyncset.done $0x0  }
0x1b2: {  	[sflag:s10] =	ssyncadd.s32 $0xFFFFEC00  }
0x1b3: {  	[tilespmem:s11], [sflag:$0x1A] =	stream.linear.gather [spmem:s4], $0x1400, $0x38;
	[tilespmem:$0x1EE60] =	vst v63  }
0x1b4: {  	_ =	swait.ge [sflag:s30], $0x1400  }
0x1b5: {  	[sflag:s30] =	ssyncset.done $0x0  }
0x1b6: {  	s5 =	rddreg [dreg:$0xf];
	[sflag:s30] =	ssyncadd.s32 $0xFFFFEC00  }
0x1b7: {  	[hbm4b:s5+s1] =	stream.linear.scatter [tilespmem:s11], [sflag:$0x19], $0x1400, $0x38;
	[tilespmem:$0x1EE60] =	vst v63  }
0x1b8: {  	_ =	swait.ge [sflag:s10], $0x1400  }
0x1b9: {  	s6 =	sld [smem:$0x7FA]  }
0x1ba: {  	[sflag:s10] =	ssyncset.done $0x0  }
0x1bb: {  	[sflag:s10] =	ssyncadd.s32 $0xFFFFEC00  }
0x1bc: {  	[tilespmem:s11], [sflag:$0x1A] =	stream.linear.gather [spmem:s6], $0x1400, $0x38;
	[tilespmem:$0x1EE60] =	vst v63  }
0x1bd: {  	_ =	swait.ge [sflag:s30], $0x1400  }
0x1be: {  	[sflag:s30] =	ssyncset.done $0x0  }
0x1bf: {  	s7 =	rddreg [dreg:$0x10];
	[sflag:s30] =	ssyncadd.s32 $0xFFFFEC00  }
0x1c0: {  	[hbm4b:s7+s1] =	stream.linear.scatter [tilespmem:s11], [sflag:$0x19], $0x1400, $0x38;
	[tilespmem:$0x1EE60] =	vst v63  }
0x1c1: {  	_ =	swait.ge [sflag:s10], $0x1400  }
0x1c2: {  	s8 =	sld [smem:$0x7FB]  }
0x1c3: {  	[sflag:s10] =	ssyncset.done $0x0  }
0x1c4: {  	[sflag:s10] =	ssyncadd.s32 $0xFFFFEC00  }
0x1c5: {  	[tilespmem:s11], [sflag:$0x1A] =	stream.linear.gather [spmem:s8], $0x1400, $0x38;
	[tilespmem:$0x1EE60] =	vst v63  }
0x1c6: {  	_ =	swait.ge [sflag:s30], $0x1400  }
0x1c7: {  	[sflag:s30] =	ssyncset.done $0x0  }
0x1c8: {  	s9 =	rddreg [dreg:$0x11];
	[sflag:s30] =	ssyncadd.s32 $0xFFFFEC00  }
0x1c9: {  	[hbm4b:s9+s1] =	stream.linear.scatter [tilespmem:s11], [sflag:$0x19], $0x1400, $0x38;
	[tilespmem:$0x1EE60] =	vst v63  }
0x1ca: {  	_ =	swait.ge [sflag:s10], $0x1400  }
0x1cb: {  	s12 =	sld [smem:$0x7FC]  }
0x1cc: {  	[sflag:s10] =	ssyncset.done $0x0  }
0x1cd: {  	[sflag:s10] =	ssyncadd.s32 $0xFFFFEC00  }
0x1ce: {  	[tilespmem:s11], [sflag:$0x1A] =	stream.linear.gather [spmem:s12], $0x1400, $0x38;
	[tilespmem:$0x1EE60] =	vst v63  }
0x1cf: {  	_ =	swait.ge [sflag:s30], $0x1400  }
0x1d0: {  	[sflag:s30] =	ssyncset.done $0x0  }
0x1d1: {  	s17 =	rddreg [dreg:$0x12];
	[sflag:s30] =	ssyncadd.s32 $0xFFFFEC00  }
0x1d2: {  	[hbm4b:s17+s1] =	stream.linear.scatter [tilespmem:s11], [sflag:$0x19], $0x1400, $0x38;
	[tilespmem:$0x1EE60] =	vst v63  }
0x1d3: {  	_ =	swait.ge [sflag:s10], $0x1400  }
0x1d4: {  	s2 =	sld [smem:$0x7FD]  }
0x1d5: {  	[sflag:s10] =	ssyncset.done $0x0  }
0x1d6: {  	s0 =	simm.s32 @!p0 $0x13E20;
	[sflag:s10] =	ssyncadd.s32 $0xFFFFEC00  }
0x1d7: {  	[tilespmem:s0], [sflag:$0x1A] =	stream.linear.gather @!p0 [spmem:s2], $0x1400, $0x38;
	[tilespmem:$0x1EE60] =	vst v63  }
0x1d8: {  	s2 =	simm.s32 @!p0 $0x1A  }
0x1d9: {  	_ =	swait.ge @!p0 [sflag:s2], $0x1400  }
0x1da: {  	[sflag:s2] =	ssyncset.done @!p0 $0x0  }
0x1db: {  	s3 =	rddreg [dreg:$0x13];
	[sflag:s2] =	ssyncadd.s32 @!p0 $0xFFFFEC00;
	s2 =	simm.s32 @!p0 $0x0  }
0x1dc: {  	[hbm4b:s3+s2] =	stream.linear.scatter @!p0 [tilespmem:s0], [sflag:$0x19], $0x1400, $0x38;
	[tilespmem:$0x1EE60] =	vst v63  }
0x1dd: {  	s0 =	simm.s32 @!p0 $0x19  }
0x1de: {  	_ =	swait.ge @!p0 [sflag:s0], $0x1400  }
0x1df: {  	s31 =	sadd.s32 $0x1, s31;
	s18 =	rddreg [dreg:$0x16]  }
0x1e0: {  	p1 =	sne.s32 s31, s18  }
.Ltmp4:
0x1e1: {  	_ = 	snop;
	(pc) =	sbr.rel @p1 .LBB2_1-.Ltmp4, $3  }
0x1e2: {  	_ =	sdelay $0x1  }
0x1e3: {  	[sflag:s0] =	ssyncset.done @!p0 $0x0  }
0x1e4: {  	[sflag:s0] =	ssyncadd.s32 @!p0 $0xFFFFEC00  }
0x1e5: {  	_ =	sfence.sel $0x180000  }
0x1e6: {  	[bflag:$0x0] =	sbarrier.arrive $0xFFFF  }
0x1e7: {  	_ =	strace $0x9000004A  }
0x1e8: {  	s0 =	stileid.u32;
	[bflag:$0x2] =	sbarrier.arrive $0xFFFF  }
0x1e9: {  	p0 =	sne.s32 s0, $0x0;
	s0 =	rddreg [dreg:$0x3]  }
0x1ea: {  	s0 =	sadd.s32 @!p0 $0x100000, s0  }
0x1eb: {  	[sflag:s0] =	ssyncadd.tile.s32 @!p0 $0x1;
	_ =	shalt  }
.Lfunc_end2:
_tile_overlayer_lowered:
.L_overlay_start_2:
0x1ec: {  	(tag) =	ssettag $0x2  }
0x1ed: {  	s0 =	rddreg [dreg:$0x0];
	s2 =	stileid.u32  }
0x1ee: {  	s1 =	rddreg [dreg:$0x1];
	p0 =	sne.s32 s2, $0x0  }
0x1ef: {  	s3 =	rddreg [dreg:$0x2];
	[bflag:$0x3] =	sbarrier.arrive $0xFFFF;
	s2 =	simm.s32 @!p0 $0x1C19  }
0x1f0: {  	[timem:s3], [sflag:s2] =	dma.local @!p0 [hbm:s0], s1  }
0x1f1: {  	s0 =	simm.s32 @!p0 $0x19  }
0x1f2: {  	_ =	swait.ge @!p0 [sflag:s0], s1  }
0x1f3: {  	s1 =	ssub.s32 @!p0 $0x0, s1;
	[sflag:s0] =	ssyncset.done @!p0 $0x0  }
0x1f4: {  	[sflag:s0] =	ssyncadd.s32 @!p0 s1  }
0x1f5: {  	[bflag:$0x3] =	sbarrier.arrive $0xFFFF  }
0x1f6: {  	_ =	shalt  }

</sc_bundles>
